<compile_context>
chip_gen: v7x
topology: tpu7x:2x2x1
jax: 0.10.2.dev20260603
libtpu: 0.0.44.dev20260713+nightly
codegen_flags: <defaults>
</compile_context>

<pallas_src>
import functools

import jax
import jax.numpy as jnp
from jax import lax
from jax.experimental import pallas as pl
from jax.experimental.pallas import tpu as pltpu
from jax.experimental.pallas import tpu_sc as plsc

N = 10000
E = 320000
D = 128
HH = 64
NP = 10240
NTILES = 16
ROWS_PER_TILE = NP // NTILES
LAST_ROWS = N - (NTILES - 1) * ROWS_PER_TILE
CH = 128
NCH_FULL = 157
E_PT = NCH_FULL * CH
NCH_LAST = (E - (NTILES - 1) * E_PT) // CH
RB = 4
QB = 8
GA = 3
IA = 6

_SELU_ALPHA = 1.6732632423543772
_SELU_SCALE = 1.0507009873554805

_SC_SCRATCH = [
    pltpu.VMEM_SHARED((NP, HH), jnp.float32),
    pltpu.VMEM_SHARED((NP, HH), jnp.float32),
    pltpu.VMEM((QB, CH), jnp.int32),
    pltpu.VMEM((QB, CH), jnp.int32),
    pltpu.VMEM((RB, CH, HH), jnp.float32),
    pltpu.SemaphoreType.DMA((RB,)),
    pltpu.SemaphoreType.DMA((RB,)),
    pltpu.SemaphoreType.DMA((QB,)),
    pltpu.SemaphoreType.DMA((QB,)),
]


def _edge_pass(ei, tb, ab, e0, nch, idx_s, idx_d, rows, g_sem, s_sem,
               i_sem, d_sem):
    for k in range(IA):
        pltpu.async_copy(ei.at[0, pl.ds(e0 + k * CH, CH)], idx_s.at[k],
                         i_sem.at[k])
        pltpu.async_copy(ei.at[1, pl.ds(e0 + k * CH, CH)], idx_d.at[k],
                         d_sem.at[k])
    for k in range(GA):
        pltpu.make_async_copy(ei.at[0, pl.ds(0, CH)], idx_s.at[k],
                              i_sem.at[k]).wait()
        pltpu.async_copy(tb.at[idx_s.at[k]], rows.at[k], g_sem.at[k])

    def step(j, carry):
        u = lax.rem(j, QB)
        b = lax.rem(j, RB)
        pltpu.make_async_copy(tb.at[idx_s.at[0]], rows.at[b],
                              g_sem.at[b]).wait()
        pltpu.make_async_copy(ei.at[1, pl.ds(0, CH)], idx_d.at[u],
                              d_sem.at[u]).wait()
        pltpu.async_copy(rows.at[b], ab.at[idx_d.at[u]], s_sem.at[b],
                         add=True)

        jp = j + GA

        @pl.when(jp < nch)
        def _():
            up = lax.rem(jp, QB)
            bp = lax.rem(jp, RB)

            @pl.when(jp >= RB)
            def _():
                pltpu.make_async_copy(rows.at[bp], ab.at[idx_d.at[up]],
                                      s_sem.at[bp]).wait()

            pltpu.make_async_copy(ei.at[0, pl.ds(0, CH)], idx_s.at[up],
                                  i_sem.at[up]).wait()
            pltpu.async_copy(tb.at[idx_s.at[up]], rows.at[bp], g_sem.at[bp])

        ji = j + IA

        @pl.when(ji < nch)
        def _():
            ui = lax.rem(ji, QB)
            pltpu.async_copy(ei.at[0, pl.ds(e0 + ji * CH, CH)],
                             idx_s.at[ui], i_sem.at[ui])
            pltpu.async_copy(ei.at[1, pl.ds(e0 + ji * CH, CH)],
                             idx_d.at[ui], d_sem.at[ui])
        return carry

    lax.fori_loop(0, nch, step, 0)

    for i in range(RB):
        k = nch - RB + i
        pltpu.make_async_copy(rows.at[lax.rem(k, RB)],
                              ab.at[idx_d.at[lax.rem(k, QB)]],
                              s_sem.at[lax.rem(k, RB)]).wait()


@functools.partial(
    pl.kernel,
    mesh=plsc.VectorSubcoreMesh(core_axis_name="c", subcore_axis_name="s"),
    out_type=(
        jax.ShapeDtypeStruct((NP, HH), jnp.float32),
        jax.ShapeDtypeStruct((NP, HH), jnp.float32),
    ),
    scratch_types=list(_SC_SCRATCH),
    compiler_params=pltpu.CompilerParams(use_tc_tiling_on_sc=False),
)
def _agg12(x, ei, oa, ob, bufa, bufb, idx_s, idx_d, rows, g_sem, s_sem,
           i_sem, d_sem):
    c = lax.axis_index("c")
    s = lax.axis_index("s")
    r0 = s * ROWS_PER_TILE
    col = c * HH
    last = NTILES - 1

    @pl.when(s < last)
    def _():
        pltpu.sync_copy(x.at[pl.ds(r0, ROWS_PER_TILE), pl.ds(col, HH)],
                        bufa.at[pl.ds(r0, ROWS_PER_TILE)])
        pltpu.sync_copy(x.at[pl.ds(r0, ROWS_PER_TILE), pl.ds(col, HH)],
                        bufb.at[pl.ds(r0, ROWS_PER_TILE)])

    @pl.when(s == last)
    def _():
        pltpu.sync_copy(x.at[pl.ds(r0, LAST_ROWS), pl.ds(col, HH)],
                        bufa.at[pl.ds(r0, LAST_ROWS)])
        pltpu.sync_copy(x.at[pl.ds(r0, LAST_ROWS), pl.ds(col, HH)],
                        bufb.at[pl.ds(r0, LAST_ROWS)])

    nch = jnp.where(s == last, NCH_LAST, NCH_FULL)
    e0 = s * E_PT
    plsc.subcore_barrier()
    _edge_pass(ei, bufa, bufb, e0, nch, idx_s, idx_d, rows, g_sem, s_sem,
               i_sem, d_sem)
    plsc.subcore_barrier()
    for k in range(ROWS_PER_TILE // CH):
        rr = r0 + k * CH
        pltpu.sync_copy(bufb.at[pl.ds(rr, CH)], rows.at[0])
        pltpu.sync_copy(rows.at[0], bufa.at[pl.ds(rr, CH)])
    plsc.subcore_barrier()
    _edge_pass(ei, bufb, bufa, e0, nch, idx_s, idx_d, rows, g_sem, s_sem,
               i_sem, d_sem)
    plsc.subcore_barrier()

    @pl.when(c == 0)
    def _():
        pltpu.sync_copy(bufa.at[pl.ds(r0, ROWS_PER_TILE)],
                        oa.at[pl.ds(r0, ROWS_PER_TILE)])

    @pl.when(c == 1)
    def _():
        pltpu.sync_copy(bufa.at[pl.ds(r0, ROWS_PER_TILE)],
                        ob.at[pl.ds(r0, ROWS_PER_TILE)])


@functools.partial(
    pl.kernel,
    mesh=plsc.VectorSubcoreMesh(core_axis_name="c", subcore_axis_name="s"),
    out_type=(
        jax.ShapeDtypeStruct((NP, HH), jnp.float32),
        jax.ShapeDtypeStruct((NP, HH), jnp.float32),
    ),
    scratch_types=list(_SC_SCRATCH),
    compiler_params=pltpu.CompilerParams(use_tc_tiling_on_sc=False),
)
def _agg3(ha, hb, ei, oa, ob, bufa, bufb, idx_s, idx_d, rows, g_sem, s_sem,
          i_sem, d_sem):
    c = lax.axis_index("c")
    s = lax.axis_index("s")
    r0 = s * ROWS_PER_TILE
    last = NTILES - 1

    def stage(table):
        pltpu.sync_copy(table.at[pl.ds(r0, ROWS_PER_TILE)],
                        bufa.at[pl.ds(r0, ROWS_PER_TILE)])
        pltpu.sync_copy(table.at[pl.ds(r0, ROWS_PER_TILE)],
                        bufb.at[pl.ds(r0, ROWS_PER_TILE)])

    @pl.when(c == 0)
    def _():
        stage(ha)

    @pl.when(c == 1)
    def _():
        stage(hb)

    nch = jnp.where(s == last, NCH_LAST, NCH_FULL)
    e0 = s * E_PT
    plsc.subcore_barrier()
    _edge_pass(ei, bufa, bufb, e0, nch, idx_s, idx_d, rows, g_sem, s_sem,
               i_sem, d_sem)
    plsc.subcore_barrier()

    @pl.when(c == 0)
    def _():
        pltpu.sync_copy(bufb.at[pl.ds(r0, ROWS_PER_TILE)],
                        oa.at[pl.ds(r0, ROWS_PER_TILE)])

    @pl.when(c == 1)
    def _():
        pltpu.sync_copy(bufb.at[pl.ds(r0, ROWS_PER_TILE)],
                        ob.at[pl.ds(r0, ROWS_PER_TILE)])


def _mlp_body(oa_ref, ob_ref, w1_ref, b1_ref, pa_ref, pb_ref):
    z = (jnp.dot(oa_ref[...], w1_ref[:HH, :],
                 preferred_element_type=jnp.float32)
         + jnp.dot(ob_ref[...], w1_ref[HH:, :],
                   preferred_element_type=jnp.float32)
         + b1_ref[...])
    act = _SELU_SCALE * jnp.where(z > 0, z, _SELU_ALPHA * (jnp.exp(z) - 1.0))
    pa_ref[...] = act[:, :HH]
    pb_ref[...] = act[:, HH:]


def _mlp(oa, ob, w1, b1):
    br = NP
    grid = (NP // br,)
    return pl.pallas_call(
        _mlp_body,
        grid=grid,
        in_specs=[
            pl.BlockSpec((br, HH), lambda i: (i, 0)),
            pl.BlockSpec((br, HH), lambda i: (i, 0)),
            pl.BlockSpec((D, D), lambda i: (0, 0)),
            pl.BlockSpec((1, D), lambda i: (0, 0)),
        ],
        out_specs=[
            pl.BlockSpec((br, HH), lambda i: (i, 0)),
            pl.BlockSpec((br, HH), lambda i: (i, 0)),
        ],
        out_shape=[
            jax.ShapeDtypeStruct((NP, HH), jnp.float32),
            jax.ShapeDtypeStruct((NP, HH), jnp.float32),
        ],
    )(oa, ob, w1, b1)


def _out_body(qa_ref, qb_ref, w2_ref, b2_ref, o_ref):
    z = (jnp.dot(qa_ref[...], w2_ref[:HH, :],
                 preferred_element_type=jnp.float32)
         + jnp.dot(qb_ref[...], w2_ref[HH:, :],
                   preferred_element_type=jnp.float32)
         + b2_ref[...])
    m = jnp.max(z, axis=1, keepdims=True)
    lse = jnp.log(jnp.sum(jnp.exp(z - m), axis=1, keepdims=True)) + m
    o_ref[...] = z - lse


def _outk(qa, qb, w2, b2):
    br = N
    grid = (N // br,)
    return pl.pallas_call(
        _out_body,
        grid=grid,
        in_specs=[
            pl.BlockSpec((br, HH), lambda i: (i, 0)),
            pl.BlockSpec((br, HH), lambda i: (i, 0)),
            pl.BlockSpec((D, D), lambda i: (0, 0)),
            pl.BlockSpec((1, D), lambda i: (0, 0)),
        ],
        out_specs=pl.BlockSpec((br, D), lambda i: (i, 0)),
        out_shape=jax.ShapeDtypeStruct((N, D), jnp.float32),
    )(qa, qb, w2, b2)


def kernel(x, edge_index, W1, b1, W2, b2):
    h2a, h2b = _agg12(x, edge_index)
    h3a, h3b = _mlp(h2a, h2b, W1, b1.reshape(1, D))
    h4a, h4b = _agg3(h3a, h3b, edge_index)
    return _outk(h4a, h4b, W2, b2.reshape(1, D))

# --- scband reference (transcript-rebuilt; emitter-appended) ---
"""Pipeline reference for scband-gnn-16252156248628 (READ-ONLY COPY).

The authoritative reference and input builder live on the scoring server;
editing this copy changes nothing except your own understanding.
"""

import jax, jax.numpy as jnp
import numpy as np

N = 10000
E = 320000
IN_DIM = 128
HID = 128
OUT = 128
K1 = 2  # steps for conv1


def setup_inputs(seed: int = 0) -> dict:
    key = jax.random.key(seed)
    k1, k2, k3, k4, k5, k6 = jax.random.split(key, 6)
    x = jax.random.normal(k1, (N, IN_DIM), dtype=jnp.float32)
    edge_index = jax.random.randint(k2, (2, E), 0, N, dtype=jnp.int32)
    W1 = jax.random.normal(k3, (IN_DIM, HID), dtype=jnp.float32) * 0.05
    b1 = jnp.zeros((HID,), dtype=jnp.float32)
    W2 = jax.random.normal(k4, (HID, OUT), dtype=jnp.float32) * 0.05
    b2 = jnp.zeros((OUT,), dtype=jnp.float32)
    return {"x": x, "edge_index": edge_index, "W1": W1, "b1": b1, "W2": W2, "b2": b2}


def reference(x, edge_index, W1, b1, W2, b2):
    # PyG convention: edge_index[0] = source (j), edge_index[1] = destination (i).
    src = edge_index[0]
    dst = edge_index[1]

    def agg_with_self_loops(h):
        # message: x_j (edge_weight is None); aggregate: sum at destination.
        # add_remaining_self_loops adds (i, i) with weight 1 -> + h.
        return jax.ops.segment_sum(h[src], dst, num_segments=N) + h

    # conv1: KProp with K=2 propagation steps, then Linear fc
    h = x
    for _ in range(K1):
        h = agg_with_self_loops(h)
    h = h @ W1 + b1

    # batch_norm=False -> skip; activation selu; dropout p=0.0 -> identity
    h = jax.nn.selu(h)

    # conv2: KProp with K=1 propagation step (add_self_loops=True), then Linear fc
    h = agg_with_self_loops(h)
    out = h @ W2 + b2

    return jax.nn.log_softmax(out, axis=1)

if __name__ == "__main__":
    import jax
    _d = setup_inputs()
    print(jax.jit(kernel)(*tuple(_d.values())))

</pallas_src>

<mosaic_0001>
#map = affine_map<(d0, d1) -> (0, 0)>
module attributes {stable_mosaic.version = 14 : i64} {
  func.func @_agg3(%arg0: i32, %arg1: i32, %arg2: memref<10240x64xf32, #tpu.memory_space<hbm>>, %arg3: memref<10240x64xf32, #tpu.memory_space<hbm>>, %arg4: memref<2x320000xi32, #tpu.memory_space<hbm>>, %arg5: memref<10240x64xf32, #tpu.memory_space<hbm>>, %arg6: memref<10240x64xf32, #tpu.memory_space<hbm>>, %arg7: memref<10240x64xf32, #tpu.memory_space<vmem_shared>>, %arg8: memref<10240x64xf32, #tpu.memory_space<vmem_shared>>, %arg9: memref<8x128xi32, #tpu.memory_space<vmem>>, %arg10: memref<8x128xi32, #tpu.memory_space<vmem>>, %arg11: memref<4x128x64xf32, #tpu.memory_space<vmem>>, %arg12: memref<4x!tpu.dma_semaphore, #tpu.memory_space<semaphore_mem>>, %arg13: memref<4x!tpu.dma_semaphore, #tpu.memory_space<semaphore_mem>>, %arg14: memref<8x!tpu.dma_semaphore, #tpu.memory_space<semaphore_mem>>, %arg15: memref<8x!tpu.dma_semaphore, #tpu.memory_space<semaphore_mem>>) attributes {dimension_semantics = [#tpu.dimension_semantics<core_parallel>, #tpu.dimension_semantics<subcore_parallel>], iteration_bounds = array<i64: 2, 16>, scalar_prefetch = 0 : i64, scratch_operands = 9 : i64, tpu.core_type = #tpu.core_type<sc_vector_subcore>, window_params = [{transform_indices = #map}, {transform_indices = #map}, {transform_indices = #map}, {transform_indices = #map}, {transform_indices = #map}]} {
    %mul3A = arith.constant 640 : i32
    %mul3A_0 = arith.muli %arg1, %mul3A : i32
    %eq3A = arith.constant 0 : i32
    %eq3A_1 = arith.cmpi eq, %arg0, %eq3A : i32
    %convert_element_type3A = arith.extui %eq3A_1 : i1 to i32
    %cond3A = arith.constant 0 : i32
    %cond3A_2 = arith.cmpi ne, %convert_element_type3A, %cond3A : i32
    scf.if %cond3A_2 {
      "tpu.region"() ({
        %run_scoped3A = tpu.sem_alloc : memref<!tpu.dma_semaphore, #tpu.memory_space<semaphore_mem>>
        %dma_start3A_416 = arith.constant 0 : i32
        %dma_start3A_417 = tpu.memref_slice %arg7[%mul3A_0, %dma_start3A_416] : memref<10240x64xf32, #tpu.memory_space<vmem_shared>> -> memref<640x64xf32, #tpu.memory_space<vmem_shared>>
        %dma_start3A_418 = arith.constant 0 : i32
        %dma_start3A_419 = tpu.memref_slice %arg2[%mul3A_0, %dma_start3A_418] : memref<10240x64xf32, #tpu.memory_space<hbm>> -> memref<640x64xf32, #tpu.memory_space<hbm>>
        tpu.enqueue_dma source(%dma_start3A_419 : memref<640x64xf32, #tpu.memory_space<hbm>>) target(%dma_start3A_417 : memref<640x64xf32, #tpu.memory_space<vmem_shared>>) target_semaphore(%run_scoped3A : memref<!tpu.dma_semaphore, #tpu.memory_space<semaphore_mem>>)
        %dma_wait3A_420 = arith.constant 0 : i32
        %dma_wait3A_421 = tpu.memref_slice %arg7[%mul3A_0, %dma_wait3A_420] : memref<10240x64xf32, #tpu.memory_space<vmem_shared>> -> memref<640x64xf32, #tpu.memory_space<vmem_shared>>
        %dma_wait3A_422 = arith.constant 0 : i32
        %dma_wait3A_423 = tpu.memref_slice %arg2[%mul3A_0, %dma_wait3A_422] : memref<10240x64xf32, #tpu.memory_space<hbm>> -> memref<640x64xf32, #tpu.memory_space<hbm>>
        tpu.wait_dma2 semaphore(%run_scoped3A : memref<!tpu.dma_semaphore, #tpu.memory_space<semaphore_mem>>) src(%dma_wait3A_423 : memref<640x64xf32, #tpu.memory_space<hbm>>) dst(%dma_wait3A_421 : memref<640x64xf32, #tpu.memory_space<vmem_shared>>)
        tpu.yield
      }) : () -> ()
      "tpu.region"() ({
        %run_scoped3A = tpu.sem_alloc : memref<!tpu.dma_semaphore, #tpu.memory_space<semaphore_mem>>
        %dma_start3A_416 = arith.constant 0 : i32
        %dma_start3A_417 = tpu.memref_slice %arg8[%mul3A_0, %dma_start3A_416] : memref<10240x64xf32, #tpu.memory_space<vmem_shared>> -> memref<640x64xf32, #tpu.memory_space<vmem_shared>>
        %dma_start3A_418 = arith.constant 0 : i32
        %dma_start3A_419 = tpu.memref_slice %arg2[%mul3A_0, %dma_start3A_418] : memref<10240x64xf32, #tpu.memory_space<hbm>> -> memref<640x64xf32, #tpu.memory_space<hbm>>
        tpu.enqueue_dma source(%dma_start3A_419 : memref<640x64xf32, #tpu.memory_space<hbm>>) target(%dma_start3A_417 : memref<640x64xf32, #tpu.memory_space<vmem_shared>>) target_semaphore(%run_scoped3A : memref<!tpu.dma_semaphore, #tpu.memory_space<semaphore_mem>>)
        %dma_wait3A_420 = arith.constant 0 : i32
        %dma_wait3A_421 = tpu.memref_slice %arg8[%mul3A_0, %dma_wait3A_420] : memref<10240x64xf32, #tpu.memory_space<vmem_shared>> -> memref<640x64xf32, #tpu.memory_space<vmem_shared>>
        %dma_wait3A_422 = arith.constant 0 : i32
        %dma_wait3A_423 = tpu.memref_slice %arg2[%mul3A_0, %dma_wait3A_422] : memref<10240x64xf32, #tpu.memory_space<hbm>> -> memref<640x64xf32, #tpu.memory_space<hbm>>
        tpu.wait_dma2 semaphore(%run_scoped3A : memref<!tpu.dma_semaphore, #tpu.memory_space<semaphore_mem>>) src(%dma_wait3A_423 : memref<640x64xf32, #tpu.memory_space<hbm>>) dst(%dma_wait3A_421 : memref<640x64xf32, #tpu.memory_space<vmem_shared>>)
        tpu.yield
      }) : () -> ()
    } else {
    }
    %eq3A_3 = arith.constant 1 : i32
    %eq3A_4 = arith.cmpi eq, %arg0, %eq3A_3 : i32
    %convert_element_type3A_5 = arith.extui %eq3A_4 : i1 to i32
    %cond3A_6 = arith.constant 0 : i32
    %cond3A_7 = arith.cmpi ne, %convert_element_type3A_5, %cond3A_6 : i32
    scf.if %cond3A_7 {
      "tpu.region"() ({
        %run_scoped3A = tpu.sem_alloc : memref<!tpu.dma_semaphore, #tpu.memory_space<semaphore_mem>>
        %dma_start3A_416 = arith.constant 0 : i32
        %dma_start3A_417 = tpu.memref_slice %arg7[%mul3A_0, %dma_start3A_416] : memref<10240x64xf32, #tpu.memory_space<vmem_shared>> -> memref<640x64xf32, #tpu.memory_space<vmem_shared>>
        %dma_start3A_418 = arith.constant 0 : i32
        %dma_start3A_419 = tpu.memref_slice %arg3[%mul3A_0, %dma_start3A_418] : memref<10240x64xf32, #tpu.memory_space<hbm>> -> memref<640x64xf32, #tpu.memory_space<hbm>>
        tpu.enqueue_dma source(%dma_start3A_419 : memref<640x64xf32, #tpu.memory_space<hbm>>) target(%dma_start3A_417 : memref<640x64xf32, #tpu.memory_space<vmem_shared>>) target_semaphore(%run_scoped3A : memref<!tpu.dma_semaphore, #tpu.memory_space<semaphore_mem>>)
        %dma_wait3A_420 = arith.constant 0 : i32
        %dma_wait3A_421 = tpu.memref_slice %arg7[%mul3A_0, %dma_wait3A_420] : memref<10240x64xf32, #tpu.memory_space<vmem_shared>> -> memref<640x64xf32, #tpu.memory_space<vmem_shared>>
        %dma_wait3A_422 = arith.constant 0 : i32
        %dma_wait3A_423 = tpu.memref_slice %arg3[%mul3A_0, %dma_wait3A_422] : memref<10240x64xf32, #tpu.memory_space<hbm>> -> memref<640x64xf32, #tpu.memory_space<hbm>>
        tpu.wait_dma2 semaphore(%run_scoped3A : memref<!tpu.dma_semaphore, #tpu.memory_space<semaphore_mem>>) src(%dma_wait3A_423 : memref<640x64xf32, #tpu.memory_space<hbm>>) dst(%dma_wait3A_421 : memref<640x64xf32, #tpu.memory_space<vmem_shared>>)
        tpu.yield
      }) : () -> ()
      "tpu.region"() ({
        %run_scoped3A = tpu.sem_alloc : memref<!tpu.dma_semaphore, #tpu.memory_space<semaphore_mem>>
        %dma_start3A_416 = arith.constant 0 : i32
        %dma_start3A_417 = tpu.memref_slice %arg8[%mul3A_0, %dma_start3A_416] : memref<10240x64xf32, #tpu.memory_space<vmem_shared>> -> memref<640x64xf32, #tpu.memory_space<vmem_shared>>
        %dma_start3A_418 = arith.constant 0 : i32
        %dma_start3A_419 = tpu.memref_slice %arg3[%mul3A_0, %dma_start3A_418] : memref<10240x64xf32, #tpu.memory_space<hbm>> -> memref<640x64xf32, #tpu.memory_space<hbm>>
        tpu.enqueue_dma source(%dma_start3A_419 : memref<640x64xf32, #tpu.memory_space<hbm>>) target(%dma_start3A_417 : memref<640x64xf32, #tpu.memory_space<vmem_shared>>) target_semaphore(%run_scoped3A : memref<!tpu.dma_semaphore, #tpu.memory_space<semaphore_mem>>)
        %dma_wait3A_420 = arith.constant 0 : i32
        %dma_wait3A_421 = tpu.memref_slice %arg8[%mul3A_0, %dma_wait3A_420] : memref<10240x64xf32, #tpu.memory_space<vmem_shared>> -> memref<640x64xf32, #tpu.memory_space<vmem_shared>>
        %dma_wait3A_422 = arith.constant 0 : i32
        %dma_wait3A_423 = tpu.memref_slice %arg3[%mul3A_0, %dma_wait3A_422] : memref<10240x64xf32, #tpu.memory_space<hbm>> -> memref<640x64xf32, #tpu.memory_space<hbm>>
        tpu.wait_dma2 semaphore(%run_scoped3A : memref<!tpu.dma_semaphore, #tpu.memory_space<semaphore_mem>>) src(%dma_wait3A_423 : memref<640x64xf32, #tpu.memory_space<hbm>>) dst(%dma_wait3A_421 : memref<640x64xf32, #tpu.memory_space<vmem_shared>>)
        tpu.yield
      }) : () -> ()
    } else {
    }
    %eq3A_8 = arith.constant 15 : i32
    %eq3A_9 = arith.cmpi eq, %arg1, %eq3A_8 : i32
    %jit3A = arith.constant 145 : i32
    %jit3A_10 = arith.constant 157 : i32
    %select_n3A = arith.select %eq3A_9, %jit3A, %jit3A_10 : i32
    %mul3A_11 = arith.constant 20096 : i32
    %mul3A_12 = arith.muli %arg1, %mul3A_11 : i32
    %barrier3A = arith.constant 0 : index
    tpu.barrier barrier_id(%barrier3A)
    %add3A = arith.constant 0 : i32
    %add3A_13 = arith.addi %mul3A_12, %add3A : i32
    %dma_start3A = arith.constant 0 : i32
    %dma_start3A_14 = arith.constant 0 : i32
    %dma_start3A_15 = arith.constant 0 : i32
    %dma_start3A_16 = arith.constant 0 : i32
    %dma_start3A_17 = tpu.memref_slice %arg9[%dma_start3A_14, %dma_start3A_16] : memref<8x128xi32, #tpu.memory_space<vmem>> -> memref<1x128xi32, #tpu.memory_space<vmem>>
    %dma_start3A_18 = tpu.memref_squeeze %dma_start3A_17 : memref<1x128xi32, #tpu.memory_space<vmem>> -> memref<128xi32, #tpu.memory_space<vmem>>
    %dma_start3A_19 = tpu.memref_slice %arg4[%dma_start3A, %add3A_13] : memref<2x320000xi32, #tpu.memory_space<hbm>> -> memref<1x128xi32, #tpu.memory_space<hbm>>
    %dma_start3A_20 = tpu.memref_squeeze %dma_start3A_19 : memref<1x128xi32, #tpu.memory_space<hbm>> -> memref<128xi32, #tpu.memory_space<hbm>>
    %dma_start3A_21 = tpu.memref_slice %arg14[%dma_start3A_15] : memref<8x!tpu.dma_semaphore, #tpu.memory_space<semaphore_mem>> -> memref<1x!tpu.dma_semaphore, #tpu.memory_space<semaphore_mem>>
    %dma_start3A_22 = tpu.memref_squeeze %dma_start3A_21 : memref<1x!tpu.dma_semaphore, #tpu.memory_space<semaphore_mem>> -> memref<!tpu.dma_semaphore, #tpu.memory_space<semaphore_mem>>
    %dma_start3A_23 = arith.constant 0 : i32
    %dma_start3A_24 = tpu.memref_slice %arg9[%dma_start3A_14, %dma_start3A_23] : memref<8x128xi32, #tpu.memory_space<vmem>> -> memref<1x128xi32, #tpu.memory_space<vmem>>
    %dma_start3A_25 = tpu.memref_squeeze %dma_start3A_24 : memref<1x128xi32, #tpu.memory_space<vmem>> -> memref<128xi32, #tpu.memory_space<vmem>>
    %dma_start3A_26 = tpu.memref_slice %arg4[%dma_start3A, %add3A_13] : memref<2x320000xi32, #tpu.memory_space<hbm>> -> memref<1x128xi32, #tpu.memory_space<hbm>>
    %dma_start3A_27 = tpu.memref_squeeze %dma_start3A_26 : memref<1x128xi32, #tpu.memory_space<hbm>> -> memref<128xi32, #tpu.memory_space<hbm>>
    tpu.enqueue_dma source(%dma_start3A_27 : memref<128xi32, #tpu.memory_space<hbm>>) target(%dma_start3A_25 : memref<128xi32, #tpu.memory_space<vmem>>) target_semaphore(%dma_start3A_22 : memref<!tpu.dma_semaphore, #tpu.memory_space<semaphore_mem>>)
    %add3A_28 = arith.constant 0 : i32
    %add3A_29 = arith.addi %mul3A_12, %add3A_28 : i32
    %dma_start3A_30 = arith.constant 1 : i32
    %dma_start3A_31 = arith.constant 0 : i32
    %dma_start3A_32 = arith.constant 0 : i32
    %dma_start3A_33 = arith.constant 0 : i32
    %dma_start3A_34 = tpu.memref_slice %arg10[%dma_start3A_31, %dma_start3A_33] : memref<8x128xi32, #tpu.memory_space<vmem>> -> memref<1x128xi32, #tpu.memory_space<vmem>>
    %dma_start3A_35 = tpu.memref_squeeze %dma_start3A_34 : memref<1x128xi32, #tpu.memory_space<vmem>> -> memref<128xi32, #tpu.memory_space<vmem>>
    %dma_start3A_36 = tpu.memref_slice %arg4[%dma_start3A_30, %add3A_29] : memref<2x320000xi32, #tpu.memory_space<hbm>> -> memref<1x128xi32, #tpu.memory_space<hbm>>
    %dma_start3A_37 = tpu.memref_squeeze %dma_start3A_36 : memref<1x128xi32, #tpu.memory_space<hbm>> -> memref<128xi32, #tpu.memory_space<hbm>>
    %dma_start3A_38 = tpu.memref_slice %arg15[%dma_start3A_32] : memref<8x!tpu.dma_semaphore, #tpu.memory_space<semaphore_mem>> -> memref<1x!tpu.dma_semaphore, #tpu.memory_space<semaphore_mem>>
    %dma_start3A_39 = tpu.memref_squeeze %dma_start3A_38 : memref<1x!tpu.dma_semaphore, #tpu.memory_space<semaphore_mem>> -> memref<!tpu.dma_semaphore, #tpu.memory_space<semaphore_mem>>
    %dma_start3A_40 = arith.constant 0 : i32
    %dma_start3A_41 = tpu.memref_slice %arg10[%dma_start3A_31, %dma_start3A_40] : memref<8x128xi32, #tpu.memory_space<vmem>> -> memref<1x128xi32, #tpu.memory_space<vmem>>
    %dma_start3A_42 = tpu.memref_squeeze %dma_start3A_41 : memref<1x128xi32, #tpu.memory_space<vmem>> -> memref<128xi32, #tpu.memory_space<vmem>>
    %dma_start3A_43 = tpu.memref_slice %arg4[%dma_start3A_30, %add3A_29] : memref<2x320000xi32, #tpu.memory_space<hbm>> -> memref<1x128xi32, #tpu.memory_space<hbm>>
    %dma_start3A_44 = tpu.memref_squeeze %dma_start3A_43 : memref<1x128xi32, #tpu.memory_space<hbm>> -> memref<128xi32, #tpu.memory_space<hbm>>
    tpu.enqueue_dma source(%dma_start3A_44 : memref<128xi32, #tpu.memory_space<hbm>>) target(%dma_start3A_42 : memref<128xi32, #tpu.memory_space<vmem>>) target_semaphore(%dma_start3A_39 : memref<!tpu.dma_semaphore, #tpu.memory_space<semaphore_mem>>)
    %add3A_45 = arith.constant 128 : i32
    %add3A_46 = arith.addi %mul3A_12, %add3A_45 : i32
    %dma_start3A_47 = arith.constant 0 : i32
    %dma_start3A_48 = arith.constant 1 : i32
    %dma_start3A_49 = arith.constant 1 : i32
    %dma_start3A_50 = arith.constant 0 : i32
    %dma_start3A_51 = tpu.memref_slice %arg9[%dma_start3A_48, %dma_start3A_50] : memref<8x128xi32, #tpu.memory_space<vmem>> -> memref<1x128xi32, #tpu.memory_space<vmem>>
    %dma_start3A_52 = tpu.memref_squeeze %dma_start3A_51 : memref<1x128xi32, #tpu.memory_space<vmem>> -> memref<128xi32, #tpu.memory_space<vmem>>
    %dma_start3A_53 = tpu.memref_slice %arg4[%dma_start3A_47, %add3A_46] : memref<2x320000xi32, #tpu.memory_space<hbm>> -> memref<1x128xi32, #tpu.memory_space<hbm>>
    %dma_start3A_54 = tpu.memref_squeeze %dma_start3A_53 : memref<1x128xi32, #tpu.memory_space<hbm>> -> memref<128xi32, #tpu.memory_space<hbm>>
    %dma_start3A_55 = tpu.memref_slice %arg14[%dma_start3A_49] : memref<8x!tpu.dma_semaphore, #tpu.memory_space<semaphore_mem>> -> memref<1x!tpu.dma_semaphore, #tpu.memory_space<semaphore_mem>>
    %dma_start3A_56 = tpu.memref_squeeze %dma_start3A_55 : memref<1x!tpu.dma_semaphore, #tpu.memory_space<semaphore_mem>> -> memref<!tpu.dma_semaphore, #tpu.memory_space<semaphore_mem>>
    %dma_start3A_57 = arith.constant 0 : i32
    %dma_start3A_58 = tpu.memref_slice %arg9[%dma_start3A_48, %dma_start3A_57] : memref<8x128xi32, #tpu.memory_space<vmem>> -> memref<1x128xi32, #tpu.memory_space<vmem>>
    %dma_start3A_59 = tpu.memref_squeeze %dma_start3A_58 : memref<1x128xi32, #tpu.memory_space<vmem>> -> memref<128xi32, #tpu.memory_space<vmem>>
    %dma_start3A_60 = tpu.memref_slice %arg4[%dma_start3A_47, %add3A_46] : memref<2x320000xi32, #tpu.memory_space<hbm>> -> memref<1x128xi32, #tpu.memory_space<hbm>>
    %dma_start3A_61 = tpu.memref_squeeze %dma_start3A_60 : memref<1x128xi32, #tpu.memory_space<hbm>> -> memref<128xi32, #tpu.memory_space<hbm>>
    tpu.enqueue_dma source(%dma_start3A_61 : memref<128xi32, #tpu.memory_space<hbm>>) target(%dma_start3A_59 : memref<128xi32, #tpu.memory_space<vmem>>) target_semaphore(%dma_start3A_56 : memref<!tpu.dma_semaphore, #tpu.memory_space<semaphore_mem>>)
    %add3A_62 = arith.constant 128 : i32
    %add3A_63 = arith.addi %mul3A_12, %add3A_62 : i32
    %dma_start3A_64 = arith.constant 1 : i32
    %dma_start3A_65 = arith.constant 1 : i32
    %dma_start3A_66 = arith.constant 1 : i32
    %dma_start3A_67 = arith.constant 0 : i32
    %dma_start3A_68 = tpu.memref_slice %arg10[%dma_start3A_65, %dma_start3A_67] : memref<8x128xi32, #tpu.memory_space<vmem>> -> memref<1x128xi32, #tpu.memory_space<vmem>>
    %dma_start3A_69 = tpu.memref_squeeze %dma_start3A_68 : memref<1x128xi32, #tpu.memory_space<vmem>> -> memref<128xi32, #tpu.memory_space<vmem>>
    %dma_start3A_70 = tpu.memref_slice %arg4[%dma_start3A_64, %add3A_63] : memref<2x320000xi32, #tpu.memory_space<hbm>> -> memref<1x128xi32, #tpu.memory_space<hbm>>
    %dma_start3A_71 = tpu.memref_squeeze %dma_start3A_70 : memref<1x128xi32, #tpu.memory_space<hbm>> -> memref<128xi32, #tpu.memory_space<hbm>>
    %dma_start3A_72 = tpu.memref_slice %arg15[%dma_start3A_66] : memref<8x!tpu.dma_semaphore, #tpu.memory_space<semaphore_mem>> -> memref<1x!tpu.dma_semaphore, #tpu.memory_space<semaphore_mem>>
    %dma_start3A_73 = tpu.memref_squeeze %dma_start3A_72 : memref<1x!tpu.dma_semaphore, #tpu.memory_space<semaphore_mem>> -> memref<!tpu.dma_semaphore, #tpu.memory_space<semaphore_mem>>
    %dma_start3A_74 = arith.constant 0 : i32
    %dma_start3A_75 = tpu.memref_slice %arg10[%dma_start3A_65, %dma_start3A_74] : memref<8x128xi32, #tpu.memory_space<vmem>> -> memref<1x128xi32, #tpu.memory_space<vmem>>
    %dma_start3A_76 = tpu.memref_squeeze %dma_start3A_75 : memref<1x128xi32, #tpu.memory_space<vmem>> -> memref<128xi32, #tpu.memory_space<vmem>>
    %dma_start3A_77 = tpu.memref_slice %arg4[%dma_start3A_64, %add3A_63] : memref<2x320000xi32, #tpu.memory_space<hbm>> -> memref<1x128xi32, #tpu.memory_space<hbm>>
    %dma_start3A_78 = tpu.memref_squeeze %dma_start3A_77 : memref<1x128xi32, #tpu.memory_space<hbm>> -> memref<128xi32, #tpu.memory_space<hbm>>
    tpu.enqueue_dma source(%dma_start3A_78 : memref<128xi32, #tpu.memory_space<hbm>>) target(%dma_start3A_76 : memref<128xi32, #tpu.memory_space<vmem>>) target_semaphore(%dma_start3A_73 : memref<!tpu.dma_semaphore, #tpu.memory_space<semaphore_mem>>)
    %add3A_79 = arith.constant 256 : i32
    %add3A_80 = arith.addi %mul3A_12, %add3A_79 : i32
    %dma_start3A_81 = arith.constant 0 : i32
    %dma_start3A_82 = arith.constant 2 : i32
    %dma_start3A_83 = arith.constant 2 : i32
    %dma_start3A_84 = arith.constant 0 : i32
    %dma_start3A_85 = tpu.memref_slice %arg9[%dma_start3A_82, %dma_start3A_84] : memref<8x128xi32, #tpu.memory_space<vmem>> -> memref<1x128xi32, #tpu.memory_space<vmem>>
    %dma_start3A_86 = tpu.memref_squeeze %dma_start3A_85 : memref<1x128xi32, #tpu.memory_space<vmem>> -> memref<128xi32, #tpu.memory_space<vmem>>
    %dma_start3A_87 = tpu.memref_slice %arg4[%dma_start3A_81, %add3A_80] : memref<2x320000xi32, #tpu.memory_space<hbm>> -> memref<1x128xi32, #tpu.memory_space<hbm>>
    %dma_start3A_88 = tpu.memref_squeeze %dma_start3A_87 : memref<1x128xi32, #tpu.memory_space<hbm>> -> memref<128xi32, #tpu.memory_space<hbm>>
    %dma_start3A_89 = tpu.memref_slice %arg14[%dma_start3A_83] : memref<8x!tpu.dma_semaphore, #tpu.memory_space<semaphore_mem>> -> memref<1x!tpu.dma_semaphore, #tpu.memory_space<semaphore_mem>>
    %dma_start3A_90 = tpu.memref_squeeze %dma_start3A_89 : memref<1x!tpu.dma_semaphore, #tpu.memory_space<semaphore_mem>> -> memref<!tpu.dma_semaphore, #tpu.memory_space<semaphore_mem>>
    %dma_start3A_91 = arith.constant 0 : i32
    %dma_start3A_92 = tpu.memref_slice %arg9[%dma_start3A_82, %dma_start3A_91] : memref<8x128xi32, #tpu.memory_space<vmem>> -> memref<1x128xi32, #tpu.memory_space<vmem>>
    %dma_start3A_93 = tpu.memref_squeeze %dma_start3A_92 : memref<1x128xi32, #tpu.memory_space<vmem>> -> memref<128xi32, #tpu.memory_space<vmem>>
    %dma_start3A_94 = tpu.memref_slice %arg4[%dma_start3A_81, %add3A_80] : memref<2x320000xi32, #tpu.memory_space<hbm>> -> memref<1x128xi32, #tpu.memory_space<hbm>>
    %dma_start3A_95 = tpu.memref_squeeze %dma_start3A_94 : memref<1x128xi32, #tpu.memory_space<hbm>> -> memref<128xi32, #tpu.memory_space<hbm>>
    tpu.enqueue_dma source(%dma_start3A_95 : memref<128xi32, #tpu.memory_space<hbm>>) target(%dma_start3A_93 : memref<128xi32, #tpu.memory_space<vmem>>) target_semaphore(%dma_start3A_90 : memref<!tpu.dma_semaphore, #tpu.memory_space<semaphore_mem>>)
    %add3A_96 = arith.constant 256 : i32
    %add3A_97 = arith.addi %mul3A_12, %add3A_96 : i32
    %dma_start3A_98 = arith.constant 1 : i32
    %dma_start3A_99 = arith.constant 2 : i32
    %dma_start3A_100 = arith.constant 2 : i32
    %dma_start3A_101 = arith.constant 0 : i32
    %dma_start3A_102 = tpu.memref_slice %arg10[%dma_start3A_99, %dma_start3A_101] : memref<8x128xi32, #tpu.memory_space<vmem>> -> memref<1x128xi32, #tpu.memory_space<vmem>>
    %dma_start3A_103 = tpu.memref_squeeze %dma_start3A_102 : memref<1x128xi32, #tpu.memory_space<vmem>> -> memref<128xi32, #tpu.memory_space<vmem>>
    %dma_start3A_104 = tpu.memref_slice %arg4[%dma_start3A_98, %add3A_97] : memref<2x320000xi32, #tpu.memory_space<hbm>> -> memref<1x128xi32, #tpu.memory_space<hbm>>
    %dma_start3A_105 = tpu.memref_squeeze %dma_start3A_104 : memref<1x128xi32, #tpu.memory_space<hbm>> -> memref<128xi32, #tpu.memory_space<hbm>>
    %dma_start3A_106 = tpu.memref_slice %arg15[%dma_start3A_100] : memref<8x!tpu.dma_semaphore, #tpu.memory_space<semaphore_mem>> -> memref<1x!tpu.dma_semaphore, #tpu.memory_space<semaphore_mem>>
    %dma_start3A_107 = tpu.memref_squeeze %dma_start3A_106 : memref<1x!tpu.dma_semaphore, #tpu.memory_space<semaphore_mem>> -> memref<!tpu.dma_semaphore, #tpu.memory_space<semaphore_mem>>
    %dma_start3A_108 = arith.constant 0 : i32
    %dma_start3A_109 = tpu.memref_slice %arg10[%dma_start3A_99, %dma_start3A_108] : memref<8x128xi32, #tpu.memory_space<vmem>> -> memref<1x128xi32, #tpu.memory_space<vmem>>
    %dma_start3A_110 = tpu.memref_squeeze %dma_start3A_109 : memref<1x128xi32, #tpu.memory_space<vmem>> -> memref<128xi32, #tpu.memory_space<vmem>>
    %dma_start3A_111 = tpu.memref_slice %arg4[%dma_start3A_98, %add3A_97] : memref<2x320000xi32, #tpu.memory_space<hbm>> -> memref<1x128xi32, #tpu.memory_space<hbm>>
    %dma_start3A_112 = tpu.memref_squeeze %dma_start3A_111 : memref<1x128xi32, #tpu.memory_space<hbm>> -> memref<128xi32, #tpu.memory_space<hbm>>
    tpu.enqueue_dma source(%dma_start3A_112 : memref<128xi32, #tpu.memory_space<hbm>>) target(%dma_start3A_110 : memref<128xi32, #tpu.memory_space<vmem>>) target_semaphore(%dma_start3A_107 : memref<!tpu.dma_semaphore, #tpu.memory_space<semaphore_mem>>)
    %add3A_113 = arith.constant 384 : i32
    %add3A_114 = arith.addi %mul3A_12, %add3A_113 : i32
    %dma_start3A_115 = arith.constant 0 : i32
    %dma_start3A_116 = arith.constant 3 : i32
    %dma_start3A_117 = arith.constant 3 : i32
    %dma_start3A_118 = arith.constant 0 : i32
    %dma_start3A_119 = tpu.memref_slice %arg9[%dma_start3A_116, %dma_start3A_118] : memref<8x128xi32, #tpu.memory_space<vmem>> -> memref<1x128xi32, #tpu.memory_space<vmem>>
    %dma_start3A_120 = tpu.memref_squeeze %dma_start3A_119 : memref<1x128xi32, #tpu.memory_space<vmem>> -> memref<128xi32, #tpu.memory_space<vmem>>
    %dma_start3A_121 = tpu.memref_slice %arg4[%dma_start3A_115, %add3A_114] : memref<2x320000xi32, #tpu.memory_space<hbm>> -> memref<1x128xi32, #tpu.memory_space<hbm>>
    %dma_start3A_122 = tpu.memref_squeeze %dma_start3A_121 : memref<1x128xi32, #tpu.memory_space<hbm>> -> memref<128xi32, #tpu.memory_space<hbm>>
    %dma_start3A_123 = tpu.memref_slice %arg14[%dma_start3A_117] : memref<8x!tpu.dma_semaphore, #tpu.memory_space<semaphore_mem>> -> memref<1x!tpu.dma_semaphore, #tpu.memory_space<semaphore_mem>>
    %dma_start3A_124 = tpu.memref_squeeze %dma_start3A_123 : memref<1x!tpu.dma_semaphore, #tpu.memory_space<semaphore_mem>> -> memref<!tpu.dma_semaphore, #tpu.memory_space<semaphore_mem>>
    %dma_start3A_125 = arith.constant 0 : i32
    %dma_start3A_126 = tpu.memref_slice %arg9[%dma_start3A_116, %dma_start3A_125] : memref<8x128xi32, #tpu.memory_space<vmem>> -> memref<1x128xi32, #tpu.memory_space<vmem>>
    %dma_start3A_127 = tpu.memref_squeeze %dma_start3A_126 : memref<1x128xi32, #tpu.memory_space<vmem>> -> memref<128xi32, #tpu.memory_space<vmem>>
    %dma_start3A_128 = tpu.memref_slice %arg4[%dma_start3A_115, %add3A_114] : memref<2x320000xi32, #tpu.memory_space<hbm>> -> memref<1x128xi32, #tpu.memory_space<hbm>>
    %dma_start3A_129 = tpu.memref_squeeze %dma_start3A_128 : memref<1x128xi32, #tpu.memory_space<hbm>> -> memref<128xi32, #tpu.memory_space<hbm>>
    tpu.enqueue_dma source(%dma_start3A_129 : memref<128xi32, #tpu.memory_space<hbm>>) target(%dma_start3A_127 : memref<128xi32, #tpu.memory_space<vmem>>) target_semaphore(%dma_start3A_124 : memref<!tpu.dma_semaphore, #tpu.memory_space<semaphore_mem>>)
    %add3A_130 = arith.constant 384 : i32
    %add3A_131 = arith.addi %mul3A_12, %add3A_130 : i32
    %dma_start3A_132 = arith.constant 1 : i32
    %dma_start3A_133 = arith.constant 3 : i32
    %dma_start3A_134 = arith.constant 3 : i32
    %dma_start3A_135 = arith.constant 0 : i32
    %dma_start3A_136 = tpu.memref_slice %arg10[%dma_start3A_133, %dma_start3A_135] : memref<8x128xi32, #tpu.memory_space<vmem>> -> memref<1x128xi32, #tpu.memory_space<vmem>>
    %dma_start3A_137 = tpu.memref_squeeze %dma_start3A_136 : memref<1x128xi32, #tpu.memory_space<vmem>> -> memref<128xi32, #tpu.memory_space<vmem>>
    %dma_start3A_138 = tpu.memref_slice %arg4[%dma_start3A_132, %add3A_131] : memref<2x320000xi32, #tpu.memory_space<hbm>> -> memref<1x128xi32, #tpu.memory_space<hbm>>
    %dma_start3A_139 = tpu.memref_squeeze %dma_start3A_138 : memref<1x128xi32, #tpu.memory_space<hbm>> -> memref<128xi32, #tpu.memory_space<hbm>>
    %dma_start3A_140 = tpu.memref_slice %arg15[%dma_start3A_134] : memref<8x!tpu.dma_semaphore, #tpu.memory_space<semaphore_mem>> -> memref<1x!tpu.dma_semaphore, #tpu.memory_space<semaphore_mem>>
    %dma_start3A_141 = tpu.memref_squeeze %dma_start3A_140 : memref<1x!tpu.dma_semaphore, #tpu.memory_space<semaphore_mem>> -> memref<!tpu.dma_semaphore, #tpu.memory_space<semaphore_mem>>
    %dma_start3A_142 = arith.constant 0 : i32
    %dma_start3A_143 = tpu.memref_slice %arg10[%dma_start3A_133, %dma_start3A_142] : memref<8x128xi32, #tpu.memory_space<vmem>> -> memref<1x128xi32, #tpu.memory_space<vmem>>
    %dma_start3A_144 = tpu.memref_squeeze %dma_start3A_143 : memref<1x128xi32, #tpu.memory_space<vmem>> -> memref<128xi32, #tpu.memory_space<vmem>>
    %dma_start3A_145 = tpu.memref_slice %arg4[%dma_start3A_132, %add3A_131] : memref<2x320000xi32, #tpu.memory_space<hbm>> -> memref<1x128xi32, #tpu.memory_space<hbm>>
    %dma_start3A_146 = tpu.memref_squeeze %dma_start3A_145 : memref<1x128xi32, #tpu.memory_space<hbm>> -> memref<128xi32, #tpu.memory_space<hbm>>
    tpu.enqueue_dma source(%dma_start3A_146 : memref<128xi32, #tpu.memory_space<hbm>>) target(%dma_start3A_144 : memref<128xi32, #tpu.memory_space<vmem>>) target_semaphore(%dma_start3A_141 : memref<!tpu.dma_semaphore, #tpu.memory_space<semaphore_mem>>)
    %add3A_147 = arith.constant 512 : i32
    %add3A_148 = arith.addi %mul3A_12, %add3A_147 : i32
    %dma_start3A_149 = arith.constant 0 : i32
    %dma_start3A_150 = arith.constant 4 : i32
    %dma_start3A_151 = arith.constant 4 : i32
    %dma_start3A_152 = arith.constant 0 : i32
    %dma_start3A_153 = tpu.memref_slice %arg9[%dma_start3A_150, %dma_start3A_152] : memref<8x128xi32, #tpu.memory_space<vmem>> -> memref<1x128xi32, #tpu.memory_space<vmem>>
    %dma_start3A_154 = tpu.memref_squeeze %dma_start3A_153 : memref<1x128xi32, #tpu.memory_space<vmem>> -> memref<128xi32, #tpu.memory_space<vmem>>
    %dma_start3A_155 = tpu.memref_slice %arg4[%dma_start3A_149, %add3A_148] : memref<2x320000xi32, #tpu.memory_space<hbm>> -> memref<1x128xi32, #tpu.memory_space<hbm>>
    %dma_start3A_156 = tpu.memref_squeeze %dma_start3A_155 : memref<1x128xi32, #tpu.memory_space<hbm>> -> memref<128xi32, #tpu.memory_space<hbm>>
    %dma_start3A_157 = tpu.memref_slice %arg14[%dma_start3A_151] : memref<8x!tpu.dma_semaphore, #tpu.memory_space<semaphore_mem>> -> memref<1x!tpu.dma_semaphore, #tpu.memory_space<semaphore_mem>>
    %dma_start3A_158 = tpu.memref_squeeze %dma_start3A_157 : memref<1x!tpu.dma_semaphore, #tpu.memory_space<semaphore_mem>> -> memref<!tpu.dma_semaphore, #tpu.memory_space<semaphore_mem>>
    %dma_start3A_159 = arith.constant 0 : i32
    %dma_start3A_160 = tpu.memref_slice %arg9[%dma_start3A_150, %dma_start3A_159] : memref<8x128xi32, #tpu.memory_space<vmem>> -> memref<1x128xi32, #tpu.memory_space<vmem>>
    %dma_start3A_161 = tpu.memref_squeeze %dma_start3A_160 : memref<1x128xi32, #tpu.memory_space<vmem>> -> memref<128xi32, #tpu.memory_space<vmem>>
    %dma_start3A_162 = tpu.memref_slice %arg4[%dma_start3A_149, %add3A_148] : memref<2x320000xi32, #tpu.memory_space<hbm>> -> memref<1x128xi32, #tpu.memory_space<hbm>>
    %dma_start3A_163 = tpu.memref_squeeze %dma_start3A_162 : memref<1x128xi32, #tpu.memory_space<hbm>> -> memref<128xi32, #tpu.memory_space<hbm>>
    tpu.enqueue_dma source(%dma_start3A_163 : memref<128xi32, #tpu.memory_space<hbm>>) target(%dma_start3A_161 : memref<128xi32, #tpu.memory_space<vmem>>) target_semaphore(%dma_start3A_158 : memref<!tpu.dma_semaphore, #tpu.memory_space<semaphore_mem>>)
    %add3A_164 = arith.constant 512 : i32
    %add3A_165 = arith.addi %mul3A_12, %add3A_164 : i32
    %dma_start3A_166 = arith.constant 1 : i32
    %dma_start3A_167 = arith.constant 4 : i32
    %dma_start3A_168 = arith.constant 4 : i32
    %dma_start3A_169 = arith.constant 0 : i32
    %dma_start3A_170 = tpu.memref_slice %arg10[%dma_start3A_167, %dma_start3A_169] : memref<8x128xi32, #tpu.memory_space<vmem>> -> memref<1x128xi32, #tpu.memory_space<vmem>>
    %dma_start3A_171 = tpu.memref_squeeze %dma_start3A_170 : memref<1x128xi32, #tpu.memory_space<vmem>> -> memref<128xi32, #tpu.memory_space<vmem>>
    %dma_start3A_172 = tpu.memref_slice %arg4[%dma_start3A_166, %add3A_165] : memref<2x320000xi32, #tpu.memory_space<hbm>> -> memref<1x128xi32, #tpu.memory_space<hbm>>
    %dma_start3A_173 = tpu.memref_squeeze %dma_start3A_172 : memref<1x128xi32, #tpu.memory_space<hbm>> -> memref<128xi32, #tpu.memory_space<hbm>>
    %dma_start3A_174 = tpu.memref_slice %arg15[%dma_start3A_168] : memref<8x!tpu.dma_semaphore, #tpu.memory_space<semaphore_mem>> -> memref<1x!tpu.dma_semaphore, #tpu.memory_space<semaphore_mem>>
    %dma_start3A_175 = tpu.memref_squeeze %dma_start3A_174 : memref<1x!tpu.dma_semaphore, #tpu.memory_space<semaphore_mem>> -> memref<!tpu.dma_semaphore, #tpu.memory_space<semaphore_mem>>
    %dma_start3A_176 = arith.constant 0 : i32
    %dma_start3A_177 = tpu.memref_slice %arg10[%dma_start3A_167, %dma_start3A_176] : memref<8x128xi32, #tpu.memory_space<vmem>> -> memref<1x128xi32, #tpu.memory_space<vmem>>
    %dma_start3A_178 = tpu.memref_squeeze %dma_start3A_177 : memref<1x128xi32, #tpu.memory_space<vmem>> -> memref<128xi32, #tpu.memory_space<vmem>>
    %dma_start3A_179 = tpu.memref_slice %arg4[%dma_start3A_166, %add3A_165] : memref<2x320000xi32, #tpu.memory_space<hbm>> -> memref<1x128xi32, #tpu.memory_space<hbm>>
    %dma_start3A_180 = tpu.memref_squeeze %dma_start3A_179 : memref<1x128xi32, #tpu.memory_space<hbm>> -> memref<128xi32, #tpu.memory_space<hbm>>
    tpu.enqueue_dma source(%dma_start3A_180 : memref<128xi32, #tpu.memory_space<hbm>>) target(%dma_start3A_178 : memref<128xi32, #tpu.memory_space<vmem>>) target_semaphore(%dma_start3A_175 : memref<!tpu.dma_semaphore, #tpu.memory_space<semaphore_mem>>)
    %add3A_181 = arith.constant 640 : i32
    %add3A_182 = arith.addi %mul3A_12, %add3A_181 : i32
    %dma_start3A_183 = arith.constant 0 : i32
    %dma_start3A_184 = arith.constant 5 : i32
    %dma_start3A_185 = arith.constant 5 : i32
    %dma_start3A_186 = arith.constant 0 : i32
    %dma_start3A_187 = tpu.memref_slice %arg9[%dma_start3A_184, %dma_start3A_186] : memref<8x128xi32, #tpu.memory_space<vmem>> -> memref<1x128xi32, #tpu.memory_space<vmem>>
    %dma_start3A_188 = tpu.memref_squeeze %dma_start3A_187 : memref<1x128xi32, #tpu.memory_space<vmem>> -> memref<128xi32, #tpu.memory_space<vmem>>
    %dma_start3A_189 = tpu.memref_slice %arg4[%dma_start3A_183, %add3A_182] : memref<2x320000xi32, #tpu.memory_space<hbm>> -> memref<1x128xi32, #tpu.memory_space<hbm>>
    %dma_start3A_190 = tpu.memref_squeeze %dma_start3A_189 : memref<1x128xi32, #tpu.memory_space<hbm>> -> memref<128xi32, #tpu.memory_space<hbm>>
    %dma_start3A_191 = tpu.memref_slice %arg14[%dma_start3A_185] : memref<8x!tpu.dma_semaphore, #tpu.memory_space<semaphore_mem>> -> memref<1x!tpu.dma_semaphore, #tpu.memory_space<semaphore_mem>>
    %dma_start3A_192 = tpu.memref_squeeze %dma_start3A_191 : memref<1x!tpu.dma_semaphore, #tpu.memory_space<semaphore_mem>> -> memref<!tpu.dma_semaphore, #tpu.memory_space<semaphore_mem>>
    %dma_start3A_193 = arith.constant 0 : i32
    %dma_start3A_194 = tpu.memref_slice %arg9[%dma_start3A_184, %dma_start3A_193] : memref<8x128xi32, #tpu.memory_space<vmem>> -> memref<1x128xi32, #tpu.memory_space<vmem>>
    %dma_start3A_195 = tpu.memref_squeeze %dma_start3A_194 : memref<1x128xi32, #tpu.memory_space<vmem>> -> memref<128xi32, #tpu.memory_space<vmem>>
    %dma_start3A_196 = tpu.memref_slice %arg4[%dma_start3A_183, %add3A_182] : memref<2x320000xi32, #tpu.memory_space<hbm>> -> memref<1x128xi32, #tpu.memory_space<hbm>>
    %dma_start3A_197 = tpu.memref_squeeze %dma_start3A_196 : memref<1x128xi32, #tpu.memory_space<hbm>> -> memref<128xi32, #tpu.memory_space<hbm>>
    tpu.enqueue_dma source(%dma_start3A_197 : memref<128xi32, #tpu.memory_space<hbm>>) target(%dma_start3A_195 : memref<128xi32, #tpu.memory_space<vmem>>) target_semaphore(%dma_start3A_192 : memref<!tpu.dma_semaphore, #tpu.memory_space<semaphore_mem>>)
    %add3A_198 = arith.constant 640 : i32
    %add3A_199 = arith.addi %mul3A_12, %add3A_198 : i32
    %dma_start3A_200 = arith.constant 1 : i32
    %dma_start3A_201 = arith.constant 5 : i32
    %dma_start3A_202 = arith.constant 5 : i32
    %dma_start3A_203 = arith.constant 0 : i32
    %dma_start3A_204 = tpu.memref_slice %arg10[%dma_start3A_201, %dma_start3A_203] : memref<8x128xi32, #tpu.memory_space<vmem>> -> memref<1x128xi32, #tpu.memory_space<vmem>>
    %dma_start3A_205 = tpu.memref_squeeze %dma_start3A_204 : memref<1x128xi32, #tpu.memory_space<vmem>> -> memref<128xi32, #tpu.memory_space<vmem>>
    %dma_start3A_206 = tpu.memref_slice %arg4[%dma_start3A_200, %add3A_199] : memref<2x320000xi32, #tpu.memory_space<hbm>> -> memref<1x128xi32, #tpu.memory_space<hbm>>
    %dma_start3A_207 = tpu.memref_squeeze %dma_start3A_206 : memref<1x128xi32, #tpu.memory_space<hbm>> -> memref<128xi32, #tpu.memory_space<hbm>>
    %dma_start3A_208 = tpu.memref_slice %arg15[%dma_start3A_202] : memref<8x!tpu.dma_semaphore, #tpu.memory_space<semaphore_mem>> -> memref<1x!tpu.dma_semaphore, #tpu.memory_space<semaphore_mem>>
    %dma_start3A_209 = tpu.memref_squeeze %dma_start3A_208 : memref<1x!tpu.dma_semaphore, #tpu.memory_space<semaphore_mem>> -> memref<!tpu.dma_semaphore, #tpu.memory_space<semaphore_mem>>
    %dma_start3A_210 = arith.constant 0 : i32
    %dma_start3A_211 = tpu.memref_slice %arg10[%dma_start3A_201, %dma_start3A_210] : memref<8x128xi32, #tpu.memory_space<vmem>> -> memref<1x128xi32, #tpu.memory_space<vmem>>
    %dma_start3A_212 = tpu.memref_squeeze %dma_start3A_211 : memref<1x128xi32, #tpu.memory_space<vmem>> -> memref<128xi32, #tpu.memory_space<vmem>>
    %dma_start3A_213 = tpu.memref_slice %arg4[%dma_start3A_200, %add3A_199] : memref<2x320000xi32, #tpu.memory_space<hbm>> -> memref<1x128xi32, #tpu.memory_space<hbm>>
    %dma_start3A_214 = tpu.memref_squeeze %dma_start3A_213 : memref<1x128xi32, #tpu.memory_space<hbm>> -> memref<128xi32, #tpu.memory_space<hbm>>
    tpu.enqueue_dma source(%dma_start3A_214 : memref<128xi32, #tpu.memory_space<hbm>>) target(%dma_start3A_212 : memref<128xi32, #tpu.memory_space<vmem>>) target_semaphore(%dma_start3A_209 : memref<!tpu.dma_semaphore, #tpu.memory_space<semaphore_mem>>)
    %dma_wait3A = arith.constant 0 : i32
    %dma_wait3A_215 = arith.constant 0 : i32
    %dma_wait3A_216 = arith.constant 0 : i32
    %dma_wait3A_217 = arith.constant 0 : i32
    %dma_wait3A_218 = tpu.memref_slice %arg9[%dma_wait3A_215, %dma_wait3A_217] : memref<8x128xi32, #tpu.memory_space<vmem>> -> memref<1x128xi32, #tpu.memory_space<vmem>>
    %dma_wait3A_219 = tpu.memref_squeeze %dma_wait3A_218 : memref<1x128xi32, #tpu.memory_space<vmem>> -> memref<128xi32, #tpu.memory_space<vmem>>
    %dma_wait3A_220 = arith.constant 0 : i32
    %dma_wait3A_221 = tpu.memref_slice %arg4[%dma_wait3A, %dma_wait3A_220] : memref<2x320000xi32, #tpu.memory_space<hbm>> -> memref<1x128xi32, #tpu.memory_space<hbm>>
    %dma_wait3A_222 = tpu.memref_squeeze %dma_wait3A_221 : memref<1x128xi32, #tpu.memory_space<hbm>> -> memref<128xi32, #tpu.memory_space<hbm>>
    %dma_wait3A_223 = tpu.memref_slice %arg14[%dma_wait3A_216] : memref<8x!tpu.dma_semaphore, #tpu.memory_space<semaphore_mem>> -> memref<1x!tpu.dma_semaphore, #tpu.memory_space<semaphore_mem>>
    %dma_wait3A_224 = tpu.memref_squeeze %dma_wait3A_223 : memref<1x!tpu.dma_semaphore, #tpu.memory_space<semaphore_mem>> -> memref<!tpu.dma_semaphore, #tpu.memory_space<semaphore_mem>>
    %dma_wait3A_225 = arith.constant 0 : i32
    %dma_wait3A_226 = tpu.memref_slice %arg9[%dma_wait3A_215, %dma_wait3A_225] : memref<8x128xi32, #tpu.memory_space<vmem>> -> memref<1x128xi32, #tpu.memory_space<vmem>>
    %dma_wait3A_227 = tpu.memref_squeeze %dma_wait3A_226 : memref<1x128xi32, #tpu.memory_space<vmem>> -> memref<128xi32, #tpu.memory_space<vmem>>
    %dma_wait3A_228 = arith.constant 0 : i32
    %dma_wait3A_229 = tpu.memref_slice %arg4[%dma_wait3A, %dma_wait3A_228] : memref<2x320000xi32, #tpu.memory_space<hbm>> -> memref<1x128xi32, #tpu.memory_space<hbm>>
    %dma_wait3A_230 = tpu.memref_squeeze %dma_wait3A_229 : memref<1x128xi32, #tpu.memory_space<hbm>> -> memref<128xi32, #tpu.memory_space<hbm>>
    tpu.wait_dma2 semaphore(%dma_wait3A_224 : memref<!tpu.dma_semaphore, #tpu.memory_space<semaphore_mem>>) src(%dma_wait3A_230 : memref<128xi32, #tpu.memory_space<hbm>>) dst(%dma_wait3A_227 : memref<128xi32, #tpu.memory_space<vmem>>)
    %dma_start3A_231 = arith.constant 0 : i32
    %dma_start3A_232 = arith.constant 0 : i32
    %dma_start3A_233 = arith.constant 0 : i32
    %dma_start3A_234 = arith.constant 0 : i32
    %dma_start3A_235 = arith.constant 0 : i32
    %dma_start3A_236 = tpu.memref_slice %arg11[%dma_start3A_232, %dma_start3A_234, %dma_start3A_235] : memref<4x128x64xf32, #tpu.memory_space<vmem>> -> memref<1x128x64xf32, #tpu.memory_space<vmem>>
    %dma_start3A_237 = tpu.memref_squeeze %dma_start3A_236 : memref<1x128x64xf32, #tpu.memory_space<vmem>> -> memref<128x64xf32, #tpu.memory_space<vmem>>
    %dma_start3A_238 = arith.constant 0 : i32
    %dma_start3A_239 = tpu.memref_slice %arg9[%dma_start3A_231, %dma_start3A_238] : memref<8x128xi32, #tpu.memory_space<vmem>> -> memref<1x128xi32, #tpu.memory_space<vmem>>
    %dma_start3A_240 = tpu.memref_squeeze %dma_start3A_239 : memref<1x128xi32, #tpu.memory_space<vmem>> -> memref<128xi32, #tpu.memory_space<vmem>>
    %dma_start3A_241 = arith.constant 0 : i32
    %dma_start3A_242 = arith.constant 0 : i32
    %dma_start3A_243 = tpu.memref_slice %arg7[%dma_start3A_241, %dma_start3A_242] : memref<10240x64xf32, #tpu.memory_space<vmem_shared>> -> memref<10240x64xf32, #tpu.memory_space<vmem_shared>>
    %dma_start3A_244 = tpu.memref_slice %arg12[%dma_start3A_233] : memref<4x!tpu.dma_semaphore, #tpu.memory_space<semaphore_mem>> -> memref<1x!tpu.dma_semaphore, #tpu.memory_space<semaphore_mem>>
    %dma_start3A_245 = tpu.memref_squeeze %dma_start3A_244 : memref<1x!tpu.dma_semaphore, #tpu.memory_space<semaphore_mem>> -> memref<!tpu.dma_semaphore, #tpu.memory_space<semaphore_mem>>
    tpu.enqueue_indirect_dma source(%dma_start3A_243 : memref<10240x64xf32, #tpu.memory_space<vmem_shared>>) target(%dma_start3A_237 : memref<128x64xf32, #tpu.memory_space<vmem>>) offsets(%dma_start3A_240 : memref<128xi32, #tpu.memory_space<vmem>>) semaphore(%dma_start3A_245 : memref<!tpu.dma_semaphore, #tpu.memory_space<semaphore_mem>>)
    %dma_wait3A_246 = arith.constant 0 : i32
    %dma_wait3A_247 = arith.constant 1 : i32
    %dma_wait3A_248 = arith.constant 1 : i32
    %dma_wait3A_249 = arith.constant 0 : i32
    %dma_wait3A_250 = tpu.memref_slice %arg9[%dma_wait3A_247, %dma_wait3A_249] : memref<8x128xi32, #tpu.memory_space<vmem>> -> memref<1x128xi32, #tpu.memory_space<vmem>>
    %dma_wait3A_251 = tpu.memref_squeeze %dma_wait3A_250 : memref<1x128xi32, #tpu.memory_space<vmem>> -> memref<128xi32, #tpu.memory_space<vmem>>
    %dma_wait3A_252 = arith.constant 0 : i32
    %dma_wait3A_253 = tpu.memref_slice %arg4[%dma_wait3A_246, %dma_wait3A_252] : memref<2x320000xi32, #tpu.memory_space<hbm>> -> memref<1x128xi32, #tpu.memory_space<hbm>>
    %dma_wait3A_254 = tpu.memref_squeeze %dma_wait3A_253 : memref<1x128xi32, #tpu.memory_space<hbm>> -> memref<128xi32, #tpu.memory_space<hbm>>
    %dma_wait3A_255 = tpu.memref_slice %arg14[%dma_wait3A_248] : memref<8x!tpu.dma_semaphore, #tpu.memory_space<semaphore_mem>> -> memref<1x!tpu.dma_semaphore, #tpu.memory_space<semaphore_mem>>
    %dma_wait3A_256 = tpu.memref_squeeze %dma_wait3A_255 : memref<1x!tpu.dma_semaphore, #tpu.memory_space<semaphore_mem>> -> memref<!tpu.dma_semaphore, #tpu.memory_space<semaphore_mem>>
    %dma_wait3A_257 = arith.constant 0 : i32
    %dma_wait3A_258 = tpu.memref_slice %arg9[%dma_wait3A_247, %dma_wait3A_257] : memref<8x128xi32, #tpu.memory_space<vmem>> -> memref<1x128xi32, #tpu.memory_space<vmem>>
    %dma_wait3A_259 = tpu.memref_squeeze %dma_wait3A_258 : memref<1x128xi32, #tpu.memory_space<vmem>> -> memref<128xi32, #tpu.memory_space<vmem>>
    %dma_wait3A_260 = arith.constant 0 : i32
    %dma_wait3A_261 = tpu.memref_slice %arg4[%dma_wait3A_246, %dma_wait3A_260] : memref<2x320000xi32, #tpu.memory_space<hbm>> -> memref<1x128xi32, #tpu.memory_space<hbm>>
    %dma_wait3A_262 = tpu.memref_squeeze %dma_wait3A_261 : memref<1x128xi32, #tpu.memory_space<hbm>> -> memref<128xi32, #tpu.memory_space<hbm>>
    tpu.wait_dma2 semaphore(%dma_wait3A_256 : memref<!tpu.dma_semaphore, #tpu.memory_space<semaphore_mem>>) src(%dma_wait3A_262 : memref<128xi32, #tpu.memory_space<hbm>>) dst(%dma_wait3A_259 : memref<128xi32, #tpu.memory_space<vmem>>)
    %dma_start3A_263 = arith.constant 1 : i32
    %dma_start3A_264 = arith.constant 1 : i32
    %dma_start3A_265 = arith.constant 1 : i32
    %dma_start3A_266 = arith.constant 0 : i32
    %dma_start3A_267 = arith.constant 0 : i32
    %dma_start3A_268 = tpu.memref_slice %arg11[%dma_start3A_264, %dma_start3A_266, %dma_start3A_267] : memref<4x128x64xf32, #tpu.memory_space<vmem>> -> memref<1x128x64xf32, #tpu.memory_space<vmem>>
    %dma_start3A_269 = tpu.memref_squeeze %dma_start3A_268 : memref<1x128x64xf32, #tpu.memory_space<vmem>> -> memref<128x64xf32, #tpu.memory_space<vmem>>
    %dma_start3A_270 = arith.constant 0 : i32
    %dma_start3A_271 = tpu.memref_slice %arg9[%dma_start3A_263, %dma_start3A_270] : memref<8x128xi32, #tpu.memory_space<vmem>> -> memref<1x128xi32, #tpu.memory_space<vmem>>
    %dma_start3A_272 = tpu.memref_squeeze %dma_start3A_271 : memref<1x128xi32, #tpu.memory_space<vmem>> -> memref<128xi32, #tpu.memory_space<vmem>>
    %dma_start3A_273 = arith.constant 0 : i32
    %dma_start3A_274 = arith.constant 0 : i32
    %dma_start3A_275 = tpu.memref_slice %arg7[%dma_start3A_273, %dma_start3A_274] : memref<10240x64xf32, #tpu.memory_space<vmem_shared>> -> memref<10240x64xf32, #tpu.memory_space<vmem_shared>>
    %dma_start3A_276 = tpu.memref_slice %arg12[%dma_start3A_265] : memref<4x!tpu.dma_semaphore, #tpu.memory_space<semaphore_mem>> -> memref<1x!tpu.dma_semaphore, #tpu.memory_space<semaphore_mem>>
    %dma_start3A_277 = tpu.memref_squeeze %dma_start3A_276 : memref<1x!tpu.dma_semaphore, #tpu.memory_space<semaphore_mem>> -> memref<!tpu.dma_semaphore, #tpu.memory_space<semaphore_mem>>
    tpu.enqueue_indirect_dma source(%dma_start3A_275 : memref<10240x64xf32, #tpu.memory_space<vmem_shared>>) target(%dma_start3A_269 : memref<128x64xf32, #tpu.memory_space<vmem>>) offsets(%dma_start3A_272 : memref<128xi32, #tpu.memory_space<vmem>>) semaphore(%dma_start3A_277 : memref<!tpu.dma_semaphore, #tpu.memory_space<semaphore_mem>>)
    %dma_wait3A_278 = arith.constant 0 : i32
    %dma_wait3A_279 = arith.constant 2 : i32
    %dma_wait3A_280 = arith.constant 2 : i32
    %dma_wait3A_281 = arith.constant 0 : i32
    %dma_wait3A_282 = tpu.memref_slice %arg9[%dma_wait3A_279, %dma_wait3A_281] : memref<8x128xi32, #tpu.memory_space<vmem>> -> memref<1x128xi32, #tpu.memory_space<vmem>>
    %dma_wait3A_283 = tpu.memref_squeeze %dma_wait3A_282 : memref<1x128xi32, #tpu.memory_space<vmem>> -> memref<128xi32, #tpu.memory_space<vmem>>
    %dma_wait3A_284 = arith.constant 0 : i32
    %dma_wait3A_285 = tpu.memref_slice %arg4[%dma_wait3A_278, %dma_wait3A_284] : memref<2x320000xi32, #tpu.memory_space<hbm>> -> memref<1x128xi32, #tpu.memory_space<hbm>>
    %dma_wait3A_286 = tpu.memref_squeeze %dma_wait3A_285 : memref<1x128xi32, #tpu.memory_space<hbm>> -> memref<128xi32, #tpu.memory_space<hbm>>
    %dma_wait3A_287 = tpu.memref_slice %arg14[%dma_wait3A_280] : memref<8x!tpu.dma_semaphore, #tpu.memory_space<semaphore_mem>> -> memref<1x!tpu.dma_semaphore, #tpu.memory_space<semaphore_mem>>
    %dma_wait3A_288 = tpu.memref_squeeze %dma_wait3A_287 : memref<1x!tpu.dma_semaphore, #tpu.memory_space<semaphore_mem>> -> memref<!tpu.dma_semaphore, #tpu.memory_space<semaphore_mem>>
    %dma_wait3A_289 = arith.constant 0 : i32
    %dma_wait3A_290 = tpu.memref_slice %arg9[%dma_wait3A_279, %dma_wait3A_289] : memref<8x128xi32, #tpu.memory_space<vmem>> -> memref<1x128xi32, #tpu.memory_space<vmem>>
    %dma_wait3A_291 = tpu.memref_squeeze %dma_wait3A_290 : memref<1x128xi32, #tpu.memory_space<vmem>> -> memref<128xi32, #tpu.memory_space<vmem>>
    %dma_wait3A_292 = arith.constant 0 : i32
    %dma_wait3A_293 = tpu.memref_slice %arg4[%dma_wait3A_278, %dma_wait3A_292] : memref<2x320000xi32, #tpu.memory_space<hbm>> -> memref<1x128xi32, #tpu.memory_space<hbm>>
    %dma_wait3A_294 = tpu.memref_squeeze %dma_wait3A_293 : memref<1x128xi32, #tpu.memory_space<hbm>> -> memref<128xi32, #tpu.memory_space<hbm>>
    tpu.wait_dma2 semaphore(%dma_wait3A_288 : memref<!tpu.dma_semaphore, #tpu.memory_space<semaphore_mem>>) src(%dma_wait3A_294 : memref<128xi32, #tpu.memory_space<hbm>>) dst(%dma_wait3A_291 : memref<128xi32, #tpu.memory_space<vmem>>)
    %dma_start3A_295 = arith.constant 2 : i32
    %dma_start3A_296 = arith.constant 2 : i32
    %dma_start3A_297 = arith.constant 2 : i32
    %dma_start3A_298 = arith.constant 0 : i32
    %dma_start3A_299 = arith.constant 0 : i32
    %dma_start3A_300 = tpu.memref_slice %arg11[%dma_start3A_296, %dma_start3A_298, %dma_start3A_299] : memref<4x128x64xf32, #tpu.memory_space<vmem>> -> memref<1x128x64xf32, #tpu.memory_space<vmem>>
    %dma_start3A_301 = tpu.memref_squeeze %dma_start3A_300 : memref<1x128x64xf32, #tpu.memory_space<vmem>> -> memref<128x64xf32, #tpu.memory_space<vmem>>
    %dma_start3A_302 = arith.constant 0 : i32
    %dma_start3A_303 = tpu.memref_slice %arg9[%dma_start3A_295, %dma_start3A_302] : memref<8x128xi32, #tpu.memory_space<vmem>> -> memref<1x128xi32, #tpu.memory_space<vmem>>
    %dma_start3A_304 = tpu.memref_squeeze %dma_start3A_303 : memref<1x128xi32, #tpu.memory_space<vmem>> -> memref<128xi32, #tpu.memory_space<vmem>>
    %dma_start3A_305 = arith.constant 0 : i32
    %dma_start3A_306 = arith.constant 0 : i32
    %dma_start3A_307 = tpu.memref_slice %arg7[%dma_start3A_305, %dma_start3A_306] : memref<10240x64xf32, #tpu.memory_space<vmem_shared>> -> memref<10240x64xf32, #tpu.memory_space<vmem_shared>>
    %dma_start3A_308 = tpu.memref_slice %arg12[%dma_start3A_297] : memref<4x!tpu.dma_semaphore, #tpu.memory_space<semaphore_mem>> -> memref<1x!tpu.dma_semaphore, #tpu.memory_space<semaphore_mem>>
    %dma_start3A_309 = tpu.memref_squeeze %dma_start3A_308 : memref<1x!tpu.dma_semaphore, #tpu.memory_space<semaphore_mem>> -> memref<!tpu.dma_semaphore, #tpu.memory_space<semaphore_mem>>
    tpu.enqueue_indirect_dma source(%dma_start3A_307 : memref<10240x64xf32, #tpu.memory_space<vmem_shared>>) target(%dma_start3A_301 : memref<128x64xf32, #tpu.memory_space<vmem>>) offsets(%dma_start3A_304 : memref<128xi32, #tpu.memory_space<vmem>>) semaphore(%dma_start3A_309 : memref<!tpu.dma_semaphore, #tpu.memory_space<semaphore_mem>>)
    %while3A = arith.constant 0 : i32
    %while3A_310 = arith.constant 0 : i32
    %while3A_311 = arith.subi %select_n3A, %while3A_310 : i32
    %while3A_312 = arith.addi %while3A_310, %while3A_311 : i32
    %while3A_313 = arith.constant 1 : i32
    %while3A_314 = arith.divsi %while3A_311, %while3A_313 : i32
    %while3A_315 = arith.muli %while3A_314, %while3A_313 : i32
    %while3A_316 = arith.addi %while3A_310, %while3A_315 : i32
    %while3A_317 = arith.constant 1 : i32
    scf.for %while3A_416 = %while3A_310 to %while3A_316 step %while3A_317  : i32 {
      %rem3A_417 = arith.constant 8 : i32
      %rem3A_418 = arith.remsi %while3A_416, %rem3A_417 : i32
      %rem3A_419 = arith.constant 4 : i32
      %rem3A_420 = arith.remsi %while3A_416, %rem3A_419 : i32
      %dma_wait3A_421 = arith.constant 0 : i32
      %dma_wait3A_422 = arith.constant 0 : i32
      %dma_wait3A_423 = arith.constant 0 : i32
      %dma_wait3A_424 = tpu.memref_slice %arg11[%rem3A_420, %dma_wait3A_422, %dma_wait3A_423] : memref<4x128x64xf32, #tpu.memory_space<vmem>> -> memref<1x128x64xf32, #tpu.memory_space<vmem>>
      %dma_wait3A_425 = tpu.memref_squeeze %dma_wait3A_424 : memref<1x128x64xf32, #tpu.memory_space<vmem>> -> memref<128x64xf32, #tpu.memory_space<vmem>>
      %dma_wait3A_426 = arith.constant 0 : i32
      %dma_wait3A_427 = tpu.memref_slice %arg9[%dma_wait3A_421, %dma_wait3A_426] : memref<8x128xi32, #tpu.memory_space<vmem>> -> memref<1x128xi32, #tpu.memory_space<vmem>>
      %dma_wait3A_428 = tpu.memref_squeeze %dma_wait3A_427 : memref<1x128xi32, #tpu.memory_space<vmem>> -> memref<128xi32, #tpu.memory_space<vmem>>
      %dma_wait3A_429 = arith.constant 0 : i32
      %dma_wait3A_430 = arith.constant 0 : i32
      %dma_wait3A_431 = tpu.memref_slice %arg7[%dma_wait3A_429, %dma_wait3A_430] : memref<10240x64xf32, #tpu.memory_space<vmem_shared>> -> memref<10240x64xf32, #tpu.memory_space<vmem_shared>>
      %dma_wait3A_432 = tpu.memref_slice %arg12[%rem3A_420] : memref<4x!tpu.dma_semaphore, #tpu.memory_space<semaphore_mem>> -> memref<1x!tpu.dma_semaphore, #tpu.memory_space<semaphore_mem>>
      %dma_wait3A_433 = tpu.memref_squeeze %dma_wait3A_432 : memref<1x!tpu.dma_semaphore, #tpu.memory_space<semaphore_mem>> -> memref<!tpu.dma_semaphore, #tpu.memory_space<semaphore_mem>>
      tpu.wait_indirect_dma semaphore(%dma_wait3A_433 : memref<!tpu.dma_semaphore, #tpu.memory_space<semaphore_mem>>) src(%dma_wait3A_431 : memref<10240x64xf32, #tpu.memory_space<vmem_shared>>) dst(%dma_wait3A_425 : memref<128x64xf32, #tpu.memory_space<vmem>>)
      %dma_wait3A_434 = arith.constant 1 : i32
      %dma_wait3A_435 = arith.constant 0 : i32
      %dma_wait3A_436 = tpu.memref_slice %arg10[%rem3A_418, %dma_wait3A_435] : memref<8x128xi32, #tpu.memory_space<vmem>> -> memref<1x128xi32, #tpu.memory_space<vmem>>
      %dma_wait3A_437 = tpu.memref_squeeze %dma_wait3A_436 : memref<1x128xi32, #tpu.memory_space<vmem>> -> memref<128xi32, #tpu.memory_space<vmem>>
      %dma_wait3A_438 = arith.constant 0 : i32
      %dma_wait3A_439 = tpu.memref_slice %arg4[%dma_wait3A_434, %dma_wait3A_438] : memref<2x320000xi32, #tpu.memory_space<hbm>> -> memref<1x128xi32, #tpu.memory_space<hbm>>
      %dma_wait3A_440 = tpu.memref_squeeze %dma_wait3A_439 : memref<1x128xi32, #tpu.memory_space<hbm>> -> memref<128xi32, #tpu.memory_space<hbm>>
      %dma_wait3A_441 = tpu.memref_slice %arg15[%rem3A_418] : memref<8x!tpu.dma_semaphore, #tpu.memory_space<semaphore_mem>> -> memref<1x!tpu.dma_semaphore, #tpu.memory_space<semaphore_mem>>
      %dma_wait3A_442 = tpu.memref_squeeze %dma_wait3A_441 : memref<1x!tpu.dma_semaphore, #tpu.memory_space<semaphore_mem>> -> memref<!tpu.dma_semaphore, #tpu.memory_space<semaphore_mem>>
      %dma_wait3A_443 = arith.constant 0 : i32
      %dma_wait3A_444 = tpu.memref_slice %arg10[%rem3A_418, %dma_wait3A_443] : memref<8x128xi32, #tpu.memory_space<vmem>> -> memref<1x128xi32, #tpu.memory_space<vmem>>
      %dma_wait3A_445 = tpu.memref_squeeze %dma_wait3A_444 : memref<1x128xi32, #tpu.memory_space<vmem>> -> memref<128xi32, #tpu.memory_space<vmem>>
      %dma_wait3A_446 = arith.constant 0 : i32
      %dma_wait3A_447 = tpu.memref_slice %arg4[%dma_wait3A_434, %dma_wait3A_446] : memref<2x320000xi32, #tpu.memory_space<hbm>> -> memref<1x128xi32, #tpu.memory_space<hbm>>
      %dma_wait3A_448 = tpu.memref_squeeze %dma_wait3A_447 : memref<1x128xi32, #tpu.memory_space<hbm>> -> memref<128xi32, #tpu.memory_space<hbm>>
      tpu.wait_dma2 semaphore(%dma_wait3A_442 : memref<!tpu.dma_semaphore, #tpu.memory_space<semaphore_mem>>) src(%dma_wait3A_448 : memref<128xi32, #tpu.memory_space<hbm>>) dst(%dma_wait3A_445 : memref<128xi32, #tpu.memory_space<vmem>>)
      %dma_start3A_449 = arith.constant 0 : i32
      %dma_start3A_450 = arith.constant 0 : i32
      %dma_start3A_451 = tpu.memref_slice %arg11[%rem3A_420, %dma_start3A_449, %dma_start3A_450] : memref<4x128x64xf32, #tpu.memory_space<vmem>> -> memref<1x128x64xf32, #tpu.memory_space<vmem>>
      %dma_start3A_452 = tpu.memref_squeeze %dma_start3A_451 : memref<1x128x64xf32, #tpu.memory_space<vmem>> -> memref<128x64xf32, #tpu.memory_space<vmem>>
      %dma_start3A_453 = arith.constant 0 : i32
      %dma_start3A_454 = tpu.memref_slice %arg10[%rem3A_418, %dma_start3A_453] : memref<8x128xi32, #tpu.memory_space<vmem>> -> memref<1x128xi32, #tpu.memory_space<vmem>>
      %dma_start3A_455 = tpu.memref_squeeze %dma_start3A_454 : memref<1x128xi32, #tpu.memory_space<vmem>> -> memref<128xi32, #tpu.memory_space<vmem>>
      %dma_start3A_456 = arith.constant 0 : i32
      %dma_start3A_457 = arith.constant 0 : i32
      %dma_start3A_458 = tpu.memref_slice %arg8[%dma_start3A_456, %dma_start3A_457] : memref<10240x64xf32, #tpu.memory_space<vmem_shared>> -> memref<10240x64xf32, #tpu.memory_space<vmem_shared>>
      %dma_start3A_459 = tpu.memref_slice %arg13[%rem3A_420] : memref<4x!tpu.dma_semaphore, #tpu.memory_space<semaphore_mem>> -> memref<1x!tpu.dma_semaphore, #tpu.memory_space<semaphore_mem>>
      %dma_start3A_460 = tpu.memref_squeeze %dma_start3A_459 : memref<1x!tpu.dma_semaphore, #tpu.memory_space<semaphore_mem>> -> memref<!tpu.dma_semaphore, #tpu.memory_space<semaphore_mem>>
      tpu.enqueue_indirect_dma source(%dma_start3A_452 : memref<128x64xf32, #tpu.memory_space<vmem>>) target(%dma_start3A_458 : memref<10240x64xf32, #tpu.memory_space<vmem_shared>>) offsets(%dma_start3A_455 : memref<128xi32, #tpu.memory_space<vmem>>) semaphore(%dma_start3A_460 : memref<!tpu.dma_semaphore, #tpu.memory_space<semaphore_mem>>) {add = true}
      %add3A_461 = arith.constant 3 : i32
      %add3A_462 = arith.addi %while3A_416, %add3A_461 : i32
      %lt3A = arith.cmpi slt, %add3A_462, %select_n3A : i32
      %convert_element_type3A_463 = arith.extui %lt3A : i1 to i32
      %cond3A_464 = arith.constant 0 : i32
      %cond3A_465 = arith.cmpi ne, %convert_element_type3A_463, %cond3A_464 : i32
      scf.if %cond3A_465 {
        %rem3A_472 = arith.constant 8 : i32
        %rem3A_473 = arith.remsi %add3A_462, %rem3A_472 : i32
        %rem3A_474 = arith.constant 4 : i32
        %rem3A_475 = arith.remsi %add3A_462, %rem3A_474 : i32
        %ge3A = arith.constant 4 : i32
        %ge3A_476 = arith.cmpi sge, %add3A_462, %ge3A : i32
        %convert_element_type3A_477 = arith.extui %ge3A_476 : i1 to i32
        %cond3A_478 = arith.constant 0 : i32
        %cond3A_479 = arith.cmpi ne, %convert_element_type3A_477, %cond3A_478 : i32
        scf.if %cond3A_479 {
          %dma_wait3A_507 = arith.constant 0 : i32
          %dma_wait3A_508 = arith.constant 0 : i32
          %dma_wait3A_509 = tpu.memref_slice %arg11[%rem3A_475, %dma_wait3A_507, %dma_wait3A_508] : memref<4x128x64xf32, #tpu.memory_space<vmem>> -> memref<1x128x64xf32, #tpu.memory_space<vmem>>
          %dma_wait3A_510 = tpu.memref_squeeze %dma_wait3A_509 : memref<1x128x64xf32, #tpu.memory_space<vmem>> -> memref<128x64xf32, #tpu.memory_space<vmem>>
          %dma_wait3A_511 = arith.constant 0 : i32
          %dma_wait3A_512 = tpu.memref_slice %arg10[%rem3A_473, %dma_wait3A_511] : memref<8x128xi32, #tpu.memory_space<vmem>> -> memref<1x128xi32, #tpu.memory_space<vmem>>
          %dma_wait3A_513 = tpu.memref_squeeze %dma_wait3A_512 : memref<1x128xi32, #tpu.memory_space<vmem>> -> memref<128xi32, #tpu.memory_space<vmem>>
          %dma_wait3A_514 = arith.constant 0 : i32
          %dma_wait3A_515 = arith.constant 0 : i32
          %dma_wait3A_516 = tpu.memref_slice %arg8[%dma_wait3A_514, %dma_wait3A_515] : memref<10240x64xf32, #tpu.memory_space<vmem_shared>> -> memref<10240x64xf32, #tpu.memory_space<vmem_shared>>
          %dma_wait3A_517 = tpu.memref_slice %arg13[%rem3A_475] : memref<4x!tpu.dma_semaphore, #tpu.memory_space<semaphore_mem>> -> memref<1x!tpu.dma_semaphore, #tpu.memory_space<semaphore_mem>>
          %dma_wait3A_518 = tpu.memref_squeeze %dma_wait3A_517 : memref<1x!tpu.dma_semaphore, #tpu.memory_space<semaphore_mem>> -> memref<!tpu.dma_semaphore, #tpu.memory_space<semaphore_mem>>
          tpu.wait_indirect_dma semaphore(%dma_wait3A_518 : memref<!tpu.dma_semaphore, #tpu.memory_space<semaphore_mem>>) src(%dma_wait3A_510 : memref<128x64xf32, #tpu.memory_space<vmem>>) dst(%dma_wait3A_516 : memref<10240x64xf32, #tpu.memory_space<vmem_shared>>)
        } else {
        }
        %dma_wait3A_480 = arith.constant 0 : i32
        %dma_wait3A_481 = arith.constant 0 : i32
        %dma_wait3A_482 = tpu.memref_slice %arg9[%rem3A_473, %dma_wait3A_481] : memref<8x128xi32, #tpu.memory_space<vmem>> -> memref<1x128xi32, #tpu.memory_space<vmem>>
        %dma_wait3A_483 = tpu.memref_squeeze %dma_wait3A_482 : memref<1x128xi32, #tpu.memory_space<vmem>> -> memref<128xi32, #tpu.memory_space<vmem>>
        %dma_wait3A_484 = arith.constant 0 : i32
        %dma_wait3A_485 = tpu.memref_slice %arg4[%dma_wait3A_480, %dma_wait3A_484] : memref<2x320000xi32, #tpu.memory_space<hbm>> -> memref<1x128xi32, #tpu.memory_space<hbm>>
        %dma_wait3A_486 = tpu.memref_squeeze %dma_wait3A_485 : memref<1x128xi32, #tpu.memory_space<hbm>> -> memref<128xi32, #tpu.memory_space<hbm>>
        %dma_wait3A_487 = tpu.memref_slice %arg14[%rem3A_473] : memref<8x!tpu.dma_semaphore, #tpu.memory_space<semaphore_mem>> -> memref<1x!tpu.dma_semaphore, #tpu.memory_space<semaphore_mem>>
        %dma_wait3A_488 = tpu.memref_squeeze %dma_wait3A_487 : memref<1x!tpu.dma_semaphore, #tpu.memory_space<semaphore_mem>> -> memref<!tpu.dma_semaphore, #tpu.memory_space<semaphore_mem>>
        %dma_wait3A_489 = arith.constant 0 : i32
        %dma_wait3A_490 = tpu.memref_slice %arg9[%rem3A_473, %dma_wait3A_489] : memref<8x128xi32, #tpu.memory_space<vmem>> -> memref<1x128xi32, #tpu.memory_space<vmem>>
        %dma_wait3A_491 = tpu.memref_squeeze %dma_wait3A_490 : memref<1x128xi32, #tpu.memory_space<vmem>> -> memref<128xi32, #tpu.memory_space<vmem>>
        %dma_wait3A_492 = arith.constant 0 : i32
        %dma_wait3A_493 = tpu.memref_slice %arg4[%dma_wait3A_480, %dma_wait3A_492] : memref<2x320000xi32, #tpu.memory_space<hbm>> -> memref<1x128xi32, #tpu.memory_space<hbm>>
        %dma_wait3A_494 = tpu.memref_squeeze %dma_wait3A_493 : memref<1x128xi32, #tpu.memory_space<hbm>> -> memref<128xi32, #tpu.memory_space<hbm>>
        tpu.wait_dma2 semaphore(%dma_wait3A_488 : memref<!tpu.dma_semaphore, #tpu.memory_space<semaphore_mem>>) src(%dma_wait3A_494 : memref<128xi32, #tpu.memory_space<hbm>>) dst(%dma_wait3A_491 : memref<128xi32, #tpu.memory_space<vmem>>)
        %dma_start3A_495 = arith.constant 0 : i32
        %dma_start3A_496 = arith.constant 0 : i32
        %dma_start3A_497 = tpu.memref_slice %arg11[%rem3A_475, %dma_start3A_495, %dma_start3A_496] : memref<4x128x64xf32, #tpu.memory_space<vmem>> -> memref<1x128x64xf32, #tpu.memory_space<vmem>>
        %dma_start3A_498 = tpu.memref_squeeze %dma_start3A_497 : memref<1x128x64xf32, #tpu.memory_space<vmem>> -> memref<128x64xf32, #tpu.memory_space<vmem>>
        %dma_start3A_499 = arith.constant 0 : i32
        %dma_start3A_500 = tpu.memref_slice %arg9[%rem3A_473, %dma_start3A_499] : memref<8x128xi32, #tpu.memory_space<vmem>> -> memref<1x128xi32, #tpu.memory_space<vmem>>
        %dma_start3A_501 = tpu.memref_squeeze %dma_start3A_500 : memref<1x128xi32, #tpu.memory_space<vmem>> -> memref<128xi32, #tpu.memory_space<vmem>>
        %dma_start3A_502 = arith.constant 0 : i32
        %dma_start3A_503 = arith.constant 0 : i32
        %dma_start3A_504 = tpu.memref_slice %arg7[%dma_start3A_502, %dma_start3A_503] : memref<10240x64xf32, #tpu.memory_space<vmem_shared>> -> memref<10240x64xf32, #tpu.memory_space<vmem_shared>>
        %dma_start3A_505 = tpu.memref_slice %arg12[%rem3A_475] : memref<4x!tpu.dma_semaphore, #tpu.memory_space<semaphore_mem>> -> memref<1x!tpu.dma_semaphore, #tpu.memory_space<semaphore_mem>>
        %dma_start3A_506 = tpu.memref_squeeze %dma_start3A_505 : memref<1x!tpu.dma_semaphore, #tpu.memory_space<semaphore_mem>> -> memref<!tpu.dma_semaphore, #tpu.memory_space<semaphore_mem>>
        tpu.enqueue_indirect_dma source(%dma_start3A_504 : memref<10240x64xf32, #tpu.memory_space<vmem_shared>>) target(%dma_start3A_498 : memref<128x64xf32, #tpu.memory_space<vmem>>) offsets(%dma_start3A_501 : memref<128xi32, #tpu.memory_space<vmem>>) semaphore(%dma_start3A_506 : memref<!tpu.dma_semaphore, #tpu.memory_space<semaphore_mem>>)
      } else {
      }
      %add3A_466 = arith.constant 6 : i32
      %add3A_467 = arith.addi %while3A_416, %add3A_466 : i32
      %lt3A_468 = arith.cmpi slt, %add3A_467, %select_n3A : i32
      %convert_element_type3A_469 = arith.extui %lt3A_468 : i1 to i32
      %cond3A_470 = arith.constant 0 : i32
      %cond3A_471 = arith.cmpi ne, %convert_element_type3A_469, %cond3A_470 : i32
      scf.if %cond3A_471 {
        %rem3A_472 = arith.constant 8 : i32
        %rem3A_473 = arith.remsi %add3A_467, %rem3A_472 : i32
        %mul3A_474 = arith.constant 128 : i32
        %mul3A_475 = arith.muli %add3A_467, %mul3A_474 : i32
        %add3A_476 = arith.addi %mul3A_12, %mul3A_475 : i32
        %dma_start3A_477 = arith.constant 0 : i32
        %dma_start3A_478 = arith.constant 0 : i32
        %dma_start3A_479 = tpu.memref_slice %arg9[%rem3A_473, %dma_start3A_478] : memref<8x128xi32, #tpu.memory_space<vmem>> -> memref<1x128xi32, #tpu.memory_space<vmem>>
        %dma_start3A_480 = tpu.memref_squeeze %dma_start3A_479 : memref<1x128xi32, #tpu.memory_space<vmem>> -> memref<128xi32, #tpu.memory_space<vmem>>
        %dma_start3A_481 = tpu.memref_slice %arg4[%dma_start3A_477, %add3A_476] : memref<2x320000xi32, #tpu.memory_space<hbm>> -> memref<1x128xi32, #tpu.memory_space<hbm>>
        %dma_start3A_482 = tpu.memref_squeeze %dma_start3A_481 : memref<1x128xi32, #tpu.memory_space<hbm>> -> memref<128xi32, #tpu.memory_space<hbm>>
        %dma_start3A_483 = tpu.memref_slice %arg14[%rem3A_473] : memref<8x!tpu.dma_semaphore, #tpu.memory_space<semaphore_mem>> -> memref<1x!tpu.dma_semaphore, #tpu.memory_space<semaphore_mem>>
        %dma_start3A_484 = tpu.memref_squeeze %dma_start3A_483 : memref<1x!tpu.dma_semaphore, #tpu.memory_space<semaphore_mem>> -> memref<!tpu.dma_semaphore, #tpu.memory_space<semaphore_mem>>
        %dma_start3A_485 = arith.constant 0 : i32
        %dma_start3A_486 = tpu.memref_slice %arg9[%rem3A_473, %dma_start3A_485] : memref<8x128xi32, #tpu.memory_space<vmem>> -> memref<1x128xi32, #tpu.memory_space<vmem>>
        %dma_start3A_487 = tpu.memref_squeeze %dma_start3A_486 : memref<1x128xi32, #tpu.memory_space<vmem>> -> memref<128xi32, #tpu.memory_space<vmem>>
        %dma_start3A_488 = tpu.memref_slice %arg4[%dma_start3A_477, %add3A_476] : memref<2x320000xi32, #tpu.memory_space<hbm>> -> memref<1x128xi32, #tpu.memory_space<hbm>>
        %dma_start3A_489 = tpu.memref_squeeze %dma_start3A_488 : memref<1x128xi32, #tpu.memory_space<hbm>> -> memref<128xi32, #tpu.memory_space<hbm>>
        tpu.enqueue_dma source(%dma_start3A_489 : memref<128xi32, #tpu.memory_space<hbm>>) target(%dma_start3A_487 : memref<128xi32, #tpu.memory_space<vmem>>) target_semaphore(%dma_start3A_484 : memref<!tpu.dma_semaphore, #tpu.memory_space<semaphore_mem>>)
        %mul3A_490 = arith.constant 128 : i32
        %mul3A_491 = arith.muli %add3A_467, %mul3A_490 : i32
        %add3A_492 = arith.addi %mul3A_12, %mul3A_491 : i32
        %dma_start3A_493 = arith.constant 1 : i32
        %dma_start3A_494 = arith.constant 0 : i32
        %dma_start3A_495 = tpu.memref_slice %arg10[%rem3A_473, %dma_start3A_494] : memref<8x128xi32, #tpu.memory_space<vmem>> -> memref<1x128xi32, #tpu.memory_space<vmem>>
        %dma_start3A_496 = tpu.memref_squeeze %dma_start3A_495 : memref<1x128xi32, #tpu.memory_space<vmem>> -> memref<128xi32, #tpu.memory_space<vmem>>
        %dma_start3A_497 = tpu.memref_slice %arg4[%dma_start3A_493, %add3A_492] : memref<2x320000xi32, #tpu.memory_space<hbm>> -> memref<1x128xi32, #tpu.memory_space<hbm>>
        %dma_start3A_498 = tpu.memref_squeeze %dma_start3A_497 : memref<1x128xi32, #tpu.memory_space<hbm>> -> memref<128xi32, #tpu.memory_space<hbm>>
        %dma_start3A_499 = tpu.memref_slice %arg15[%rem3A_473] : memref<8x!tpu.dma_semaphore, #tpu.memory_space<semaphore_mem>> -> memref<1x!tpu.dma_semaphore, #tpu.memory_space<semaphore_mem>>
        %dma_start3A_500 = tpu.memref_squeeze %dma_start3A_499 : memref<1x!tpu.dma_semaphore, #tpu.memory_space<semaphore_mem>> -> memref<!tpu.dma_semaphore, #tpu.memory_space<semaphore_mem>>
        %dma_start3A_501 = arith.constant 0 : i32
        %dma_start3A_502 = tpu.memref_slice %arg10[%rem3A_473, %dma_start3A_501] : memref<8x128xi32, #tpu.memory_space<vmem>> -> memref<1x128xi32, #tpu.memory_space<vmem>>
        %dma_start3A_503 = tpu.memref_squeeze %dma_start3A_502 : memref<1x128xi32, #tpu.memory_space<vmem>> -> memref<128xi32, #tpu.memory_space<vmem>>
        %dma_start3A_504 = tpu.memref_slice %arg4[%dma_start3A_493, %add3A_492] : memref<2x320000xi32, #tpu.memory_space<hbm>> -> memref<1x128xi32, #tpu.memory_space<hbm>>
        %dma_start3A_505 = tpu.memref_squeeze %dma_start3A_504 : memref<1x128xi32, #tpu.memory_space<hbm>> -> memref<128xi32, #tpu.memory_space<hbm>>
        tpu.enqueue_dma source(%dma_start3A_505 : memref<128xi32, #tpu.memory_space<hbm>>) target(%dma_start3A_503 : memref<128xi32, #tpu.memory_space<vmem>>) target_semaphore(%dma_start3A_500 : memref<!tpu.dma_semaphore, #tpu.memory_space<semaphore_mem>>)
      } else {
      }
    }
    %while3A_318 = arith.constant 1 : i32
    scf.for %while3A_416 = %while3A_316 to %while3A_312 step %while3A_318  : i32 {
      %rem3A_417 = arith.constant 8 : i32
      %rem3A_418 = arith.remsi %while3A_416, %rem3A_417 : i32
      %rem3A_419 = arith.constant 4 : i32
      %rem3A_420 = arith.remsi %while3A_416, %rem3A_419 : i32
      %dma_wait3A_421 = arith.constant 0 : i32
      %dma_wait3A_422 = arith.constant 0 : i32
      %dma_wait3A_423 = arith.constant 0 : i32
      %dma_wait3A_424 = tpu.memref_slice %arg11[%rem3A_420, %dma_wait3A_422, %dma_wait3A_423] : memref<4x128x64xf32, #tpu.memory_space<vmem>> -> memref<1x128x64xf32, #tpu.memory_space<vmem>>
      %dma_wait3A_425 = tpu.memref_squeeze %dma_wait3A_424 : memref<1x128x64xf32, #tpu.memory_space<vmem>> -> memref<128x64xf32, #tpu.memory_space<vmem>>
      %dma_wait3A_426 = arith.constant 0 : i32
      %dma_wait3A_427 = tpu.memref_slice %arg9[%dma_wait3A_421, %dma_wait3A_426] : memref<8x128xi32, #tpu.memory_space<vmem>> -> memref<1x128xi32, #tpu.memory_space<vmem>>
      %dma_wait3A_428 = tpu.memref_squeeze %dma_wait3A_427 : memref<1x128xi32, #tpu.memory_space<vmem>> -> memref<128xi32, #tpu.memory_space<vmem>>
      %dma_wait3A_429 = arith.constant 0 : i32
      %dma_wait3A_430 = arith.constant 0 : i32
      %dma_wait3A_431 = tpu.memref_slice %arg7[%dma_wait3A_429, %dma_wait3A_430] : memref<10240x64xf32, #tpu.memory_space<vmem_shared>> -> memref<10240x64xf32, #tpu.memory_space<vmem_shared>>
      %dma_wait3A_432 = tpu.memref_slice %arg12[%rem3A_420] : memref<4x!tpu.dma_semaphore, #tpu.memory_space<semaphore_mem>> -> memref<1x!tpu.dma_semaphore, #tpu.memory_space<semaphore_mem>>
      %dma_wait3A_433 = tpu.memref_squeeze %dma_wait3A_432 : memref<1x!tpu.dma_semaphore, #tpu.memory_space<semaphore_mem>> -> memref<!tpu.dma_semaphore, #tpu.memory_space<semaphore_mem>>
      tpu.wait_indirect_dma semaphore(%dma_wait3A_433 : memref<!tpu.dma_semaphore, #tpu.memory_space<semaphore_mem>>) src(%dma_wait3A_431 : memref<10240x64xf32, #tpu.memory_space<vmem_shared>>) dst(%dma_wait3A_425 : memref<128x64xf32, #tpu.memory_space<vmem>>)
      %dma_wait3A_434 = arith.constant 1 : i32
      %dma_wait3A_435 = arith.constant 0 : i32
      %dma_wait3A_436 = tpu.memref_slice %arg10[%rem3A_418, %dma_wait3A_435] : memref<8x128xi32, #tpu.memory_space<vmem>> -> memref<1x128xi32, #tpu.memory_space<vmem>>
      %dma_wait3A_437 = tpu.memref_squeeze %dma_wait3A_436 : memref<1x128xi32, #tpu.memory_space<vmem>> -> memref<128xi32, #tpu.memory_space<vmem>>
      %dma_wait3A_438 = arith.constant 0 : i32
      %dma_wait3A_439 = tpu.memref_slice %arg4[%dma_wait3A_434, %dma_wait3A_438] : memref<2x320000xi32, #tpu.memory_space<hbm>> -> memref<1x128xi32, #tpu.memory_space<hbm>>
      %dma_wait3A_440 = tpu.memref_squeeze %dma_wait3A_439 : memref<1x128xi32, #tpu.memory_space<hbm>> -> memref<128xi32, #tpu.memory_space<hbm>>
      %dma_wait3A_441 = tpu.memref_slice %arg15[%rem3A_418] : memref<8x!tpu.dma_semaphore, #tpu.memory_space<semaphore_mem>> -> memref<1x!tpu.dma_semaphore, #tpu.memory_space<semaphore_mem>>
      %dma_wait3A_442 = tpu.memref_squeeze %dma_wait3A_441 : memref<1x!tpu.dma_semaphore, #tpu.memory_space<semaphore_mem>> -> memref<!tpu.dma_semaphore, #tpu.memory_space<semaphore_mem>>
      %dma_wait3A_443 = arith.constant 0 : i32
      %dma_wait3A_444 = tpu.memref_slice %arg10[%rem3A_418, %dma_wait3A_443] : memref<8x128xi32, #tpu.memory_space<vmem>> -> memref<1x128xi32, #tpu.memory_space<vmem>>
      %dma_wait3A_445 = tpu.memref_squeeze %dma_wait3A_444 : memref<1x128xi32, #tpu.memory_space<vmem>> -> memref<128xi32, #tpu.memory_space<vmem>>
      %dma_wait3A_446 = arith.constant 0 : i32
      %dma_wait3A_447 = tpu.memref_slice %arg4[%dma_wait3A_434, %dma_wait3A_446] : memref<2x320000xi32, #tpu.memory_space<hbm>> -> memref<1x128xi32, #tpu.memory_space<hbm>>
      %dma_wait3A_448 = tpu.memref_squeeze %dma_wait3A_447 : memref<1x128xi32, #tpu.memory_space<hbm>> -> memref<128xi32, #tpu.memory_space<hbm>>
      tpu.wait_dma2 semaphore(%dma_wait3A_442 : memref<!tpu.dma_semaphore, #tpu.memory_space<semaphore_mem>>) src(%dma_wait3A_448 : memref<128xi32, #tpu.memory_space<hbm>>) dst(%dma_wait3A_445 : memref<128xi32, #tpu.memory_space<vmem>>)
      %dma_start3A_449 = arith.constant 0 : i32
      %dma_start3A_450 = arith.constant 0 : i32
      %dma_start3A_451 = tpu.memref_slice %arg11[%rem3A_420, %dma_start3A_449, %dma_start3A_450] : memref<4x128x64xf32, #tpu.memory_space<vmem>> -> memref<1x128x64xf32, #tpu.memory_space<vmem>>
      %dma_start3A_452 = tpu.memref_squeeze %dma_start3A_451 : memref<1x128x64xf32, #tpu.memory_space<vmem>> -> memref<128x64xf32, #tpu.memory_space<vmem>>
      %dma_start3A_453 = arith.constant 0 : i32
      %dma_start3A_454 = tpu.memref_slice %arg10[%rem3A_418, %dma_start3A_453] : memref<8x128xi32, #tpu.memory_space<vmem>> -> memref<1x128xi32, #tpu.memory_space<vmem>>
      %dma_start3A_455 = tpu.memref_squeeze %dma_start3A_454 : memref<1x128xi32, #tpu.memory_space<vmem>> -> memref<128xi32, #tpu.memory_space<vmem>>
      %dma_start3A_456 = arith.constant 0 : i32
      %dma_start3A_457 = arith.constant 0 : i32
      %dma_start3A_458 = tpu.memref_slice %arg8[%dma_start3A_456, %dma_start3A_457] : memref<10240x64xf32, #tpu.memory_space<vmem_shared>> -> memref<10240x64xf32, #tpu.memory_space<vmem_shared>>
      %dma_start3A_459 = tpu.memref_slice %arg13[%rem3A_420] : memref<4x!tpu.dma_semaphore, #tpu.memory_space<semaphore_mem>> -> memref<1x!tpu.dma_semaphore, #tpu.memory_space<semaphore_mem>>
      %dma_start3A_460 = tpu.memref_squeeze %dma_start3A_459 : memref<1x!tpu.dma_semaphore, #tpu.memory_space<semaphore_mem>> -> memref<!tpu.dma_semaphore, #tpu.memory_space<semaphore_mem>>
      tpu.enqueue_indirect_dma source(%dma_start3A_452 : memref<128x64xf32, #tpu.memory_space<vmem>>) target(%dma_start3A_458 : memref<10240x64xf32, #tpu.memory_space<vmem_shared>>) offsets(%dma_start3A_455 : memref<128xi32, #tpu.memory_space<vmem>>) semaphore(%dma_start3A_460 : memref<!tpu.dma_semaphore, #tpu.memory_space<semaphore_mem>>) {add = true}
      %add3A_461 = arith.constant 3 : i32
      %add3A_462 = arith.addi %while3A_416, %add3A_461 : i32
      %lt3A = arith.cmpi slt, %add3A_462, %select_n3A : i32
      %convert_element_type3A_463 = arith.extui %lt3A : i1 to i32
      %cond3A_464 = arith.constant 0 : i32
      %cond3A_465 = arith.cmpi ne, %convert_element_type3A_463, %cond3A_464 : i32
      scf.if %cond3A_465 {
        %rem3A_472 = arith.constant 8 : i32
        %rem3A_473 = arith.remsi %add3A_462, %rem3A_472 : i32
        %rem3A_474 = arith.constant 4 : i32
        %rem3A_475 = arith.remsi %add3A_462, %rem3A_474 : i32
        %ge3A = arith.constant 4 : i32
        %ge3A_476 = arith.cmpi sge, %add3A_462, %ge3A : i32
        %convert_element_type3A_477 = arith.extui %ge3A_476 : i1 to i32
        %cond3A_478 = arith.constant 0 : i32
        %cond3A_479 = arith.cmpi ne, %convert_element_type3A_477, %cond3A_478 : i32
        scf.if %cond3A_479 {
          %dma_wait3A_507 = arith.constant 0 : i32
          %dma_wait3A_508 = arith.constant 0 : i32
          %dma_wait3A_509 = tpu.memref_slice %arg11[%rem3A_475, %dma_wait3A_507, %dma_wait3A_508] : memref<4x128x64xf32, #tpu.memory_space<vmem>> -> memref<1x128x64xf32, #tpu.memory_space<vmem>>
          %dma_wait3A_510 = tpu.memref_squeeze %dma_wait3A_509 : memref<1x128x64xf32, #tpu.memory_space<vmem>> -> memref<128x64xf32, #tpu.memory_space<vmem>>
          %dma_wait3A_511 = arith.constant 0 : i32
          %dma_wait3A_512 = tpu.memref_slice %arg10[%rem3A_473, %dma_wait3A_511] : memref<8x128xi32, #tpu.memory_space<vmem>> -> memref<1x128xi32, #tpu.memory_space<vmem>>
          %dma_wait3A_513 = tpu.memref_squeeze %dma_wait3A_512 : memref<1x128xi32, #tpu.memory_space<vmem>> -> memref<128xi32, #tpu.memory_space<vmem>>
          %dma_wait3A_514 = arith.constant 0 : i32
          %dma_wait3A_515 = arith.constant 0 : i32
          %dma_wait3A_516 = tpu.memref_slice %arg8[%dma_wait3A_514, %dma_wait3A_515] : memref<10240x64xf32, #tpu.memory_space<vmem_shared>> -> memref<10240x64xf32, #tpu.memory_space<vmem_shared>>
          %dma_wait3A_517 = tpu.memref_slice %arg13[%rem3A_475] : memref<4x!tpu.dma_semaphore, #tpu.memory_space<semaphore_mem>> -> memref<1x!tpu.dma_semaphore, #tpu.memory_space<semaphore_mem>>
          %dma_wait3A_518 = tpu.memref_squeeze %dma_wait3A_517 : memref<1x!tpu.dma_semaphore, #tpu.memory_space<semaphore_mem>> -> memref<!tpu.dma_semaphore, #tpu.memory_space<semaphore_mem>>
          tpu.wait_indirect_dma semaphore(%dma_wait3A_518 : memref<!tpu.dma_semaphore, #tpu.memory_space<semaphore_mem>>) src(%dma_wait3A_510 : memref<128x64xf32, #tpu.memory_space<vmem>>) dst(%dma_wait3A_516 : memref<10240x64xf32, #tpu.memory_space<vmem_shared>>)
        } else {
        }
        %dma_wait3A_480 = arith.constant 0 : i32
        %dma_wait3A_481 = arith.constant 0 : i32
        %dma_wait3A_482 = tpu.memref_slice %arg9[%rem3A_473, %dma_wait3A_481] : memref<8x128xi32, #tpu.memory_space<vmem>> -> memref<1x128xi32, #tpu.memory_space<vmem>>
        %dma_wait3A_483 = tpu.memref_squeeze %dma_wait3A_482 : memref<1x128xi32, #tpu.memory_space<vmem>> -> memref<128xi32, #tpu.memory_space<vmem>>
        %dma_wait3A_484 = arith.constant 0 : i32
        %dma_wait3A_485 = tpu.memref_slice %arg4[%dma_wait3A_480, %dma_wait3A_484] : memref<2x320000xi32, #tpu.memory_space<hbm>> -> memref<1x128xi32, #tpu.memory_space<hbm>>
        %dma_wait3A_486 = tpu.memref_squeeze %dma_wait3A_485 : memref<1x128xi32, #tpu.memory_space<hbm>> -> memref<128xi32, #tpu.memory_space<hbm>>
        %dma_wait3A_487 = tpu.memref_slice %arg14[%rem3A_473] : memref<8x!tpu.dma_semaphore, #tpu.memory_space<semaphore_mem>> -> memref<1x!tpu.dma_semaphore, #tpu.memory_space<semaphore_mem>>
        %dma_wait3A_488 = tpu.memref_squeeze %dma_wait3A_487 : memref<1x!tpu.dma_semaphore, #tpu.memory_space<semaphore_mem>> -> memref<!tpu.dma_semaphore, #tpu.memory_space<semaphore_mem>>
        %dma_wait3A_489 = arith.constant 0 : i32
        %dma_wait3A_490 = tpu.memref_slice %arg9[%rem3A_473, %dma_wait3A_489] : memref<8x128xi32, #tpu.memory_space<vmem>> -> memref<1x128xi32, #tpu.memory_space<vmem>>
        %dma_wait3A_491 = tpu.memref_squeeze %dma_wait3A_490 : memref<1x128xi32, #tpu.memory_space<vmem>> -> memref<128xi32, #tpu.memory_space<vmem>>
        %dma_wait3A_492 = arith.constant 0 : i32
        %dma_wait3A_493 = tpu.memref_slice %arg4[%dma_wait3A_480, %dma_wait3A_492] : memref<2x320000xi32, #tpu.memory_space<hbm>> -> memref<1x128xi32, #tpu.memory_space<hbm>>
        %dma_wait3A_494 = tpu.memref_squeeze %dma_wait3A_493 : memref<1x128xi32, #tpu.memory_space<hbm>> -> memref<128xi32, #tpu.memory_space<hbm>>
        tpu.wait_dma2 semaphore(%dma_wait3A_488 : memref<!tpu.dma_semaphore, #tpu.memory_space<semaphore_mem>>) src(%dma_wait3A_494 : memref<128xi32, #tpu.memory_space<hbm>>) dst(%dma_wait3A_491 : memref<128xi32, #tpu.memory_space<vmem>>)
        %dma_start3A_495 = arith.constant 0 : i32
        %dma_start3A_496 = arith.constant 0 : i32
        %dma_start3A_497 = tpu.memref_slice %arg11[%rem3A_475, %dma_start3A_495, %dma_start3A_496] : memref<4x128x64xf32, #tpu.memory_space<vmem>> -> memref<1x128x64xf32, #tpu.memory_space<vmem>>
        %dma_start3A_498 = tpu.memref_squeeze %dma_start3A_497 : memref<1x128x64xf32, #tpu.memory_space<vmem>> -> memref<128x64xf32, #tpu.memory_space<vmem>>
        %dma_start3A_499 = arith.constant 0 : i32
        %dma_start3A_500 = tpu.memref_slice %arg9[%rem3A_473, %dma_start3A_499] : memref<8x128xi32, #tpu.memory_space<vmem>> -> memref<1x128xi32, #tpu.memory_space<vmem>>
        %dma_start3A_501 = tpu.memref_squeeze %dma_start3A_500 : memref<1x128xi32, #tpu.memory_space<vmem>> -> memref<128xi32, #tpu.memory_space<vmem>>
        %dma_start3A_502 = arith.constant 0 : i32
        %dma_start3A_503 = arith.constant 0 : i32
        %dma_start3A_504 = tpu.memref_slice %arg7[%dma_start3A_502, %dma_start3A_503] : memref<10240x64xf32, #tpu.memory_space<vmem_shared>> -> memref<10240x64xf32, #tpu.memory_space<vmem_shared>>
        %dma_start3A_505 = tpu.memref_slice %arg12[%rem3A_475] : memref<4x!tpu.dma_semaphore, #tpu.memory_space<semaphore_mem>> -> memref<1x!tpu.dma_semaphore, #tpu.memory_space<semaphore_mem>>
        %dma_start3A_506 = tpu.memref_squeeze %dma_start3A_505 : memref<1x!tpu.dma_semaphore, #tpu.memory_space<semaphore_mem>> -> memref<!tpu.dma_semaphore, #tpu.memory_space<semaphore_mem>>
        tpu.enqueue_indirect_dma source(%dma_start3A_504 : memref<10240x64xf32, #tpu.memory_space<vmem_shared>>) target(%dma_start3A_498 : memref<128x64xf32, #tpu.memory_space<vmem>>) offsets(%dma_start3A_501 : memref<128xi32, #tpu.memory_space<vmem>>) semaphore(%dma_start3A_506 : memref<!tpu.dma_semaphore, #tpu.memory_space<semaphore_mem>>)
      } else {
      }
      %add3A_466 = arith.constant 6 : i32
      %add3A_467 = arith.addi %while3A_416, %add3A_466 : i32
      %lt3A_468 = arith.cmpi slt, %add3A_467, %select_n3A : i32
      %convert_element_type3A_469 = arith.extui %lt3A_468 : i1 to i32
      %cond3A_470 = arith.constant 0 : i32
      %cond3A_471 = arith.cmpi ne, %convert_element_type3A_469, %cond3A_470 : i32
      scf.if %cond3A_471 {
        %rem3A_472 = arith.constant 8 : i32
        %rem3A_473 = arith.remsi %add3A_467, %rem3A_472 : i32
        %mul3A_474 = arith.constant 128 : i32
        %mul3A_475 = arith.muli %add3A_467, %mul3A_474 : i32
        %add3A_476 = arith.addi %mul3A_12, %mul3A_475 : i32
        %dma_start3A_477 = arith.constant 0 : i32
        %dma_start3A_478 = arith.constant 0 : i32
        %dma_start3A_479 = tpu.memref_slice %arg9[%rem3A_473, %dma_start3A_478] : memref<8x128xi32, #tpu.memory_space<vmem>> -> memref<1x128xi32, #tpu.memory_space<vmem>>
        %dma_start3A_480 = tpu.memref_squeeze %dma_start3A_479 : memref<1x128xi32, #tpu.memory_space<vmem>> -> memref<128xi32, #tpu.memory_space<vmem>>
        %dma_start3A_481 = tpu.memref_slice %arg4[%dma_start3A_477, %add3A_476] : memref<2x320000xi32, #tpu.memory_space<hbm>> -> memref<1x128xi32, #tpu.memory_space<hbm>>
        %dma_start3A_482 = tpu.memref_squeeze %dma_start3A_481 : memref<1x128xi32, #tpu.memory_space<hbm>> -> memref<128xi32, #tpu.memory_space<hbm>>
        %dma_start3A_483 = tpu.memref_slice %arg14[%rem3A_473] : memref<8x!tpu.dma_semaphore, #tpu.memory_space<semaphore_mem>> -> memref<1x!tpu.dma_semaphore, #tpu.memory_space<semaphore_mem>>
        %dma_start3A_484 = tpu.memref_squeeze %dma_start3A_483 : memref<1x!tpu.dma_semaphore, #tpu.memory_space<semaphore_mem>> -> memref<!tpu.dma_semaphore, #tpu.memory_space<semaphore_mem>>
        %dma_start3A_485 = arith.constant 0 : i32
        %dma_start3A_486 = tpu.memref_slice %arg9[%rem3A_473, %dma_start3A_485] : memref<8x128xi32, #tpu.memory_space<vmem>> -> memref<1x128xi32, #tpu.memory_space<vmem>>
        %dma_start3A_487 = tpu.memref_squeeze %dma_start3A_486 : memref<1x128xi32, #tpu.memory_space<vmem>> -> memref<128xi32, #tpu.memory_space<vmem>>
        %dma_start3A_488 = tpu.memref_slice %arg4[%dma_start3A_477, %add3A_476] : memref<2x320000xi32, #tpu.memory_space<hbm>> -> memref<1x128xi32, #tpu.memory_space<hbm>>
        %dma_start3A_489 = tpu.memref_squeeze %dma_start3A_488 : memref<1x128xi32, #tpu.memory_space<hbm>> -> memref<128xi32, #tpu.memory_space<hbm>>
        tpu.enqueue_dma source(%dma_start3A_489 : memref<128xi32, #tpu.memory_space<hbm>>) target(%dma_start3A_487 : memref<128xi32, #tpu.memory_space<vmem>>) target_semaphore(%dma_start3A_484 : memref<!tpu.dma_semaphore, #tpu.memory_space<semaphore_mem>>)
        %mul3A_490 = arith.constant 128 : i32
        %mul3A_491 = arith.muli %add3A_467, %mul3A_490 : i32
        %add3A_492 = arith.addi %mul3A_12, %mul3A_491 : i32
        %dma_start3A_493 = arith.constant 1 : i32
        %dma_start3A_494 = arith.constant 0 : i32
        %dma_start3A_495 = tpu.memref_slice %arg10[%rem3A_473, %dma_start3A_494] : memref<8x128xi32, #tpu.memory_space<vmem>> -> memref<1x128xi32, #tpu.memory_space<vmem>>
        %dma_start3A_496 = tpu.memref_squeeze %dma_start3A_495 : memref<1x128xi32, #tpu.memory_space<vmem>> -> memref<128xi32, #tpu.memory_space<vmem>>
        %dma_start3A_497 = tpu.memref_slice %arg4[%dma_start3A_493, %add3A_492] : memref<2x320000xi32, #tpu.memory_space<hbm>> -> memref<1x128xi32, #tpu.memory_space<hbm>>
        %dma_start3A_498 = tpu.memref_squeeze %dma_start3A_497 : memref<1x128xi32, #tpu.memory_space<hbm>> -> memref<128xi32, #tpu.memory_space<hbm>>
        %dma_start3A_499 = tpu.memref_slice %arg15[%rem3A_473] : memref<8x!tpu.dma_semaphore, #tpu.memory_space<semaphore_mem>> -> memref<1x!tpu.dma_semaphore, #tpu.memory_space<semaphore_mem>>
        %dma_start3A_500 = tpu.memref_squeeze %dma_start3A_499 : memref<1x!tpu.dma_semaphore, #tpu.memory_space<semaphore_mem>> -> memref<!tpu.dma_semaphore, #tpu.memory_space<semaphore_mem>>
        %dma_start3A_501 = arith.constant 0 : i32
        %dma_start3A_502 = tpu.memref_slice %arg10[%rem3A_473, %dma_start3A_501] : memref<8x128xi32, #tpu.memory_space<vmem>> -> memref<1x128xi32, #tpu.memory_space<vmem>>
        %dma_start3A_503 = tpu.memref_squeeze %dma_start3A_502 : memref<1x128xi32, #tpu.memory_space<vmem>> -> memref<128xi32, #tpu.memory_space<vmem>>
        %dma_start3A_504 = tpu.memref_slice %arg4[%dma_start3A_493, %add3A_492] : memref<2x320000xi32, #tpu.memory_space<hbm>> -> memref<1x128xi32, #tpu.memory_space<hbm>>
        %dma_start3A_505 = tpu.memref_squeeze %dma_start3A_504 : memref<1x128xi32, #tpu.memory_space<hbm>> -> memref<128xi32, #tpu.memory_space<hbm>>
        tpu.enqueue_dma source(%dma_start3A_505 : memref<128xi32, #tpu.memory_space<hbm>>) target(%dma_start3A_503 : memref<128xi32, #tpu.memory_space<vmem>>) target_semaphore(%dma_start3A_500 : memref<!tpu.dma_semaphore, #tpu.memory_space<semaphore_mem>>)
      } else {
      }
    }
    %sub3A = arith.constant 4 : i32
    %sub3A_319 = arith.subi %select_n3A, %sub3A : i32
    %add3A_320 = arith.constant 0 : i32
    %add3A_321 = arith.addi %sub3A_319, %add3A_320 : i32
    %rem3A = arith.constant 4 : i32
    %rem3A_322 = arith.remsi %add3A_321, %rem3A : i32
    %rem3A_323 = arith.constant 8 : i32
    %rem3A_324 = arith.remsi %add3A_321, %rem3A_323 : i32
    %rem3A_325 = arith.constant 4 : i32
    %rem3A_326 = arith.remsi %add3A_321, %rem3A_325 : i32
    %dma_wait3A_327 = arith.constant 0 : i32
    %dma_wait3A_328 = arith.constant 0 : i32
    %dma_wait3A_329 = tpu.memref_slice %arg11[%rem3A_322, %dma_wait3A_327, %dma_wait3A_328] : memref<4x128x64xf32, #tpu.memory_space<vmem>> -> memref<1x128x64xf32, #tpu.memory_space<vmem>>
    %dma_wait3A_330 = tpu.memref_squeeze %dma_wait3A_329 : memref<1x128x64xf32, #tpu.memory_space<vmem>> -> memref<128x64xf32, #tpu.memory_space<vmem>>
    %dma_wait3A_331 = arith.constant 0 : i32
    %dma_wait3A_332 = tpu.memref_slice %arg10[%rem3A_324, %dma_wait3A_331] : memref<8x128xi32, #tpu.memory_space<vmem>> -> memref<1x128xi32, #tpu.memory_space<vmem>>
    %dma_wait3A_333 = tpu.memref_squeeze %dma_wait3A_332 : memref<1x128xi32, #tpu.memory_space<vmem>> -> memref<128xi32, #tpu.memory_space<vmem>>
    %dma_wait3A_334 = arith.constant 0 : i32
    %dma_wait3A_335 = arith.constant 0 : i32
    %dma_wait3A_336 = tpu.memref_slice %arg8[%dma_wait3A_334, %dma_wait3A_335] : memref<10240x64xf32, #tpu.memory_space<vmem_shared>> -> memref<10240x64xf32, #tpu.memory_space<vmem_shared>>
    %dma_wait3A_337 = tpu.memref_slice %arg13[%rem3A_326] : memref<4x!tpu.dma_semaphore, #tpu.memory_space<semaphore_mem>> -> memref<1x!tpu.dma_semaphore, #tpu.memory_space<semaphore_mem>>
    %dma_wait3A_338 = tpu.memref_squeeze %dma_wait3A_337 : memref<1x!tpu.dma_semaphore, #tpu.memory_space<semaphore_mem>> -> memref<!tpu.dma_semaphore, #tpu.memory_space<semaphore_mem>>
    tpu.wait_indirect_dma semaphore(%dma_wait3A_338 : memref<!tpu.dma_semaphore, #tpu.memory_space<semaphore_mem>>) src(%dma_wait3A_330 : memref<128x64xf32, #tpu.memory_space<vmem>>) dst(%dma_wait3A_336 : memref<10240x64xf32, #tpu.memory_space<vmem_shared>>)
    %sub3A_339 = arith.constant 4 : i32
    %sub3A_340 = arith.subi %select_n3A, %sub3A_339 : i32
    %add3A_341 = arith.constant 1 : i32
    %add3A_342 = arith.addi %sub3A_340, %add3A_341 : i32
    %rem3A_343 = arith.constant 4 : i32
    %rem3A_344 = arith.remsi %add3A_342, %rem3A_343 : i32
    %rem3A_345 = arith.constant 8 : i32
    %rem3A_346 = arith.remsi %add3A_342, %rem3A_345 : i32
    %rem3A_347 = arith.constant 4 : i32
    %rem3A_348 = arith.remsi %add3A_342, %rem3A_347 : i32
    %dma_wait3A_349 = arith.constant 0 : i32
    %dma_wait3A_350 = arith.constant 0 : i32
    %dma_wait3A_351 = tpu.memref_slice %arg11[%rem3A_344, %dma_wait3A_349, %dma_wait3A_350] : memref<4x128x64xf32, #tpu.memory_space<vmem>> -> memref<1x128x64xf32, #tpu.memory_space<vmem>>
    %dma_wait3A_352 = tpu.memref_squeeze %dma_wait3A_351 : memref<1x128x64xf32, #tpu.memory_space<vmem>> -> memref<128x64xf32, #tpu.memory_space<vmem>>
    %dma_wait3A_353 = arith.constant 0 : i32
    %dma_wait3A_354 = tpu.memref_slice %arg10[%rem3A_346, %dma_wait3A_353] : memref<8x128xi32, #tpu.memory_space<vmem>> -> memref<1x128xi32, #tpu.memory_space<vmem>>
    %dma_wait3A_355 = tpu.memref_squeeze %dma_wait3A_354 : memref<1x128xi32, #tpu.memory_space<vmem>> -> memref<128xi32, #tpu.memory_space<vmem>>
    %dma_wait3A_356 = arith.constant 0 : i32
    %dma_wait3A_357 = arith.constant 0 : i32
    %dma_wait3A_358 = tpu.memref_slice %arg8[%dma_wait3A_356, %dma_wait3A_357] : memref<10240x64xf32, #tpu.memory_space<vmem_shared>> -> memref<10240x64xf32, #tpu.memory_space<vmem_shared>>
    %dma_wait3A_359 = tpu.memref_slice %arg13[%rem3A_348] : memref<4x!tpu.dma_semaphore, #tpu.memory_space<semaphore_mem>> -> memref<1x!tpu.dma_semaphore, #tpu.memory_space<semaphore_mem>>
    %dma_wait3A_360 = tpu.memref_squeeze %dma_wait3A_359 : memref<1x!tpu.dma_semaphore, #tpu.memory_space<semaphore_mem>> -> memref<!tpu.dma_semaphore, #tpu.memory_space<semaphore_mem>>
    tpu.wait_indirect_dma semaphore(%dma_wait3A_360 : memref<!tpu.dma_semaphore, #tpu.memory_space<semaphore_mem>>) src(%dma_wait3A_352 : memref<128x64xf32, #tpu.memory_space<vmem>>) dst(%dma_wait3A_358 : memref<10240x64xf32, #tpu.memory_space<vmem_shared>>)
    %sub3A_361 = arith.constant 4 : i32
    %sub3A_362 = arith.subi %select_n3A, %sub3A_361 : i32
    %add3A_363 = arith.constant 2 : i32
    %add3A_364 = arith.addi %sub3A_362, %add3A_363 : i32
    %rem3A_365 = arith.constant 4 : i32
    %rem3A_366 = arith.remsi %add3A_364, %rem3A_365 : i32
    %rem3A_367 = arith.constant 8 : i32
    %rem3A_368 = arith.remsi %add3A_364, %rem3A_367 : i32
    %rem3A_369 = arith.constant 4 : i32
    %rem3A_370 = arith.remsi %add3A_364, %rem3A_369 : i32
    %dma_wait3A_371 = arith.constant 0 : i32
    %dma_wait3A_372 = arith.constant 0 : i32
    %dma_wait3A_373 = tpu.memref_slice %arg11[%rem3A_366, %dma_wait3A_371, %dma_wait3A_372] : memref<4x128x64xf32, #tpu.memory_space<vmem>> -> memref<1x128x64xf32, #tpu.memory_space<vmem>>
    %dma_wait3A_374 = tpu.memref_squeeze %dma_wait3A_373 : memref<1x128x64xf32, #tpu.memory_space<vmem>> -> memref<128x64xf32, #tpu.memory_space<vmem>>
    %dma_wait3A_375 = arith.constant 0 : i32
    %dma_wait3A_376 = tpu.memref_slice %arg10[%rem3A_368, %dma_wait3A_375] : memref<8x128xi32, #tpu.memory_space<vmem>> -> memref<1x128xi32, #tpu.memory_space<vmem>>
    %dma_wait3A_377 = tpu.memref_squeeze %dma_wait3A_376 : memref<1x128xi32, #tpu.memory_space<vmem>> -> memref<128xi32, #tpu.memory_space<vmem>>
    %dma_wait3A_378 = arith.constant 0 : i32
    %dma_wait3A_379 = arith.constant 0 : i32
    %dma_wait3A_380 = tpu.memref_slice %arg8[%dma_wait3A_378, %dma_wait3A_379] : memref<10240x64xf32, #tpu.memory_space<vmem_shared>> -> memref<10240x64xf32, #tpu.memory_space<vmem_shared>>
    %dma_wait3A_381 = tpu.memref_slice %arg13[%rem3A_370] : memref<4x!tpu.dma_semaphore, #tpu.memory_space<semaphore_mem>> -> memref<1x!tpu.dma_semaphore, #tpu.memory_space<semaphore_mem>>
    %dma_wait3A_382 = tpu.memref_squeeze %dma_wait3A_381 : memref<1x!tpu.dma_semaphore, #tpu.memory_space<semaphore_mem>> -> memref<!tpu.dma_semaphore, #tpu.memory_space<semaphore_mem>>
    tpu.wait_indirect_dma semaphore(%dma_wait3A_382 : memref<!tpu.dma_semaphore, #tpu.memory_space<semaphore_mem>>) src(%dma_wait3A_374 : memref<128x64xf32, #tpu.memory_space<vmem>>) dst(%dma_wait3A_380 : memref<10240x64xf32, #tpu.memory_space<vmem_shared>>)
    %sub3A_383 = arith.constant 4 : i32
    %sub3A_384 = arith.subi %select_n3A, %sub3A_383 : i32
    %add3A_385 = arith.constant 3 : i32
    %add3A_386 = arith.addi %sub3A_384, %add3A_385 : i32
    %rem3A_387 = arith.constant 4 : i32
    %rem3A_388 = arith.remsi %add3A_386, %rem3A_387 : i32
    %rem3A_389 = arith.constant 8 : i32
    %rem3A_390 = arith.remsi %add3A_386, %rem3A_389 : i32
    %rem3A_391 = arith.constant 4 : i32
    %rem3A_392 = arith.remsi %add3A_386, %rem3A_391 : i32
    %dma_wait3A_393 = arith.constant 0 : i32
    %dma_wait3A_394 = arith.constant 0 : i32
    %dma_wait3A_395 = tpu.memref_slice %arg11[%rem3A_388, %dma_wait3A_393, %dma_wait3A_394] : memref<4x128x64xf32, #tpu.memory_space<vmem>> -> memref<1x128x64xf32, #tpu.memory_space<vmem>>
    %dma_wait3A_396 = tpu.memref_squeeze %dma_wait3A_395 : memref<1x128x64xf32, #tpu.memory_space<vmem>> -> memref<128x64xf32, #tpu.memory_space<vmem>>
    %dma_wait3A_397 = arith.constant 0 : i32
    %dma_wait3A_398 = tpu.memref_slice %arg10[%rem3A_390, %dma_wait3A_397] : memref<8x128xi32, #tpu.memory_space<vmem>> -> memref<1x128xi32, #tpu.memory_space<vmem>>
    %dma_wait3A_399 = tpu.memref_squeeze %dma_wait3A_398 : memref<1x128xi32, #tpu.memory_space<vmem>> -> memref<128xi32, #tpu.memory_space<vmem>>
    %dma_wait3A_400 = arith.constant 0 : i32
    %dma_wait3A_401 = arith.constant 0 : i32
    %dma_wait3A_402 = tpu.memref_slice %arg8[%dma_wait3A_400, %dma_wait3A_401] : memref<10240x64xf32, #tpu.memory_space<vmem_shared>> -> memref<10240x64xf32, #tpu.memory_space<vmem_shared>>
    %dma_wait3A_403 = tpu.memref_slice %arg13[%rem3A_392] : memref<4x!tpu.dma_semaphore, #tpu.memory_space<semaphore_mem>> -> memref<1x!tpu.dma_semaphore, #tpu.memory_space<semaphore_mem>>
    %dma_wait3A_404 = tpu.memref_squeeze %dma_wait3A_403 : memref<1x!tpu.dma_semaphore, #tpu.memory_space<semaphore_mem>> -> memref<!tpu.dma_semaphore, #tpu.memory_space<semaphore_mem>>
    tpu.wait_indirect_dma semaphore(%dma_wait3A_404 : memref<!tpu.dma_semaphore, #tpu.memory_space<semaphore_mem>>) src(%dma_wait3A_396 : memref<128x64xf32, #tpu.memory_space<vmem>>) dst(%dma_wait3A_402 : memref<10240x64xf32, #tpu.memory_space<vmem_shared>>)
    %barrier3A_405 = arith.constant 0 : index
    tpu.barrier barrier_id(%barrier3A_405)
    %eq3A_406 = arith.constant 0 : i32
    %eq3A_407 = arith.cmpi eq, %arg0, %eq3A_406 : i32
    %convert_element_type3A_408 = arith.extui %eq3A_407 : i1 to i32
    %cond3A_409 = arith.constant 0 : i32
    %cond3A_410 = arith.cmpi ne, %convert_element_type3A_408, %cond3A_409 : i32
    scf.if %cond3A_410 {
      "tpu.region"() ({
        %run_scoped3A = tpu.sem_alloc : memref<!tpu.dma_semaphore, #tpu.memory_space<semaphore_mem>>
        %dma_start3A_416 = arith.constant 0 : i32
        %dma_start3A_417 = tpu.memref_slice %arg5[%mul3A_0, %dma_start3A_416] : memref<10240x64xf32, #tpu.memory_space<hbm>> -> memref<640x64xf32, #tpu.memory_space<hbm>>
        %dma_start3A_418 = arith.constant 0 : i32
        %dma_start3A_419 = tpu.memref_slice %arg8[%mul3A_0, %dma_start3A_418] : memref<10240x64xf32, #tpu.memory_space<vmem_shared>> -> memref<640x64xf32, #tpu.memory_space<vmem_shared>>
        tpu.enqueue_dma source(%dma_start3A_419 : memref<640x64xf32, #tpu.memory_space<vmem_shared>>) target(%dma_start3A_417 : memref<640x64xf32, #tpu.memory_space<hbm>>) target_semaphore(%run_scoped3A : memref<!tpu.dma_semaphore, #tpu.memory_space<semaphore_mem>>)
        %dma_wait3A_420 = arith.constant 0 : i32
        %dma_wait3A_421 = tpu.memref_slice %arg5[%mul3A_0, %dma_wait3A_420] : memref<10240x64xf32, #tpu.memory_space<hbm>> -> memref<640x64xf32, #tpu.memory_space<hbm>>
        %dma_wait3A_422 = arith.constant 0 : i32
        %dma_wait3A_423 = tpu.memref_slice %arg8[%mul3A_0, %dma_wait3A_422] : memref<10240x64xf32, #tpu.memory_space<vmem_shared>> -> memref<640x64xf32, #tpu.memory_space<vmem_shared>>
        tpu.wait_dma2 semaphore(%run_scoped3A : memref<!tpu.dma_semaphore, #tpu.memory_space<semaphore_mem>>) src(%dma_wait3A_423 : memref<640x64xf32, #tpu.memory_space<vmem_shared>>) dst(%dma_wait3A_421 : memref<640x64xf32, #tpu.memory_space<hbm>>)
        tpu.yield
      }) : () -> ()
    } else {
    }
    %eq3A_411 = arith.constant 1 : i32
    %eq3A_412 = arith.cmpi eq, %arg0, %eq3A_411 : i32
    %convert_element_type3A_413 = arith.extui %eq3A_412 : i1 to i32
    %cond3A_414 = arith.constant 0 : i32
    %cond3A_415 = arith.cmpi ne, %convert_element_type3A_413, %cond3A_414 : i32
    scf.if %cond3A_415 {
      "tpu.region"() ({
        %run_scoped3A = tpu.sem_alloc : memref<!tpu.dma_semaphore, #tpu.memory_space<semaphore_mem>>
        %dma_start3A_416 = arith.constant 0 : i32
        %dma_start3A_417 = tpu.memref_slice %arg6[%mul3A_0, %dma_start3A_416] : memref<10240x64xf32, #tpu.memory_space<hbm>> -> memref<640x64xf32, #tpu.memory_space<hbm>>
        %dma_start3A_418 = arith.constant 0 : i32
        %dma_start3A_419 = tpu.memref_slice %arg8[%mul3A_0, %dma_start3A_418] : memref<10240x64xf32, #tpu.memory_space<vmem_shared>> -> memref<640x64xf32, #tpu.memory_space<vmem_shared>>
        tpu.enqueue_dma source(%dma_start3A_419 : memref<640x64xf32, #tpu.memory_space<vmem_shared>>) target(%dma_start3A_417 : memref<640x64xf32, #tpu.memory_space<hbm>>) target_semaphore(%run_scoped3A : memref<!tpu.dma_semaphore, #tpu.memory_space<semaphore_mem>>)
        %dma_wait3A_420 = arith.constant 0 : i32
        %dma_wait3A_421 = tpu.memref_slice %arg6[%mul3A_0, %dma_wait3A_420] : memref<10240x64xf32, #tpu.memory_space<hbm>> -> memref<640x64xf32, #tpu.memory_space<hbm>>
        %dma_wait3A_422 = arith.constant 0 : i32
        %dma_wait3A_423 = tpu.memref_slice %arg8[%mul3A_0, %dma_wait3A_422] : memref<10240x64xf32, #tpu.memory_space<vmem_shared>> -> memref<640x64xf32, #tpu.memory_space<vmem_shared>>
        tpu.wait_dma2 semaphore(%run_scoped3A : memref<!tpu.dma_semaphore, #tpu.memory_space<semaphore_mem>>) src(%dma_wait3A_423 : memref<640x64xf32, #tpu.memory_space<vmem_shared>>) dst(%dma_wait3A_421 : memref<640x64xf32, #tpu.memory_space<hbm>>)
        tpu.yield
      }) : () -> ()
    } else {
    }
    return
  }
}

#map = affine_map<(d0, d1) -> (0, 0)>
module attributes {stable_mosaic.version = 14 : i64} {
  func.func @_agg12(%arg0: i32, %arg1: i32, %arg2: memref<10000x128xf32, #tpu.memory_space<hbm>>, %arg3: memref<2x320000xi32, #tpu.memory_space<hbm>>, %arg4: memref<10240x64xf32, #tpu.memory_space<hbm>>, %arg5: memref<10240x64xf32, #tpu.memory_space<hbm>>, %arg6: memref<10240x64xf32, #tpu.memory_space<vmem_shared>>, %arg7: memref<10240x64xf32, #tpu.memory_space<vmem_shared>>, %arg8: memref<8x128xi32, #tpu.memory_space<vmem>>, %arg9: memref<8x128xi32, #tpu.memory_space<vmem>>, %arg10: memref<4x128x64xf32, #tpu.memory_space<vmem>>, %arg11: memref<4x!tpu.dma_semaphore, #tpu.memory_space<semaphore_mem>>, %arg12: memref<4x!tpu.dma_semaphore, #tpu.memory_space<semaphore_mem>>, %arg13: memref<8x!tpu.dma_semaphore, #tpu.memory_space<semaphore_mem>>, %arg14: memref<8x!tpu.dma_semaphore, #tpu.memory_space<semaphore_mem>>) attributes {dimension_semantics = [#tpu.dimension_semantics<core_parallel>, #tpu.dimension_semantics<subcore_parallel>], iteration_bounds = array<i64: 2, 16>, scalar_prefetch = 0 : i64, scratch_operands = 9 : i64, tpu.core_type = #tpu.core_type<sc_vector_subcore>, window_params = [{transform_indices = #map}, {transform_indices = #map}, {transform_indices = #map}, {transform_indices = #map}]} {
    %mul3A = arith.constant 640 : i32
    %mul3A_0 = arith.muli %arg1, %mul3A : i32
    %mul3A_1 = arith.constant 64 : i32
    %mul3A_2 = arith.muli %arg0, %mul3A_1 : i32
    %lt3A = arith.constant 15 : i32
    %lt3A_3 = arith.cmpi slt, %arg1, %lt3A : i32
    %convert_element_type3A = arith.extui %lt3A_3 : i1 to i32
    %cond3A = arith.constant 0 : i32
    %cond3A_4 = arith.cmpi ne, %convert_element_type3A, %cond3A : i32
    scf.if %cond3A_4 {
      "tpu.region"() ({
        %run_scoped3A_836 = tpu.sem_alloc : memref<!tpu.dma_semaphore, #tpu.memory_space<semaphore_mem>>
        %dma_start3A_837 = arith.constant 0 : i32
        %dma_start3A_838 = tpu.memref_slice %arg6[%mul3A_0, %dma_start3A_837] : memref<10240x64xf32, #tpu.memory_space<vmem_shared>> -> memref<640x64xf32, #tpu.memory_space<vmem_shared>>
        %dma_start3A_839 = tpu.memref_slice %arg2[%mul3A_0, %mul3A_2] : memref<10000x128xf32, #tpu.memory_space<hbm>> -> memref<640x64xf32, #tpu.memory_space<hbm>>
        tpu.enqueue_dma source(%dma_start3A_839 : memref<640x64xf32, #tpu.memory_space<hbm>>) target(%dma_start3A_838 : memref<640x64xf32, #tpu.memory_space<vmem_shared>>) target_semaphore(%run_scoped3A_836 : memref<!tpu.dma_semaphore, #tpu.memory_space<semaphore_mem>>)
        %dma_wait3A_840 = arith.constant 0 : i32
        %dma_wait3A_841 = tpu.memref_slice %arg6[%mul3A_0, %dma_wait3A_840] : memref<10240x64xf32, #tpu.memory_space<vmem_shared>> -> memref<640x64xf32, #tpu.memory_space<vmem_shared>>
        %dma_wait3A_842 = tpu.memref_slice %arg2[%mul3A_0, %mul3A_2] : memref<10000x128xf32, #tpu.memory_space<hbm>> -> memref<640x64xf32, #tpu.memory_space<hbm>>
        tpu.wait_dma2 semaphore(%run_scoped3A_836 : memref<!tpu.dma_semaphore, #tpu.memory_space<semaphore_mem>>) src(%dma_wait3A_842 : memref<640x64xf32, #tpu.memory_space<hbm>>) dst(%dma_wait3A_841 : memref<640x64xf32, #tpu.memory_space<vmem_shared>>)
        tpu.yield
      }) : () -> ()
      "tpu.region"() ({
        %run_scoped3A_836 = tpu.sem_alloc : memref<!tpu.dma_semaphore, #tpu.memory_space<semaphore_mem>>
        %dma_start3A_837 = arith.constant 0 : i32
        %dma_start3A_838 = tpu.memref_slice %arg7[%mul3A_0, %dma_start3A_837] : memref<10240x64xf32, #tpu.memory_space<vmem_shared>> -> memref<640x64xf32, #tpu.memory_space<vmem_shared>>
        %dma_start3A_839 = tpu.memref_slice %arg2[%mul3A_0, %mul3A_2] : memref<10000x128xf32, #tpu.memory_space<hbm>> -> memref<640x64xf32, #tpu.memory_space<hbm>>
        tpu.enqueue_dma source(%dma_start3A_839 : memref<640x64xf32, #tpu.memory_space<hbm>>) target(%dma_start3A_838 : memref<640x64xf32, #tpu.memory_space<vmem_shared>>) target_semaphore(%run_scoped3A_836 : memref<!tpu.dma_semaphore, #tpu.memory_space<semaphore_mem>>)
        %dma_wait3A_840 = arith.constant 0 : i32
        %dma_wait3A_841 = tpu.memref_slice %arg7[%mul3A_0, %dma_wait3A_840] : memref<10240x64xf32, #tpu.memory_space<vmem_shared>> -> memref<640x64xf32, #tpu.memory_space<vmem_shared>>
        %dma_wait3A_842 = tpu.memref_slice %arg2[%mul3A_0, %mul3A_2] : memref<10000x128xf32, #tpu.memory_space<hbm>> -> memref<640x64xf32, #tpu.memory_space<hbm>>
        tpu.wait_dma2 semaphore(%run_scoped3A_836 : memref<!tpu.dma_semaphore, #tpu.memory_space<semaphore_mem>>) src(%dma_wait3A_842 : memref<640x64xf32, #tpu.memory_space<hbm>>) dst(%dma_wait3A_841 : memref<640x64xf32, #tpu.memory_space<vmem_shared>>)
        tpu.yield
      }) : () -> ()
    } else {
    }
    %eq3A = arith.constant 15 : i32
    %eq3A_5 = arith.cmpi eq, %arg1, %eq3A : i32
    %convert_element_type3A_6 = arith.extui %eq3A_5 : i1 to i32
    %cond3A_7 = arith.constant 0 : i32
    %cond3A_8 = arith.cmpi ne, %convert_element_type3A_6, %cond3A_7 : i32
    scf.if %cond3A_8 {
      "tpu.region"() ({
        %run_scoped3A_836 = tpu.sem_alloc : memref<!tpu.dma_semaphore, #tpu.memory_space<semaphore_mem>>
        %dma_start3A_837 = arith.constant 0 : i32
        %dma_start3A_838 = tpu.memref_slice %arg6[%mul3A_0, %dma_start3A_837] : memref<10240x64xf32, #tpu.memory_space<vmem_shared>> -> memref<400x64xf32, #tpu.memory_space<vmem_shared>>
        %dma_start3A_839 = tpu.memref_slice %arg2[%mul3A_0, %mul3A_2] : memref<10000x128xf32, #tpu.memory_space<hbm>> -> memref<400x64xf32, #tpu.memory_space<hbm>>
        tpu.enqueue_dma source(%dma_start3A_839 : memref<400x64xf32, #tpu.memory_space<hbm>>) target(%dma_start3A_838 : memref<400x64xf32, #tpu.memory_space<vmem_shared>>) target_semaphore(%run_scoped3A_836 : memref<!tpu.dma_semaphore, #tpu.memory_space<semaphore_mem>>)
        %dma_wait3A_840 = arith.constant 0 : i32
        %dma_wait3A_841 = tpu.memref_slice %arg6[%mul3A_0, %dma_wait3A_840] : memref<10240x64xf32, #tpu.memory_space<vmem_shared>> -> memref<400x64xf32, #tpu.memory_space<vmem_shared>>
        %dma_wait3A_842 = tpu.memref_slice %arg2[%mul3A_0, %mul3A_2] : memref<10000x128xf32, #tpu.memory_space<hbm>> -> memref<400x64xf32, #tpu.memory_space<hbm>>
        tpu.wait_dma2 semaphore(%run_scoped3A_836 : memref<!tpu.dma_semaphore, #tpu.memory_space<semaphore_mem>>) src(%dma_wait3A_842 : memref<400x64xf32, #tpu.memory_space<hbm>>) dst(%dma_wait3A_841 : memref<400x64xf32, #tpu.memory_space<vmem_shared>>)
        tpu.yield
      }) : () -> ()
      "tpu.region"() ({
        %run_scoped3A_836 = tpu.sem_alloc : memref<!tpu.dma_semaphore, #tpu.memory_space<semaphore_mem>>
        %dma_start3A_837 = arith.constant 0 : i32
        %dma_start3A_838 = tpu.memref_slice %arg7[%mul3A_0, %dma_start3A_837] : memref<10240x64xf32, #tpu.memory_space<vmem_shared>> -> memref<400x64xf32, #tpu.memory_space<vmem_shared>>
        %dma_start3A_839 = tpu.memref_slice %arg2[%mul3A_0, %mul3A_2] : memref<10000x128xf32, #tpu.memory_space<hbm>> -> memref<400x64xf32, #tpu.memory_space<hbm>>
        tpu.enqueue_dma source(%dma_start3A_839 : memref<400x64xf32, #tpu.memory_space<hbm>>) target(%dma_start3A_838 : memref<400x64xf32, #tpu.memory_space<vmem_shared>>) target_semaphore(%run_scoped3A_836 : memref<!tpu.dma_semaphore, #tpu.memory_space<semaphore_mem>>)
        %dma_wait3A_840 = arith.constant 0 : i32
        %dma_wait3A_841 = tpu.memref_slice %arg7[%mul3A_0, %dma_wait3A_840] : memref<10240x64xf32, #tpu.memory_space<vmem_shared>> -> memref<400x64xf32, #tpu.memory_space<vmem_shared>>
        %dma_wait3A_842 = tpu.memref_slice %arg2[%mul3A_0, %mul3A_2] : memref<10000x128xf32, #tpu.memory_space<hbm>> -> memref<400x64xf32, #tpu.memory_space<hbm>>
        tpu.wait_dma2 semaphore(%run_scoped3A_836 : memref<!tpu.dma_semaphore, #tpu.memory_space<semaphore_mem>>) src(%dma_wait3A_842 : memref<400x64xf32, #tpu.memory_space<hbm>>) dst(%dma_wait3A_841 : memref<400x64xf32, #tpu.memory_space<vmem_shared>>)
        tpu.yield
      }) : () -> ()
    } else {
    }
    %eq3A_9 = arith.constant 15 : i32
    %eq3A_10 = arith.cmpi eq, %arg1, %eq3A_9 : i32
    %jit3A = arith.constant 145 : i32
    %jit3A_11 = arith.constant 157 : i32
    %select_n3A = arith.select %eq3A_10, %jit3A, %jit3A_11 : i32
    %mul3A_12 = arith.constant 20096 : i32
    %mul3A_13 = arith.muli %arg1, %mul3A_12 : i32
    %barrier3A = arith.constant 0 : index
    tpu.barrier barrier_id(%barrier3A)
    %add3A = arith.constant 0 : i32
    %add3A_14 = arith.addi %mul3A_13, %add3A : i32
    %dma_start3A = arith.constant 0 : i32
    %dma_start3A_15 = arith.constant 0 : i32
    %dma_start3A_16 = arith.constant 0 : i32
    %dma_start3A_17 = arith.constant 0 : i32
    %dma_start3A_18 = tpu.memref_slice %arg8[%dma_start3A_15, %dma_start3A_17] : memref<8x128xi32, #tpu.memory_space<vmem>> -> memref<1x128xi32, #tpu.memory_space<vmem>>
    %dma_start3A_19 = tpu.memref_squeeze %dma_start3A_18 : memref<1x128xi32, #tpu.memory_space<vmem>> -> memref<128xi32, #tpu.memory_space<vmem>>
    %dma_start3A_20 = tpu.memref_slice %arg3[%dma_start3A, %add3A_14] : memref<2x320000xi32, #tpu.memory_space<hbm>> -> memref<1x128xi32, #tpu.memory_space<hbm>>
    %dma_start3A_21 = tpu.memref_squeeze %dma_start3A_20 : memref<1x128xi32, #tpu.memory_space<hbm>> -> memref<128xi32, #tpu.memory_space<hbm>>
    %dma_start3A_22 = tpu.memref_slice %arg13[%dma_start3A_16] : memref<8x!tpu.dma_semaphore, #tpu.memory_space<semaphore_mem>> -> memref<1x!tpu.dma_semaphore, #tpu.memory_space<semaphore_mem>>
    %dma_start3A_23 = tpu.memref_squeeze %dma_start3A_22 : memref<1x!tpu.dma_semaphore, #tpu.memory_space<semaphore_mem>> -> memref<!tpu.dma_semaphore, #tpu.memory_space<semaphore_mem>>
    %dma_start3A_24 = arith.constant 0 : i32
    %dma_start3A_25 = tpu.memref_slice %arg8[%dma_start3A_15, %dma_start3A_24] : memref<8x128xi32, #tpu.memory_space<vmem>> -> memref<1x128xi32, #tpu.memory_space<vmem>>
    %dma_start3A_26 = tpu.memref_squeeze %dma_start3A_25 : memref<1x128xi32, #tpu.memory_space<vmem>> -> memref<128xi32, #tpu.memory_space<vmem>>
    %dma_start3A_27 = tpu.memref_slice %arg3[%dma_start3A, %add3A_14] : memref<2x320000xi32, #tpu.memory_space<hbm>> -> memref<1x128xi32, #tpu.memory_space<hbm>>
    %dma_start3A_28 = tpu.memref_squeeze %dma_start3A_27 : memref<1x128xi32, #tpu.memory_space<hbm>> -> memref<128xi32, #tpu.memory_space<hbm>>
    tpu.enqueue_dma source(%dma_start3A_28 : memref<128xi32, #tpu.memory_space<hbm>>) target(%dma_start3A_26 : memref<128xi32, #tpu.memory_space<vmem>>) target_semaphore(%dma_start3A_23 : memref<!tpu.dma_semaphore, #tpu.memory_space<semaphore_mem>>)
    %add3A_29 = arith.constant 0 : i32
    %add3A_30 = arith.addi %mul3A_13, %add3A_29 : i32
    %dma_start3A_31 = arith.constant 1 : i32
    %dma_start3A_32 = arith.constant 0 : i32
    %dma_start3A_33 = arith.constant 0 : i32
    %dma_start3A_34 = arith.constant 0 : i32
    %dma_start3A_35 = tpu.memref_slice %arg9[%dma_start3A_32, %dma_start3A_34] : memref<8x128xi32, #tpu.memory_space<vmem>> -> memref<1x128xi32, #tpu.memory_space<vmem>>
    %dma_start3A_36 = tpu.memref_squeeze %dma_start3A_35 : memref<1x128xi32, #tpu.memory_space<vmem>> -> memref<128xi32, #tpu.memory_space<vmem>>
    %dma_start3A_37 = tpu.memref_slice %arg3[%dma_start3A_31, %add3A_30] : memref<2x320000xi32, #tpu.memory_space<hbm>> -> memref<1x128xi32, #tpu.memory_space<hbm>>
    %dma_start3A_38 = tpu.memref_squeeze %dma_start3A_37 : memref<1x128xi32, #tpu.memory_space<hbm>> -> memref<128xi32, #tpu.memory_space<hbm>>
    %dma_start3A_39 = tpu.memref_slice %arg14[%dma_start3A_33] : memref<8x!tpu.dma_semaphore, #tpu.memory_space<semaphore_mem>> -> memref<1x!tpu.dma_semaphore, #tpu.memory_space<semaphore_mem>>
    %dma_start3A_40 = tpu.memref_squeeze %dma_start3A_39 : memref<1x!tpu.dma_semaphore, #tpu.memory_space<semaphore_mem>> -> memref<!tpu.dma_semaphore, #tpu.memory_space<semaphore_mem>>
    %dma_start3A_41 = arith.constant 0 : i32
    %dma_start3A_42 = tpu.memref_slice %arg9[%dma_start3A_32, %dma_start3A_41] : memref<8x128xi32, #tpu.memory_space<vmem>> -> memref<1x128xi32, #tpu.memory_space<vmem>>
    %dma_start3A_43 = tpu.memref_squeeze %dma_start3A_42 : memref<1x128xi32, #tpu.memory_space<vmem>> -> memref<128xi32, #tpu.memory_space<vmem>>
    %dma_start3A_44 = tpu.memref_slice %arg3[%dma_start3A_31, %add3A_30] : memref<2x320000xi32, #tpu.memory_space<hbm>> -> memref<1x128xi32, #tpu.memory_space<hbm>>
    %dma_start3A_45 = tpu.memref_squeeze %dma_start3A_44 : memref<1x128xi32, #tpu.memory_space<hbm>> -> memref<128xi32, #tpu.memory_space<hbm>>
    tpu.enqueue_dma source(%dma_start3A_45 : memref<128xi32, #tpu.memory_space<hbm>>) target(%dma_start3A_43 : memref<128xi32, #tpu.memory_space<vmem>>) target_semaphore(%dma_start3A_40 : memref<!tpu.dma_semaphore, #tpu.memory_space<semaphore_mem>>)
    %add3A_46 = arith.constant 128 : i32
    %add3A_47 = arith.addi %mul3A_13, %add3A_46 : i32
    %dma_start3A_48 = arith.constant 0 : i32
    %dma_start3A_49 = arith.constant 1 : i32
    %dma_start3A_50 = arith.constant 1 : i32
    %dma_start3A_51 = arith.constant 0 : i32
    %dma_start3A_52 = tpu.memref_slice %arg8[%dma_start3A_49, %dma_start3A_51] : memref<8x128xi32, #tpu.memory_space<vmem>> -> memref<1x128xi32, #tpu.memory_space<vmem>>
    %dma_start3A_53 = tpu.memref_squeeze %dma_start3A_52 : memref<1x128xi32, #tpu.memory_space<vmem>> -> memref<128xi32, #tpu.memory_space<vmem>>
    %dma_start3A_54 = tpu.memref_slice %arg3[%dma_start3A_48, %add3A_47] : memref<2x320000xi32, #tpu.memory_space<hbm>> -> memref<1x128xi32, #tpu.memory_space<hbm>>
    %dma_start3A_55 = tpu.memref_squeeze %dma_start3A_54 : memref<1x128xi32, #tpu.memory_space<hbm>> -> memref<128xi32, #tpu.memory_space<hbm>>
    %dma_start3A_56 = tpu.memref_slice %arg13[%dma_start3A_50] : memref<8x!tpu.dma_semaphore, #tpu.memory_space<semaphore_mem>> -> memref<1x!tpu.dma_semaphore, #tpu.memory_space<semaphore_mem>>
    %dma_start3A_57 = tpu.memref_squeeze %dma_start3A_56 : memref<1x!tpu.dma_semaphore, #tpu.memory_space<semaphore_mem>> -> memref<!tpu.dma_semaphore, #tpu.memory_space<semaphore_mem>>
    %dma_start3A_58 = arith.constant 0 : i32
    %dma_start3A_59 = tpu.memref_slice %arg8[%dma_start3A_49, %dma_start3A_58] : memref<8x128xi32, #tpu.memory_space<vmem>> -> memref<1x128xi32, #tpu.memory_space<vmem>>
    %dma_start3A_60 = tpu.memref_squeeze %dma_start3A_59 : memref<1x128xi32, #tpu.memory_space<vmem>> -> memref<128xi32, #tpu.memory_space<vmem>>
    %dma_start3A_61 = tpu.memref_slice %arg3[%dma_start3A_48, %add3A_47] : memref<2x320000xi32, #tpu.memory_space<hbm>> -> memref<1x128xi32, #tpu.memory_space<hbm>>
    %dma_start3A_62 = tpu.memref_squeeze %dma_start3A_61 : memref<1x128xi32, #tpu.memory_space<hbm>> -> memref<128xi32, #tpu.memory_space<hbm>>
    tpu.enqueue_dma source(%dma_start3A_62 : memref<128xi32, #tpu.memory_space<hbm>>) target(%dma_start3A_60 : memref<128xi32, #tpu.memory_space<vmem>>) target_semaphore(%dma_start3A_57 : memref<!tpu.dma_semaphore, #tpu.memory_space<semaphore_mem>>)
    %add3A_63 = arith.constant 128 : i32
    %add3A_64 = arith.addi %mul3A_13, %add3A_63 : i32
    %dma_start3A_65 = arith.constant 1 : i32
    %dma_start3A_66 = arith.constant 1 : i32
    %dma_start3A_67 = arith.constant 1 : i32
    %dma_start3A_68 = arith.constant 0 : i32
    %dma_start3A_69 = tpu.memref_slice %arg9[%dma_start3A_66, %dma_start3A_68] : memref<8x128xi32, #tpu.memory_space<vmem>> -> memref<1x128xi32, #tpu.memory_space<vmem>>
    %dma_start3A_70 = tpu.memref_squeeze %dma_start3A_69 : memref<1x128xi32, #tpu.memory_space<vmem>> -> memref<128xi32, #tpu.memory_space<vmem>>
    %dma_start3A_71 = tpu.memref_slice %arg3[%dma_start3A_65, %add3A_64] : memref<2x320000xi32, #tpu.memory_space<hbm>> -> memref<1x128xi32, #tpu.memory_space<hbm>>
    %dma_start3A_72 = tpu.memref_squeeze %dma_start3A_71 : memref<1x128xi32, #tpu.memory_space<hbm>> -> memref<128xi32, #tpu.memory_space<hbm>>
    %dma_start3A_73 = tpu.memref_slice %arg14[%dma_start3A_67] : memref<8x!tpu.dma_semaphore, #tpu.memory_space<semaphore_mem>> -> memref<1x!tpu.dma_semaphore, #tpu.memory_space<semaphore_mem>>
    %dma_start3A_74 = tpu.memref_squeeze %dma_start3A_73 : memref<1x!tpu.dma_semaphore, #tpu.memory_space<semaphore_mem>> -> memref<!tpu.dma_semaphore, #tpu.memory_space<semaphore_mem>>
    %dma_start3A_75 = arith.constant 0 : i32
    %dma_start3A_76 = tpu.memref_slice %arg9[%dma_start3A_66, %dma_start3A_75] : memref<8x128xi32, #tpu.memory_space<vmem>> -> memref<1x128xi32, #tpu.memory_space<vmem>>
    %dma_start3A_77 = tpu.memref_squeeze %dma_start3A_76 : memref<1x128xi32, #tpu.memory_space<vmem>> -> memref<128xi32, #tpu.memory_space<vmem>>
    %dma_start3A_78 = tpu.memref_slice %arg3[%dma_start3A_65, %add3A_64] : memref<2x320000xi32, #tpu.memory_space<hbm>> -> memref<1x128xi32, #tpu.memory_space<hbm>>
    %dma_start3A_79 = tpu.memref_squeeze %dma_start3A_78 : memref<1x128xi32, #tpu.memory_space<hbm>> -> memref<128xi32, #tpu.memory_space<hbm>>
    tpu.enqueue_dma source(%dma_start3A_79 : memref<128xi32, #tpu.memory_space<hbm>>) target(%dma_start3A_77 : memref<128xi32, #tpu.memory_space<vmem>>) target_semaphore(%dma_start3A_74 : memref<!tpu.dma_semaphore, #tpu.memory_space<semaphore_mem>>)
    %add3A_80 = arith.constant 256 : i32
    %add3A_81 = arith.addi %mul3A_13, %add3A_80 : i32
    %dma_start3A_82 = arith.constant 0 : i32
    %dma_start3A_83 = arith.constant 2 : i32
    %dma_start3A_84 = arith.constant 2 : i32
    %dma_start3A_85 = arith.constant 0 : i32
    %dma_start3A_86 = tpu.memref_slice %arg8[%dma_start3A_83, %dma_start3A_85] : memref<8x128xi32, #tpu.memory_space<vmem>> -> memref<1x128xi32, #tpu.memory_space<vmem>>
    %dma_start3A_87 = tpu.memref_squeeze %dma_start3A_86 : memref<1x128xi32, #tpu.memory_space<vmem>> -> memref<128xi32, #tpu.memory_space<vmem>>
    %dma_start3A_88 = tpu.memref_slice %arg3[%dma_start3A_82, %add3A_81] : memref<2x320000xi32, #tpu.memory_space<hbm>> -> memref<1x128xi32, #tpu.memory_space<hbm>>
    %dma_start3A_89 = tpu.memref_squeeze %dma_start3A_88 : memref<1x128xi32, #tpu.memory_space<hbm>> -> memref<128xi32, #tpu.memory_space<hbm>>
    %dma_start3A_90 = tpu.memref_slice %arg13[%dma_start3A_84] : memref<8x!tpu.dma_semaphore, #tpu.memory_space<semaphore_mem>> -> memref<1x!tpu.dma_semaphore, #tpu.memory_space<semaphore_mem>>
    %dma_start3A_91 = tpu.memref_squeeze %dma_start3A_90 : memref<1x!tpu.dma_semaphore, #tpu.memory_space<semaphore_mem>> -> memref<!tpu.dma_semaphore, #tpu.memory_space<semaphore_mem>>
    %dma_start3A_92 = arith.constant 0 : i32
    %dma_start3A_93 = tpu.memref_slice %arg8[%dma_start3A_83, %dma_start3A_92] : memref<8x128xi32, #tpu.memory_space<vmem>> -> memref<1x128xi32, #tpu.memory_space<vmem>>
    %dma_start3A_94 = tpu.memref_squeeze %dma_start3A_93 : memref<1x128xi32, #tpu.memory_space<vmem>> -> memref<128xi32, #tpu.memory_space<vmem>>
    %dma_start3A_95 = tpu.memref_slice %arg3[%dma_start3A_82, %add3A_81] : memref<2x320000xi32, #tpu.memory_space<hbm>> -> memref<1x128xi32, #tpu.memory_space<hbm>>
    %dma_start3A_96 = tpu.memref_squeeze %dma_start3A_95 : memref<1x128xi32, #tpu.memory_space<hbm>> -> memref<128xi32, #tpu.memory_space<hbm>>
    tpu.enqueue_dma source(%dma_start3A_96 : memref<128xi32, #tpu.memory_space<hbm>>) target(%dma_start3A_94 : memref<128xi32, #tpu.memory_space<vmem>>) target_semaphore(%dma_start3A_91 : memref<!tpu.dma_semaphore, #tpu.memory_space<semaphore_mem>>)
    %add3A_97 = arith.constant 256 : i32
    %add3A_98 = arith.addi %mul3A_13, %add3A_97 : i32
    %dma_start3A_99 = arith.constant 1 : i32
    %dma_start3A_100 = arith.constant 2 : i32
    %dma_start3A_101 = arith.constant 2 : i32
    %dma_start3A_102 = arith.constant 0 : i32
    %dma_start3A_103 = tpu.memref_slice %arg9[%dma_start3A_100, %dma_start3A_102] : memref<8x128xi32, #tpu.memory_space<vmem>> -> memref<1x128xi32, #tpu.memory_space<vmem>>
    %dma_start3A_104 = tpu.memref_squeeze %dma_start3A_103 : memref<1x128xi32, #tpu.memory_space<vmem>> -> memref<128xi32, #tpu.memory_space<vmem>>
    %dma_start3A_105 = tpu.memref_slice %arg3[%dma_start3A_99, %add3A_98] : memref<2x320000xi32, #tpu.memory_space<hbm>> -> memref<1x128xi32, #tpu.memory_space<hbm>>
    %dma_start3A_106 = tpu.memref_squeeze %dma_start3A_105 : memref<1x128xi32, #tpu.memory_space<hbm>> -> memref<128xi32, #tpu.memory_space<hbm>>
    %dma_start3A_107 = tpu.memref_slice %arg14[%dma_start3A_101] : memref<8x!tpu.dma_semaphore, #tpu.memory_space<semaphore_mem>> -> memref<1x!tpu.dma_semaphore, #tpu.memory_space<semaphore_mem>>
    %dma_start3A_108 = tpu.memref_squeeze %dma_start3A_107 : memref<1x!tpu.dma_semaphore, #tpu.memory_space<semaphore_mem>> -> memref<!tpu.dma_semaphore, #tpu.memory_space<semaphore_mem>>
    %dma_start3A_109 = arith.constant 0 : i32
    %dma_start3A_110 = tpu.memref_slice %arg9[%dma_start3A_100, %dma_start3A_109] : memref<8x128xi32, #tpu.memory_space<vmem>> -> memref<1x128xi32, #tpu.memory_space<vmem>>
    %dma_start3A_111 = tpu.memref_squeeze %dma_start3A_110 : memref<1x128xi32, #tpu.memory_space<vmem>> -> memref<128xi32, #tpu.memory_space<vmem>>
    %dma_start3A_112 = tpu.memref_slice %arg3[%dma_start3A_99, %add3A_98] : memref<2x320000xi32, #tpu.memory_space<hbm>> -> memref<1x128xi32, #tpu.memory_space<hbm>>
    %dma_start3A_113 = tpu.memref_squeeze %dma_start3A_112 : memref<1x128xi32, #tpu.memory_space<hbm>> -> memref<128xi32, #tpu.memory_space<hbm>>
    tpu.enqueue_dma source(%dma_start3A_113 : memref<128xi32, #tpu.memory_space<hbm>>) target(%dma_start3A_111 : memref<128xi32, #tpu.memory_space<vmem>>) target_semaphore(%dma_start3A_108 : memref<!tpu.dma_semaphore, #tpu.memory_space<semaphore_mem>>)
    %add3A_114 = arith.constant 384 : i32
    %add3A_115 = arith.addi %mul3A_13, %add3A_114 : i32
    %dma_start3A_116 = arith.constant 0 : i32
    %dma_start3A_117 = arith.constant 3 : i32
    %dma_start3A_118 = arith.constant 3 : i32
    %dma_start3A_119 = arith.constant 0 : i32
    %dma_start3A_120 = tpu.memref_slice %arg8[%dma_start3A_117, %dma_start3A_119] : memref<8x128xi32, #tpu.memory_space<vmem>> -> memref<1x128xi32, #tpu.memory_space<vmem>>
    %dma_start3A_121 = tpu.memref_squeeze %dma_start3A_120 : memref<1x128xi32, #tpu.memory_space<vmem>> -> memref<128xi32, #tpu.memory_space<vmem>>
    %dma_start3A_122 = tpu.memref_slice %arg3[%dma_start3A_116, %add3A_115] : memref<2x320000xi32, #tpu.memory_space<hbm>> -> memref<1x128xi32, #tpu.memory_space<hbm>>
    %dma_start3A_123 = tpu.memref_squeeze %dma_start3A_122 : memref<1x128xi32, #tpu.memory_space<hbm>> -> memref<128xi32, #tpu.memory_space<hbm>>
    %dma_start3A_124 = tpu.memref_slice %arg13[%dma_start3A_118] : memref<8x!tpu.dma_semaphore, #tpu.memory_space<semaphore_mem>> -> memref<1x!tpu.dma_semaphore, #tpu.memory_space<semaphore_mem>>
    %dma_start3A_125 = tpu.memref_squeeze %dma_start3A_124 : memref<1x!tpu.dma_semaphore, #tpu.memory_space<semaphore_mem>> -> memref<!tpu.dma_semaphore, #tpu.memory_space<semaphore_mem>>
    %dma_start3A_126 = arith.constant 0 : i32
    %dma_start3A_127 = tpu.memref_slice %arg8[%dma_start3A_117, %dma_start3A_126] : memref<8x128xi32, #tpu.memory_space<vmem>> -> memref<1x128xi32, #tpu.memory_space<vmem>>
    %dma_start3A_128 = tpu.memref_squeeze %dma_start3A_127 : memref<1x128xi32, #tpu.memory_space<vmem>> -> memref<128xi32, #tpu.memory_space<vmem>>
    %dma_start3A_129 = tpu.memref_slice %arg3[%dma_start3A_116, %add3A_115] : memref<2x320000xi32, #tpu.memory_space<hbm>> -> memref<1x128xi32, #tpu.memory_space<hbm>>
    %dma_start3A_130 = tpu.memref_squeeze %dma_start3A_129 : memref<1x128xi32, #tpu.memory_space<hbm>> -> memref<128xi32, #tpu.memory_space<hbm>>
    tpu.enqueue_dma source(%dma_start3A_130 : memref<128xi32, #tpu.memory_space<hbm>>) target(%dma_start3A_128 : memref<128xi32, #tpu.memory_space<vmem>>) target_semaphore(%dma_start3A_125 : memref<!tpu.dma_semaphore, #tpu.memory_space<semaphore_mem>>)
    %add3A_131 = arith.constant 384 : i32
    %add3A_132 = arith.addi %mul3A_13, %add3A_131 : i32
    %dma_start3A_133 = arith.constant 1 : i32
    %dma_start3A_134 = arith.constant 3 : i32
    %dma_start3A_135 = arith.constant 3 : i32
    %dma_start3A_136 = arith.constant 0 : i32
    %dma_start3A_137 = tpu.memref_slice %arg9[%dma_start3A_134, %dma_start3A_136] : memref<8x128xi32, #tpu.memory_space<vmem>> -> memref<1x128xi32, #tpu.memory_space<vmem>>
    %dma_start3A_138 = tpu.memref_squeeze %dma_start3A_137 : memref<1x128xi32, #tpu.memory_space<vmem>> -> memref<128xi32, #tpu.memory_space<vmem>>
    %dma_start3A_139 = tpu.memref_slice %arg3[%dma_start3A_133, %add3A_132] : memref<2x320000xi32, #tpu.memory_space<hbm>> -> memref<1x128xi32, #tpu.memory_space<hbm>>
    %dma_start3A_140 = tpu.memref_squeeze %dma_start3A_139 : memref<1x128xi32, #tpu.memory_space<hbm>> -> memref<128xi32, #tpu.memory_space<hbm>>
    %dma_start3A_141 = tpu.memref_slice %arg14[%dma_start3A_135] : memref<8x!tpu.dma_semaphore, #tpu.memory_space<semaphore_mem>> -> memref<1x!tpu.dma_semaphore, #tpu.memory_space<semaphore_mem>>
    %dma_start3A_142 = tpu.memref_squeeze %dma_start3A_141 : memref<1x!tpu.dma_semaphore, #tpu.memory_space<semaphore_mem>> -> memref<!tpu.dma_semaphore, #tpu.memory_space<semaphore_mem>>
    %dma_start3A_143 = arith.constant 0 : i32
    %dma_start3A_144 = tpu.memref_slice %arg9[%dma_start3A_134, %dma_start3A_143] : memref<8x128xi32, #tpu.memory_space<vmem>> -> memref<1x128xi32, #tpu.memory_space<vmem>>
    %dma_start3A_145 = tpu.memref_squeeze %dma_start3A_144 : memref<1x128xi32, #tpu.memory_space<vmem>> -> memref<128xi32, #tpu.memory_space<vmem>>
    %dma_start3A_146 = tpu.memref_slice %arg3[%dma_start3A_133, %add3A_132] : memref<2x320000xi32, #tpu.memory_space<hbm>> -> memref<1x128xi32, #tpu.memory_space<hbm>>
    %dma_start3A_147 = tpu.memref_squeeze %dma_start3A_146 : memref<1x128xi32, #tpu.memory_space<hbm>> -> memref<128xi32, #tpu.memory_space<hbm>>
    tpu.enqueue_dma source(%dma_start3A_147 : memref<128xi32, #tpu.memory_space<hbm>>) target(%dma_start3A_145 : memref<128xi32, #tpu.memory_space<vmem>>) target_semaphore(%dma_start3A_142 : memref<!tpu.dma_semaphore, #tpu.memory_space<semaphore_mem>>)
    %add3A_148 = arith.constant 512 : i32
    %add3A_149 = arith.addi %mul3A_13, %add3A_148 : i32
    %dma_start3A_150 = arith.constant 0 : i32
    %dma_start3A_151 = arith.constant 4 : i32
    %dma_start3A_152 = arith.constant 4 : i32
    %dma_start3A_153 = arith.constant 0 : i32
    %dma_start3A_154 = tpu.memref_slice %arg8[%dma_start3A_151, %dma_start3A_153] : memref<8x128xi32, #tpu.memory_space<vmem>> -> memref<1x128xi32, #tpu.memory_space<vmem>>
    %dma_start3A_155 = tpu.memref_squeeze %dma_start3A_154 : memref<1x128xi32, #tpu.memory_space<vmem>> -> memref<128xi32, #tpu.memory_space<vmem>>
    %dma_start3A_156 = tpu.memref_slice %arg3[%dma_start3A_150, %add3A_149] : memref<2x320000xi32, #tpu.memory_space<hbm>> -> memref<1x128xi32, #tpu.memory_space<hbm>>
    %dma_start3A_157 = tpu.memref_squeeze %dma_start3A_156 : memref<1x128xi32, #tpu.memory_space<hbm>> -> memref<128xi32, #tpu.memory_space<hbm>>
    %dma_start3A_158 = tpu.memref_slice %arg13[%dma_start3A_152] : memref<8x!tpu.dma_semaphore, #tpu.memory_space<semaphore_mem>> -> memref<1x!tpu.dma_semaphore, #tpu.memory_space<semaphore_mem>>
    %dma_start3A_159 = tpu.memref_squeeze %dma_start3A_158 : memref<1x!tpu.dma_semaphore, #tpu.memory_space<semaphore_mem>> -> memref<!tpu.dma_semaphore, #tpu.memory_space<semaphore_mem>>
    %dma_start3A_160 = arith.constant 0 : i32
    %dma_start3A_161 = tpu.memref_slice %arg8[%dma_start3A_151, %dma_start3A_160] : memref<8x128xi32, #tpu.memory_space<vmem>> -> memref<1x128xi32, #tpu.memory_space<vmem>>
    %dma_start3A_162 = tpu.memref_squeeze %dma_start3A_161 : memref<1x128xi32, #tpu.memory_space<vmem>> -> memref<128xi32, #tpu.memory_space<vmem>>
    %dma_start3A_163 = tpu.memref_slice %arg3[%dma_start3A_150, %add3A_149] : memref<2x320000xi32, #tpu.memory_space<hbm>> -> memref<1x128xi32, #tpu.memory_space<hbm>>
    %dma_start3A_164 = tpu.memref_squeeze %dma_start3A_163 : memref<1x128xi32, #tpu.memory_space<hbm>> -> memref<128xi32, #tpu.memory_space<hbm>>
    tpu.enqueue_dma source(%dma_start3A_164 : memref<128xi32, #tpu.memory_space<hbm>>) target(%dma_start3A_162 : memref<128xi32, #tpu.memory_space<vmem>>) target_semaphore(%dma_start3A_159 : memref<!tpu.dma_semaphore, #tpu.memory_space<semaphore_mem>>)
    %add3A_165 = arith.constant 512 : i32
    %add3A_166 = arith.addi %mul3A_13, %add3A_165 : i32
    %dma_start3A_167 = arith.constant 1 : i32
    %dma_start3A_168 = arith.constant 4 : i32
    %dma_start3A_169 = arith.constant 4 : i32
    %dma_start3A_170 = arith.constant 0 : i32
    %dma_start3A_171 = tpu.memref_slice %arg9[%dma_start3A_168, %dma_start3A_170] : memref<8x128xi32, #tpu.memory_space<vmem>> -> memref<1x128xi32, #tpu.memory_space<vmem>>
    %dma_start3A_172 = tpu.memref_squeeze %dma_start3A_171 : memref<1x128xi32, #tpu.memory_space<vmem>> -> memref<128xi32, #tpu.memory_space<vmem>>
    %dma_start3A_173 = tpu.memref_slice %arg3[%dma_start3A_167, %add3A_166] : memref<2x320000xi32, #tpu.memory_space<hbm>> -> memref<1x128xi32, #tpu.memory_space<hbm>>
    %dma_start3A_174 = tpu.memref_squeeze %dma_start3A_173 : memref<1x128xi32, #tpu.memory_space<hbm>> -> memref<128xi32, #tpu.memory_space<hbm>>
    %dma_start3A_175 = tpu.memref_slice %arg14[%dma_start3A_169] : memref<8x!tpu.dma_semaphore, #tpu.memory_space<semaphore_mem>> -> memref<1x!tpu.dma_semaphore, #tpu.memory_space<semaphore_mem>>
    %dma_start3A_176 = tpu.memref_squeeze %dma_start3A_175 : memref<1x!tpu.dma_semaphore, #tpu.memory_space<semaphore_mem>> -> memref<!tpu.dma_semaphore, #tpu.memory_space<semaphore_mem>>
    %dma_start3A_177 = arith.constant 0 : i32
    %dma_start3A_178 = tpu.memref_slice %arg9[%dma_start3A_168, %dma_start3A_177] : memref<8x128xi32, #tpu.memory_space<vmem>> -> memref<1x128xi32, #tpu.memory_space<vmem>>
    %dma_start3A_179 = tpu.memref_squeeze %dma_start3A_178 : memref<1x128xi32, #tpu.memory_space<vmem>> -> memref<128xi32, #tpu.memory_space<vmem>>
    %dma_start3A_180 = tpu.memref_slice %arg3[%dma_start3A_167, %add3A_166] : memref<2x320000xi32, #tpu.memory_space<hbm>> -> memref<1x128xi32, #tpu.memory_space<hbm>>
    %dma_start3A_181 = tpu.memref_squeeze %dma_start3A_180 : memref<1x128xi32, #tpu.memory_space<hbm>> -> memref<128xi32, #tpu.memory_space<hbm>>
    tpu.enqueue_dma source(%dma_start3A_181 : memref<128xi32, #tpu.memory_space<hbm>>) target(%dma_start3A_179 : memref<128xi32, #tpu.memory_space<vmem>>) target_semaphore(%dma_start3A_176 : memref<!tpu.dma_semaphore, #tpu.memory_space<semaphore_mem>>)
    %add3A_182 = arith.constant 640 : i32
    %add3A_183 = arith.addi %mul3A_13, %add3A_182 : i32
    %dma_start3A_184 = arith.constant 0 : i32
    %dma_start3A_185 = arith.constant 5 : i32
    %dma_start3A_186 = arith.constant 5 : i32
    %dma_start3A_187 = arith.constant 0 : i32
    %dma_start3A_188 = tpu.memref_slice %arg8[%dma_start3A_185, %dma_start3A_187] : memref<8x128xi32, #tpu.memory_space<vmem>> -> memref<1x128xi32, #tpu.memory_space<vmem>>
    %dma_start3A_189 = tpu.memref_squeeze %dma_start3A_188 : memref<1x128xi32, #tpu.memory_space<vmem>> -> memref<128xi32, #tpu.memory_space<vmem>>
    %dma_start3A_190 = tpu.memref_slice %arg3[%dma_start3A_184, %add3A_183] : memref<2x320000xi32, #tpu.memory_space<hbm>> -> memref<1x128xi32, #tpu.memory_space<hbm>>
    %dma_start3A_191 = tpu.memref_squeeze %dma_start3A_190 : memref<1x128xi32, #tpu.memory_space<hbm>> -> memref<128xi32, #tpu.memory_space<hbm>>
    %dma_start3A_192 = tpu.memref_slice %arg13[%dma_start3A_186] : memref<8x!tpu.dma_semaphore, #tpu.memory_space<semaphore_mem>> -> memref<1x!tpu.dma_semaphore, #tpu.memory_space<semaphore_mem>>
    %dma_start3A_193 = tpu.memref_squeeze %dma_start3A_192 : memref<1x!tpu.dma_semaphore, #tpu.memory_space<semaphore_mem>> -> memref<!tpu.dma_semaphore, #tpu.memory_space<semaphore_mem>>
    %dma_start3A_194 = arith.constant 0 : i32
    %dma_start3A_195 = tpu.memref_slice %arg8[%dma_start3A_185, %dma_start3A_194] : memref<8x128xi32, #tpu.memory_space<vmem>> -> memref<1x128xi32, #tpu.memory_space<vmem>>
    %dma_start3A_196 = tpu.memref_squeeze %dma_start3A_195 : memref<1x128xi32, #tpu.memory_space<vmem>> -> memref<128xi32, #tpu.memory_space<vmem>>
    %dma_start3A_197 = tpu.memref_slice %arg3[%dma_start3A_184, %add3A_183] : memref<2x320000xi32, #tpu.memory_space<hbm>> -> memref<1x128xi32, #tpu.memory_space<hbm>>
    %dma_start3A_198 = tpu.memref_squeeze %dma_start3A_197 : memref<1x128xi32, #tpu.memory_space<hbm>> -> memref<128xi32, #tpu.memory_space<hbm>>
    tpu.enqueue_dma source(%dma_start3A_198 : memref<128xi32, #tpu.memory_space<hbm>>) target(%dma_start3A_196 : memref<128xi32, #tpu.memory_space<vmem>>) target_semaphore(%dma_start3A_193 : memref<!tpu.dma_semaphore, #tpu.memory_space<semaphore_mem>>)
    %add3A_199 = arith.constant 640 : i32
    %add3A_200 = arith.addi %mul3A_13, %add3A_199 : i32
    %dma_start3A_201 = arith.constant 1 : i32
    %dma_start3A_202 = arith.constant 5 : i32
    %dma_start3A_203 = arith.constant 5 : i32
    %dma_start3A_204 = arith.constant 0 : i32
    %dma_start3A_205 = tpu.memref_slice %arg9[%dma_start3A_202, %dma_start3A_204] : memref<8x128xi32, #tpu.memory_space<vmem>> -> memref<1x128xi32, #tpu.memory_space<vmem>>
    %dma_start3A_206 = tpu.memref_squeeze %dma_start3A_205 : memref<1x128xi32, #tpu.memory_space<vmem>> -> memref<128xi32, #tpu.memory_space<vmem>>
    %dma_start3A_207 = tpu.memref_slice %arg3[%dma_start3A_201, %add3A_200] : memref<2x320000xi32, #tpu.memory_space<hbm>> -> memref<1x128xi32, #tpu.memory_space<hbm>>
    %dma_start3A_208 = tpu.memref_squeeze %dma_start3A_207 : memref<1x128xi32, #tpu.memory_space<hbm>> -> memref<128xi32, #tpu.memory_space<hbm>>
    %dma_start3A_209 = tpu.memref_slice %arg14[%dma_start3A_203] : memref<8x!tpu.dma_semaphore, #tpu.memory_space<semaphore_mem>> -> memref<1x!tpu.dma_semaphore, #tpu.memory_space<semaphore_mem>>
    %dma_start3A_210 = tpu.memref_squeeze %dma_start3A_209 : memref<1x!tpu.dma_semaphore, #tpu.memory_space<semaphore_mem>> -> memref<!tpu.dma_semaphore, #tpu.memory_space<semaphore_mem>>
    %dma_start3A_211 = arith.constant 0 : i32
    %dma_start3A_212 = tpu.memref_slice %arg9[%dma_start3A_202, %dma_start3A_211] : memref<8x128xi32, #tpu.memory_space<vmem>> -> memref<1x128xi32, #tpu.memory_space<vmem>>
    %dma_start3A_213 = tpu.memref_squeeze %dma_start3A_212 : memref<1x128xi32, #tpu.memory_space<vmem>> -> memref<128xi32, #tpu.memory_space<vmem>>
    %dma_start3A_214 = tpu.memref_slice %arg3[%dma_start3A_201, %add3A_200] : memref<2x320000xi32, #tpu.memory_space<hbm>> -> memref<1x128xi32, #tpu.memory_space<hbm>>
    %dma_start3A_215 = tpu.memref_squeeze %dma_start3A_214 : memref<1x128xi32, #tpu.memory_space<hbm>> -> memref<128xi32, #tpu.memory_space<hbm>>
    tpu.enqueue_dma source(%dma_start3A_215 : memref<128xi32, #tpu.memory_space<hbm>>) target(%dma_start3A_213 : memref<128xi32, #tpu.memory_space<vmem>>) target_semaphore(%dma_start3A_210 : memref<!tpu.dma_semaphore, #tpu.memory_space<semaphore_mem>>)
    %dma_wait3A = arith.constant 0 : i32
    %dma_wait3A_216 = arith.constant 0 : i32
    %dma_wait3A_217 = arith.constant 0 : i32
    %dma_wait3A_218 = arith.constant 0 : i32
    %dma_wait3A_219 = tpu.memref_slice %arg8[%dma_wait3A_216, %dma_wait3A_218] : memref<8x128xi32, #tpu.memory_space<vmem>> -> memref<1x128xi32, #tpu.memory_space<vmem>>
    %dma_wait3A_220 = tpu.memref_squeeze %dma_wait3A_219 : memref<1x128xi32, #tpu.memory_space<vmem>> -> memref<128xi32, #tpu.memory_space<vmem>>
    %dma_wait3A_221 = arith.constant 0 : i32
    %dma_wait3A_222 = tpu.memref_slice %arg3[%dma_wait3A, %dma_wait3A_221] : memref<2x320000xi32, #tpu.memory_space<hbm>> -> memref<1x128xi32, #tpu.memory_space<hbm>>
    %dma_wait3A_223 = tpu.memref_squeeze %dma_wait3A_222 : memref<1x128xi32, #tpu.memory_space<hbm>> -> memref<128xi32, #tpu.memory_space<hbm>>
    %dma_wait3A_224 = tpu.memref_slice %arg13[%dma_wait3A_217] : memref<8x!tpu.dma_semaphore, #tpu.memory_space<semaphore_mem>> -> memref<1x!tpu.dma_semaphore, #tpu.memory_space<semaphore_mem>>
    %dma_wait3A_225 = tpu.memref_squeeze %dma_wait3A_224 : memref<1x!tpu.dma_semaphore, #tpu.memory_space<semaphore_mem>> -> memref<!tpu.dma_semaphore, #tpu.memory_space<semaphore_mem>>
    %dma_wait3A_226 = arith.constant 0 : i32
    %dma_wait3A_227 = tpu.memref_slice %arg8[%dma_wait3A_216, %dma_wait3A_226] : memref<8x128xi32, #tpu.memory_space<vmem>> -> memref<1x128xi32, #tpu.memory_space<vmem>>
    %dma_wait3A_228 = tpu.memref_squeeze %dma_wait3A_227 : memref<1x128xi32, #tpu.memory_space<vmem>> -> memref<128xi32, #tpu.memory_space<vmem>>
    %dma_wait3A_229 = arith.constant 0 : i32
    %dma_wait3A_230 = tpu.memref_slice %arg3[%dma_wait3A, %dma_wait3A_229] : memref<2x320000xi32, #tpu.memory_space<hbm>> -> memref<1x128xi32, #tpu.memory_space<hbm>>
    %dma_wait3A_231 = tpu.memref_squeeze %dma_wait3A_230 : memref<1x128xi32, #tpu.memory_space<hbm>> -> memref<128xi32, #tpu.memory_space<hbm>>
    tpu.wait_dma2 semaphore(%dma_wait3A_225 : memref<!tpu.dma_semaphore, #tpu.memory_space<semaphore_mem>>) src(%dma_wait3A_231 : memref<128xi32, #tpu.memory_space<hbm>>) dst(%dma_wait3A_228 : memref<128xi32, #tpu.memory_space<vmem>>)
    %dma_start3A_232 = arith.constant 0 : i32
    %dma_start3A_233 = arith.constant 0 : i32
    %dma_start3A_234 = arith.constant 0 : i32
    %dma_start3A_235 = arith.constant 0 : i32
    %dma_start3A_236 = arith.constant 0 : i32
    %dma_start3A_237 = tpu.memref_slice %arg10[%dma_start3A_233, %dma_start3A_235, %dma_start3A_236] : memref<4x128x64xf32, #tpu.memory_space<vmem>> -> memref<1x128x64xf32, #tpu.memory_space<vmem>>
    %dma_start3A_238 = tpu.memref_squeeze %dma_start3A_237 : memref<1x128x64xf32, #tpu.memory_space<vmem>> -> memref<128x64xf32, #tpu.memory_space<vmem>>
    %dma_start3A_239 = arith.constant 0 : i32
    %dma_start3A_240 = tpu.memref_slice %arg8[%dma_start3A_232, %dma_start3A_239] : memref<8x128xi32, #tpu.memory_space<vmem>> -> memref<1x128xi32, #tpu.memory_space<vmem>>
    %dma_start3A_241 = tpu.memref_squeeze %dma_start3A_240 : memref<1x128xi32, #tpu.memory_space<vmem>> -> memref<128xi32, #tpu.memory_space<vmem>>
    %dma_start3A_242 = arith.constant 0 : i32
    %dma_start3A_243 = arith.constant 0 : i32
    %dma_start3A_244 = tpu.memref_slice %arg6[%dma_start3A_242, %dma_start3A_243] : memref<10240x64xf32, #tpu.memory_space<vmem_shared>> -> memref<10240x64xf32, #tpu.memory_space<vmem_shared>>
    %dma_start3A_245 = tpu.memref_slice %arg11[%dma_start3A_234] : memref<4x!tpu.dma_semaphore, #tpu.memory_space<semaphore_mem>> -> memref<1x!tpu.dma_semaphore, #tpu.memory_space<semaphore_mem>>
    %dma_start3A_246 = tpu.memref_squeeze %dma_start3A_245 : memref<1x!tpu.dma_semaphore, #tpu.memory_space<semaphore_mem>> -> memref<!tpu.dma_semaphore, #tpu.memory_space<semaphore_mem>>
    tpu.enqueue_indirect_dma source(%dma_start3A_244 : memref<10240x64xf32, #tpu.memory_space<vmem_shared>>) target(%dma_start3A_238 : memref<128x64xf32, #tpu.memory_space<vmem>>) offsets(%dma_start3A_241 : memref<128xi32, #tpu.memory_space<vmem>>) semaphore(%dma_start3A_246 : memref<!tpu.dma_semaphore, #tpu.memory_space<semaphore_mem>>)
    %dma_wait3A_247 = arith.constant 0 : i32
    %dma_wait3A_248 = arith.constant 1 : i32
    %dma_wait3A_249 = arith.constant 1 : i32
    %dma_wait3A_250 = arith.constant 0 : i32
    %dma_wait3A_251 = tpu.memref_slice %arg8[%dma_wait3A_248, %dma_wait3A_250] : memref<8x128xi32, #tpu.memory_space<vmem>> -> memref<1x128xi32, #tpu.memory_space<vmem>>
    %dma_wait3A_252 = tpu.memref_squeeze %dma_wait3A_251 : memref<1x128xi32, #tpu.memory_space<vmem>> -> memref<128xi32, #tpu.memory_space<vmem>>
    %dma_wait3A_253 = arith.constant 0 : i32
    %dma_wait3A_254 = tpu.memref_slice %arg3[%dma_wait3A_247, %dma_wait3A_253] : memref<2x320000xi32, #tpu.memory_space<hbm>> -> memref<1x128xi32, #tpu.memory_space<hbm>>
    %dma_wait3A_255 = tpu.memref_squeeze %dma_wait3A_254 : memref<1x128xi32, #tpu.memory_space<hbm>> -> memref<128xi32, #tpu.memory_space<hbm>>
    %dma_wait3A_256 = tpu.memref_slice %arg13[%dma_wait3A_249] : memref<8x!tpu.dma_semaphore, #tpu.memory_space<semaphore_mem>> -> memref<1x!tpu.dma_semaphore, #tpu.memory_space<semaphore_mem>>
    %dma_wait3A_257 = tpu.memref_squeeze %dma_wait3A_256 : memref<1x!tpu.dma_semaphore, #tpu.memory_space<semaphore_mem>> -> memref<!tpu.dma_semaphore, #tpu.memory_space<semaphore_mem>>
    %dma_wait3A_258 = arith.constant 0 : i32
    %dma_wait3A_259 = tpu.memref_slice %arg8[%dma_wait3A_248, %dma_wait3A_258] : memref<8x128xi32, #tpu.memory_space<vmem>> -> memref<1x128xi32, #tpu.memory_space<vmem>>
    %dma_wait3A_260 = tpu.memref_squeeze %dma_wait3A_259 : memref<1x128xi32, #tpu.memory_space<vmem>> -> memref<128xi32, #tpu.memory_space<vmem>>
    %dma_wait3A_261 = arith.constant 0 : i32
    %dma_wait3A_262 = tpu.memref_slice %arg3[%dma_wait3A_247, %dma_wait3A_261] : memref<2x320000xi32, #tpu.memory_space<hbm>> -> memref<1x128xi32, #tpu.memory_space<hbm>>
    %dma_wait3A_263 = tpu.memref_squeeze %dma_wait3A_262 : memref<1x128xi32, #tpu.memory_space<hbm>> -> memref<128xi32, #tpu.memory_space<hbm>>
    tpu.wait_dma2 semaphore(%dma_wait3A_257 : memref<!tpu.dma_semaphore, #tpu.memory_space<semaphore_mem>>) src(%dma_wait3A_263 : memref<128xi32, #tpu.memory_space<hbm>>) dst(%dma_wait3A_260 : memref<128xi32, #tpu.memory_space<vmem>>)
    %dma_start3A_264 = arith.constant 1 : i32
    %dma_start3A_265 = arith.constant 1 : i32
    %dma_start3A_266 = arith.constant 1 : i32
    %dma_start3A_267 = arith.constant 0 : i32
    %dma_start3A_268 = arith.constant 0 : i32
    %dma_start3A_269 = tpu.memref_slice %arg10[%dma_start3A_265, %dma_start3A_267, %dma_start3A_268] : memref<4x128x64xf32, #tpu.memory_space<vmem>> -> memref<1x128x64xf32, #tpu.memory_space<vmem>>
    %dma_start3A_270 = tpu.memref_squeeze %dma_start3A_269 : memref<1x128x64xf32, #tpu.memory_space<vmem>> -> memref<128x64xf32, #tpu.memory_space<vmem>>
    %dma_start3A_271 = arith.constant 0 : i32
    %dma_start3A_272 = tpu.memref_slice %arg8[%dma_start3A_264, %dma_start3A_271] : memref<8x128xi32, #tpu.memory_space<vmem>> -> memref<1x128xi32, #tpu.memory_space<vmem>>
    %dma_start3A_273 = tpu.memref_squeeze %dma_start3A_272 : memref<1x128xi32, #tpu.memory_space<vmem>> -> memref<128xi32, #tpu.memory_space<vmem>>
    %dma_start3A_274 = arith.constant 0 : i32
    %dma_start3A_275 = arith.constant 0 : i32
    %dma_start3A_276 = tpu.memref_slice %arg6[%dma_start3A_274, %dma_start3A_275] : memref<10240x64xf32, #tpu.memory_space<vmem_shared>> -> memref<10240x64xf32, #tpu.memory_space<vmem_shared>>
    %dma_start3A_277 = tpu.memref_slice %arg11[%dma_start3A_266] : memref<4x!tpu.dma_semaphore, #tpu.memory_space<semaphore_mem>> -> memref<1x!tpu.dma_semaphore, #tpu.memory_space<semaphore_mem>>
    %dma_start3A_278 = tpu.memref_squeeze %dma_start3A_277 : memref<1x!tpu.dma_semaphore, #tpu.memory_space<semaphore_mem>> -> memref<!tpu.dma_semaphore, #tpu.memory_space<semaphore_mem>>
    tpu.enqueue_indirect_dma source(%dma_start3A_276 : memref<10240x64xf32, #tpu.memory_space<vmem_shared>>) target(%dma_start3A_270 : memref<128x64xf32, #tpu.memory_space<vmem>>) offsets(%dma_start3A_273 : memref<128xi32, #tpu.memory_space<vmem>>) semaphore(%dma_start3A_278 : memref<!tpu.dma_semaphore, #tpu.memory_space<semaphore_mem>>)
    %dma_wait3A_279 = arith.constant 0 : i32
    %dma_wait3A_280 = arith.constant 2 : i32
    %dma_wait3A_281 = arith.constant 2 : i32
    %dma_wait3A_282 = arith.constant 0 : i32
    %dma_wait3A_283 = tpu.memref_slice %arg8[%dma_wait3A_280, %dma_wait3A_282] : memref<8x128xi32, #tpu.memory_space<vmem>> -> memref<1x128xi32, #tpu.memory_space<vmem>>
    %dma_wait3A_284 = tpu.memref_squeeze %dma_wait3A_283 : memref<1x128xi32, #tpu.memory_space<vmem>> -> memref<128xi32, #tpu.memory_space<vmem>>
    %dma_wait3A_285 = arith.constant 0 : i32
    %dma_wait3A_286 = tpu.memref_slice %arg3[%dma_wait3A_279, %dma_wait3A_285] : memref<2x320000xi32, #tpu.memory_space<hbm>> -> memref<1x128xi32, #tpu.memory_space<hbm>>
    %dma_wait3A_287 = tpu.memref_squeeze %dma_wait3A_286 : memref<1x128xi32, #tpu.memory_space<hbm>> -> memref<128xi32, #tpu.memory_space<hbm>>
    %dma_wait3A_288 = tpu.memref_slice %arg13[%dma_wait3A_281] : memref<8x!tpu.dma_semaphore, #tpu.memory_space<semaphore_mem>> -> memref<1x!tpu.dma_semaphore, #tpu.memory_space<semaphore_mem>>
    %dma_wait3A_289 = tpu.memref_squeeze %dma_wait3A_288 : memref<1x!tpu.dma_semaphore, #tpu.memory_space<semaphore_mem>> -> memref<!tpu.dma_semaphore, #tpu.memory_space<semaphore_mem>>
    %dma_wait3A_290 = arith.constant 0 : i32
    %dma_wait3A_291 = tpu.memref_slice %arg8[%dma_wait3A_280, %dma_wait3A_290] : memref<8x128xi32, #tpu.memory_space<vmem>> -> memref<1x128xi32, #tpu.memory_space<vmem>>
    %dma_wait3A_292 = tpu.memref_squeeze %dma_wait3A_291 : memref<1x128xi32, #tpu.memory_space<vmem>> -> memref<128xi32, #tpu.memory_space<vmem>>
    %dma_wait3A_293 = arith.constant 0 : i32
    %dma_wait3A_294 = tpu.memref_slice %arg3[%dma_wait3A_279, %dma_wait3A_293] : memref<2x320000xi32, #tpu.memory_space<hbm>> -> memref<1x128xi32, #tpu.memory_space<hbm>>
    %dma_wait3A_295 = tpu.memref_squeeze %dma_wait3A_294 : memref<1x128xi32, #tpu.memory_space<hbm>> -> memref<128xi32, #tpu.memory_space<hbm>>
    tpu.wait_dma2 semaphore(%dma_wait3A_289 : memref<!tpu.dma_semaphore, #tpu.memory_space<semaphore_mem>>) src(%dma_wait3A_295 : memref<128xi32, #tpu.memory_space<hbm>>) dst(%dma_wait3A_292 : memref<128xi32, #tpu.memory_space<vmem>>)
    %dma_start3A_296 = arith.constant 2 : i32
    %dma_start3A_297 = arith.constant 2 : i32
    %dma_start3A_298 = arith.constant 2 : i32
    %dma_start3A_299 = arith.constant 0 : i32
    %dma_start3A_300 = arith.constant 0 : i32
    %dma_start3A_301 = tpu.memref_slice %arg10[%dma_start3A_297, %dma_start3A_299, %dma_start3A_300] : memref<4x128x64xf32, #tpu.memory_space<vmem>> -> memref<1x128x64xf32, #tpu.memory_space<vmem>>
    %dma_start3A_302 = tpu.memref_squeeze %dma_start3A_301 : memref<1x128x64xf32, #tpu.memory_space<vmem>> -> memref<128x64xf32, #tpu.memory_space<vmem>>
    %dma_start3A_303 = arith.constant 0 : i32
    %dma_start3A_304 = tpu.memref_slice %arg8[%dma_start3A_296, %dma_start3A_303] : memref<8x128xi32, #tpu.memory_space<vmem>> -> memref<1x128xi32, #tpu.memory_space<vmem>>
    %dma_start3A_305 = tpu.memref_squeeze %dma_start3A_304 : memref<1x128xi32, #tpu.memory_space<vmem>> -> memref<128xi32, #tpu.memory_space<vmem>>
    %dma_start3A_306 = arith.constant 0 : i32
    %dma_start3A_307 = arith.constant 0 : i32
    %dma_start3A_308 = tpu.memref_slice %arg6[%dma_start3A_306, %dma_start3A_307] : memref<10240x64xf32, #tpu.memory_space<vmem_shared>> -> memref<10240x64xf32, #tpu.memory_space<vmem_shared>>
    %dma_start3A_309 = tpu.memref_slice %arg11[%dma_start3A_298] : memref<4x!tpu.dma_semaphore, #tpu.memory_space<semaphore_mem>> -> memref<1x!tpu.dma_semaphore, #tpu.memory_space<semaphore_mem>>
    %dma_start3A_310 = tpu.memref_squeeze %dma_start3A_309 : memref<1x!tpu.dma_semaphore, #tpu.memory_space<semaphore_mem>> -> memref<!tpu.dma_semaphore, #tpu.memory_space<semaphore_mem>>
    tpu.enqueue_indirect_dma source(%dma_start3A_308 : memref<10240x64xf32, #tpu.memory_space<vmem_shared>>) target(%dma_start3A_302 : memref<128x64xf32, #tpu.memory_space<vmem>>) offsets(%dma_start3A_305 : memref<128xi32, #tpu.memory_space<vmem>>) semaphore(%dma_start3A_310 : memref<!tpu.dma_semaphore, #tpu.memory_space<semaphore_mem>>)
    %while3A = arith.constant 0 : i32
    %while3A_311 = arith.constant 0 : i32
    %while3A_312 = arith.subi %select_n3A, %while3A_311 : i32
    %while3A_313 = arith.addi %while3A_311, %while3A_312 : i32
    %while3A_314 = arith.constant 1 : i32
    %while3A_315 = arith.divsi %while3A_312, %while3A_314 : i32
    %while3A_316 = arith.muli %while3A_315, %while3A_314 : i32
    %while3A_317 = arith.addi %while3A_311, %while3A_316 : i32
    %while3A_318 = arith.constant 1 : i32
    scf.for %while3A_836 = %while3A_311 to %while3A_317 step %while3A_318  : i32 {
      %rem3A_837 = arith.constant 8 : i32
      %rem3A_838 = arith.remsi %while3A_836, %rem3A_837 : i32
      %rem3A_839 = arith.constant 4 : i32
      %rem3A_840 = arith.remsi %while3A_836, %rem3A_839 : i32
      %dma_wait3A_841 = arith.constant 0 : i32
      %dma_wait3A_842 = arith.constant 0 : i32
      %dma_wait3A_843 = arith.constant 0 : i32
      %dma_wait3A_844 = tpu.memref_slice %arg10[%rem3A_840, %dma_wait3A_842, %dma_wait3A_843] : memref<4x128x64xf32, #tpu.memory_space<vmem>> -> memref<1x128x64xf32, #tpu.memory_space<vmem>>
      %dma_wait3A_845 = tpu.memref_squeeze %dma_wait3A_844 : memref<1x128x64xf32, #tpu.memory_space<vmem>> -> memref<128x64xf32, #tpu.memory_space<vmem>>
      %dma_wait3A_846 = arith.constant 0 : i32
      %dma_wait3A_847 = tpu.memref_slice %arg8[%dma_wait3A_841, %dma_wait3A_846] : memref<8x128xi32, #tpu.memory_space<vmem>> -> memref<1x128xi32, #tpu.memory_space<vmem>>
      %dma_wait3A_848 = tpu.memref_squeeze %dma_wait3A_847 : memref<1x128xi32, #tpu.memory_space<vmem>> -> memref<128xi32, #tpu.memory_space<vmem>>
      %dma_wait3A_849 = arith.constant 0 : i32
      %dma_wait3A_850 = arith.constant 0 : i32
      %dma_wait3A_851 = tpu.memref_slice %arg6[%dma_wait3A_849, %dma_wait3A_850] : memref<10240x64xf32, #tpu.memory_space<vmem_shared>> -> memref<10240x64xf32, #tpu.memory_space<vmem_shared>>
      %dma_wait3A_852 = tpu.memref_slice %arg11[%rem3A_840] : memref<4x!tpu.dma_semaphore, #tpu.memory_space<semaphore_mem>> -> memref<1x!tpu.dma_semaphore, #tpu.memory_space<semaphore_mem>>
      %dma_wait3A_853 = tpu.memref_squeeze %dma_wait3A_852 : memref<1x!tpu.dma_semaphore, #tpu.memory_space<semaphore_mem>> -> memref<!tpu.dma_semaphore, #tpu.memory_space<semaphore_mem>>
      tpu.wait_indirect_dma semaphore(%dma_wait3A_853 : memref<!tpu.dma_semaphore, #tpu.memory_space<semaphore_mem>>) src(%dma_wait3A_851 : memref<10240x64xf32, #tpu.memory_space<vmem_shared>>) dst(%dma_wait3A_845 : memref<128x64xf32, #tpu.memory_space<vmem>>)
      %dma_wait3A_854 = arith.constant 1 : i32
      %dma_wait3A_855 = arith.constant 0 : i32
      %dma_wait3A_856 = tpu.memref_slice %arg9[%rem3A_838, %dma_wait3A_855] : memref<8x128xi32, #tpu.memory_space<vmem>> -> memref<1x128xi32, #tpu.memory_space<vmem>>
      %dma_wait3A_857 = tpu.memref_squeeze %dma_wait3A_856 : memref<1x128xi32, #tpu.memory_space<vmem>> -> memref<128xi32, #tpu.memory_space<vmem>>
      %dma_wait3A_858 = arith.constant 0 : i32
      %dma_wait3A_859 = tpu.memref_slice %arg3[%dma_wait3A_854, %dma_wait3A_858] : memref<2x320000xi32, #tpu.memory_space<hbm>> -> memref<1x128xi32, #tpu.memory_space<hbm>>
      %dma_wait3A_860 = tpu.memref_squeeze %dma_wait3A_859 : memref<1x128xi32, #tpu.memory_space<hbm>> -> memref<128xi32, #tpu.memory_space<hbm>>
      %dma_wait3A_861 = tpu.memref_slice %arg14[%rem3A_838] : memref<8x!tpu.dma_semaphore, #tpu.memory_space<semaphore_mem>> -> memref<1x!tpu.dma_semaphore, #tpu.memory_space<semaphore_mem>>
      %dma_wait3A_862 = tpu.memref_squeeze %dma_wait3A_861 : memref<1x!tpu.dma_semaphore, #tpu.memory_space<semaphore_mem>> -> memref<!tpu.dma_semaphore, #tpu.memory_space<semaphore_mem>>
      %dma_wait3A_863 = arith.constant 0 : i32
      %dma_wait3A_864 = tpu.memref_slice %arg9[%rem3A_838, %dma_wait3A_863] : memref<8x128xi32, #tpu.memory_space<vmem>> -> memref<1x128xi32, #tpu.memory_space<vmem>>
      %dma_wait3A_865 = tpu.memref_squeeze %dma_wait3A_864 : memref<1x128xi32, #tpu.memory_space<vmem>> -> memref<128xi32, #tpu.memory_space<vmem>>
      %dma_wait3A_866 = arith.constant 0 : i32
      %dma_wait3A_867 = tpu.memref_slice %arg3[%dma_wait3A_854, %dma_wait3A_866] : memref<2x320000xi32, #tpu.memory_space<hbm>> -> memref<1x128xi32, #tpu.memory_space<hbm>>
      %dma_wait3A_868 = tpu.memref_squeeze %dma_wait3A_867 : memref<1x128xi32, #tpu.memory_space<hbm>> -> memref<128xi32, #tpu.memory_space<hbm>>
      tpu.wait_dma2 semaphore(%dma_wait3A_862 : memref<!tpu.dma_semaphore, #tpu.memory_space<semaphore_mem>>) src(%dma_wait3A_868 : memref<128xi32, #tpu.memory_space<hbm>>) dst(%dma_wait3A_865 : memref<128xi32, #tpu.memory_space<vmem>>)
      %dma_start3A_869 = arith.constant 0 : i32
      %dma_start3A_870 = arith.constant 0 : i32
      %dma_start3A_871 = tpu.memref_slice %arg10[%rem3A_840, %dma_start3A_869, %dma_start3A_870] : memref<4x128x64xf32, #tpu.memory_space<vmem>> -> memref<1x128x64xf32, #tpu.memory_space<vmem>>
      %dma_start3A_872 = tpu.memref_squeeze %dma_start3A_871 : memref<1x128x64xf32, #tpu.memory_space<vmem>> -> memref<128x64xf32, #tpu.memory_space<vmem>>
      %dma_start3A_873 = arith.constant 0 : i32
      %dma_start3A_874 = tpu.memref_slice %arg9[%rem3A_838, %dma_start3A_873] : memref<8x128xi32, #tpu.memory_space<vmem>> -> memref<1x128xi32, #tpu.memory_space<vmem>>
      %dma_start3A_875 = tpu.memref_squeeze %dma_start3A_874 : memref<1x128xi32, #tpu.memory_space<vmem>> -> memref<128xi32, #tpu.memory_space<vmem>>
      %dma_start3A_876 = arith.constant 0 : i32
      %dma_start3A_877 = arith.constant 0 : i32
      %dma_start3A_878 = tpu.memref_slice %arg7[%dma_start3A_876, %dma_start3A_877] : memref<10240x64xf32, #tpu.memory_space<vmem_shared>> -> memref<10240x64xf32, #tpu.memory_space<vmem_shared>>
      %dma_start3A_879 = tpu.memref_slice %arg12[%rem3A_840] : memref<4x!tpu.dma_semaphore, #tpu.memory_space<semaphore_mem>> -> memref<1x!tpu.dma_semaphore, #tpu.memory_space<semaphore_mem>>
      %dma_start3A_880 = tpu.memref_squeeze %dma_start3A_879 : memref<1x!tpu.dma_semaphore, #tpu.memory_space<semaphore_mem>> -> memref<!tpu.dma_semaphore, #tpu.memory_space<semaphore_mem>>
      tpu.enqueue_indirect_dma source(%dma_start3A_872 : memref<128x64xf32, #tpu.memory_space<vmem>>) target(%dma_start3A_878 : memref<10240x64xf32, #tpu.memory_space<vmem_shared>>) offsets(%dma_start3A_875 : memref<128xi32, #tpu.memory_space<vmem>>) semaphore(%dma_start3A_880 : memref<!tpu.dma_semaphore, #tpu.memory_space<semaphore_mem>>) {add = true}
      %add3A_881 = arith.constant 3 : i32
      %add3A_882 = arith.addi %while3A_836, %add3A_881 : i32
      %lt3A_883 = arith.cmpi slt, %add3A_882, %select_n3A : i32
      %convert_element_type3A_884 = arith.extui %lt3A_883 : i1 to i32
      %cond3A_885 = arith.constant 0 : i32
      %cond3A_886 = arith.cmpi ne, %convert_element_type3A_884, %cond3A_885 : i32
      scf.if %cond3A_886 {
        %rem3A_893 = arith.constant 8 : i32
        %rem3A_894 = arith.remsi %add3A_882, %rem3A_893 : i32
        %rem3A_895 = arith.constant 4 : i32
        %rem3A_896 = arith.remsi %add3A_882, %rem3A_895 : i32
        %ge3A = arith.constant 4 : i32
        %ge3A_897 = arith.cmpi sge, %add3A_882, %ge3A : i32
        %convert_element_type3A_898 = arith.extui %ge3A_897 : i1 to i32
        %cond3A_899 = arith.constant 0 : i32
        %cond3A_900 = arith.cmpi ne, %convert_element_type3A_898, %cond3A_899 : i32
        scf.if %cond3A_900 {
          %dma_wait3A_928 = arith.constant 0 : i32
          %dma_wait3A_929 = arith.constant 0 : i32
          %dma_wait3A_930 = tpu.memref_slice %arg10[%rem3A_896, %dma_wait3A_928, %dma_wait3A_929] : memref<4x128x64xf32, #tpu.memory_space<vmem>> -> memref<1x128x64xf32, #tpu.memory_space<vmem>>
          %dma_wait3A_931 = tpu.memref_squeeze %dma_wait3A_930 : memref<1x128x64xf32, #tpu.memory_space<vmem>> -> memref<128x64xf32, #tpu.memory_space<vmem>>
          %dma_wait3A_932 = arith.constant 0 : i32
          %dma_wait3A_933 = tpu.memref_slice %arg9[%rem3A_894, %dma_wait3A_932] : memref<8x128xi32, #tpu.memory_space<vmem>> -> memref<1x128xi32, #tpu.memory_space<vmem>>
          %dma_wait3A_934 = tpu.memref_squeeze %dma_wait3A_933 : memref<1x128xi32, #tpu.memory_space<vmem>> -> memref<128xi32, #tpu.memory_space<vmem>>
          %dma_wait3A_935 = arith.constant 0 : i32
          %dma_wait3A_936 = arith.constant 0 : i32
          %dma_wait3A_937 = tpu.memref_slice %arg7[%dma_wait3A_935, %dma_wait3A_936] : memref<10240x64xf32, #tpu.memory_space<vmem_shared>> -> memref<10240x64xf32, #tpu.memory_space<vmem_shared>>
          %dma_wait3A_938 = tpu.memref_slice %arg12[%rem3A_896] : memref<4x!tpu.dma_semaphore, #tpu.memory_space<semaphore_mem>> -> memref<1x!tpu.dma_semaphore, #tpu.memory_space<semaphore_mem>>
          %dma_wait3A_939 = tpu.memref_squeeze %dma_wait3A_938 : memref<1x!tpu.dma_semaphore, #tpu.memory_space<semaphore_mem>> -> memref<!tpu.dma_semaphore, #tpu.memory_space<semaphore_mem>>
          tpu.wait_indirect_dma semaphore(%dma_wait3A_939 : memref<!tpu.dma_semaphore, #tpu.memory_space<semaphore_mem>>) src(%dma_wait3A_931 : memref<128x64xf32, #tpu.memory_space<vmem>>) dst(%dma_wait3A_937 : memref<10240x64xf32, #tpu.memory_space<vmem_shared>>)
        } else {
        }
        %dma_wait3A_901 = arith.constant 0 : i32
        %dma_wait3A_902 = arith.constant 0 : i32
        %dma_wait3A_903 = tpu.memref_slice %arg8[%rem3A_894, %dma_wait3A_902] : memref<8x128xi32, #tpu.memory_space<vmem>> -> memref<1x128xi32, #tpu.memory_space<vmem>>
        %dma_wait3A_904 = tpu.memref_squeeze %dma_wait3A_903 : memref<1x128xi32, #tpu.memory_space<vmem>> -> memref<128xi32, #tpu.memory_space<vmem>>
        %dma_wait3A_905 = arith.constant 0 : i32
        %dma_wait3A_906 = tpu.memref_slice %arg3[%dma_wait3A_901, %dma_wait3A_905] : memref<2x320000xi32, #tpu.memory_space<hbm>> -> memref<1x128xi32, #tpu.memory_space<hbm>>
        %dma_wait3A_907 = tpu.memref_squeeze %dma_wait3A_906 : memref<1x128xi32, #tpu.memory_space<hbm>> -> memref<128xi32, #tpu.memory_space<hbm>>
        %dma_wait3A_908 = tpu.memref_slice %arg13[%rem3A_894] : memref<8x!tpu.dma_semaphore, #tpu.memory_space<semaphore_mem>> -> memref<1x!tpu.dma_semaphore, #tpu.memory_space<semaphore_mem>>
        %dma_wait3A_909 = tpu.memref_squeeze %dma_wait3A_908 : memref<1x!tpu.dma_semaphore, #tpu.memory_space<semaphore_mem>> -> memref<!tpu.dma_semaphore, #tpu.memory_space<semaphore_mem>>
        %dma_wait3A_910 = arith.constant 0 : i32
        %dma_wait3A_911 = tpu.memref_slice %arg8[%rem3A_894, %dma_wait3A_910] : memref<8x128xi32, #tpu.memory_space<vmem>> -> memref<1x128xi32, #tpu.memory_space<vmem>>
        %dma_wait3A_912 = tpu.memref_squeeze %dma_wait3A_911 : memref<1x128xi32, #tpu.memory_space<vmem>> -> memref<128xi32, #tpu.memory_space<vmem>>
        %dma_wait3A_913 = arith.constant 0 : i32
        %dma_wait3A_914 = tpu.memref_slice %arg3[%dma_wait3A_901, %dma_wait3A_913] : memref<2x320000xi32, #tpu.memory_space<hbm>> -> memref<1x128xi32, #tpu.memory_space<hbm>>
        %dma_wait3A_915 = tpu.memref_squeeze %dma_wait3A_914 : memref<1x128xi32, #tpu.memory_space<hbm>> -> memref<128xi32, #tpu.memory_space<hbm>>
        tpu.wait_dma2 semaphore(%dma_wait3A_909 : memref<!tpu.dma_semaphore, #tpu.memory_space<semaphore_mem>>) src(%dma_wait3A_915 : memref<128xi32, #tpu.memory_space<hbm>>) dst(%dma_wait3A_912 : memref<128xi32, #tpu.memory_space<vmem>>)
        %dma_start3A_916 = arith.constant 0 : i32
        %dma_start3A_917 = arith.constant 0 : i32
        %dma_start3A_918 = tpu.memref_slice %arg10[%rem3A_896, %dma_start3A_916, %dma_start3A_917] : memref<4x128x64xf32, #tpu.memory_space<vmem>> -> memref<1x128x64xf32, #tpu.memory_space<vmem>>
        %dma_start3A_919 = tpu.memref_squeeze %dma_start3A_918 : memref<1x128x64xf32, #tpu.memory_space<vmem>> -> memref<128x64xf32, #tpu.memory_space<vmem>>
        %dma_start3A_920 = arith.constant 0 : i32
        %dma_start3A_921 = tpu.memref_slice %arg8[%rem3A_894, %dma_start3A_920] : memref<8x128xi32, #tpu.memory_space<vmem>> -> memref<1x128xi32, #tpu.memory_space<vmem>>
        %dma_start3A_922 = tpu.memref_squeeze %dma_start3A_921 : memref<1x128xi32, #tpu.memory_space<vmem>> -> memref<128xi32, #tpu.memory_space<vmem>>
        %dma_start3A_923 = arith.constant 0 : i32
        %dma_start3A_924 = arith.constant 0 : i32
        %dma_start3A_925 = tpu.memref_slice %arg6[%dma_start3A_923, %dma_start3A_924] : memref<10240x64xf32, #tpu.memory_space<vmem_shared>> -> memref<10240x64xf32, #tpu.memory_space<vmem_shared>>
        %dma_start3A_926 = tpu.memref_slice %arg11[%rem3A_896] : memref<4x!tpu.dma_semaphore, #tpu.memory_space<semaphore_mem>> -> memref<1x!tpu.dma_semaphore, #tpu.memory_space<semaphore_mem>>
        %dma_start3A_927 = tpu.memref_squeeze %dma_start3A_926 : memref<1x!tpu.dma_semaphore, #tpu.memory_space<semaphore_mem>> -> memref<!tpu.dma_semaphore, #tpu.memory_space<semaphore_mem>>
        tpu.enqueue_indirect_dma source(%dma_start3A_925 : memref<10240x64xf32, #tpu.memory_space<vmem_shared>>) target(%dma_start3A_919 : memref<128x64xf32, #tpu.memory_space<vmem>>) offsets(%dma_start3A_922 : memref<128xi32, #tpu.memory_space<vmem>>) semaphore(%dma_start3A_927 : memref<!tpu.dma_semaphore, #tpu.memory_space<semaphore_mem>>)
      } else {
      }
      %add3A_887 = arith.constant 6 : i32
      %add3A_888 = arith.addi %while3A_836, %add3A_887 : i32
      %lt3A_889 = arith.cmpi slt, %add3A_888, %select_n3A : i32
      %convert_element_type3A_890 = arith.extui %lt3A_889 : i1 to i32
      %cond3A_891 = arith.constant 0 : i32
      %cond3A_892 = arith.cmpi ne, %convert_element_type3A_890, %cond3A_891 : i32
      scf.if %cond3A_892 {
        %rem3A_893 = arith.constant 8 : i32
        %rem3A_894 = arith.remsi %add3A_888, %rem3A_893 : i32
        %mul3A_895 = arith.constant 128 : i32
        %mul3A_896 = arith.muli %add3A_888, %mul3A_895 : i32
        %add3A_897 = arith.addi %mul3A_13, %mul3A_896 : i32
        %dma_start3A_898 = arith.constant 0 : i32
        %dma_start3A_899 = arith.constant 0 : i32
        %dma_start3A_900 = tpu.memref_slice %arg8[%rem3A_894, %dma_start3A_899] : memref<8x128xi32, #tpu.memory_space<vmem>> -> memref<1x128xi32, #tpu.memory_space<vmem>>
        %dma_start3A_901 = tpu.memref_squeeze %dma_start3A_900 : memref<1x128xi32, #tpu.memory_space<vmem>> -> memref<128xi32, #tpu.memory_space<vmem>>
        %dma_start3A_902 = tpu.memref_slice %arg3[%dma_start3A_898, %add3A_897] : memref<2x320000xi32, #tpu.memory_space<hbm>> -> memref<1x128xi32, #tpu.memory_space<hbm>>
        %dma_start3A_903 = tpu.memref_squeeze %dma_start3A_902 : memref<1x128xi32, #tpu.memory_space<hbm>> -> memref<128xi32, #tpu.memory_space<hbm>>
        %dma_start3A_904 = tpu.memref_slice %arg13[%rem3A_894] : memref<8x!tpu.dma_semaphore, #tpu.memory_space<semaphore_mem>> -> memref<1x!tpu.dma_semaphore, #tpu.memory_space<semaphore_mem>>
        %dma_start3A_905 = tpu.memref_squeeze %dma_start3A_904 : memref<1x!tpu.dma_semaphore, #tpu.memory_space<semaphore_mem>> -> memref<!tpu.dma_semaphore, #tpu.memory_space<semaphore_mem>>
        %dma_start3A_906 = arith.constant 0 : i32
        %dma_start3A_907 = tpu.memref_slice %arg8[%rem3A_894, %dma_start3A_906] : memref<8x128xi32, #tpu.memory_space<vmem>> -> memref<1x128xi32, #tpu.memory_space<vmem>>
        %dma_start3A_908 = tpu.memref_squeeze %dma_start3A_907 : memref<1x128xi32, #tpu.memory_space<vmem>> -> memref<128xi32, #tpu.memory_space<vmem>>
        %dma_start3A_909 = tpu.memref_slice %arg3[%dma_start3A_898, %add3A_897] : memref<2x320000xi32, #tpu.memory_space<hbm>> -> memref<1x128xi32, #tpu.memory_space<hbm>>
        %dma_start3A_910 = tpu.memref_squeeze %dma_start3A_909 : memref<1x128xi32, #tpu.memory_space<hbm>> -> memref<128xi32, #tpu.memory_space<hbm>>
        tpu.enqueue_dma source(%dma_start3A_910 : memref<128xi32, #tpu.memory_space<hbm>>) target(%dma_start3A_908 : memref<128xi32, #tpu.memory_space<vmem>>) target_semaphore(%dma_start3A_905 : memref<!tpu.dma_semaphore, #tpu.memory_space<semaphore_mem>>)
        %mul3A_911 = arith.constant 128 : i32
        %mul3A_912 = arith.muli %add3A_888, %mul3A_911 : i32
        %add3A_913 = arith.addi %mul3A_13, %mul3A_912 : i32
        %dma_start3A_914 = arith.constant 1 : i32
        %dma_start3A_915 = arith.constant 0 : i32
        %dma_start3A_916 = tpu.memref_slice %arg9[%rem3A_894, %dma_start3A_915] : memref<8x128xi32, #tpu.memory_space<vmem>> -> memref<1x128xi32, #tpu.memory_space<vmem>>
        %dma_start3A_917 = tpu.memref_squeeze %dma_start3A_916 : memref<1x128xi32, #tpu.memory_space<vmem>> -> memref<128xi32, #tpu.memory_space<vmem>>
        %dma_start3A_918 = tpu.memref_slice %arg3[%dma_start3A_914, %add3A_913] : memref<2x320000xi32, #tpu.memory_space<hbm>> -> memref<1x128xi32, #tpu.memory_space<hbm>>
        %dma_start3A_919 = tpu.memref_squeeze %dma_start3A_918 : memref<1x128xi32, #tpu.memory_space<hbm>> -> memref<128xi32, #tpu.memory_space<hbm>>
        %dma_start3A_920 = tpu.memref_slice %arg14[%rem3A_894] : memref<8x!tpu.dma_semaphore, #tpu.memory_space<semaphore_mem>> -> memref<1x!tpu.dma_semaphore, #tpu.memory_space<semaphore_mem>>
        %dma_start3A_921 = tpu.memref_squeeze %dma_start3A_920 : memref<1x!tpu.dma_semaphore, #tpu.memory_space<semaphore_mem>> -> memref<!tpu.dma_semaphore, #tpu.memory_space<semaphore_mem>>
        %dma_start3A_922 = arith.constant 0 : i32
        %dma_start3A_923 = tpu.memref_slice %arg9[%rem3A_894, %dma_start3A_922] : memref<8x128xi32, #tpu.memory_space<vmem>> -> memref<1x128xi32, #tpu.memory_space<vmem>>
        %dma_start3A_924 = tpu.memref_squeeze %dma_start3A_923 : memref<1x128xi32, #tpu.memory_space<vmem>> -> memref<128xi32, #tpu.memory_space<vmem>>
        %dma_start3A_925 = tpu.memref_slice %arg3[%dma_start3A_914, %add3A_913] : memref<2x320000xi32, #tpu.memory_space<hbm>> -> memref<1x128xi32, #tpu.memory_space<hbm>>
        %dma_start3A_926 = tpu.memref_squeeze %dma_start3A_925 : memref<1x128xi32, #tpu.memory_space<hbm>> -> memref<128xi32, #tpu.memory_space<hbm>>
        tpu.enqueue_dma source(%dma_start3A_926 : memref<128xi32, #tpu.memory_space<hbm>>) target(%dma_start3A_924 : memref<128xi32, #tpu.memory_space<vmem>>) target_semaphore(%dma_start3A_921 : memref<!tpu.dma_semaphore, #tpu.memory_space<semaphore_mem>>)
      } else {
      }
    }
    %while3A_319 = arith.constant 1 : i32
    scf.for %while3A_836 = %while3A_317 to %while3A_313 step %while3A_319  : i32 {
      %rem3A_837 = arith.constant 8 : i32
      %rem3A_838 = arith.remsi %while3A_836, %rem3A_837 : i32
      %rem3A_839 = arith.constant 4 : i32
      %rem3A_840 = arith.remsi %while3A_836, %rem3A_839 : i32
      %dma_wait3A_841 = arith.constant 0 : i32
      %dma_wait3A_842 = arith.constant 0 : i32
      %dma_wait3A_843 = arith.constant 0 : i32
      %dma_wait3A_844 = tpu.memref_slice %arg10[%rem3A_840, %dma_wait3A_842, %dma_wait3A_843] : memref<4x128x64xf32, #tpu.memory_space<vmem>> -> memref<1x128x64xf32, #tpu.memory_space<vmem>>
      %dma_wait3A_845 = tpu.memref_squeeze %dma_wait3A_844 : memref<1x128x64xf32, #tpu.memory_space<vmem>> -> memref<128x64xf32, #tpu.memory_space<vmem>>
      %dma_wait3A_846 = arith.constant 0 : i32
      %dma_wait3A_847 = tpu.memref_slice %arg8[%dma_wait3A_841, %dma_wait3A_846] : memref<8x128xi32, #tpu.memory_space<vmem>> -> memref<1x128xi32, #tpu.memory_space<vmem>>
      %dma_wait3A_848 = tpu.memref_squeeze %dma_wait3A_847 : memref<1x128xi32, #tpu.memory_space<vmem>> -> memref<128xi32, #tpu.memory_space<vmem>>
      %dma_wait3A_849 = arith.constant 0 : i32
      %dma_wait3A_850 = arith.constant 0 : i32
      %dma_wait3A_851 = tpu.memref_slice %arg6[%dma_wait3A_849, %dma_wait3A_850] : memref<10240x64xf32, #tpu.memory_space<vmem_shared>> -> memref<10240x64xf32, #tpu.memory_space<vmem_shared>>
      %dma_wait3A_852 = tpu.memref_slice %arg11[%rem3A_840] : memref<4x!tpu.dma_semaphore, #tpu.memory_space<semaphore_mem>> -> memref<1x!tpu.dma_semaphore, #tpu.memory_space<semaphore_mem>>
      %dma_wait3A_853 = tpu.memref_squeeze %dma_wait3A_852 : memref<1x!tpu.dma_semaphore, #tpu.memory_space<semaphore_mem>> -> memref<!tpu.dma_semaphore, #tpu.memory_space<semaphore_mem>>
      tpu.wait_indirect_dma semaphore(%dma_wait3A_853 : memref<!tpu.dma_semaphore, #tpu.memory_space<semaphore_mem>>) src(%dma_wait3A_851 : memref<10240x64xf32, #tpu.memory_space<vmem_shared>>) dst(%dma_wait3A_845 : memref<128x64xf32, #tpu.memory_space<vmem>>)
      %dma_wait3A_854 = arith.constant 1 : i32
      %dma_wait3A_855 = arith.constant 0 : i32
      %dma_wait3A_856 = tpu.memref_slice %arg9[%rem3A_838, %dma_wait3A_855] : memref<8x128xi32, #tpu.memory_space<vmem>> -> memref<1x128xi32, #tpu.memory_space<vmem>>
      %dma_wait3A_857 = tpu.memref_squeeze %dma_wait3A_856 : memref<1x128xi32, #tpu.memory_space<vmem>> -> memref<128xi32, #tpu.memory_space<vmem>>
      %dma_wait3A_858 = arith.constant 0 : i32
      %dma_wait3A_859 = tpu.memref_slice %arg3[%dma_wait3A_854, %dma_wait3A_858] : memref<2x320000xi32, #tpu.memory_space<hbm>> -> memref<1x128xi32, #tpu.memory_space<hbm>>
      %dma_wait3A_860 = tpu.memref_squeeze %dma_wait3A_859 : memref<1x128xi32, #tpu.memory_space<hbm>> -> memref<128xi32, #tpu.memory_space<hbm>>
      %dma_wait3A_861 = tpu.memref_slice %arg14[%rem3A_838] : memref<8x!tpu.dma_semaphore, #tpu.memory_space<semaphore_mem>> -> memref<1x!tpu.dma_semaphore, #tpu.memory_space<semaphore_mem>>
      %dma_wait3A_862 = tpu.memref_squeeze %dma_wait3A_861 : memref<1x!tpu.dma_semaphore, #tpu.memory_space<semaphore_mem>> -> memref<!tpu.dma_semaphore, #tpu.memory_space<semaphore_mem>>
      %dma_wait3A_863 = arith.constant 0 : i32
      %dma_wait3A_864 = tpu.memref_slice %arg9[%rem3A_838, %dma_wait3A_863] : memref<8x128xi32, #tpu.memory_space<vmem>> -> memref<1x128xi32, #tpu.memory_space<vmem>>
      %dma_wait3A_865 = tpu.memref_squeeze %dma_wait3A_864 : memref<1x128xi32, #tpu.memory_space<vmem>> -> memref<128xi32, #tpu.memory_space<vmem>>
      %dma_wait3A_866 = arith.constant 0 : i32
      %dma_wait3A_867 = tpu.memref_slice %arg3[%dma_wait3A_854, %dma_wait3A_866] : memref<2x320000xi32, #tpu.memory_space<hbm>> -> memref<1x128xi32, #tpu.memory_space<hbm>>
      %dma_wait3A_868 = tpu.memref_squeeze %dma_wait3A_867 : memref<1x128xi32, #tpu.memory_space<hbm>> -> memref<128xi32, #tpu.memory_space<hbm>>
      tpu.wait_dma2 semaphore(%dma_wait3A_862 : memref<!tpu.dma_semaphore, #tpu.memory_space<semaphore_mem>>) src(%dma_wait3A_868 : memref<128xi32, #tpu.memory_space<hbm>>) dst(%dma_wait3A_865 : memref<128xi32, #tpu.memory_space<vmem>>)
      %dma_start3A_869 = arith.constant 0 : i32
      %dma_start3A_870 = arith.constant 0 : i32
      %dma_start3A_871 = tpu.memref_slice %arg10[%rem3A_840, %dma_start3A_869, %dma_start3A_870] : memref<4x128x64xf32, #tpu.memory_space<vmem>> -> memref<1x128x64xf32, #tpu.memory_space<vmem>>
      %dma_start3A_872 = tpu.memref_squeeze %dma_start3A_871 : memref<1x128x64xf32, #tpu.memory_space<vmem>> -> memref<128x64xf32, #tpu.memory_space<vmem>>
      %dma_start3A_873 = arith.constant 0 : i32
      %dma_start3A_874 = tpu.memref_slice %arg9[%rem3A_838, %dma_start3A_873] : memref<8x128xi32, #tpu.memory_space<vmem>> -> memref<1x128xi32, #tpu.memory_space<vmem>>
      %dma_start3A_875 = tpu.memref_squeeze %dma_start3A_874 : memref<1x128xi32, #tpu.memory_space<vmem>> -> memref<128xi32, #tpu.memory_space<vmem>>
      %dma_start3A_876 = arith.constant 0 : i32
      %dma_start3A_877 = arith.constant 0 : i32
      %dma_start3A_878 = tpu.memref_slice %arg7[%dma_start3A_876, %dma_start3A_877] : memref<10240x64xf32, #tpu.memory_space<vmem_shared>> -> memref<10240x64xf32, #tpu.memory_space<vmem_shared>>
      %dma_start3A_879 = tpu.memref_slice %arg12[%rem3A_840] : memref<4x!tpu.dma_semaphore, #tpu.memory_space<semaphore_mem>> -> memref<1x!tpu.dma_semaphore, #tpu.memory_space<semaphore_mem>>
      %dma_start3A_880 = tpu.memref_squeeze %dma_start3A_879 : memref<1x!tpu.dma_semaphore, #tpu.memory_space<semaphore_mem>> -> memref<!tpu.dma_semaphore, #tpu.memory_space<semaphore_mem>>
      tpu.enqueue_indirect_dma source(%dma_start3A_872 : memref<128x64xf32, #tpu.memory_space<vmem>>) target(%dma_start3A_878 : memref<10240x64xf32, #tpu.memory_space<vmem_shared>>) offsets(%dma_start3A_875 : memref<128xi32, #tpu.memory_space<vmem>>) semaphore(%dma_start3A_880 : memref<!tpu.dma_semaphore, #tpu.memory_space<semaphore_mem>>) {add = true}
      %add3A_881 = arith.constant 3 : i32
      %add3A_882 = arith.addi %while3A_836, %add3A_881 : i32
      %lt3A_883 = arith.cmpi slt, %add3A_882, %select_n3A : i32
      %convert_element_type3A_884 = arith.extui %lt3A_883 : i1 to i32
      %cond3A_885 = arith.constant 0 : i32
      %cond3A_886 = arith.cmpi ne, %convert_element_type3A_884, %cond3A_885 : i32
      scf.if %cond3A_886 {
        %rem3A_893 = arith.constant 8 : i32
        %rem3A_894 = arith.remsi %add3A_882, %rem3A_893 : i32
        %rem3A_895 = arith.constant 4 : i32
        %rem3A_896 = arith.remsi %add3A_882, %rem3A_895 : i32
        %ge3A = arith.constant 4 : i32
        %ge3A_897 = arith.cmpi sge, %add3A_882, %ge3A : i32
        %convert_element_type3A_898 = arith.extui %ge3A_897 : i1 to i32
        %cond3A_899 = arith.constant 0 : i32
        %cond3A_900 = arith.cmpi ne, %convert_element_type3A_898, %cond3A_899 : i32
        scf.if %cond3A_900 {
          %dma_wait3A_928 = arith.constant 0 : i32
          %dma_wait3A_929 = arith.constant 0 : i32
          %dma_wait3A_930 = tpu.memref_slice %arg10[%rem3A_896, %dma_wait3A_928, %dma_wait3A_929] : memref<4x128x64xf32, #tpu.memory_space<vmem>> -> memref<1x128x64xf32, #tpu.memory_space<vmem>>
          %dma_wait3A_931 = tpu.memref_squeeze %dma_wait3A_930 : memref<1x128x64xf32, #tpu.memory_space<vmem>> -> memref<128x64xf32, #tpu.memory_space<vmem>>
          %dma_wait3A_932 = arith.constant 0 : i32
          %dma_wait3A_933 = tpu.memref_slice %arg9[%rem3A_894, %dma_wait3A_932] : memref<8x128xi32, #tpu.memory_space<vmem>> -> memref<1x128xi32, #tpu.memory_space<vmem>>
          %dma_wait3A_934 = tpu.memref_squeeze %dma_wait3A_933 : memref<1x128xi32, #tpu.memory_space<vmem>> -> memref<128xi32, #tpu.memory_space<vmem>>
          %dma_wait3A_935 = arith.constant 0 : i32
          %dma_wait3A_936 = arith.constant 0 : i32
          %dma_wait3A_937 = tpu.memref_slice %arg7[%dma_wait3A_935, %dma_wait3A_936] : memref<10240x64xf32, #tpu.memory_space<vmem_shared>> -> memref<10240x64xf32, #tpu.memory_space<vmem_shared>>
          %dma_wait3A_938 = tpu.memref_slice %arg12[%rem3A_896] : memref<4x!tpu.dma_semaphore, #tpu.memory_space<semaphore_mem>> -> memref<1x!tpu.dma_semaphore, #tpu.memory_space<semaphore_mem>>
          %dma_wait3A_939 = tpu.memref_squeeze %dma_wait3A_938 : memref<1x!tpu.dma_semaphore, #tpu.memory_space<semaphore_mem>> -> memref<!tpu.dma_semaphore, #tpu.memory_space<semaphore_mem>>
          tpu.wait_indirect_dma semaphore(%dma_wait3A_939 : memref<!tpu.dma_semaphore, #tpu.memory_space<semaphore_mem>>) src(%dma_wait3A_931 : memref<128x64xf32, #tpu.memory_space<vmem>>) dst(%dma_wait3A_937 : memref<10240x64xf32, #tpu.memory_space<vmem_shared>>)
        } else {
        }
        %dma_wait3A_901 = arith.constant 0 : i32
        %dma_wait3A_902 = arith.constant 0 : i32
        %dma_wait3A_903 = tpu.memref_slice %arg8[%rem3A_894, %dma_wait3A_902] : memref<8x128xi32, #tpu.memory_space<vmem>> -> memref<1x128xi32, #tpu.memory_space<vmem>>
        %dma_wait3A_904 = tpu.memref_squeeze %dma_wait3A_903 : memref<1x128xi32, #tpu.memory_space<vmem>> -> memref<128xi32, #tpu.memory_space<vmem>>
        %dma_wait3A_905 = arith.constant 0 : i32
        %dma_wait3A_906 = tpu.memref_slice %arg3[%dma_wait3A_901, %dma_wait3A_905] : memref<2x320000xi32, #tpu.memory_space<hbm>> -> memref<1x128xi32, #tpu.memory_space<hbm>>
        %dma_wait3A_907 = tpu.memref_squeeze %dma_wait3A_906 : memref<1x128xi32, #tpu.memory_space<hbm>> -> memref<128xi32, #tpu.memory_space<hbm>>
        %dma_wait3A_908 = tpu.memref_slice %arg13[%rem3A_894] : memref<8x!tpu.dma_semaphore, #tpu.memory_space<semaphore_mem>> -> memref<1x!tpu.dma_semaphore, #tpu.memory_space<semaphore_mem>>
        %dma_wait3A_909 = tpu.memref_squeeze %dma_wait3A_908 : memref<1x!tpu.dma_semaphore, #tpu.memory_space<semaphore_mem>> -> memref<!tpu.dma_semaphore, #tpu.memory_space<semaphore_mem>>
        %dma_wait3A_910 = arith.constant 0 : i32
        %dma_wait3A_911 = tpu.memref_slice %arg8[%rem3A_894, %dma_wait3A_910] : memref<8x128xi32, #tpu.memory_space<vmem>> -> memref<1x128xi32, #tpu.memory_space<vmem>>
        %dma_wait3A_912 = tpu.memref_squeeze %dma_wait3A_911 : memref<1x128xi32, #tpu.memory_space<vmem>> -> memref<128xi32, #tpu.memory_space<vmem>>
        %dma_wait3A_913 = arith.constant 0 : i32
        %dma_wait3A_914 = tpu.memref_slice %arg3[%dma_wait3A_901, %dma_wait3A_913] : memref<2x320000xi32, #tpu.memory_space<hbm>> -> memref<1x128xi32, #tpu.memory_space<hbm>>
        %dma_wait3A_915 = tpu.memref_squeeze %dma_wait3A_914 : memref<1x128xi32, #tpu.memory_space<hbm>> -> memref<128xi32, #tpu.memory_space<hbm>>
        tpu.wait_dma2 semaphore(%dma_wait3A_909 : memref<!tpu.dma_semaphore, #tpu.memory_space<semaphore_mem>>) src(%dma_wait3A_915 : memref<128xi32, #tpu.memory_space<hbm>>) dst(%dma_wait3A_912 : memref<128xi32, #tpu.memory_space<vmem>>)
        %dma_start3A_916 = arith.constant 0 : i32
        %dma_start3A_917 = arith.constant 0 : i32
        %dma_start3A_918 = tpu.memref_slice %arg10[%rem3A_896, %dma_start3A_916, %dma_start3A_917] : memref<4x128x64xf32, #tpu.memory_space<vmem>> -> memref<1x128x64xf32, #tpu.memory_space<vmem>>
        %dma_start3A_919 = tpu.memref_squeeze %dma_start3A_918 : memref<1x128x64xf32, #tpu.memory_space<vmem>> -> memref<128x64xf32, #tpu.memory_space<vmem>>
        %dma_start3A_920 = arith.constant 0 : i32
        %dma_start3A_921 = tpu.memref_slice %arg8[%rem3A_894, %dma_start3A_920] : memref<8x128xi32, #tpu.memory_space<vmem>> -> memref<1x128xi32, #tpu.memory_space<vmem>>
        %dma_start3A_922 = tpu.memref_squeeze %dma_start3A_921 : memref<1x128xi32, #tpu.memory_space<vmem>> -> memref<128xi32, #tpu.memory_space<vmem>>
        %dma_start3A_923 = arith.constant 0 : i32
        %dma_start3A_924 = arith.constant 0 : i32
        %dma_start3A_925 = tpu.memref_slice %arg6[%dma_start3A_923, %dma_start3A_924] : memref<10240x64xf32, #tpu.memory_space<vmem_shared>> -> memref<10240x64xf32, #tpu.memory_space<vmem_shared>>
        %dma_start3A_926 = tpu.memref_slice %arg11[%rem3A_896] : memref<4x!tpu.dma_semaphore, #tpu.memory_space<semaphore_mem>> -> memref<1x!tpu.dma_semaphore, #tpu.memory_space<semaphore_mem>>
        %dma_start3A_927 = tpu.memref_squeeze %dma_start3A_926 : memref<1x!tpu.dma_semaphore, #tpu.memory_space<semaphore_mem>> -> memref<!tpu.dma_semaphore, #tpu.memory_space<semaphore_mem>>
        tpu.enqueue_indirect_dma source(%dma_start3A_925 : memref<10240x64xf32, #tpu.memory_space<vmem_shared>>) target(%dma_start3A_919 : memref<128x64xf32, #tpu.memory_space<vmem>>) offsets(%dma_start3A_922 : memref<128xi32, #tpu.memory_space<vmem>>) semaphore(%dma_start3A_927 : memref<!tpu.dma_semaphore, #tpu.memory_space<semaphore_mem>>)
      } else {
      }
      %add3A_887 = arith.constant 6 : i32
      %add3A_888 = arith.addi %while3A_836, %add3A_887 : i32
      %lt3A_889 = arith.cmpi slt, %add3A_888, %select_n3A : i32
      %convert_element_type3A_890 = arith.extui %lt3A_889 : i1 to i32
      %cond3A_891 = arith.constant 0 : i32
      %cond3A_892 = arith.cmpi ne, %convert_element_type3A_890, %cond3A_891 : i32
      scf.if %cond3A_892 {
        %rem3A_893 = arith.constant 8 : i32
        %rem3A_894 = arith.remsi %add3A_888, %rem3A_893 : i32
        %mul3A_895 = arith.constant 128 : i32
        %mul3A_896 = arith.muli %add3A_888, %mul3A_895 : i32
        %add3A_897 = arith.addi %mul3A_13, %mul3A_896 : i32
        %dma_start3A_898 = arith.constant 0 : i32
        %dma_start3A_899 = arith.constant 0 : i32
        %dma_start3A_900 = tpu.memref_slice %arg8[%rem3A_894, %dma_start3A_899] : memref<8x128xi32, #tpu.memory_space<vmem>> -> memref<1x128xi32, #tpu.memory_space<vmem>>
        %dma_start3A_901 = tpu.memref_squeeze %dma_start3A_900 : memref<1x128xi32, #tpu.memory_space<vmem>> -> memref<128xi32, #tpu.memory_space<vmem>>
        %dma_start3A_902 = tpu.memref_slice %arg3[%dma_start3A_898, %add3A_897] : memref<2x320000xi32, #tpu.memory_space<hbm>> -> memref<1x128xi32, #tpu.memory_space<hbm>>
        %dma_start3A_903 = tpu.memref_squeeze %dma_start3A_902 : memref<1x128xi32, #tpu.memory_space<hbm>> -> memref<128xi32, #tpu.memory_space<hbm>>
        %dma_start3A_904 = tpu.memref_slice %arg13[%rem3A_894] : memref<8x!tpu.dma_semaphore, #tpu.memory_space<semaphore_mem>> -> memref<1x!tpu.dma_semaphore, #tpu.memory_space<semaphore_mem>>
        %dma_start3A_905 = tpu.memref_squeeze %dma_start3A_904 : memref<1x!tpu.dma_semaphore, #tpu.memory_space<semaphore_mem>> -> memref<!tpu.dma_semaphore, #tpu.memory_space<semaphore_mem>>
        %dma_start3A_906 = arith.constant 0 : i32
        %dma_start3A_907 = tpu.memref_slice %arg8[%rem3A_894, %dma_start3A_906] : memref<8x128xi32, #tpu.memory_space<vmem>> -> memref<1x128xi32, #tpu.memory_space<vmem>>
        %dma_start3A_908 = tpu.memref_squeeze %dma_start3A_907 : memref<1x128xi32, #tpu.memory_space<vmem>> -> memref<128xi32, #tpu.memory_space<vmem>>
        %dma_start3A_909 = tpu.memref_slice %arg3[%dma_start3A_898, %add3A_897] : memref<2x320000xi32, #tpu.memory_space<hbm>> -> memref<1x128xi32, #tpu.memory_space<hbm>>
        %dma_start3A_910 = tpu.memref_squeeze %dma_start3A_909 : memref<1x128xi32, #tpu.memory_space<hbm>> -> memref<128xi32, #tpu.memory_space<hbm>>
        tpu.enqueue_dma source(%dma_start3A_910 : memref<128xi32, #tpu.memory_space<hbm>>) target(%dma_start3A_908 : memref<128xi32, #tpu.memory_space<vmem>>) target_semaphore(%dma_start3A_905 : memref<!tpu.dma_semaphore, #tpu.memory_space<semaphore_mem>>)
        %mul3A_911 = arith.constant 128 : i32
        %mul3A_912 = arith.muli %add3A_888, %mul3A_911 : i32
        %add3A_913 = arith.addi %mul3A_13, %mul3A_912 : i32
        %dma_start3A_914 = arith.constant 1 : i32
        %dma_start3A_915 = arith.constant 0 : i32
        %dma_start3A_916 = tpu.memref_slice %arg9[%rem3A_894, %dma_start3A_915] : memref<8x128xi32, #tpu.memory_space<vmem>> -> memref<1x128xi32, #tpu.memory_space<vmem>>
        %dma_start3A_917 = tpu.memref_squeeze %dma_start3A_916 : memref<1x128xi32, #tpu.memory_space<vmem>> -> memref<128xi32, #tpu.memory_space<vmem>>
        %dma_start3A_918 = tpu.memref_slice %arg3[%dma_start3A_914, %add3A_913] : memref<2x320000xi32, #tpu.memory_space<hbm>> -> memref<1x128xi32, #tpu.memory_space<hbm>>
        %dma_start3A_919 = tpu.memref_squeeze %dma_start3A_918 : memref<1x128xi32, #tpu.memory_space<hbm>> -> memref<128xi32, #tpu.memory_space<hbm>>
        %dma_start3A_920 = tpu.memref_slice %arg14[%rem3A_894] : memref<8x!tpu.dma_semaphore, #tpu.memory_space<semaphore_mem>> -> memref<1x!tpu.dma_semaphore, #tpu.memory_space<semaphore_mem>>
        %dma_start3A_921 = tpu.memref_squeeze %dma_start3A_920 : memref<1x!tpu.dma_semaphore, #tpu.memory_space<semaphore_mem>> -> memref<!tpu.dma_semaphore, #tpu.memory_space<semaphore_mem>>
        %dma_start3A_922 = arith.constant 0 : i32
        %dma_start3A_923 = tpu.memref_slice %arg9[%rem3A_894, %dma_start3A_922] : memref<8x128xi32, #tpu.memory_space<vmem>> -> memref<1x128xi32, #tpu.memory_space<vmem>>
        %dma_start3A_924 = tpu.memref_squeeze %dma_start3A_923 : memref<1x128xi32, #tpu.memory_space<vmem>> -> memref<128xi32, #tpu.memory_space<vmem>>
        %dma_start3A_925 = tpu.memref_slice %arg3[%dma_start3A_914, %add3A_913] : memref<2x320000xi32, #tpu.memory_space<hbm>> -> memref<1x128xi32, #tpu.memory_space<hbm>>
        %dma_start3A_926 = tpu.memref_squeeze %dma_start3A_925 : memref<1x128xi32, #tpu.memory_space<hbm>> -> memref<128xi32, #tpu.memory_space<hbm>>
        tpu.enqueue_dma source(%dma_start3A_926 : memref<128xi32, #tpu.memory_space<hbm>>) target(%dma_start3A_924 : memref<128xi32, #tpu.memory_space<vmem>>) target_semaphore(%dma_start3A_921 : memref<!tpu.dma_semaphore, #tpu.memory_space<semaphore_mem>>)
      } else {
      }
    }
    %sub3A = arith.constant 4 : i32
    %sub3A_320 = arith.subi %select_n3A, %sub3A : i32
    %add3A_321 = arith.constant 0 : i32
    %add3A_322 = arith.addi %sub3A_320, %add3A_321 : i32
    %rem3A = arith.constant 4 : i32
    %rem3A_323 = arith.remsi %add3A_322, %rem3A : i32
    %rem3A_324 = arith.constant 8 : i32
    %rem3A_325 = arith.remsi %add3A_322, %rem3A_324 : i32
    %rem3A_326 = arith.constant 4 : i32
    %rem3A_327 = arith.remsi %add3A_322, %rem3A_326 : i32
    %dma_wait3A_328 = arith.constant 0 : i32
    %dma_wait3A_329 = arith.constant 0 : i32
    %dma_wait3A_330 = tpu.memref_slice %arg10[%rem3A_323, %dma_wait3A_328, %dma_wait3A_329] : memref<4x128x64xf32, #tpu.memory_space<vmem>> -> memref<1x128x64xf32, #tpu.memory_space<vmem>>
    %dma_wait3A_331 = tpu.memref_squeeze %dma_wait3A_330 : memref<1x128x64xf32, #tpu.memory_space<vmem>> -> memref<128x64xf32, #tpu.memory_space<vmem>>
    %dma_wait3A_332 = arith.constant 0 : i32
    %dma_wait3A_333 = tpu.memref_slice %arg9[%rem3A_325, %dma_wait3A_332] : memref<8x128xi32, #tpu.memory_space<vmem>> -> memref<1x128xi32, #tpu.memory_space<vmem>>
    %dma_wait3A_334 = tpu.memref_squeeze %dma_wait3A_333 : memref<1x128xi32, #tpu.memory_space<vmem>> -> memref<128xi32, #tpu.memory_space<vmem>>
    %dma_wait3A_335 = arith.constant 0 : i32
    %dma_wait3A_336 = arith.constant 0 : i32
    %dma_wait3A_337 = tpu.memref_slice %arg7[%dma_wait3A_335, %dma_wait3A_336] : memref<10240x64xf32, #tpu.memory_space<vmem_shared>> -> memref<10240x64xf32, #tpu.memory_space<vmem_shared>>
    %dma_wait3A_338 = tpu.memref_slice %arg12[%rem3A_327] : memref<4x!tpu.dma_semaphore, #tpu.memory_space<semaphore_mem>> -> memref<1x!tpu.dma_semaphore, #tpu.memory_space<semaphore_mem>>
    %dma_wait3A_339 = tpu.memref_squeeze %dma_wait3A_338 : memref<1x!tpu.dma_semaphore, #tpu.memory_space<semaphore_mem>> -> memref<!tpu.dma_semaphore, #tpu.memory_space<semaphore_mem>>
    tpu.wait_indirect_dma semaphore(%dma_wait3A_339 : memref<!tpu.dma_semaphore, #tpu.memory_space<semaphore_mem>>) src(%dma_wait3A_331 : memref<128x64xf32, #tpu.memory_space<vmem>>) dst(%dma_wait3A_337 : memref<10240x64xf32, #tpu.memory_space<vmem_shared>>)
    %sub3A_340 = arith.constant 4 : i32
    %sub3A_341 = arith.subi %select_n3A, %sub3A_340 : i32
    %add3A_342 = arith.constant 1 : i32
    %add3A_343 = arith.addi %sub3A_341, %add3A_342 : i32
    %rem3A_344 = arith.constant 4 : i32
    %rem3A_345 = arith.remsi %add3A_343, %rem3A_344 : i32
    %rem3A_346 = arith.constant 8 : i32
    %rem3A_347 = arith.remsi %add3A_343, %rem3A_346 : i32
    %rem3A_348 = arith.constant 4 : i32
    %rem3A_349 = arith.remsi %add3A_343, %rem3A_348 : i32
    %dma_wait3A_350 = arith.constant 0 : i32
    %dma_wait3A_351 = arith.constant 0 : i32
    %dma_wait3A_352 = tpu.memref_slice %arg10[%rem3A_345, %dma_wait3A_350, %dma_wait3A_351] : memref<4x128x64xf32, #tpu.memory_space<vmem>> -> memref<1x128x64xf32, #tpu.memory_space<vmem>>
    %dma_wait3A_353 = tpu.memref_squeeze %dma_wait3A_352 : memref<1x128x64xf32, #tpu.memory_space<vmem>> -> memref<128x64xf32, #tpu.memory_space<vmem>>
    %dma_wait3A_354 = arith.constant 0 : i32
    %dma_wait3A_355 = tpu.memref_slice %arg9[%rem3A_347, %dma_wait3A_354] : memref<8x128xi32, #tpu.memory_space<vmem>> -> memref<1x128xi32, #tpu.memory_space<vmem>>
    %dma_wait3A_356 = tpu.memref_squeeze %dma_wait3A_355 : memref<1x128xi32, #tpu.memory_space<vmem>> -> memref<128xi32, #tpu.memory_space<vmem>>
    %dma_wait3A_357 = arith.constant 0 : i32
    %dma_wait3A_358 = arith.constant 0 : i32
    %dma_wait3A_359 = tpu.memref_slice %arg7[%dma_wait3A_357, %dma_wait3A_358] : memref<10240x64xf32, #tpu.memory_space<vmem_shared>> -> memref<10240x64xf32, #tpu.memory_space<vmem_shared>>
    %dma_wait3A_360 = tpu.memref_slice %arg12[%rem3A_349] : memref<4x!tpu.dma_semaphore, #tpu.memory_space<semaphore_mem>> -> memref<1x!tpu.dma_semaphore, #tpu.memory_space<semaphore_mem>>
    %dma_wait3A_361 = tpu.memref_squeeze %dma_wait3A_360 : memref<1x!tpu.dma_semaphore, #tpu.memory_space<semaphore_mem>> -> memref<!tpu.dma_semaphore, #tpu.memory_space<semaphore_mem>>
    tpu.wait_indirect_dma semaphore(%dma_wait3A_361 : memref<!tpu.dma_semaphore, #tpu.memory_space<semaphore_mem>>) src(%dma_wait3A_353 : memref<128x64xf32, #tpu.memory_space<vmem>>) dst(%dma_wait3A_359 : memref<10240x64xf32, #tpu.memory_space<vmem_shared>>)
    %sub3A_362 = arith.constant 4 : i32
    %sub3A_363 = arith.subi %select_n3A, %sub3A_362 : i32
    %add3A_364 = arith.constant 2 : i32
    %add3A_365 = arith.addi %sub3A_363, %add3A_364 : i32
    %rem3A_366 = arith.constant 4 : i32
    %rem3A_367 = arith.remsi %add3A_365, %rem3A_366 : i32
    %rem3A_368 = arith.constant 8 : i32
    %rem3A_369 = arith.remsi %add3A_365, %rem3A_368 : i32
    %rem3A_370 = arith.constant 4 : i32
    %rem3A_371 = arith.remsi %add3A_365, %rem3A_370 : i32
    %dma_wait3A_372 = arith.constant 0 : i32
    %dma_wait3A_373 = arith.constant 0 : i32
    %dma_wait3A_374 = tpu.memref_slice %arg10[%rem3A_367, %dma_wait3A_372, %dma_wait3A_373] : memref<4x128x64xf32, #tpu.memory_space<vmem>> -> memref<1x128x64xf32, #tpu.memory_space<vmem>>
    %dma_wait3A_375 = tpu.memref_squeeze %dma_wait3A_374 : memref<1x128x64xf32, #tpu.memory_space<vmem>> -> memref<128x64xf32, #tpu.memory_space<vmem>>
    %dma_wait3A_376 = arith.constant 0 : i32
    %dma_wait3A_377 = tpu.memref_slice %arg9[%rem3A_369, %dma_wait3A_376] : memref<8x128xi32, #tpu.memory_space<vmem>> -> memref<1x128xi32, #tpu.memory_space<vmem>>
    %dma_wait3A_378 = tpu.memref_squeeze %dma_wait3A_377 : memref<1x128xi32, #tpu.memory_space<vmem>> -> memref<128xi32, #tpu.memory_space<vmem>>
    %dma_wait3A_379 = arith.constant 0 : i32
    %dma_wait3A_380 = arith.constant 0 : i32
    %dma_wait3A_381 = tpu.memref_slice %arg7[%dma_wait3A_379, %dma_wait3A_380] : memref<10240x64xf32, #tpu.memory_space<vmem_shared>> -> memref<10240x64xf32, #tpu.memory_space<vmem_shared>>
    %dma_wait3A_382 = tpu.memref_slice %arg12[%rem3A_371] : memref<4x!tpu.dma_semaphore, #tpu.memory_space<semaphore_mem>> -> memref<1x!tpu.dma_semaphore, #tpu.memory_space<semaphore_mem>>
    %dma_wait3A_383 = tpu.memref_squeeze %dma_wait3A_382 : memref<1x!tpu.dma_semaphore, #tpu.memory_space<semaphore_mem>> -> memref<!tpu.dma_semaphore, #tpu.memory_space<semaphore_mem>>
    tpu.wait_indirect_dma semaphore(%dma_wait3A_383 : memref<!tpu.dma_semaphore, #tpu.memory_space<semaphore_mem>>) src(%dma_wait3A_375 : memref<128x64xf32, #tpu.memory_space<vmem>>) dst(%dma_wait3A_381 : memref<10240x64xf32, #tpu.memory_space<vmem_shared>>)
    %sub3A_384 = arith.constant 4 : i32
    %sub3A_385 = arith.subi %select_n3A, %sub3A_384 : i32
    %add3A_386 = arith.constant 3 : i32
    %add3A_387 = arith.addi %sub3A_385, %add3A_386 : i32
    %rem3A_388 = arith.constant 4 : i32
    %rem3A_389 = arith.remsi %add3A_387, %rem3A_388 : i32
    %rem3A_390 = arith.constant 8 : i32
    %rem3A_391 = arith.remsi %add3A_387, %rem3A_390 : i32
    %rem3A_392 = arith.constant 4 : i32
    %rem3A_393 = arith.remsi %add3A_387, %rem3A_392 : i32
    %dma_wait3A_394 = arith.constant 0 : i32
    %dma_wait3A_395 = arith.constant 0 : i32
    %dma_wait3A_396 = tpu.memref_slice %arg10[%rem3A_389, %dma_wait3A_394, %dma_wait3A_395] : memref<4x128x64xf32, #tpu.memory_space<vmem>> -> memref<1x128x64xf32, #tpu.memory_space<vmem>>
    %dma_wait3A_397 = tpu.memref_squeeze %dma_wait3A_396 : memref<1x128x64xf32, #tpu.memory_space<vmem>> -> memref<128x64xf32, #tpu.memory_space<vmem>>
    %dma_wait3A_398 = arith.constant 0 : i32
    %dma_wait3A_399 = tpu.memref_slice %arg9[%rem3A_391, %dma_wait3A_398] : memref<8x128xi32, #tpu.memory_space<vmem>> -> memref<1x128xi32, #tpu.memory_space<vmem>>
    %dma_wait3A_400 = tpu.memref_squeeze %dma_wait3A_399 : memref<1x128xi32, #tpu.memory_space<vmem>> -> memref<128xi32, #tpu.memory_space<vmem>>
    %dma_wait3A_401 = arith.constant 0 : i32
    %dma_wait3A_402 = arith.constant 0 : i32
    %dma_wait3A_403 = tpu.memref_slice %arg7[%dma_wait3A_401, %dma_wait3A_402] : memref<10240x64xf32, #tpu.memory_space<vmem_shared>> -> memref<10240x64xf32, #tpu.memory_space<vmem_shared>>
    %dma_wait3A_404 = tpu.memref_slice %arg12[%rem3A_393] : memref<4x!tpu.dma_semaphore, #tpu.memory_space<semaphore_mem>> -> memref<1x!tpu.dma_semaphore, #tpu.memory_space<semaphore_mem>>
    %dma_wait3A_405 = tpu.memref_squeeze %dma_wait3A_404 : memref<1x!tpu.dma_semaphore, #tpu.memory_space<semaphore_mem>> -> memref<!tpu.dma_semaphore, #tpu.memory_space<semaphore_mem>>
    tpu.wait_indirect_dma semaphore(%dma_wait3A_405 : memref<!tpu.dma_semaphore, #tpu.memory_space<semaphore_mem>>) src(%dma_wait3A_397 : memref<128x64xf32, #tpu.memory_space<vmem>>) dst(%dma_wait3A_403 : memref<10240x64xf32, #tpu.memory_space<vmem_shared>>)
    %barrier3A_406 = arith.constant 0 : index
    tpu.barrier barrier_id(%barrier3A_406)
    %add3A_407 = arith.constant 0 : i32
    %add3A_408 = arith.addi %mul3A_0, %add3A_407 : i32
    %run_scoped3A = arith.constant 0 : i32
    "tpu.region"() ({
      %run_scoped3A_836 = tpu.sem_alloc : memref<!tpu.dma_semaphore, #tpu.memory_space<semaphore_mem>>
      %dma_start3A_837 = arith.constant 0 : i32
      %dma_start3A_838 = arith.constant 0 : i32
      %dma_start3A_839 = tpu.memref_slice %arg10[%run_scoped3A, %dma_start3A_837, %dma_start3A_838] : memref<4x128x64xf32, #tpu.memory_space<vmem>> -> memref<1x128x64xf32, #tpu.memory_space<vmem>>
      %dma_start3A_840 = tpu.memref_squeeze %dma_start3A_839 : memref<1x128x64xf32, #tpu.memory_space<vmem>> -> memref<128x64xf32, #tpu.memory_space<vmem>>
      %dma_start3A_841 = arith.constant 0 : i32
      %dma_start3A_842 = tpu.memref_slice %arg7[%add3A_408, %dma_start3A_841] : memref<10240x64xf32, #tpu.memory_space<vmem_shared>> -> memref<128x64xf32, #tpu.memory_space<vmem_shared>>
      %dma_start3A_843 = arith.constant 0 : i32
      %dma_start3A_844 = arith.constant 0 : i32
      %dma_start3A_845 = tpu.memref_slice %arg10[%run_scoped3A, %dma_start3A_843, %dma_start3A_844] : memref<4x128x64xf32, #tpu.memory_space<vmem>> -> memref<1x128x64xf32, #tpu.memory_space<vmem>>
      %dma_start3A_846 = tpu.memref_squeeze %dma_start3A_845 : memref<1x128x64xf32, #tpu.memory_space<vmem>> -> memref<128x64xf32, #tpu.memory_space<vmem>>
      %dma_start3A_847 = arith.constant 0 : i32
      %dma_start3A_848 = tpu.memref_slice %arg7[%add3A_408, %dma_start3A_847] : memref<10240x64xf32, #tpu.memory_space<vmem_shared>> -> memref<128x64xf32, #tpu.memory_space<vmem_shared>>
      tpu.enqueue_dma source(%dma_start3A_848 : memref<128x64xf32, #tpu.memory_space<vmem_shared>>) target(%dma_start3A_846 : memref<128x64xf32, #tpu.memory_space<vmem>>) target_semaphore(%run_scoped3A_836 : memref<!tpu.dma_semaphore, #tpu.memory_space<semaphore_mem>>)
      %dma_wait3A_849 = arith.constant 0 : i32
      %dma_wait3A_850 = arith.constant 0 : i32
      %dma_wait3A_851 = tpu.memref_slice %arg10[%run_scoped3A, %dma_wait3A_849, %dma_wait3A_850] : memref<4x128x64xf32, #tpu.memory_space<vmem>> -> memref<1x128x64xf32, #tpu.memory_space<vmem>>
      %dma_wait3A_852 = tpu.memref_squeeze %dma_wait3A_851 : memref<1x128x64xf32, #tpu.memory_space<vmem>> -> memref<128x64xf32, #tpu.memory_space<vmem>>
      %dma_wait3A_853 = arith.constant 0 : i32
      %dma_wait3A_854 = tpu.memref_slice %arg7[%add3A_408, %dma_wait3A_853] : memref<10240x64xf32, #tpu.memory_space<vmem_shared>> -> memref<128x64xf32, #tpu.memory_space<vmem_shared>>
      %dma_wait3A_855 = arith.constant 0 : i32
      %dma_wait3A_856 = arith.constant 0 : i32
      %dma_wait3A_857 = tpu.memref_slice %arg10[%run_scoped3A, %dma_wait3A_855, %dma_wait3A_856] : memref<4x128x64xf32, #tpu.memory_space<vmem>> -> memref<1x128x64xf32, #tpu.memory_space<vmem>>
      %dma_wait3A_858 = tpu.memref_squeeze %dma_wait3A_857 : memref<1x128x64xf32, #tpu.memory_space<vmem>> -> memref<128x64xf32, #tpu.memory_space<vmem>>
      %dma_wait3A_859 = arith.constant 0 : i32
      %dma_wait3A_860 = tpu.memref_slice %arg7[%add3A_408, %dma_wait3A_859] : memref<10240x64xf32, #tpu.memory_space<vmem_shared>> -> memref<128x64xf32, #tpu.memory_space<vmem_shared>>
      tpu.wait_dma2 semaphore(%run_scoped3A_836 : memref<!tpu.dma_semaphore, #tpu.memory_space<semaphore_mem>>) src(%dma_wait3A_860 : memref<128x64xf32, #tpu.memory_space<vmem_shared>>) dst(%dma_wait3A_858 : memref<128x64xf32, #tpu.memory_space<vmem>>)
      tpu.yield
    }) : () -> ()
    %run_scoped3A_409 = arith.constant 0 : i32
    "tpu.region"() ({
      %run_scoped3A_836 = tpu.sem_alloc : memref<!tpu.dma_semaphore, #tpu.memory_space<semaphore_mem>>
      %dma_start3A_837 = arith.constant 0 : i32
      %dma_start3A_838 = arith.constant 0 : i32
      %dma_start3A_839 = tpu.memref_slice %arg10[%run_scoped3A_409, %dma_start3A_837, %dma_start3A_838] : memref<4x128x64xf32, #tpu.memory_space<vmem>> -> memref<1x128x64xf32, #tpu.memory_space<vmem>>
      %dma_start3A_840 = tpu.memref_squeeze %dma_start3A_839 : memref<1x128x64xf32, #tpu.memory_space<vmem>> -> memref<128x64xf32, #tpu.memory_space<vmem>>
      %dma_start3A_841 = arith.constant 0 : i32
      %dma_start3A_842 = tpu.memref_slice %arg6[%add3A_408, %dma_start3A_841] : memref<10240x64xf32, #tpu.memory_space<vmem_shared>> -> memref<128x64xf32, #tpu.memory_space<vmem_shared>>
      %dma_start3A_843 = arith.constant 0 : i32
      %dma_start3A_844 = tpu.memref_slice %arg6[%add3A_408, %dma_start3A_843] : memref<10240x64xf32, #tpu.memory_space<vmem_shared>> -> memref<128x64xf32, #tpu.memory_space<vmem_shared>>
      %dma_start3A_845 = arith.constant 0 : i32
      %dma_start3A_846 = arith.constant 0 : i32
      %dma_start3A_847 = tpu.memref_slice %arg10[%run_scoped3A_409, %dma_start3A_845, %dma_start3A_846] : memref<4x128x64xf32, #tpu.memory_space<vmem>> -> memref<1x128x64xf32, #tpu.memory_space<vmem>>
      %dma_start3A_848 = tpu.memref_squeeze %dma_start3A_847 : memref<1x128x64xf32, #tpu.memory_space<vmem>> -> memref<128x64xf32, #tpu.memory_space<vmem>>
      tpu.enqueue_dma source(%dma_start3A_848 : memref<128x64xf32, #tpu.memory_space<vmem>>) target(%dma_start3A_844 : memref<128x64xf32, #tpu.memory_space<vmem_shared>>) target_semaphore(%run_scoped3A_836 : memref<!tpu.dma_semaphore, #tpu.memory_space<semaphore_mem>>)
      %dma_wait3A_849 = arith.constant 0 : i32
      %dma_wait3A_850 = arith.constant 0 : i32
      %dma_wait3A_851 = tpu.memref_slice %arg10[%run_scoped3A_409, %dma_wait3A_849, %dma_wait3A_850] : memref<4x128x64xf32, #tpu.memory_space<vmem>> -> memref<1x128x64xf32, #tpu.memory_space<vmem>>
      %dma_wait3A_852 = tpu.memref_squeeze %dma_wait3A_851 : memref<1x128x64xf32, #tpu.memory_space<vmem>> -> memref<128x64xf32, #tpu.memory_space<vmem>>
      %dma_wait3A_853 = arith.constant 0 : i32
      %dma_wait3A_854 = tpu.memref_slice %arg6[%add3A_408, %dma_wait3A_853] : memref<10240x64xf32, #tpu.memory_space<vmem_shared>> -> memref<128x64xf32, #tpu.memory_space<vmem_shared>>
      %dma_wait3A_855 = arith.constant 0 : i32
      %dma_wait3A_856 = tpu.memref_slice %arg6[%add3A_408, %dma_wait3A_855] : memref<10240x64xf32, #tpu.memory_space<vmem_shared>> -> memref<128x64xf32, #tpu.memory_space<vmem_shared>>
      %dma_wait3A_857 = arith.constant 0 : i32
      %dma_wait3A_858 = arith.constant 0 : i32
      %dma_wait3A_859 = tpu.memref_slice %arg10[%run_scoped3A_409, %dma_wait3A_857, %dma_wait3A_858] : memref<4x128x64xf32, #tpu.memory_space<vmem>> -> memref<1x128x64xf32, #tpu.memory_space<vmem>>
      %dma_wait3A_860 = tpu.memref_squeeze %dma_wait3A_859 : memref<1x128x64xf32, #tpu.memory_space<vmem>> -> memref<128x64xf32, #tpu.memory_space<vmem>>
      tpu.wait_dma2 semaphore(%run_scoped3A_836 : memref<!tpu.dma_semaphore, #tpu.memory_space<semaphore_mem>>) src(%dma_wait3A_860 : memref<128x64xf32, #tpu.memory_space<vmem>>) dst(%dma_wait3A_856 : memref<128x64xf32, #tpu.memory_space<vmem_shared>>)
      tpu.yield
    }) : () -> ()
    %add3A_410 = arith.constant 128 : i32
    %add3A_411 = arith.addi %mul3A_0, %add3A_410 : i32
    %run_scoped3A_412 = arith.constant 0 : i32
    "tpu.region"() ({
      %run_scoped3A_836 = tpu.sem_alloc : memref<!tpu.dma_semaphore, #tpu.memory_space<semaphore_mem>>
      %dma_start3A_837 = arith.constant 0 : i32
      %dma_start3A_838 = arith.constant 0 : i32
      %dma_start3A_839 = tpu.memref_slice %arg10[%run_scoped3A_412, %dma_start3A_837, %dma_start3A_838] : memref<4x128x64xf32, #tpu.memory_space<vmem>> -> memref<1x128x64xf32, #tpu.memory_space<vmem>>
      %dma_start3A_840 = tpu.memref_squeeze %dma_start3A_839 : memref<1x128x64xf32, #tpu.memory_space<vmem>> -> memref<128x64xf32, #tpu.memory_space<vmem>>
      %dma_start3A_841 = arith.constant 0 : i32
      %dma_start3A_842 = tpu.memref_slice %arg7[%add3A_411, %dma_start3A_841] : memref<10240x64xf32, #tpu.memory_space<vmem_shared>> -> memref<128x64xf32, #tpu.memory_space<vmem_shared>>
      %dma_start3A_843 = arith.constant 0 : i32
      %dma_start3A_844 = arith.constant 0 : i32
      %dma_start3A_845 = tpu.memref_slice %arg10[%run_scoped3A_412, %dma_start3A_843, %dma_start3A_844] : memref<4x128x64xf32, #tpu.memory_space<vmem>> -> memref<1x128x64xf32, #tpu.memory_space<vmem>>
      %dma_start3A_846 = tpu.memref_squeeze %dma_start3A_845 : memref<1x128x64xf32, #tpu.memory_space<vmem>> -> memref<128x64xf32, #tpu.memory_space<vmem>>
      %dma_start3A_847 = arith.constant 0 : i32
      %dma_start3A_848 = tpu.memref_slice %arg7[%add3A_411, %dma_start3A_847] : memref<10240x64xf32, #tpu.memory_space<vmem_shared>> -> memref<128x64xf32, #tpu.memory_space<vmem_shared>>
      tpu.enqueue_dma source(%dma_start3A_848 : memref<128x64xf32, #tpu.memory_space<vmem_shared>>) target(%dma_start3A_846 : memref<128x64xf32, #tpu.memory_space<vmem>>) target_semaphore(%run_scoped3A_836 : memref<!tpu.dma_semaphore, #tpu.memory_space<semaphore_mem>>)
      %dma_wait3A_849 = arith.constant 0 : i32
      %dma_wait3A_850 = arith.constant 0 : i32
      %dma_wait3A_851 = tpu.memref_slice %arg10[%run_scoped3A_412, %dma_wait3A_849, %dma_wait3A_850] : memref<4x128x64xf32, #tpu.memory_space<vmem>> -> memref<1x128x64xf32, #tpu.memory_space<vmem>>
      %dma_wait3A_852 = tpu.memref_squeeze %dma_wait3A_851 : memref<1x128x64xf32, #tpu.memory_space<vmem>> -> memref<128x64xf32, #tpu.memory_space<vmem>>
      %dma_wait3A_853 = arith.constant 0 : i32
      %dma_wait3A_854 = tpu.memref_slice %arg7[%add3A_411, %dma_wait3A_853] : memref<10240x64xf32, #tpu.memory_space<vmem_shared>> -> memref<128x64xf32, #tpu.memory_space<vmem_shared>>
      %dma_wait3A_855 = arith.constant 0 : i32
      %dma_wait3A_856 = arith.constant 0 : i32
      %dma_wait3A_857 = tpu.memref_slice %arg10[%run_scoped3A_412, %dma_wait3A_855, %dma_wait3A_856] : memref<4x128x64xf32, #tpu.memory_space<vmem>> -> memref<1x128x64xf32, #tpu.memory_space<vmem>>
      %dma_wait3A_858 = tpu.memref_squeeze %dma_wait3A_857 : memref<1x128x64xf32, #tpu.memory_space<vmem>> -> memref<128x64xf32, #tpu.memory_space<vmem>>
      %dma_wait3A_859 = arith.constant 0 : i32
      %dma_wait3A_860 = tpu.memref_slice %arg7[%add3A_411, %dma_wait3A_859] : memref<10240x64xf32, #tpu.memory_space<vmem_shared>> -> memref<128x64xf32, #tpu.memory_space<vmem_shared>>
      tpu.wait_dma2 semaphore(%run_scoped3A_836 : memref<!tpu.dma_semaphore, #tpu.memory_space<semaphore_mem>>) src(%dma_wait3A_860 : memref<128x64xf32, #tpu.memory_space<vmem_shared>>) dst(%dma_wait3A_858 : memref<128x64xf32, #tpu.memory_space<vmem>>)
      tpu.yield
    }) : () -> ()
    %run_scoped3A_413 = arith.constant 0 : i32
    "tpu.region"() ({
      %run_scoped3A_836 = tpu.sem_alloc : memref<!tpu.dma_semaphore, #tpu.memory_space<semaphore_mem>>
      %dma_start3A_837 = arith.constant 0 : i32
      %dma_start3A_838 = arith.constant 0 : i32
      %dma_start3A_839 = tpu.memref_slice %arg10[%run_scoped3A_413, %dma_start3A_837, %dma_start3A_838] : memref<4x128x64xf32, #tpu.memory_space<vmem>> -> memref<1x128x64xf32, #tpu.memory_space<vmem>>
      %dma_start3A_840 = tpu.memref_squeeze %dma_start3A_839 : memref<1x128x64xf32, #tpu.memory_space<vmem>> -> memref<128x64xf32, #tpu.memory_space<vmem>>
      %dma_start3A_841 = arith.constant 0 : i32
      %dma_start3A_842 = tpu.memref_slice %arg6[%add3A_411, %dma_start3A_841] : memref<10240x64xf32, #tpu.memory_space<vmem_shared>> -> memref<128x64xf32, #tpu.memory_space<vmem_shared>>
      %dma_start3A_843 = arith.constant 0 : i32
      %dma_start3A_844 = tpu.memref_slice %arg6[%add3A_411, %dma_start3A_843] : memref<10240x64xf32, #tpu.memory_space<vmem_shared>> -> memref<128x64xf32, #tpu.memory_space<vmem_shared>>
      %dma_start3A_845 = arith.constant 0 : i32
      %dma_start3A_846 = arith.constant 0 : i32
      %dma_start3A_847 = tpu.memref_slice %arg10[%run_scoped3A_413, %dma_start3A_845, %dma_start3A_846] : memref<4x128x64xf32, #tpu.memory_space<vmem>> -> memref<1x128x64xf32, #tpu.memory_space<vmem>>
      %dma_start3A_848 = tpu.memref_squeeze %dma_start3A_847 : memref<1x128x64xf32, #tpu.memory_space<vmem>> -> memref<128x64xf32, #tpu.memory_space<vmem>>
      tpu.enqueue_dma source(%dma_start3A_848 : memref<128x64xf32, #tpu.memory_space<vmem>>) target(%dma_start3A_844 : memref<128x64xf32, #tpu.memory_space<vmem_shared>>) target_semaphore(%run_scoped3A_836 : memref<!tpu.dma_semaphore, #tpu.memory_space<semaphore_mem>>)
      %dma_wait3A_849 = arith.constant 0 : i32
      %dma_wait3A_850 = arith.constant 0 : i32
      %dma_wait3A_851 = tpu.memref_slice %arg10[%run_scoped3A_413, %dma_wait3A_849, %dma_wait3A_850] : memref<4x128x64xf32, #tpu.memory_space<vmem>> -> memref<1x128x64xf32, #tpu.memory_space<vmem>>
      %dma_wait3A_852 = tpu.memref_squeeze %dma_wait3A_851 : memref<1x128x64xf32, #tpu.memory_space<vmem>> -> memref<128x64xf32, #tpu.memory_space<vmem>>
      %dma_wait3A_853 = arith.constant 0 : i32
      %dma_wait3A_854 = tpu.memref_slice %arg6[%add3A_411, %dma_wait3A_853] : memref<10240x64xf32, #tpu.memory_space<vmem_shared>> -> memref<128x64xf32, #tpu.memory_space<vmem_shared>>
      %dma_wait3A_855 = arith.constant 0 : i32
      %dma_wait3A_856 = tpu.memref_slice %arg6[%add3A_411, %dma_wait3A_855] : memref<10240x64xf32, #tpu.memory_space<vmem_shared>> -> memref<128x64xf32, #tpu.memory_space<vmem_shared>>
      %dma_wait3A_857 = arith.constant 0 : i32
      %dma_wait3A_858 = arith.constant 0 : i32
      %dma_wait3A_859 = tpu.memref_slice %arg10[%run_scoped3A_413, %dma_wait3A_857, %dma_wait3A_858] : memref<4x128x64xf32, #tpu.memory_space<vmem>> -> memref<1x128x64xf32, #tpu.memory_space<vmem>>
      %dma_wait3A_860 = tpu.memref_squeeze %dma_wait3A_859 : memref<1x128x64xf32, #tpu.memory_space<vmem>> -> memref<128x64xf32, #tpu.memory_space<vmem>>
      tpu.wait_dma2 semaphore(%run_scoped3A_836 : memref<!tpu.dma_semaphore, #tpu.memory_space<semaphore_mem>>) src(%dma_wait3A_860 : memref<128x64xf32, #tpu.memory_space<vmem>>) dst(%dma_wait3A_856 : memref<128x64xf32, #tpu.memory_space<vmem_shared>>)
      tpu.yield
    }) : () -> ()
    %add3A_414 = arith.constant 256 : i32
    %add3A_415 = arith.addi %mul3A_0, %add3A_414 : i32
    %run_scoped3A_416 = arith.constant 0 : i32
    "tpu.region"() ({
      %run_scoped3A_836 = tpu.sem_alloc : memref<!tpu.dma_semaphore, #tpu.memory_space<semaphore_mem>>
      %dma_start3A_837 = arith.constant 0 : i32
      %dma_start3A_838 = arith.constant 0 : i32
      %dma_start3A_839 = tpu.memref_slice %arg10[%run_scoped3A_416, %dma_start3A_837, %dma_start3A_838] : memref<4x128x64xf32, #tpu.memory_space<vmem>> -> memref<1x128x64xf32, #tpu.memory_space<vmem>>
      %dma_start3A_840 = tpu.memref_squeeze %dma_start3A_839 : memref<1x128x64xf32, #tpu.memory_space<vmem>> -> memref<128x64xf32, #tpu.memory_space<vmem>>
      %dma_start3A_841 = arith.constant 0 : i32
      %dma_start3A_842 = tpu.memref_slice %arg7[%add3A_415, %dma_start3A_841] : memref<10240x64xf32, #tpu.memory_space<vmem_shared>> -> memref<128x64xf32, #tpu.memory_space<vmem_shared>>
      %dma_start3A_843 = arith.constant 0 : i32
      %dma_start3A_844 = arith.constant 0 : i32
      %dma_start3A_845 = tpu.memref_slice %arg10[%run_scoped3A_416, %dma_start3A_843, %dma_start3A_844] : memref<4x128x64xf32, #tpu.memory_space<vmem>> -> memref<1x128x64xf32, #tpu.memory_space<vmem>>
      %dma_start3A_846 = tpu.memref_squeeze %dma_start3A_845 : memref<1x128x64xf32, #tpu.memory_space<vmem>> -> memref<128x64xf32, #tpu.memory_space<vmem>>
      %dma_start3A_847 = arith.constant 0 : i32
      %dma_start3A_848 = tpu.memref_slice %arg7[%add3A_415, %dma_start3A_847] : memref<10240x64xf32, #tpu.memory_space<vmem_shared>> -> memref<128x64xf32, #tpu.memory_space<vmem_shared>>
      tpu.enqueue_dma source(%dma_start3A_848 : memref<128x64xf32, #tpu.memory_space<vmem_shared>>) target(%dma_start3A_846 : memref<128x64xf32, #tpu.memory_space<vmem>>) target_semaphore(%run_scoped3A_836 : memref<!tpu.dma_semaphore, #tpu.memory_space<semaphore_mem>>)
      %dma_wait3A_849 = arith.constant 0 : i32
      %dma_wait3A_850 = arith.constant 0 : i32
      %dma_wait3A_851 = tpu.memref_slice %arg10[%run_scoped3A_416, %dma_wait3A_849, %dma_wait3A_850] : memref<4x128x64xf32, #tpu.memory_space<vmem>> -> memref<1x128x64xf32, #tpu.memory_space<vmem>>
      %dma_wait3A_852 = tpu.memref_squeeze %dma_wait3A_851 : memref<1x128x64xf32, #tpu.memory_space<vmem>> -> memref<128x64xf32, #tpu.memory_space<vmem>>
      %dma_wait3A_853 = arith.constant 0 : i32
      %dma_wait3A_854 = tpu.memref_slice %arg7[%add3A_415, %dma_wait3A_853] : memref<10240x64xf32, #tpu.memory_space<vmem_shared>> -> memref<128x64xf32, #tpu.memory_space<vmem_shared>>
      %dma_wait3A_855 = arith.constant 0 : i32
      %dma_wait3A_856 = arith.constant 0 : i32
      %dma_wait3A_857 = tpu.memref_slice %arg10[%run_scoped3A_416, %dma_wait3A_855, %dma_wait3A_856] : memref<4x128x64xf32, #tpu.memory_space<vmem>> -> memref<1x128x64xf32, #tpu.memory_space<vmem>>
      %dma_wait3A_858 = tpu.memref_squeeze %dma_wait3A_857 : memref<1x128x64xf32, #tpu.memory_space<vmem>> -> memref<128x64xf32, #tpu.memory_space<vmem>>
      %dma_wait3A_859 = arith.constant 0 : i32
      %dma_wait3A_860 = tpu.memref_slice %arg7[%add3A_415, %dma_wait3A_859] : memref<10240x64xf32, #tpu.memory_space<vmem_shared>> -> memref<128x64xf32, #tpu.memory_space<vmem_shared>>
      tpu.wait_dma2 semaphore(%run_scoped3A_836 : memref<!tpu.dma_semaphore, #tpu.memory_space<semaphore_mem>>) src(%dma_wait3A_860 : memref<128x64xf32, #tpu.memory_space<vmem_shared>>) dst(%dma_wait3A_858 : memref<128x64xf32, #tpu.memory_space<vmem>>)
      tpu.yield
    }) : () -> ()
    %run_scoped3A_417 = arith.constant 0 : i32
    "tpu.region"() ({
      %run_scoped3A_836 = tpu.sem_alloc : memref<!tpu.dma_semaphore, #tpu.memory_space<semaphore_mem>>
      %dma_start3A_837 = arith.constant 0 : i32
      %dma_start3A_838 = arith.constant 0 : i32
      %dma_start3A_839 = tpu.memref_slice %arg10[%run_scoped3A_417, %dma_start3A_837, %dma_start3A_838] : memref<4x128x64xf32, #tpu.memory_space<vmem>> -> memref<1x128x64xf32, #tpu.memory_space<vmem>>
      %dma_start3A_840 = tpu.memref_squeeze %dma_start3A_839 : memref<1x128x64xf32, #tpu.memory_space<vmem>> -> memref<128x64xf32, #tpu.memory_space<vmem>>
      %dma_start3A_841 = arith.constant 0 : i32
      %dma_start3A_842 = tpu.memref_slice %arg6[%add3A_415, %dma_start3A_841] : memref<10240x64xf32, #tpu.memory_space<vmem_shared>> -> memref<128x64xf32, #tpu.memory_space<vmem_shared>>
      %dma_start3A_843 = arith.constant 0 : i32
      %dma_start3A_844 = tpu.memref_slice %arg6[%add3A_415, %dma_start3A_843] : memref<10240x64xf32, #tpu.memory_space<vmem_shared>> -> memref<128x64xf32, #tpu.memory_space<vmem_shared>>
      %dma_start3A_845 = arith.constant 0 : i32
      %dma_start3A_846 = arith.constant 0 : i32
      %dma_start3A_847 = tpu.memref_slice %arg10[%run_scoped3A_417, %dma_start3A_845, %dma_start3A_846] : memref<4x128x64xf32, #tpu.memory_space<vmem>> -> memref<1x128x64xf32, #tpu.memory_space<vmem>>
      %dma_start3A_848 = tpu.memref_squeeze %dma_start3A_847 : memref<1x128x64xf32, #tpu.memory_space<vmem>> -> memref<128x64xf32, #tpu.memory_space<vmem>>
      tpu.enqueue_dma source(%dma_start3A_848 : memref<128x64xf32, #tpu.memory_space<vmem>>) target(%dma_start3A_844 : memref<128x64xf32, #tpu.memory_space<vmem_shared>>) target_semaphore(%run_scoped3A_836 : memref<!tpu.dma_semaphore, #tpu.memory_space<semaphore_mem>>)
      %dma_wait3A_849 = arith.constant 0 : i32
      %dma_wait3A_850 = arith.constant 0 : i32
      %dma_wait3A_851 = tpu.memref_slice %arg10[%run_scoped3A_417, %dma_wait3A_849, %dma_wait3A_850] : memref<4x128x64xf32, #tpu.memory_space<vmem>> -> memref<1x128x64xf32, #tpu.memory_space<vmem>>
      %dma_wait3A_852 = tpu.memref_squeeze %dma_wait3A_851 : memref<1x128x64xf32, #tpu.memory_space<vmem>> -> memref<128x64xf32, #tpu.memory_space<vmem>>
      %dma_wait3A_853 = arith.constant 0 : i32
      %dma_wait3A_854 = tpu.memref_slice %arg6[%add3A_415, %dma_wait3A_853] : memref<10240x64xf32, #tpu.memory_space<vmem_shared>> -> memref<128x64xf32, #tpu.memory_space<vmem_shared>>
      %dma_wait3A_855 = arith.constant 0 : i32
      %dma_wait3A_856 = tpu.memref_slice %arg6[%add3A_415, %dma_wait3A_855] : memref<10240x64xf32, #tpu.memory_space<vmem_shared>> -> memref<128x64xf32, #tpu.memory_space<vmem_shared>>
      %dma_wait3A_857 = arith.constant 0 : i32
      %dma_wait3A_858 = arith.constant 0 : i32
      %dma_wait3A_859 = tpu.memref_slice %arg10[%run_scoped3A_417, %dma_wait3A_857, %dma_wait3A_858] : memref<4x128x64xf32, #tpu.memory_space<vmem>> -> memref<1x128x64xf32, #tpu.memory_space<vmem>>
      %dma_wait3A_860 = tpu.memref_squeeze %dma_wait3A_859 : memref<1x128x64xf32, #tpu.memory_space<vmem>> -> memref<128x64xf32, #tpu.memory_space<vmem>>
      tpu.wait_dma2 semaphore(%run_scoped3A_836 : memref<!tpu.dma_semaphore, #tpu.memory_space<semaphore_mem>>) src(%dma_wait3A_860 : memref<128x64xf32, #tpu.memory_space<vmem>>) dst(%dma_wait3A_856 : memref<128x64xf32, #tpu.memory_space<vmem_shared>>)
      tpu.yield
    }) : () -> ()
    %add3A_418 = arith.constant 384 : i32
    %add3A_419 = arith.addi %mul3A_0, %add3A_418 : i32
    %run_scoped3A_420 = arith.constant 0 : i32
    "tpu.region"() ({
      %run_scoped3A_836 = tpu.sem_alloc : memref<!tpu.dma_semaphore, #tpu.memory_space<semaphore_mem>>
      %dma_start3A_837 = arith.constant 0 : i32
      %dma_start3A_838 = arith.constant 0 : i32
      %dma_start3A_839 = tpu.memref_slice %arg10[%run_scoped3A_420, %dma_start3A_837, %dma_start3A_838] : memref<4x128x64xf32, #tpu.memory_space<vmem>> -> memref<1x128x64xf32, #tpu.memory_space<vmem>>
      %dma_start3A_840 = tpu.memref_squeeze %dma_start3A_839 : memref<1x128x64xf32, #tpu.memory_space<vmem>> -> memref<128x64xf32, #tpu.memory_space<vmem>>
      %dma_start3A_841 = arith.constant 0 : i32
      %dma_start3A_842 = tpu.memref_slice %arg7[%add3A_419, %dma_start3A_841] : memref<10240x64xf32, #tpu.memory_space<vmem_shared>> -> memref<128x64xf32, #tpu.memory_space<vmem_shared>>
      %dma_start3A_843 = arith.constant 0 : i32
      %dma_start3A_844 = arith.constant 0 : i32
      %dma_start3A_845 = tpu.memref_slice %arg10[%run_scoped3A_420, %dma_start3A_843, %dma_start3A_844] : memref<4x128x64xf32, #tpu.memory_space<vmem>> -> memref<1x128x64xf32, #tpu.memory_space<vmem>>
      %dma_start3A_846 = tpu.memref_squeeze %dma_start3A_845 : memref<1x128x64xf32, #tpu.memory_space<vmem>> -> memref<128x64xf32, #tpu.memory_space<vmem>>
      %dma_start3A_847 = arith.constant 0 : i32
      %dma_start3A_848 = tpu.memref_slice %arg7[%add3A_419, %dma_start3A_847] : memref<10240x64xf32, #tpu.memory_space<vmem_shared>> -> memref<128x64xf32, #tpu.memory_space<vmem_shared>>
      tpu.enqueue_dma source(%dma_start3A_848 : memref<128x64xf32, #tpu.memory_space<vmem_shared>>) target(%dma_start3A_846 : memref<128x64xf32, #tpu.memory_space<vmem>>) target_semaphore(%run_scoped3A_836 : memref<!tpu.dma_semaphore, #tpu.memory_space<semaphore_mem>>)
      %dma_wait3A_849 = arith.constant 0 : i32
      %dma_wait3A_850 = arith.constant 0 : i32
      %dma_wait3A_851 = tpu.memref_slice %arg10[%run_scoped3A_420, %dma_wait3A_849, %dma_wait3A_850] : memref<4x128x64xf32, #tpu.memory_space<vmem>> -> memref<1x128x64xf32, #tpu.memory_space<vmem>>
      %dma_wait3A_852 = tpu.memref_squeeze %dma_wait3A_851 : memref<1x128x64xf32, #tpu.memory_space<vmem>> -> memref<128x64xf32, #tpu.memory_space<vmem>>
      %dma_wait3A_853 = arith.constant 0 : i32
      %dma_wait3A_854 = tpu.memref_slice %arg7[%add3A_419, %dma_wait3A_853] : memref<10240x64xf32, #tpu.memory_space<vmem_shared>> -> memref<128x64xf32, #tpu.memory_space<vmem_shared>>
      %dma_wait3A_855 = arith.constant 0 : i32
      %dma_wait3A_856 = arith.constant 0 : i32
      %dma_wait3A_857 = tpu.memref_slice %arg10[%run_scoped3A_420, %dma_wait3A_855, %dma_wait3A_856] : memref<4x128x64xf32, #tpu.memory_space<vmem>> -> memref<1x128x64xf32, #tpu.memory_space<vmem>>
      %dma_wait3A_858 = tpu.memref_squeeze %dma_wait3A_857 : memref<1x128x64xf32, #tpu.memory_space<vmem>> -> memref<128x64xf32, #tpu.memory_space<vmem>>
      %dma_wait3A_859 = arith.constant 0 : i32
      %dma_wait3A_860 = tpu.memref_slice %arg7[%add3A_419, %dma_wait3A_859] : memref<10240x64xf32, #tpu.memory_space<vmem_shared>> -> memref<128x64xf32, #tpu.memory_space<vmem_shared>>
      tpu.wait_dma2 semaphore(%run_scoped3A_836 : memref<!tpu.dma_semaphore, #tpu.memory_space<semaphore_mem>>) src(%dma_wait3A_860 : memref<128x64xf32, #tpu.memory_space<vmem_shared>>) dst(%dma_wait3A_858 : memref<128x64xf32, #tpu.memory_space<vmem>>)
      tpu.yield
    }) : () -> ()
    %run_scoped3A_421 = arith.constant 0 : i32
    "tpu.region"() ({
      %run_scoped3A_836 = tpu.sem_alloc : memref<!tpu.dma_semaphore, #tpu.memory_space<semaphore_mem>>
      %dma_start3A_837 = arith.constant 0 : i32
      %dma_start3A_838 = arith.constant 0 : i32
      %dma_start3A_839 = tpu.memref_slice %arg10[%run_scoped3A_421, %dma_start3A_837, %dma_start3A_838] : memref<4x128x64xf32, #tpu.memory_space<vmem>> -> memref<1x128x64xf32, #tpu.memory_space<vmem>>
      %dma_start3A_840 = tpu.memref_squeeze %dma_start3A_839 : memref<1x128x64xf32, #tpu.memory_space<vmem>> -> memref<128x64xf32, #tpu.memory_space<vmem>>
      %dma_start3A_841 = arith.constant 0 : i32
      %dma_start3A_842 = tpu.memref_slice %arg6[%add3A_419, %dma_start3A_841] : memref<10240x64xf32, #tpu.memory_space<vmem_shared>> -> memref<128x64xf32, #tpu.memory_space<vmem_shared>>
      %dma_start3A_843 = arith.constant 0 : i32
      %dma_start3A_844 = tpu.memref_slice %arg6[%add3A_419, %dma_start3A_843] : memref<10240x64xf32, #tpu.memory_space<vmem_shared>> -> memref<128x64xf32, #tpu.memory_space<vmem_shared>>
      %dma_start3A_845 = arith.constant 0 : i32
      %dma_start3A_846 = arith.constant 0 : i32
      %dma_start3A_847 = tpu.memref_slice %arg10[%run_scoped3A_421, %dma_start3A_845, %dma_start3A_846] : memref<4x128x64xf32, #tpu.memory_space<vmem>> -> memref<1x128x64xf32, #tpu.memory_space<vmem>>
      %dma_start3A_848 = tpu.memref_squeeze %dma_start3A_847 : memref<1x128x64xf32, #tpu.memory_space<vmem>> -> memref<128x64xf32, #tpu.memory_space<vmem>>
      tpu.enqueue_dma source(%dma_start3A_848 : memref<128x64xf32, #tpu.memory_space<vmem>>) target(%dma_start3A_844 : memref<128x64xf32, #tpu.memory_space<vmem_shared>>) target_semaphore(%run_scoped3A_836 : memref<!tpu.dma_semaphore, #tpu.memory_space<semaphore_mem>>)
      %dma_wait3A_849 = arith.constant 0 : i32
      %dma_wait3A_850 = arith.constant 0 : i32
      %dma_wait3A_851 = tpu.memref_slice %arg10[%run_scoped3A_421, %dma_wait3A_849, %dma_wait3A_850] : memref<4x128x64xf32, #tpu.memory_space<vmem>> -> memref<1x128x64xf32, #tpu.memory_space<vmem>>
      %dma_wait3A_852 = tpu.memref_squeeze %dma_wait3A_851 : memref<1x128x64xf32, #tpu.memory_space<vmem>> -> memref<128x64xf32, #tpu.memory_space<vmem>>
      %dma_wait3A_853 = arith.constant 0 : i32
      %dma_wait3A_854 = tpu.memref_slice %arg6[%add3A_419, %dma_wait3A_853] : memref<10240x64xf32, #tpu.memory_space<vmem_shared>> -> memref<128x64xf32, #tpu.memory_space<vmem_shared>>
      %dma_wait3A_855 = arith.constant 0 : i32
      %dma_wait3A_856 = tpu.memref_slice %arg6[%add3A_419, %dma_wait3A_855] : memref<10240x64xf32, #tpu.memory_space<vmem_shared>> -> memref<128x64xf32, #tpu.memory_space<vmem_shared>>
      %dma_wait3A_857 = arith.constant 0 : i32
      %dma_wait3A_858 = arith.constant 0 : i32
      %dma_wait3A_859 = tpu.memref_slice %arg10[%run_scoped3A_421, %dma_wait3A_857, %dma_wait3A_858] : memref<4x128x64xf32, #tpu.memory_space<vmem>> -> memref<1x128x64xf32, #tpu.memory_space<vmem>>
      %dma_wait3A_860 = tpu.memref_squeeze %dma_wait3A_859 : memref<1x128x64xf32, #tpu.memory_space<vmem>> -> memref<128x64xf32, #tpu.memory_space<vmem>>
      tpu.wait_dma2 semaphore(%run_scoped3A_836 : memref<!tpu.dma_semaphore, #tpu.memory_space<semaphore_mem>>) src(%dma_wait3A_860 : memref<128x64xf32, #tpu.memory_space<vmem>>) dst(%dma_wait3A_856 : memref<128x64xf32, #tpu.memory_space<vmem_shared>>)
      tpu.yield
    }) : () -> ()
    %add3A_422 = arith.constant 512 : i32
    %add3A_423 = arith.addi %mul3A_0, %add3A_422 : i32
    %run_scoped3A_424 = arith.constant 0 : i32
    "tpu.region"() ({
      %run_scoped3A_836 = tpu.sem_alloc : memref<!tpu.dma_semaphore, #tpu.memory_space<semaphore_mem>>
      %dma_start3A_837 = arith.constant 0 : i32
      %dma_start3A_838 = arith.constant 0 : i32
      %dma_start3A_839 = tpu.memref_slice %arg10[%run_scoped3A_424, %dma_start3A_837, %dma_start3A_838] : memref<4x128x64xf32, #tpu.memory_space<vmem>> -> memref<1x128x64xf32, #tpu.memory_space<vmem>>
      %dma_start3A_840 = tpu.memref_squeeze %dma_start3A_839 : memref<1x128x64xf32, #tpu.memory_space<vmem>> -> memref<128x64xf32, #tpu.memory_space<vmem>>
      %dma_start3A_841 = arith.constant 0 : i32
      %dma_start3A_842 = tpu.memref_slice %arg7[%add3A_423, %dma_start3A_841] : memref<10240x64xf32, #tpu.memory_space<vmem_shared>> -> memref<128x64xf32, #tpu.memory_space<vmem_shared>>
      %dma_start3A_843 = arith.constant 0 : i32
      %dma_start3A_844 = arith.constant 0 : i32
      %dma_start3A_845 = tpu.memref_slice %arg10[%run_scoped3A_424, %dma_start3A_843, %dma_start3A_844] : memref<4x128x64xf32, #tpu.memory_space<vmem>> -> memref<1x128x64xf32, #tpu.memory_space<vmem>>
      %dma_start3A_846 = tpu.memref_squeeze %dma_start3A_845 : memref<1x128x64xf32, #tpu.memory_space<vmem>> -> memref<128x64xf32, #tpu.memory_space<vmem>>
      %dma_start3A_847 = arith.constant 0 : i32
      %dma_start3A_848 = tpu.memref_slice %arg7[%add3A_423, %dma_start3A_847] : memref<10240x64xf32, #tpu.memory_space<vmem_shared>> -> memref<128x64xf32, #tpu.memory_space<vmem_shared>>
      tpu.enqueue_dma source(%dma_start3A_848 : memref<128x64xf32, #tpu.memory_space<vmem_shared>>) target(%dma_start3A_846 : memref<128x64xf32, #tpu.memory_space<vmem>>) target_semaphore(%run_scoped3A_836 : memref<!tpu.dma_semaphore, #tpu.memory_space<semaphore_mem>>)
      %dma_wait3A_849 = arith.constant 0 : i32
      %dma_wait3A_850 = arith.constant 0 : i32
      %dma_wait3A_851 = tpu.memref_slice %arg10[%run_scoped3A_424, %dma_wait3A_849, %dma_wait3A_850] : memref<4x128x64xf32, #tpu.memory_space<vmem>> -> memref<1x128x64xf32, #tpu.memory_space<vmem>>
      %dma_wait3A_852 = tpu.memref_squeeze %dma_wait3A_851 : memref<1x128x64xf32, #tpu.memory_space<vmem>> -> memref<128x64xf32, #tpu.memory_space<vmem>>
      %dma_wait3A_853 = arith.constant 0 : i32
      %dma_wait3A_854 = tpu.memref_slice %arg7[%add3A_423, %dma_wait3A_853] : memref<10240x64xf32, #tpu.memory_space<vmem_shared>> -> memref<128x64xf32, #tpu.memory_space<vmem_shared>>
      %dma_wait3A_855 = arith.constant 0 : i32
      %dma_wait3A_856 = arith.constant 0 : i32
      %dma_wait3A_857 = tpu.memref_slice %arg10[%run_scoped3A_424, %dma_wait3A_855, %dma_wait3A_856] : memref<4x128x64xf32, #tpu.memory_space<vmem>> -> memref<1x128x64xf32, #tpu.memory_space<vmem>>
      %dma_wait3A_858 = tpu.memref_squeeze %dma_wait3A_857 : memref<1x128x64xf32, #tpu.memory_space<vmem>> -> memref<128x64xf32, #tpu.memory_space<vmem>>
      %dma_wait3A_859 = arith.constant 0 : i32
      %dma_wait3A_860 = tpu.memref_slice %arg7[%add3A_423, %dma_wait3A_859] : memref<10240x64xf32, #tpu.memory_space<vmem_shared>> -> memref<128x64xf32, #tpu.memory_space<vmem_shared>>
      tpu.wait_dma2 semaphore(%run_scoped3A_836 : memref<!tpu.dma_semaphore, #tpu.memory_space<semaphore_mem>>) src(%dma_wait3A_860 : memref<128x64xf32, #tpu.memory_space<vmem_shared>>) dst(%dma_wait3A_858 : memref<128x64xf32, #tpu.memory_space<vmem>>)
      tpu.yield
    }) : () -> ()
    %run_scoped3A_425 = arith.constant 0 : i32
    "tpu.region"() ({
      %run_scoped3A_836 = tpu.sem_alloc : memref<!tpu.dma_semaphore, #tpu.memory_space<semaphore_mem>>
      %dma_start3A_837 = arith.constant 0 : i32
      %dma_start3A_838 = arith.constant 0 : i32
      %dma_start3A_839 = tpu.memref_slice %arg10[%run_scoped3A_425, %dma_start3A_837, %dma_start3A_838] : memref<4x128x64xf32, #tpu.memory_space<vmem>> -> memref<1x128x64xf32, #tpu.memory_space<vmem>>
      %dma_start3A_840 = tpu.memref_squeeze %dma_start3A_839 : memref<1x128x64xf32, #tpu.memory_space<vmem>> -> memref<128x64xf32, #tpu.memory_space<vmem>>
      %dma_start3A_841 = arith.constant 0 : i32
      %dma_start3A_842 = tpu.memref_slice %arg6[%add3A_423, %dma_start3A_841] : memref<10240x64xf32, #tpu.memory_space<vmem_shared>> -> memref<128x64xf32, #tpu.memory_space<vmem_shared>>
      %dma_start3A_843 = arith.constant 0 : i32
      %dma_start3A_844 = tpu.memref_slice %arg6[%add3A_423, %dma_start3A_843] : memref<10240x64xf32, #tpu.memory_space<vmem_shared>> -> memref<128x64xf32, #tpu.memory_space<vmem_shared>>
      %dma_start3A_845 = arith.constant 0 : i32
      %dma_start3A_846 = arith.constant 0 : i32
      %dma_start3A_847 = tpu.memref_slice %arg10[%run_scoped3A_425, %dma_start3A_845, %dma_start3A_846] : memref<4x128x64xf32, #tpu.memory_space<vmem>> -> memref<1x128x64xf32, #tpu.memory_space<vmem>>
      %dma_start3A_848 = tpu.memref_squeeze %dma_start3A_847 : memref<1x128x64xf32, #tpu.memory_space<vmem>> -> memref<128x64xf32, #tpu.memory_space<vmem>>
      tpu.enqueue_dma source(%dma_start3A_848 : memref<128x64xf32, #tpu.memory_space<vmem>>) target(%dma_start3A_844 : memref<128x64xf32, #tpu.memory_space<vmem_shared>>) target_semaphore(%run_scoped3A_836 : memref<!tpu.dma_semaphore, #tpu.memory_space<semaphore_mem>>)
      %dma_wait3A_849 = arith.constant 0 : i32
      %dma_wait3A_850 = arith.constant 0 : i32
      %dma_wait3A_851 = tpu.memref_slice %arg10[%run_scoped3A_425, %dma_wait3A_849, %dma_wait3A_850] : memref<4x128x64xf32, #tpu.memory_space<vmem>> -> memref<1x128x64xf32, #tpu.memory_space<vmem>>
      %dma_wait3A_852 = tpu.memref_squeeze %dma_wait3A_851 : memref<1x128x64xf32, #tpu.memory_space<vmem>> -> memref<128x64xf32, #tpu.memory_space<vmem>>
      %dma_wait3A_853 = arith.constant 0 : i32
      %dma_wait3A_854 = tpu.memref_slice %arg6[%add3A_423, %dma_wait3A_853] : memref<10240x64xf32, #tpu.memory_space<vmem_shared>> -> memref<128x64xf32, #tpu.memory_space<vmem_shared>>
      %dma_wait3A_855 = arith.constant 0 : i32
      %dma_wait3A_856 = tpu.memref_slice %arg6[%add3A_423, %dma_wait3A_855] : memref<10240x64xf32, #tpu.memory_space<vmem_shared>> -> memref<128x64xf32, #tpu.memory_space<vmem_shared>>
      %dma_wait3A_857 = arith.constant 0 : i32
      %dma_wait3A_858 = arith.constant 0 : i32
      %dma_wait3A_859 = tpu.memref_slice %arg10[%run_scoped3A_425, %dma_wait3A_857, %dma_wait3A_858] : memref<4x128x64xf32, #tpu.memory_space<vmem>> -> memref<1x128x64xf32, #tpu.memory_space<vmem>>
      %dma_wait3A_860 = tpu.memref_squeeze %dma_wait3A_859 : memref<1x128x64xf32, #tpu.memory_space<vmem>> -> memref<128x64xf32, #tpu.memory_space<vmem>>
      tpu.wait_dma2 semaphore(%run_scoped3A_836 : memref<!tpu.dma_semaphore, #tpu.memory_space<semaphore_mem>>) src(%dma_wait3A_860 : memref<128x64xf32, #tpu.memory_space<vmem>>) dst(%dma_wait3A_856 : memref<128x64xf32, #tpu.memory_space<vmem_shared>>)
      tpu.yield
    }) : () -> ()
    %barrier3A_426 = arith.constant 0 : index
    tpu.barrier barrier_id(%barrier3A_426)
    %add3A_427 = arith.constant 0 : i32
    %add3A_428 = arith.addi %mul3A_13, %add3A_427 : i32
    %dma_start3A_429 = arith.constant 0 : i32
    %dma_start3A_430 = arith.constant 0 : i32
    %dma_start3A_431 = arith.constant 0 : i32
    %dma_start3A_432 = arith.constant 0 : i32
    %dma_start3A_433 = tpu.memref_slice %arg8[%dma_start3A_430, %dma_start3A_432] : memref<8x128xi32, #tpu.memory_space<vmem>> -> memref<1x128xi32, #tpu.memory_space<vmem>>
    %dma_start3A_434 = tpu.memref_squeeze %dma_start3A_433 : memref<1x128xi32, #tpu.memory_space<vmem>> -> memref<128xi32, #tpu.memory_space<vmem>>
    %dma_start3A_435 = tpu.memref_slice %arg3[%dma_start3A_429, %add3A_428] : memref<2x320000xi32, #tpu.memory_space<hbm>> -> memref<1x128xi32, #tpu.memory_space<hbm>>
    %dma_start3A_436 = tpu.memref_squeeze %dma_start3A_435 : memref<1x128xi32, #tpu.memory_space<hbm>> -> memref<128xi32, #tpu.memory_space<hbm>>
    %dma_start3A_437 = tpu.memref_slice %arg13[%dma_start3A_431] : memref<8x!tpu.dma_semaphore, #tpu.memory_space<semaphore_mem>> -> memref<1x!tpu.dma_semaphore, #tpu.memory_space<semaphore_mem>>
    %dma_start3A_438 = tpu.memref_squeeze %dma_start3A_437 : memref<1x!tpu.dma_semaphore, #tpu.memory_space<semaphore_mem>> -> memref<!tpu.dma_semaphore, #tpu.memory_space<semaphore_mem>>
    %dma_start3A_439 = arith.constant 0 : i32
    %dma_start3A_440 = tpu.memref_slice %arg8[%dma_start3A_430, %dma_start3A_439] : memref<8x128xi32, #tpu.memory_space<vmem>> -> memref<1x128xi32, #tpu.memory_space<vmem>>
    %dma_start3A_441 = tpu.memref_squeeze %dma_start3A_440 : memref<1x128xi32, #tpu.memory_space<vmem>> -> memref<128xi32, #tpu.memory_space<vmem>>
    %dma_start3A_442 = tpu.memref_slice %arg3[%dma_start3A_429, %add3A_428] : memref<2x320000xi32, #tpu.memory_space<hbm>> -> memref<1x128xi32, #tpu.memory_space<hbm>>
    %dma_start3A_443 = tpu.memref_squeeze %dma_start3A_442 : memref<1x128xi32, #tpu.memory_space<hbm>> -> memref<128xi32, #tpu.memory_space<hbm>>
    tpu.enqueue_dma source(%dma_start3A_443 : memref<128xi32, #tpu.memory_space<hbm>>) target(%dma_start3A_441 : memref<128xi32, #tpu.memory_space<vmem>>) target_semaphore(%dma_start3A_438 : memref<!tpu.dma_semaphore, #tpu.memory_space<semaphore_mem>>)
    %add3A_444 = arith.constant 0 : i32
    %add3A_445 = arith.addi %mul3A_13, %add3A_444 : i32
    %dma_start3A_446 = arith.constant 1 : i32
    %dma_start3A_447 = arith.constant 0 : i32
    %dma_start3A_448 = arith.constant 0 : i32
    %dma_start3A_449 = arith.constant 0 : i32
    %dma_start3A_450 = tpu.memref_slice %arg9[%dma_start3A_447, %dma_start3A_449] : memref<8x128xi32, #tpu.memory_space<vmem>> -> memref<1x128xi32, #tpu.memory_space<vmem>>
    %dma_start3A_451 = tpu.memref_squeeze %dma_start3A_450 : memref<1x128xi32, #tpu.memory_space<vmem>> -> memref<128xi32, #tpu.memory_space<vmem>>
    %dma_start3A_452 = tpu.memref_slice %arg3[%dma_start3A_446, %add3A_445] : memref<2x320000xi32, #tpu.memory_space<hbm>> -> memref<1x128xi32, #tpu.memory_space<hbm>>
    %dma_start3A_453 = tpu.memref_squeeze %dma_start3A_452 : memref<1x128xi32, #tpu.memory_space<hbm>> -> memref<128xi32, #tpu.memory_space<hbm>>
    %dma_start3A_454 = tpu.memref_slice %arg14[%dma_start3A_448] : memref<8x!tpu.dma_semaphore, #tpu.memory_space<semaphore_mem>> -> memref<1x!tpu.dma_semaphore, #tpu.memory_space<semaphore_mem>>
    %dma_start3A_455 = tpu.memref_squeeze %dma_start3A_454 : memref<1x!tpu.dma_semaphore, #tpu.memory_space<semaphore_mem>> -> memref<!tpu.dma_semaphore, #tpu.memory_space<semaphore_mem>>
    %dma_start3A_456 = arith.constant 0 : i32
    %dma_start3A_457 = tpu.memref_slice %arg9[%dma_start3A_447, %dma_start3A_456] : memref<8x128xi32, #tpu.memory_space<vmem>> -> memref<1x128xi32, #tpu.memory_space<vmem>>
    %dma_start3A_458 = tpu.memref_squeeze %dma_start3A_457 : memref<1x128xi32, #tpu.memory_space<vmem>> -> memref<128xi32, #tpu.memory_space<vmem>>
    %dma_start3A_459 = tpu.memref_slice %arg3[%dma_start3A_446, %add3A_445] : memref<2x320000xi32, #tpu.memory_space<hbm>> -> memref<1x128xi32, #tpu.memory_space<hbm>>
    %dma_start3A_460 = tpu.memref_squeeze %dma_start3A_459 : memref<1x128xi32, #tpu.memory_space<hbm>> -> memref<128xi32, #tpu.memory_space<hbm>>
    tpu.enqueue_dma source(%dma_start3A_460 : memref<128xi32, #tpu.memory_space<hbm>>) target(%dma_start3A_458 : memref<128xi32, #tpu.memory_space<vmem>>) target_semaphore(%dma_start3A_455 : memref<!tpu.dma_semaphore, #tpu.memory_space<semaphore_mem>>)
    %add3A_461 = arith.constant 128 : i32
    %add3A_462 = arith.addi %mul3A_13, %add3A_461 : i32
    %dma_start3A_463 = arith.constant 0 : i32
    %dma_start3A_464 = arith.constant 1 : i32
    %dma_start3A_465 = arith.constant 1 : i32
    %dma_start3A_466 = arith.constant 0 : i32
    %dma_start3A_467 = tpu.memref_slice %arg8[%dma_start3A_464, %dma_start3A_466] : memref<8x128xi32, #tpu.memory_space<vmem>> -> memref<1x128xi32, #tpu.memory_space<vmem>>
    %dma_start3A_468 = tpu.memref_squeeze %dma_start3A_467 : memref<1x128xi32, #tpu.memory_space<vmem>> -> memref<128xi32, #tpu.memory_space<vmem>>
    %dma_start3A_469 = tpu.memref_slice %arg3[%dma_start3A_463, %add3A_462] : memref<2x320000xi32, #tpu.memory_space<hbm>> -> memref<1x128xi32, #tpu.memory_space<hbm>>
    %dma_start3A_470 = tpu.memref_squeeze %dma_start3A_469 : memref<1x128xi32, #tpu.memory_space<hbm>> -> memref<128xi32, #tpu.memory_space<hbm>>
    %dma_start3A_471 = tpu.memref_slice %arg13[%dma_start3A_465] : memref<8x!tpu.dma_semaphore, #tpu.memory_space<semaphore_mem>> -> memref<1x!tpu.dma_semaphore, #tpu.memory_space<semaphore_mem>>
    %dma_start3A_472 = tpu.memref_squeeze %dma_start3A_471 : memref<1x!tpu.dma_semaphore, #tpu.memory_space<semaphore_mem>> -> memref<!tpu.dma_semaphore, #tpu.memory_space<semaphore_mem>>
    %dma_start3A_473 = arith.constant 0 : i32
    %dma_start3A_474 = tpu.memref_slice %arg8[%dma_start3A_464, %dma_start3A_473] : memref<8x128xi32, #tpu.memory_space<vmem>> -> memref<1x128xi32, #tpu.memory_space<vmem>>
    %dma_start3A_475 = tpu.memref_squeeze %dma_start3A_474 : memref<1x128xi32, #tpu.memory_space<vmem>> -> memref<128xi32, #tpu.memory_space<vmem>>
    %dma_start3A_476 = tpu.memref_slice %arg3[%dma_start3A_463, %add3A_462] : memref<2x320000xi32, #tpu.memory_space<hbm>> -> memref<1x128xi32, #tpu.memory_space<hbm>>
    %dma_start3A_477 = tpu.memref_squeeze %dma_start3A_476 : memref<1x128xi32, #tpu.memory_space<hbm>> -> memref<128xi32, #tpu.memory_space<hbm>>
    tpu.enqueue_dma source(%dma_start3A_477 : memref<128xi32, #tpu.memory_space<hbm>>) target(%dma_start3A_475 : memref<128xi32, #tpu.memory_space<vmem>>) target_semaphore(%dma_start3A_472 : memref<!tpu.dma_semaphore, #tpu.memory_space<semaphore_mem>>)
    %add3A_478 = arith.constant 128 : i32
    %add3A_479 = arith.addi %mul3A_13, %add3A_478 : i32
    %dma_start3A_480 = arith.constant 1 : i32
    %dma_start3A_481 = arith.constant 1 : i32
    %dma_start3A_482 = arith.constant 1 : i32
    %dma_start3A_483 = arith.constant 0 : i32
    %dma_start3A_484 = tpu.memref_slice %arg9[%dma_start3A_481, %dma_start3A_483] : memref<8x128xi32, #tpu.memory_space<vmem>> -> memref<1x128xi32, #tpu.memory_space<vmem>>
    %dma_start3A_485 = tpu.memref_squeeze %dma_start3A_484 : memref<1x128xi32, #tpu.memory_space<vmem>> -> memref<128xi32, #tpu.memory_space<vmem>>
    %dma_start3A_486 = tpu.memref_slice %arg3[%dma_start3A_480, %add3A_479] : memref<2x320000xi32, #tpu.memory_space<hbm>> -> memref<1x128xi32, #tpu.memory_space<hbm>>
    %dma_start3A_487 = tpu.memref_squeeze %dma_start3A_486 : memref<1x128xi32, #tpu.memory_space<hbm>> -> memref<128xi32, #tpu.memory_space<hbm>>
    %dma_start3A_488 = tpu.memref_slice %arg14[%dma_start3A_482] : memref<8x!tpu.dma_semaphore, #tpu.memory_space<semaphore_mem>> -> memref<1x!tpu.dma_semaphore, #tpu.memory_space<semaphore_mem>>
    %dma_start3A_489 = tpu.memref_squeeze %dma_start3A_488 : memref<1x!tpu.dma_semaphore, #tpu.memory_space<semaphore_mem>> -> memref<!tpu.dma_semaphore, #tpu.memory_space<semaphore_mem>>
    %dma_start3A_490 = arith.constant 0 : i32
    %dma_start3A_491 = tpu.memref_slice %arg9[%dma_start3A_481, %dma_start3A_490] : memref<8x128xi32, #tpu.memory_space<vmem>> -> memref<1x128xi32, #tpu.memory_space<vmem>>
    %dma_start3A_492 = tpu.memref_squeeze %dma_start3A_491 : memref<1x128xi32, #tpu.memory_space<vmem>> -> memref<128xi32, #tpu.memory_space<vmem>>
    %dma_start3A_493 = tpu.memref_slice %arg3[%dma_start3A_480, %add3A_479] : memref<2x320000xi32, #tpu.memory_space<hbm>> -> memref<1x128xi32, #tpu.memory_space<hbm>>
    %dma_start3A_494 = tpu.memref_squeeze %dma_start3A_493 : memref<1x128xi32, #tpu.memory_space<hbm>> -> memref<128xi32, #tpu.memory_space<hbm>>
    tpu.enqueue_dma source(%dma_start3A_494 : memref<128xi32, #tpu.memory_space<hbm>>) target(%dma_start3A_492 : memref<128xi32, #tpu.memory_space<vmem>>) target_semaphore(%dma_start3A_489 : memref<!tpu.dma_semaphore, #tpu.memory_space<semaphore_mem>>)
    %add3A_495 = arith.constant 256 : i32
    %add3A_496 = arith.addi %mul3A_13, %add3A_495 : i32
    %dma_start3A_497 = arith.constant 0 : i32
    %dma_start3A_498 = arith.constant 2 : i32
    %dma_start3A_499 = arith.constant 2 : i32
    %dma_start3A_500 = arith.constant 0 : i32
    %dma_start3A_501 = tpu.memref_slice %arg8[%dma_start3A_498, %dma_start3A_500] : memref<8x128xi32, #tpu.memory_space<vmem>> -> memref<1x128xi32, #tpu.memory_space<vmem>>
    %dma_start3A_502 = tpu.memref_squeeze %dma_start3A_501 : memref<1x128xi32, #tpu.memory_space<vmem>> -> memref<128xi32, #tpu.memory_space<vmem>>
    %dma_start3A_503 = tpu.memref_slice %arg3[%dma_start3A_497, %add3A_496] : memref<2x320000xi32, #tpu.memory_space<hbm>> -> memref<1x128xi32, #tpu.memory_space<hbm>>
    %dma_start3A_504 = tpu.memref_squeeze %dma_start3A_503 : memref<1x128xi32, #tpu.memory_space<hbm>> -> memref<128xi32, #tpu.memory_space<hbm>>
    %dma_start3A_505 = tpu.memref_slice %arg13[%dma_start3A_499] : memref<8x!tpu.dma_semaphore, #tpu.memory_space<semaphore_mem>> -> memref<1x!tpu.dma_semaphore, #tpu.memory_space<semaphore_mem>>
    %dma_start3A_506 = tpu.memref_squeeze %dma_start3A_505 : memref<1x!tpu.dma_semaphore, #tpu.memory_space<semaphore_mem>> -> memref<!tpu.dma_semaphore, #tpu.memory_space<semaphore_mem>>
    %dma_start3A_507 = arith.constant 0 : i32
    %dma_start3A_508 = tpu.memref_slice %arg8[%dma_start3A_498, %dma_start3A_507] : memref<8x128xi32, #tpu.memory_space<vmem>> -> memref<1x128xi32, #tpu.memory_space<vmem>>
    %dma_start3A_509 = tpu.memref_squeeze %dma_start3A_508 : memref<1x128xi32, #tpu.memory_space<vmem>> -> memref<128xi32, #tpu.memory_space<vmem>>
    %dma_start3A_510 = tpu.memref_slice %arg3[%dma_start3A_497, %add3A_496] : memref<2x320000xi32, #tpu.memory_space<hbm>> -> memref<1x128xi32, #tpu.memory_space<hbm>>
    %dma_start3A_511 = tpu.memref_squeeze %dma_start3A_510 : memref<1x128xi32, #tpu.memory_space<hbm>> -> memref<128xi32, #tpu.memory_space<hbm>>
    tpu.enqueue_dma source(%dma_start3A_511 : memref<128xi32, #tpu.memory_space<hbm>>) target(%dma_start3A_509 : memref<128xi32, #tpu.memory_space<vmem>>) target_semaphore(%dma_start3A_506 : memref<!tpu.dma_semaphore, #tpu.memory_space<semaphore_mem>>)
    %add3A_512 = arith.constant 256 : i32
    %add3A_513 = arith.addi %mul3A_13, %add3A_512 : i32
    %dma_start3A_514 = arith.constant 1 : i32
    %dma_start3A_515 = arith.constant 2 : i32
    %dma_start3A_516 = arith.constant 2 : i32
    %dma_start3A_517 = arith.constant 0 : i32
    %dma_start3A_518 = tpu.memref_slice %arg9[%dma_start3A_515, %dma_start3A_517] : memref<8x128xi32, #tpu.memory_space<vmem>> -> memref<1x128xi32, #tpu.memory_space<vmem>>
    %dma_start3A_519 = tpu.memref_squeeze %dma_start3A_518 : memref<1x128xi32, #tpu.memory_space<vmem>> -> memref<128xi32, #tpu.memory_space<vmem>>
    %dma_start3A_520 = tpu.memref_slice %arg3[%dma_start3A_514, %add3A_513] : memref<2x320000xi32, #tpu.memory_space<hbm>> -> memref<1x128xi32, #tpu.memory_space<hbm>>
    %dma_start3A_521 = tpu.memref_squeeze %dma_start3A_520 : memref<1x128xi32, #tpu.memory_space<hbm>> -> memref<128xi32, #tpu.memory_space<hbm>>
    %dma_start3A_522 = tpu.memref_slice %arg14[%dma_start3A_516] : memref<8x!tpu.dma_semaphore, #tpu.memory_space<semaphore_mem>> -> memref<1x!tpu.dma_semaphore, #tpu.memory_space<semaphore_mem>>
    %dma_start3A_523 = tpu.memref_squeeze %dma_start3A_522 : memref<1x!tpu.dma_semaphore, #tpu.memory_space<semaphore_mem>> -> memref<!tpu.dma_semaphore, #tpu.memory_space<semaphore_mem>>
    %dma_start3A_524 = arith.constant 0 : i32
    %dma_start3A_525 = tpu.memref_slice %arg9[%dma_start3A_515, %dma_start3A_524] : memref<8x128xi32, #tpu.memory_space<vmem>> -> memref<1x128xi32, #tpu.memory_space<vmem>>
    %dma_start3A_526 = tpu.memref_squeeze %dma_start3A_525 : memref<1x128xi32, #tpu.memory_space<vmem>> -> memref<128xi32, #tpu.memory_space<vmem>>
    %dma_start3A_527 = tpu.memref_slice %arg3[%dma_start3A_514, %add3A_513] : memref<2x320000xi32, #tpu.memory_space<hbm>> -> memref<1x128xi32, #tpu.memory_space<hbm>>
    %dma_start3A_528 = tpu.memref_squeeze %dma_start3A_527 : memref<1x128xi32, #tpu.memory_space<hbm>> -> memref<128xi32, #tpu.memory_space<hbm>>
    tpu.enqueue_dma source(%dma_start3A_528 : memref<128xi32, #tpu.memory_space<hbm>>) target(%dma_start3A_526 : memref<128xi32, #tpu.memory_space<vmem>>) target_semaphore(%dma_start3A_523 : memref<!tpu.dma_semaphore, #tpu.memory_space<semaphore_mem>>)
    %add3A_529 = arith.constant 384 : i32
    %add3A_530 = arith.addi %mul3A_13, %add3A_529 : i32
    %dma_start3A_531 = arith.constant 0 : i32
    %dma_start3A_532 = arith.constant 3 : i32
    %dma_start3A_533 = arith.constant 3 : i32
    %dma_start3A_534 = arith.constant 0 : i32
    %dma_start3A_535 = tpu.memref_slice %arg8[%dma_start3A_532, %dma_start3A_534] : memref<8x128xi32, #tpu.memory_space<vmem>> -> memref<1x128xi32, #tpu.memory_space<vmem>>
    %dma_start3A_536 = tpu.memref_squeeze %dma_start3A_535 : memref<1x128xi32, #tpu.memory_space<vmem>> -> memref<128xi32, #tpu.memory_space<vmem>>
    %dma_start3A_537 = tpu.memref_slice %arg3[%dma_start3A_531, %add3A_530] : memref<2x320000xi32, #tpu.memory_space<hbm>> -> memref<1x128xi32, #tpu.memory_space<hbm>>
    %dma_start3A_538 = tpu.memref_squeeze %dma_start3A_537 : memref<1x128xi32, #tpu.memory_space<hbm>> -> memref<128xi32, #tpu.memory_space<hbm>>
    %dma_start3A_539 = tpu.memref_slice %arg13[%dma_start3A_533] : memref<8x!tpu.dma_semaphore, #tpu.memory_space<semaphore_mem>> -> memref<1x!tpu.dma_semaphore, #tpu.memory_space<semaphore_mem>>
    %dma_start3A_540 = tpu.memref_squeeze %dma_start3A_539 : memref<1x!tpu.dma_semaphore, #tpu.memory_space<semaphore_mem>> -> memref<!tpu.dma_semaphore, #tpu.memory_space<semaphore_mem>>
    %dma_start3A_541 = arith.constant 0 : i32
    %dma_start3A_542 = tpu.memref_slice %arg8[%dma_start3A_532, %dma_start3A_541] : memref<8x128xi32, #tpu.memory_space<vmem>> -> memref<1x128xi32, #tpu.memory_space<vmem>>
    %dma_start3A_543 = tpu.memref_squeeze %dma_start3A_542 : memref<1x128xi32, #tpu.memory_space<vmem>> -> memref<128xi32, #tpu.memory_space<vmem>>
    %dma_start3A_544 = tpu.memref_slice %arg3[%dma_start3A_531, %add3A_530] : memref<2x320000xi32, #tpu.memory_space<hbm>> -> memref<1x128xi32, #tpu.memory_space<hbm>>
    %dma_start3A_545 = tpu.memref_squeeze %dma_start3A_544 : memref<1x128xi32, #tpu.memory_space<hbm>> -> memref<128xi32, #tpu.memory_space<hbm>>
    tpu.enqueue_dma source(%dma_start3A_545 : memref<128xi32, #tpu.memory_space<hbm>>) target(%dma_start3A_543 : memref<128xi32, #tpu.memory_space<vmem>>) target_semaphore(%dma_start3A_540 : memref<!tpu.dma_semaphore, #tpu.memory_space<semaphore_mem>>)
    %add3A_546 = arith.constant 384 : i32
    %add3A_547 = arith.addi %mul3A_13, %add3A_546 : i32
    %dma_start3A_548 = arith.constant 1 : i32
    %dma_start3A_549 = arith.constant 3 : i32
    %dma_start3A_550 = arith.constant 3 : i32
    %dma_start3A_551 = arith.constant 0 : i32
    %dma_start3A_552 = tpu.memref_slice %arg9[%dma_start3A_549, %dma_start3A_551] : memref<8x128xi32, #tpu.memory_space<vmem>> -> memref<1x128xi32, #tpu.memory_space<vmem>>
    %dma_start3A_553 = tpu.memref_squeeze %dma_start3A_552 : memref<1x128xi32, #tpu.memory_space<vmem>> -> memref<128xi32, #tpu.memory_space<vmem>>
    %dma_start3A_554 = tpu.memref_slice %arg3[%dma_start3A_548, %add3A_547] : memref<2x320000xi32, #tpu.memory_space<hbm>> -> memref<1x128xi32, #tpu.memory_space<hbm>>
    %dma_start3A_555 = tpu.memref_squeeze %dma_start3A_554 : memref<1x128xi32, #tpu.memory_space<hbm>> -> memref<128xi32, #tpu.memory_space<hbm>>
    %dma_start3A_556 = tpu.memref_slice %arg14[%dma_start3A_550] : memref<8x!tpu.dma_semaphore, #tpu.memory_space<semaphore_mem>> -> memref<1x!tpu.dma_semaphore, #tpu.memory_space<semaphore_mem>>
    %dma_start3A_557 = tpu.memref_squeeze %dma_start3A_556 : memref<1x!tpu.dma_semaphore, #tpu.memory_space<semaphore_mem>> -> memref<!tpu.dma_semaphore, #tpu.memory_space<semaphore_mem>>
    %dma_start3A_558 = arith.constant 0 : i32
    %dma_start3A_559 = tpu.memref_slice %arg9[%dma_start3A_549, %dma_start3A_558] : memref<8x128xi32, #tpu.memory_space<vmem>> -> memref<1x128xi32, #tpu.memory_space<vmem>>
    %dma_start3A_560 = tpu.memref_squeeze %dma_start3A_559 : memref<1x128xi32, #tpu.memory_space<vmem>> -> memref<128xi32, #tpu.memory_space<vmem>>
    %dma_start3A_561 = tpu.memref_slice %arg3[%dma_start3A_548, %add3A_547] : memref<2x320000xi32, #tpu.memory_space<hbm>> -> memref<1x128xi32, #tpu.memory_space<hbm>>
    %dma_start3A_562 = tpu.memref_squeeze %dma_start3A_561 : memref<1x128xi32, #tpu.memory_space<hbm>> -> memref<128xi32, #tpu.memory_space<hbm>>
    tpu.enqueue_dma source(%dma_start3A_562 : memref<128xi32, #tpu.memory_space<hbm>>) target(%dma_start3A_560 : memref<128xi32, #tpu.memory_space<vmem>>) target_semaphore(%dma_start3A_557 : memref<!tpu.dma_semaphore, #tpu.memory_space<semaphore_mem>>)
    %add3A_563 = arith.constant 512 : i32
    %add3A_564 = arith.addi %mul3A_13, %add3A_563 : i32
    %dma_start3A_565 = arith.constant 0 : i32
    %dma_start3A_566 = arith.constant 4 : i32
    %dma_start3A_567 = arith.constant 4 : i32
    %dma_start3A_568 = arith.constant 0 : i32
    %dma_start3A_569 = tpu.memref_slice %arg8[%dma_start3A_566, %dma_start3A_568] : memref<8x128xi32, #tpu.memory_space<vmem>> -> memref<1x128xi32, #tpu.memory_space<vmem>>
    %dma_start3A_570 = tpu.memref_squeeze %dma_start3A_569 : memref<1x128xi32, #tpu.memory_space<vmem>> -> memref<128xi32, #tpu.memory_space<vmem>>
    %dma_start3A_571 = tpu.memref_slice %arg3[%dma_start3A_565, %add3A_564] : memref<2x320000xi32, #tpu.memory_space<hbm>> -> memref<1x128xi32, #tpu.memory_space<hbm>>
    %dma_start3A_572 = tpu.memref_squeeze %dma_start3A_571 : memref<1x128xi32, #tpu.memory_space<hbm>> -> memref<128xi32, #tpu.memory_space<hbm>>
    %dma_start3A_573 = tpu.memref_slice %arg13[%dma_start3A_567] : memref<8x!tpu.dma_semaphore, #tpu.memory_space<semaphore_mem>> -> memref<1x!tpu.dma_semaphore, #tpu.memory_space<semaphore_mem>>
    %dma_start3A_574 = tpu.memref_squeeze %dma_start3A_573 : memref<1x!tpu.dma_semaphore, #tpu.memory_space<semaphore_mem>> -> memref<!tpu.dma_semaphore, #tpu.memory_space<semaphore_mem>>
    %dma_start3A_575 = arith.constant 0 : i32
    %dma_start3A_576 = tpu.memref_slice %arg8[%dma_start3A_566, %dma_start3A_575] : memref<8x128xi32, #tpu.memory_space<vmem>> -> memref<1x128xi32, #tpu.memory_space<vmem>>
    %dma_start3A_577 = tpu.memref_squeeze %dma_start3A_576 : memref<1x128xi32, #tpu.memory_space<vmem>> -> memref<128xi32, #tpu.memory_space<vmem>>
    %dma_start3A_578 = tpu.memref_slice %arg3[%dma_start3A_565, %add3A_564] : memref<2x320000xi32, #tpu.memory_space<hbm>> -> memref<1x128xi32, #tpu.memory_space<hbm>>
    %dma_start3A_579 = tpu.memref_squeeze %dma_start3A_578 : memref<1x128xi32, #tpu.memory_space<hbm>> -> memref<128xi32, #tpu.memory_space<hbm>>
    tpu.enqueue_dma source(%dma_start3A_579 : memref<128xi32, #tpu.memory_space<hbm>>) target(%dma_start3A_577 : memref<128xi32, #tpu.memory_space<vmem>>) target_semaphore(%dma_start3A_574 : memref<!tpu.dma_semaphore, #tpu.memory_space<semaphore_mem>>)
    %add3A_580 = arith.constant 512 : i32
    %add3A_581 = arith.addi %mul3A_13, %add3A_580 : i32
    %dma_start3A_582 = arith.constant 1 : i32
    %dma_start3A_583 = arith.constant 4 : i32
    %dma_start3A_584 = arith.constant 4 : i32
    %dma_start3A_585 = arith.constant 0 : i32
    %dma_start3A_586 = tpu.memref_slice %arg9[%dma_start3A_583, %dma_start3A_585] : memref<8x128xi32, #tpu.memory_space<vmem>> -> memref<1x128xi32, #tpu.memory_space<vmem>>
    %dma_start3A_587 = tpu.memref_squeeze %dma_start3A_586 : memref<1x128xi32, #tpu.memory_space<vmem>> -> memref<128xi32, #tpu.memory_space<vmem>>
    %dma_start3A_588 = tpu.memref_slice %arg3[%dma_start3A_582, %add3A_581] : memref<2x320000xi32, #tpu.memory_space<hbm>> -> memref<1x128xi32, #tpu.memory_space<hbm>>
    %dma_start3A_589 = tpu.memref_squeeze %dma_start3A_588 : memref<1x128xi32, #tpu.memory_space<hbm>> -> memref<128xi32, #tpu.memory_space<hbm>>
    %dma_start3A_590 = tpu.memref_slice %arg14[%dma_start3A_584] : memref<8x!tpu.dma_semaphore, #tpu.memory_space<semaphore_mem>> -> memref<1x!tpu.dma_semaphore, #tpu.memory_space<semaphore_mem>>
    %dma_start3A_591 = tpu.memref_squeeze %dma_start3A_590 : memref<1x!tpu.dma_semaphore, #tpu.memory_space<semaphore_mem>> -> memref<!tpu.dma_semaphore, #tpu.memory_space<semaphore_mem>>
    %dma_start3A_592 = arith.constant 0 : i32
    %dma_start3A_593 = tpu.memref_slice %arg9[%dma_start3A_583, %dma_start3A_592] : memref<8x128xi32, #tpu.memory_space<vmem>> -> memref<1x128xi32, #tpu.memory_space<vmem>>
    %dma_start3A_594 = tpu.memref_squeeze %dma_start3A_593 : memref<1x128xi32, #tpu.memory_space<vmem>> -> memref<128xi32, #tpu.memory_space<vmem>>
    %dma_start3A_595 = tpu.memref_slice %arg3[%dma_start3A_582, %add3A_581] : memref<2x320000xi32, #tpu.memory_space<hbm>> -> memref<1x128xi32, #tpu.memory_space<hbm>>
    %dma_start3A_596 = tpu.memref_squeeze %dma_start3A_595 : memref<1x128xi32, #tpu.memory_space<hbm>> -> memref<128xi32, #tpu.memory_space<hbm>>
    tpu.enqueue_dma source(%dma_start3A_596 : memref<128xi32, #tpu.memory_space<hbm>>) target(%dma_start3A_594 : memref<128xi32, #tpu.memory_space<vmem>>) target_semaphore(%dma_start3A_591 : memref<!tpu.dma_semaphore, #tpu.memory_space<semaphore_mem>>)
    %add3A_597 = arith.constant 640 : i32
    %add3A_598 = arith.addi %mul3A_13, %add3A_597 : i32
    %dma_start3A_599 = arith.constant 0 : i32
    %dma_start3A_600 = arith.constant 5 : i32
    %dma_start3A_601 = arith.constant 5 : i32
    %dma_start3A_602 = arith.constant 0 : i32
    %dma_start3A_603 = tpu.memref_slice %arg8[%dma_start3A_600, %dma_start3A_602] : memref<8x128xi32, #tpu.memory_space<vmem>> -> memref<1x128xi32, #tpu.memory_space<vmem>>
    %dma_start3A_604 = tpu.memref_squeeze %dma_start3A_603 : memref<1x128xi32, #tpu.memory_space<vmem>> -> memref<128xi32, #tpu.memory_space<vmem>>
    %dma_start3A_605 = tpu.memref_slice %arg3[%dma_start3A_599, %add3A_598] : memref<2x320000xi32, #tpu.memory_space<hbm>> -> memref<1x128xi32, #tpu.memory_space<hbm>>
    %dma_start3A_606 = tpu.memref_squeeze %dma_start3A_605 : memref<1x128xi32, #tpu.memory_space<hbm>> -> memref<128xi32, #tpu.memory_space<hbm>>
    %dma_start3A_607 = tpu.memref_slice %arg13[%dma_start3A_601] : memref<8x!tpu.dma_semaphore, #tpu.memory_space<semaphore_mem>> -> memref<1x!tpu.dma_semaphore, #tpu.memory_space<semaphore_mem>>
    %dma_start3A_608 = tpu.memref_squeeze %dma_start3A_607 : memref<1x!tpu.dma_semaphore, #tpu.memory_space<semaphore_mem>> -> memref<!tpu.dma_semaphore, #tpu.memory_space<semaphore_mem>>
    %dma_start3A_609 = arith.constant 0 : i32
    %dma_start3A_610 = tpu.memref_slice %arg8[%dma_start3A_600, %dma_start3A_609] : memref<8x128xi32, #tpu.memory_space<vmem>> -> memref<1x128xi32, #tpu.memory_space<vmem>>
    %dma_start3A_611 = tpu.memref_squeeze %dma_start3A_610 : memref<1x128xi32, #tpu.memory_space<vmem>> -> memref<128xi32, #tpu.memory_space<vmem>>
    %dma_start3A_612 = tpu.memref_slice %arg3[%dma_start3A_599, %add3A_598] : memref<2x320000xi32, #tpu.memory_space<hbm>> -> memref<1x128xi32, #tpu.memory_space<hbm>>
    %dma_start3A_613 = tpu.memref_squeeze %dma_start3A_612 : memref<1x128xi32, #tpu.memory_space<hbm>> -> memref<128xi32, #tpu.memory_space<hbm>>
    tpu.enqueue_dma source(%dma_start3A_613 : memref<128xi32, #tpu.memory_space<hbm>>) target(%dma_start3A_611 : memref<128xi32, #tpu.memory_space<vmem>>) target_semaphore(%dma_start3A_608 : memref<!tpu.dma_semaphore, #tpu.memory_space<semaphore_mem>>)
    %add3A_614 = arith.constant 640 : i32
    %add3A_615 = arith.addi %mul3A_13, %add3A_614 : i32
    %dma_start3A_616 = arith.constant 1 : i32
    %dma_start3A_617 = arith.constant 5 : i32
    %dma_start3A_618 = arith.constant 5 : i32
    %dma_start3A_619 = arith.constant 0 : i32
    %dma_start3A_620 = tpu.memref_slice %arg9[%dma_start3A_617, %dma_start3A_619] : memref<8x128xi32, #tpu.memory_space<vmem>> -> memref<1x128xi32, #tpu.memory_space<vmem>>
    %dma_start3A_621 = tpu.memref_squeeze %dma_start3A_620 : memref<1x128xi32, #tpu.memory_space<vmem>> -> memref<128xi32, #tpu.memory_space<vmem>>
    %dma_start3A_622 = tpu.memref_slice %arg3[%dma_start3A_616, %add3A_615] : memref<2x320000xi32, #tpu.memory_space<hbm>> -> memref<1x128xi32, #tpu.memory_space<hbm>>
    %dma_start3A_623 = tpu.memref_squeeze %dma_start3A_622 : memref<1x128xi32, #tpu.memory_space<hbm>> -> memref<128xi32, #tpu.memory_space<hbm>>
    %dma_start3A_624 = tpu.memref_slice %arg14[%dma_start3A_618] : memref<8x!tpu.dma_semaphore, #tpu.memory_space<semaphore_mem>> -> memref<1x!tpu.dma_semaphore, #tpu.memory_space<semaphore_mem>>
    %dma_start3A_625 = tpu.memref_squeeze %dma_start3A_624 : memref<1x!tpu.dma_semaphore, #tpu.memory_space<semaphore_mem>> -> memref<!tpu.dma_semaphore, #tpu.memory_space<semaphore_mem>>
    %dma_start3A_626 = arith.constant 0 : i32
    %dma_start3A_627 = tpu.memref_slice %arg9[%dma_start3A_617, %dma_start3A_626] : memref<8x128xi32, #tpu.memory_space<vmem>> -> memref<1x128xi32, #tpu.memory_space<vmem>>
    %dma_start3A_628 = tpu.memref_squeeze %dma_start3A_627 : memref<1x128xi32, #tpu.memory_space<vmem>> -> memref<128xi32, #tpu.memory_space<vmem>>
    %dma_start3A_629 = tpu.memref_slice %arg3[%dma_start3A_616, %add3A_615] : memref<2x320000xi32, #tpu.memory_space<hbm>> -> memref<1x128xi32, #tpu.memory_space<hbm>>
    %dma_start3A_630 = tpu.memref_squeeze %dma_start3A_629 : memref<1x128xi32, #tpu.memory_space<hbm>> -> memref<128xi32, #tpu.memory_space<hbm>>
    tpu.enqueue_dma source(%dma_start3A_630 : memref<128xi32, #tpu.memory_space<hbm>>) target(%dma_start3A_628 : memref<128xi32, #tpu.memory_space<vmem>>) target_semaphore(%dma_start3A_625 : memref<!tpu.dma_semaphore, #tpu.memory_space<semaphore_mem>>)
    %dma_wait3A_631 = arith.constant 0 : i32
    %dma_wait3A_632 = arith.constant 0 : i32
    %dma_wait3A_633 = arith.constant 0 : i32
    %dma_wait3A_634 = arith.constant 0 : i32
    %dma_wait3A_635 = tpu.memref_slice %arg8[%dma_wait3A_632, %dma_wait3A_634] : memref<8x128xi32, #tpu.memory_space<vmem>> -> memref<1x128xi32, #tpu.memory_space<vmem>>
    %dma_wait3A_636 = tpu.memref_squeeze %dma_wait3A_635 : memref<1x128xi32, #tpu.memory_space<vmem>> -> memref<128xi32, #tpu.memory_space<vmem>>
    %dma_wait3A_637 = arith.constant 0 : i32
    %dma_wait3A_638 = tpu.memref_slice %arg3[%dma_wait3A_631, %dma_wait3A_637] : memref<2x320000xi32, #tpu.memory_space<hbm>> -> memref<1x128xi32, #tpu.memory_space<hbm>>
    %dma_wait3A_639 = tpu.memref_squeeze %dma_wait3A_638 : memref<1x128xi32, #tpu.memory_space<hbm>> -> memref<128xi32, #tpu.memory_space<hbm>>
    %dma_wait3A_640 = tpu.memref_slice %arg13[%dma_wait3A_633] : memref<8x!tpu.dma_semaphore, #tpu.memory_space<semaphore_mem>> -> memref<1x!tpu.dma_semaphore, #tpu.memory_space<semaphore_mem>>
    %dma_wait3A_641 = tpu.memref_squeeze %dma_wait3A_640 : memref<1x!tpu.dma_semaphore, #tpu.memory_space<semaphore_mem>> -> memref<!tpu.dma_semaphore, #tpu.memory_space<semaphore_mem>>
    %dma_wait3A_642 = arith.constant 0 : i32
    %dma_wait3A_643 = tpu.memref_slice %arg8[%dma_wait3A_632, %dma_wait3A_642] : memref<8x128xi32, #tpu.memory_space<vmem>> -> memref<1x128xi32, #tpu.memory_space<vmem>>
    %dma_wait3A_644 = tpu.memref_squeeze %dma_wait3A_643 : memref<1x128xi32, #tpu.memory_space<vmem>> -> memref<128xi32, #tpu.memory_space<vmem>>
    %dma_wait3A_645 = arith.constant 0 : i32
    %dma_wait3A_646 = tpu.memref_slice %arg3[%dma_wait3A_631, %dma_wait3A_645] : memref<2x320000xi32, #tpu.memory_space<hbm>> -> memref<1x128xi32, #tpu.memory_space<hbm>>
    %dma_wait3A_647 = tpu.memref_squeeze %dma_wait3A_646 : memref<1x128xi32, #tpu.memory_space<hbm>> -> memref<128xi32, #tpu.memory_space<hbm>>
    tpu.wait_dma2 semaphore(%dma_wait3A_641 : memref<!tpu.dma_semaphore, #tpu.memory_space<semaphore_mem>>) src(%dma_wait3A_647 : memref<128xi32, #tpu.memory_space<hbm>>) dst(%dma_wait3A_644 : memref<128xi32, #tpu.memory_space<vmem>>)
    %dma_start3A_648 = arith.constant 0 : i32
    %dma_start3A_649 = arith.constant 0 : i32
    %dma_start3A_650 = arith.constant 0 : i32
    %dma_start3A_651 = arith.constant 0 : i32
    %dma_start3A_652 = arith.constant 0 : i32
    %dma_start3A_653 = tpu.memref_slice %arg10[%dma_start3A_649, %dma_start3A_651, %dma_start3A_652] : memref<4x128x64xf32, #tpu.memory_space<vmem>> -> memref<1x128x64xf32, #tpu.memory_space<vmem>>
    %dma_start3A_654 = tpu.memref_squeeze %dma_start3A_653 : memref<1x128x64xf32, #tpu.memory_space<vmem>> -> memref<128x64xf32, #tpu.memory_space<vmem>>
    %dma_start3A_655 = arith.constant 0 : i32
    %dma_start3A_656 = tpu.memref_slice %arg8[%dma_start3A_648, %dma_start3A_655] : memref<8x128xi32, #tpu.memory_space<vmem>> -> memref<1x128xi32, #tpu.memory_space<vmem>>
    %dma_start3A_657 = tpu.memref_squeeze %dma_start3A_656 : memref<1x128xi32, #tpu.memory_space<vmem>> -> memref<128xi32, #tpu.memory_space<vmem>>
    %dma_start3A_658 = arith.constant 0 : i32
    %dma_start3A_659 = arith.constant 0 : i32
    %dma_start3A_660 = tpu.memref_slice %arg7[%dma_start3A_658, %dma_start3A_659] : memref<10240x64xf32, #tpu.memory_space<vmem_shared>> -> memref<10240x64xf32, #tpu.memory_space<vmem_shared>>
    %dma_start3A_661 = tpu.memref_slice %arg11[%dma_start3A_650] : memref<4x!tpu.dma_semaphore, #tpu.memory_space<semaphore_mem>> -> memref<1x!tpu.dma_semaphore, #tpu.memory_space<semaphore_mem>>
    %dma_start3A_662 = tpu.memref_squeeze %dma_start3A_661 : memref<1x!tpu.dma_semaphore, #tpu.memory_space<semaphore_mem>> -> memref<!tpu.dma_semaphore, #tpu.memory_space<semaphore_mem>>
    tpu.enqueue_indirect_dma source(%dma_start3A_660 : memref<10240x64xf32, #tpu.memory_space<vmem_shared>>) target(%dma_start3A_654 : memref<128x64xf32, #tpu.memory_space<vmem>>) offsets(%dma_start3A_657 : memref<128xi32, #tpu.memory_space<vmem>>) semaphore(%dma_start3A_662 : memref<!tpu.dma_semaphore, #tpu.memory_space<semaphore_mem>>)
    %dma_wait3A_663 = arith.constant 0 : i32
    %dma_wait3A_664 = arith.constant 1 : i32
    %dma_wait3A_665 = arith.constant 1 : i32
    %dma_wait3A_666 = arith.constant 0 : i32
    %dma_wait3A_667 = tpu.memref_slice %arg8[%dma_wait3A_664, %dma_wait3A_666] : memref<8x128xi32, #tpu.memory_space<vmem>> -> memref<1x128xi32, #tpu.memory_space<vmem>>
    %dma_wait3A_668 = tpu.memref_squeeze %dma_wait3A_667 : memref<1x128xi32, #tpu.memory_space<vmem>> -> memref<128xi32, #tpu.memory_space<vmem>>
    %dma_wait3A_669 = arith.constant 0 : i32
    %dma_wait3A_670 = tpu.memref_slice %arg3[%dma_wait3A_663, %dma_wait3A_669] : memref<2x320000xi32, #tpu.memory_space<hbm>> -> memref<1x128xi32, #tpu.memory_space<hbm>>
    %dma_wait3A_671 = tpu.memref_squeeze %dma_wait3A_670 : memref<1x128xi32, #tpu.memory_space<hbm>> -> memref<128xi32, #tpu.memory_space<hbm>>
    %dma_wait3A_672 = tpu.memref_slice %arg13[%dma_wait3A_665] : memref<8x!tpu.dma_semaphore, #tpu.memory_space<semaphore_mem>> -> memref<1x!tpu.dma_semaphore, #tpu.memory_space<semaphore_mem>>
    %dma_wait3A_673 = tpu.memref_squeeze %dma_wait3A_672 : memref<1x!tpu.dma_semaphore, #tpu.memory_space<semaphore_mem>> -> memref<!tpu.dma_semaphore, #tpu.memory_space<semaphore_mem>>
    %dma_wait3A_674 = arith.constant 0 : i32
    %dma_wait3A_675 = tpu.memref_slice %arg8[%dma_wait3A_664, %dma_wait3A_674] : memref<8x128xi32, #tpu.memory_space<vmem>> -> memref<1x128xi32, #tpu.memory_space<vmem>>
    %dma_wait3A_676 = tpu.memref_squeeze %dma_wait3A_675 : memref<1x128xi32, #tpu.memory_space<vmem>> -> memref<128xi32, #tpu.memory_space<vmem>>
    %dma_wait3A_677 = arith.constant 0 : i32
    %dma_wait3A_678 = tpu.memref_slice %arg3[%dma_wait3A_663, %dma_wait3A_677] : memref<2x320000xi32, #tpu.memory_space<hbm>> -> memref<1x128xi32, #tpu.memory_space<hbm>>
    %dma_wait3A_679 = tpu.memref_squeeze %dma_wait3A_678 : memref<1x128xi32, #tpu.memory_space<hbm>> -> memref<128xi32, #tpu.memory_space<hbm>>
    tpu.wait_dma2 semaphore(%dma_wait3A_673 : memref<!tpu.dma_semaphore, #tpu.memory_space<semaphore_mem>>) src(%dma_wait3A_679 : memref<128xi32, #tpu.memory_space<hbm>>) dst(%dma_wait3A_676 : memref<128xi32, #tpu.memory_space<vmem>>)
    %dma_start3A_680 = arith.constant 1 : i32
    %dma_start3A_681 = arith.constant 1 : i32
    %dma_start3A_682 = arith.constant 1 : i32
    %dma_start3A_683 = arith.constant 0 : i32
    %dma_start3A_684 = arith.constant 0 : i32
    %dma_start3A_685 = tpu.memref_slice %arg10[%dma_start3A_681, %dma_start3A_683, %dma_start3A_684] : memref<4x128x64xf32, #tpu.memory_space<vmem>> -> memref<1x128x64xf32, #tpu.memory_space<vmem>>
    %dma_start3A_686 = tpu.memref_squeeze %dma_start3A_685 : memref<1x128x64xf32, #tpu.memory_space<vmem>> -> memref<128x64xf32, #tpu.memory_space<vmem>>
    %dma_start3A_687 = arith.constant 0 : i32
    %dma_start3A_688 = tpu.memref_slice %arg8[%dma_start3A_680, %dma_start3A_687] : memref<8x128xi32, #tpu.memory_space<vmem>> -> memref<1x128xi32, #tpu.memory_space<vmem>>
    %dma_start3A_689 = tpu.memref_squeeze %dma_start3A_688 : memref<1x128xi32, #tpu.memory_space<vmem>> -> memref<128xi32, #tpu.memory_space<vmem>>
    %dma_start3A_690 = arith.constant 0 : i32
    %dma_start3A_691 = arith.constant 0 : i32
    %dma_start3A_692 = tpu.memref_slice %arg7[%dma_start3A_690, %dma_start3A_691] : memref<10240x64xf32, #tpu.memory_space<vmem_shared>> -> memref<10240x64xf32, #tpu.memory_space<vmem_shared>>
    %dma_start3A_693 = tpu.memref_slice %arg11[%dma_start3A_682] : memref<4x!tpu.dma_semaphore, #tpu.memory_space<semaphore_mem>> -> memref<1x!tpu.dma_semaphore, #tpu.memory_space<semaphore_mem>>
    %dma_start3A_694 = tpu.memref_squeeze %dma_start3A_693 : memref<1x!tpu.dma_semaphore, #tpu.memory_space<semaphore_mem>> -> memref<!tpu.dma_semaphore, #tpu.memory_space<semaphore_mem>>
    tpu.enqueue_indirect_dma source(%dma_start3A_692 : memref<10240x64xf32, #tpu.memory_space<vmem_shared>>) target(%dma_start3A_686 : memref<128x64xf32, #tpu.memory_space<vmem>>) offsets(%dma_start3A_689 : memref<128xi32, #tpu.memory_space<vmem>>) semaphore(%dma_start3A_694 : memref<!tpu.dma_semaphore, #tpu.memory_space<semaphore_mem>>)
    %dma_wait3A_695 = arith.constant 0 : i32
    %dma_wait3A_696 = arith.constant 2 : i32
    %dma_wait3A_697 = arith.constant 2 : i32
    %dma_wait3A_698 = arith.constant 0 : i32
    %dma_wait3A_699 = tpu.memref_slice %arg8[%dma_wait3A_696, %dma_wait3A_698] : memref<8x128xi32, #tpu.memory_space<vmem>> -> memref<1x128xi32, #tpu.memory_space<vmem>>
    %dma_wait3A_700 = tpu.memref_squeeze %dma_wait3A_699 : memref<1x128xi32, #tpu.memory_space<vmem>> -> memref<128xi32, #tpu.memory_space<vmem>>
    %dma_wait3A_701 = arith.constant 0 : i32
    %dma_wait3A_702 = tpu.memref_slice %arg3[%dma_wait3A_695, %dma_wait3A_701] : memref<2x320000xi32, #tpu.memory_space<hbm>> -> memref<1x128xi32, #tpu.memory_space<hbm>>
    %dma_wait3A_703 = tpu.memref_squeeze %dma_wait3A_702 : memref<1x128xi32, #tpu.memory_space<hbm>> -> memref<128xi32, #tpu.memory_space<hbm>>
    %dma_wait3A_704 = tpu.memref_slice %arg13[%dma_wait3A_697] : memref<8x!tpu.dma_semaphore, #tpu.memory_space<semaphore_mem>> -> memref<1x!tpu.dma_semaphore, #tpu.memory_space<semaphore_mem>>
    %dma_wait3A_705 = tpu.memref_squeeze %dma_wait3A_704 : memref<1x!tpu.dma_semaphore, #tpu.memory_space<semaphore_mem>> -> memref<!tpu.dma_semaphore, #tpu.memory_space<semaphore_mem>>
    %dma_wait3A_706 = arith.constant 0 : i32
    %dma_wait3A_707 = tpu.memref_slice %arg8[%dma_wait3A_696, %dma_wait3A_706] : memref<8x128xi32, #tpu.memory_space<vmem>> -> memref<1x128xi32, #tpu.memory_space<vmem>>
    %dma_wait3A_708 = tpu.memref_squeeze %dma_wait3A_707 : memref<1x128xi32, #tpu.memory_space<vmem>> -> memref<128xi32, #tpu.memory_space<vmem>>
    %dma_wait3A_709 = arith.constant 0 : i32
    %dma_wait3A_710 = tpu.memref_slice %arg3[%dma_wait3A_695, %dma_wait3A_709] : memref<2x320000xi32, #tpu.memory_space<hbm>> -> memref<1x128xi32, #tpu.memory_space<hbm>>
    %dma_wait3A_711 = tpu.memref_squeeze %dma_wait3A_710 : memref<1x128xi32, #tpu.memory_space<hbm>> -> memref<128xi32, #tpu.memory_space<hbm>>
    tpu.wait_dma2 semaphore(%dma_wait3A_705 : memref<!tpu.dma_semaphore, #tpu.memory_space<semaphore_mem>>) src(%dma_wait3A_711 : memref<128xi32, #tpu.memory_space<hbm>>) dst(%dma_wait3A_708 : memref<128xi32, #tpu.memory_space<vmem>>)
    %dma_start3A_712 = arith.constant 2 : i32
    %dma_start3A_713 = arith.constant 2 : i32
    %dma_start3A_714 = arith.constant 2 : i32
    %dma_start3A_715 = arith.constant 0 : i32
    %dma_start3A_716 = arith.constant 0 : i32
    %dma_start3A_717 = tpu.memref_slice %arg10[%dma_start3A_713, %dma_start3A_715, %dma_start3A_716] : memref<4x128x64xf32, #tpu.memory_space<vmem>> -> memref<1x128x64xf32, #tpu.memory_space<vmem>>
    %dma_start3A_718 = tpu.memref_squeeze %dma_start3A_717 : memref<1x128x64xf32, #tpu.memory_space<vmem>> -> memref<128x64xf32, #tpu.memory_space<vmem>>
    %dma_start3A_719 = arith.constant 0 : i32
    %dma_start3A_720 = tpu.memref_slice %arg8[%dma_start3A_712, %dma_start3A_719] : memref<8x128xi32, #tpu.memory_space<vmem>> -> memref<1x128xi32, #tpu.memory_space<vmem>>
    %dma_start3A_721 = tpu.memref_squeeze %dma_start3A_720 : memref<1x128xi32, #tpu.memory_space<vmem>> -> memref<128xi32, #tpu.memory_space<vmem>>
    %dma_start3A_722 = arith.constant 0 : i32
    %dma_start3A_723 = arith.constant 0 : i32
    %dma_start3A_724 = tpu.memref_slice %arg7[%dma_start3A_722, %dma_start3A_723] : memref<10240x64xf32, #tpu.memory_space<vmem_shared>> -> memref<10240x64xf32, #tpu.memory_space<vmem_shared>>
    %dma_start3A_725 = tpu.memref_slice %arg11[%dma_start3A_714] : memref<4x!tpu.dma_semaphore, #tpu.memory_space<semaphore_mem>> -> memref<1x!tpu.dma_semaphore, #tpu.memory_space<semaphore_mem>>
    %dma_start3A_726 = tpu.memref_squeeze %dma_start3A_725 : memref<1x!tpu.dma_semaphore, #tpu.memory_space<semaphore_mem>> -> memref<!tpu.dma_semaphore, #tpu.memory_space<semaphore_mem>>
    tpu.enqueue_indirect_dma source(%dma_start3A_724 : memref<10240x64xf32, #tpu.memory_space<vmem_shared>>) target(%dma_start3A_718 : memref<128x64xf32, #tpu.memory_space<vmem>>) offsets(%dma_start3A_721 : memref<128xi32, #tpu.memory_space<vmem>>) semaphore(%dma_start3A_726 : memref<!tpu.dma_semaphore, #tpu.memory_space<semaphore_mem>>)
    %while3A_727 = arith.constant 0 : i32
    %while3A_728 = arith.constant 0 : i32
    %while3A_729 = arith.subi %select_n3A, %while3A_728 : i32
    %while3A_730 = arith.addi %while3A_728, %while3A_729 : i32
    %while3A_731 = arith.constant 1 : i32
    %while3A_732 = arith.divsi %while3A_729, %while3A_731 : i32
    %while3A_733 = arith.muli %while3A_732, %while3A_731 : i32
    %while3A_734 = arith.addi %while3A_728, %while3A_733 : i32
    %while3A_735 = arith.constant 1 : i32
    scf.for %while3A_836 = %while3A_728 to %while3A_734 step %while3A_735  : i32 {
      %rem3A_837 = arith.constant 8 : i32
      %rem3A_838 = arith.remsi %while3A_836, %rem3A_837 : i32
      %rem3A_839 = arith.constant 4 : i32
      %rem3A_840 = arith.remsi %while3A_836, %rem3A_839 : i32
      %dma_wait3A_841 = arith.constant 0 : i32
      %dma_wait3A_842 = arith.constant 0 : i32
      %dma_wait3A_843 = arith.constant 0 : i32
      %dma_wait3A_844 = tpu.memref_slice %arg10[%rem3A_840, %dma_wait3A_842, %dma_wait3A_843] : memref<4x128x64xf32, #tpu.memory_space<vmem>> -> memref<1x128x64xf32, #tpu.memory_space<vmem>>
      %dma_wait3A_845 = tpu.memref_squeeze %dma_wait3A_844 : memref<1x128x64xf32, #tpu.memory_space<vmem>> -> memref<128x64xf32, #tpu.memory_space<vmem>>
      %dma_wait3A_846 = arith.constant 0 : i32
      %dma_wait3A_847 = tpu.memref_slice %arg8[%dma_wait3A_841, %dma_wait3A_846] : memref<8x128xi32, #tpu.memory_space<vmem>> -> memref<1x128xi32, #tpu.memory_space<vmem>>
      %dma_wait3A_848 = tpu.memref_squeeze %dma_wait3A_847 : memref<1x128xi32, #tpu.memory_space<vmem>> -> memref<128xi32, #tpu.memory_space<vmem>>
      %dma_wait3A_849 = arith.constant 0 : i32
      %dma_wait3A_850 = arith.constant 0 : i32
      %dma_wait3A_851 = tpu.memref_slice %arg7[%dma_wait3A_849, %dma_wait3A_850] : memref<10240x64xf32, #tpu.memory_space<vmem_shared>> -> memref<10240x64xf32, #tpu.memory_space<vmem_shared>>
      %dma_wait3A_852 = tpu.memref_slice %arg11[%rem3A_840] : memref<4x!tpu.dma_semaphore, #tpu.memory_space<semaphore_mem>> -> memref<1x!tpu.dma_semaphore, #tpu.memory_space<semaphore_mem>>
      %dma_wait3A_853 = tpu.memref_squeeze %dma_wait3A_852 : memref<1x!tpu.dma_semaphore, #tpu.memory_space<semaphore_mem>> -> memref<!tpu.dma_semaphore, #tpu.memory_space<semaphore_mem>>
      tpu.wait_indirect_dma semaphore(%dma_wait3A_853 : memref<!tpu.dma_semaphore, #tpu.memory_space<semaphore_mem>>) src(%dma_wait3A_851 : memref<10240x64xf32, #tpu.memory_space<vmem_shared>>) dst(%dma_wait3A_845 : memref<128x64xf32, #tpu.memory_space<vmem>>)
      %dma_wait3A_854 = arith.constant 1 : i32
      %dma_wait3A_855 = arith.constant 0 : i32
      %dma_wait3A_856 = tpu.memref_slice %arg9[%rem3A_838, %dma_wait3A_855] : memref<8x128xi32, #tpu.memory_space<vmem>> -> memref<1x128xi32, #tpu.memory_space<vmem>>
      %dma_wait3A_857 = tpu.memref_squeeze %dma_wait3A_856 : memref<1x128xi32, #tpu.memory_space<vmem>> -> memref<128xi32, #tpu.memory_space<vmem>>
      %dma_wait3A_858 = arith.constant 0 : i32
      %dma_wait3A_859 = tpu.memref_slice %arg3[%dma_wait3A_854, %dma_wait3A_858] : memref<2x320000xi32, #tpu.memory_space<hbm>> -> memref<1x128xi32, #tpu.memory_space<hbm>>
      %dma_wait3A_860 = tpu.memref_squeeze %dma_wait3A_859 : memref<1x128xi32, #tpu.memory_space<hbm>> -> memref<128xi32, #tpu.memory_space<hbm>>
      %dma_wait3A_861 = tpu.memref_slice %arg14[%rem3A_838] : memref<8x!tpu.dma_semaphore, #tpu.memory_space<semaphore_mem>> -> memref<1x!tpu.dma_semaphore, #tpu.memory_space<semaphore_mem>>
      %dma_wait3A_862 = tpu.memref_squeeze %dma_wait3A_861 : memref<1x!tpu.dma_semaphore, #tpu.memory_space<semaphore_mem>> -> memref<!tpu.dma_semaphore, #tpu.memory_space<semaphore_mem>>
      %dma_wait3A_863 = arith.constant 0 : i32
      %dma_wait3A_864 = tpu.memref_slice %arg9[%rem3A_838, %dma_wait3A_863] : memref<8x128xi32, #tpu.memory_space<vmem>> -> memref<1x128xi32, #tpu.memory_space<vmem>>
      %dma_wait3A_865 = tpu.memref_squeeze %dma_wait3A_864 : memref<1x128xi32, #tpu.memory_space<vmem>> -> memref<128xi32, #tpu.memory_space<vmem>>
      %dma_wait3A_866 = arith.constant 0 : i32
      %dma_wait3A_867 = tpu.memref_slice %arg3[%dma_wait3A_854, %dma_wait3A_866] : memref<2x320000xi32, #tpu.memory_space<hbm>> -> memref<1x128xi32, #tpu.memory_space<hbm>>
      %dma_wait3A_868 = tpu.memref_squeeze %dma_wait3A_867 : memref<1x128xi32, #tpu.memory_space<hbm>> -> memref<128xi32, #tpu.memory_space<hbm>>
      tpu.wait_dma2 semaphore(%dma_wait3A_862 : memref<!tpu.dma_semaphore, #tpu.memory_space<semaphore_mem>>) src(%dma_wait3A_868 : memref<128xi32, #tpu.memory_space<hbm>>) dst(%dma_wait3A_865 : memref<128xi32, #tpu.memory_space<vmem>>)
      %dma_start3A_869 = arith.constant 0 : i32
      %dma_start3A_870 = arith.constant 0 : i32
      %dma_start3A_871 = tpu.memref_slice %arg10[%rem3A_840, %dma_start3A_869, %dma_start3A_870] : memref<4x128x64xf32, #tpu.memory_space<vmem>> -> memref<1x128x64xf32, #tpu.memory_space<vmem>>
      %dma_start3A_872 = tpu.memref_squeeze %dma_start3A_871 : memref<1x128x64xf32, #tpu.memory_space<vmem>> -> memref<128x64xf32, #tpu.memory_space<vmem>>
      %dma_start3A_873 = arith.constant 0 : i32
      %dma_start3A_874 = tpu.memref_slice %arg9[%rem3A_838, %dma_start3A_873] : memref<8x128xi32, #tpu.memory_space<vmem>> -> memref<1x128xi32, #tpu.memory_space<vmem>>
      %dma_start3A_875 = tpu.memref_squeeze %dma_start3A_874 : memref<1x128xi32, #tpu.memory_space<vmem>> -> memref<128xi32, #tpu.memory_space<vmem>>
      %dma_start3A_876 = arith.constant 0 : i32
      %dma_start3A_877 = arith.constant 0 : i32
      %dma_start3A_878 = tpu.memref_slice %arg6[%dma_start3A_876, %dma_start3A_877] : memref<10240x64xf32, #tpu.memory_space<vmem_shared>> -> memref<10240x64xf32, #tpu.memory_space<vmem_shared>>
      %dma_start3A_879 = tpu.memref_slice %arg12[%rem3A_840] : memref<4x!tpu.dma_semaphore, #tpu.memory_space<semaphore_mem>> -> memref<1x!tpu.dma_semaphore, #tpu.memory_space<semaphore_mem>>
      %dma_start3A_880 = tpu.memref_squeeze %dma_start3A_879 : memref<1x!tpu.dma_semaphore, #tpu.memory_space<semaphore_mem>> -> memref<!tpu.dma_semaphore, #tpu.memory_space<semaphore_mem>>
      tpu.enqueue_indirect_dma source(%dma_start3A_872 : memref<128x64xf32, #tpu.memory_space<vmem>>) target(%dma_start3A_878 : memref<10240x64xf32, #tpu.memory_space<vmem_shared>>) offsets(%dma_start3A_875 : memref<128xi32, #tpu.memory_space<vmem>>) semaphore(%dma_start3A_880 : memref<!tpu.dma_semaphore, #tpu.memory_space<semaphore_mem>>) {add = true}
      %add3A_881 = arith.constant 3 : i32
      %add3A_882 = arith.addi %while3A_836, %add3A_881 : i32
      %lt3A_883 = arith.cmpi slt, %add3A_882, %select_n3A : i32
      %convert_element_type3A_884 = arith.extui %lt3A_883 : i1 to i32
      %cond3A_885 = arith.constant 0 : i32
      %cond3A_886 = arith.cmpi ne, %convert_element_type3A_884, %cond3A_885 : i32
      scf.if %cond3A_886 {
        %rem3A_893 = arith.constant 8 : i32
        %rem3A_894 = arith.remsi %add3A_882, %rem3A_893 : i32
        %rem3A_895 = arith.constant 4 : i32
        %rem3A_896 = arith.remsi %add3A_882, %rem3A_895 : i32
        %ge3A = arith.constant 4 : i32
        %ge3A_897 = arith.cmpi sge, %add3A_882, %ge3A : i32
        %convert_element_type3A_898 = arith.extui %ge3A_897 : i1 to i32
        %cond3A_899 = arith.constant 0 : i32
        %cond3A_900 = arith.cmpi ne, %convert_element_type3A_898, %cond3A_899 : i32
        scf.if %cond3A_900 {
          %dma_wait3A_928 = arith.constant 0 : i32
          %dma_wait3A_929 = arith.constant 0 : i32
          %dma_wait3A_930 = tpu.memref_slice %arg10[%rem3A_896, %dma_wait3A_928, %dma_wait3A_929] : memref<4x128x64xf32, #tpu.memory_space<vmem>> -> memref<1x128x64xf32, #tpu.memory_space<vmem>>
          %dma_wait3A_931 = tpu.memref_squeeze %dma_wait3A_930 : memref<1x128x64xf32, #tpu.memory_space<vmem>> -> memref<128x64xf32, #tpu.memory_space<vmem>>
          %dma_wait3A_932 = arith.constant 0 : i32
          %dma_wait3A_933 = tpu.memref_slice %arg9[%rem3A_894, %dma_wait3A_932] : memref<8x128xi32, #tpu.memory_space<vmem>> -> memref<1x128xi32, #tpu.memory_space<vmem>>
          %dma_wait3A_934 = tpu.memref_squeeze %dma_wait3A_933 : memref<1x128xi32, #tpu.memory_space<vmem>> -> memref<128xi32, #tpu.memory_space<vmem>>
          %dma_wait3A_935 = arith.constant 0 : i32
          %dma_wait3A_936 = arith.constant 0 : i32
          %dma_wait3A_937 = tpu.memref_slice %arg6[%dma_wait3A_935, %dma_wait3A_936] : memref<10240x64xf32, #tpu.memory_space<vmem_shared>> -> memref<10240x64xf32, #tpu.memory_space<vmem_shared>>
          %dma_wait3A_938 = tpu.memref_slice %arg12[%rem3A_896] : memref<4x!tpu.dma_semaphore, #tpu.memory_space<semaphore_mem>> -> memref<1x!tpu.dma_semaphore, #tpu.memory_space<semaphore_mem>>
          %dma_wait3A_939 = tpu.memref_squeeze %dma_wait3A_938 : memref<1x!tpu.dma_semaphore, #tpu.memory_space<semaphore_mem>> -> memref<!tpu.dma_semaphore, #tpu.memory_space<semaphore_mem>>
          tpu.wait_indirect_dma semaphore(%dma_wait3A_939 : memref<!tpu.dma_semaphore, #tpu.memory_space<semaphore_mem>>) src(%dma_wait3A_931 : memref<128x64xf32, #tpu.memory_space<vmem>>) dst(%dma_wait3A_937 : memref<10240x64xf32, #tpu.memory_space<vmem_shared>>)
        } else {
        }
        %dma_wait3A_901 = arith.constant 0 : i32
        %dma_wait3A_902 = arith.constant 0 : i32
        %dma_wait3A_903 = tpu.memref_slice %arg8[%rem3A_894, %dma_wait3A_902] : memref<8x128xi32, #tpu.memory_space<vmem>> -> memref<1x128xi32, #tpu.memory_space<vmem>>
        %dma_wait3A_904 = tpu.memref_squeeze %dma_wait3A_903 : memref<1x128xi32, #tpu.memory_space<vmem>> -> memref<128xi32, #tpu.memory_space<vmem>>
        %dma_wait3A_905 = arith.constant 0 : i32
        %dma_wait3A_906 = tpu.memref_slice %arg3[%dma_wait3A_901, %dma_wait3A_905] : memref<2x320000xi32, #tpu.memory_space<hbm>> -> memref<1x128xi32, #tpu.memory_space<hbm>>
        %dma_wait3A_907 = tpu.memref_squeeze %dma_wait3A_906 : memref<1x128xi32, #tpu.memory_space<hbm>> -> memref<128xi32, #tpu.memory_space<hbm>>
        %dma_wait3A_908 = tpu.memref_slice %arg13[%rem3A_894] : memref<8x!tpu.dma_semaphore, #tpu.memory_space<semaphore_mem>> -> memref<1x!tpu.dma_semaphore, #tpu.memory_space<semaphore_mem>>
        %dma_wait3A_909 = tpu.memref_squeeze %dma_wait3A_908 : memref<1x!tpu.dma_semaphore, #tpu.memory_space<semaphore_mem>> -> memref<!tpu.dma_semaphore, #tpu.memory_space<semaphore_mem>>
        %dma_wait3A_910 = arith.constant 0 : i32
        %dma_wait3A_911 = tpu.memref_slice %arg8[%rem3A_894, %dma_wait3A_910] : memref<8x128xi32, #tpu.memory_space<vmem>> -> memref<1x128xi32, #tpu.memory_space<vmem>>
        %dma_wait3A_912 = tpu.memref_squeeze %dma_wait3A_911 : memref<1x128xi32, #tpu.memory_space<vmem>> -> memref<128xi32, #tpu.memory_space<vmem>>
        %dma_wait3A_913 = arith.constant 0 : i32
        %dma_wait3A_914 = tpu.memref_slice %arg3[%dma_wait3A_901, %dma_wait3A_913] : memref<2x320000xi32, #tpu.memory_space<hbm>> -> memref<1x128xi32, #tpu.memory_space<hbm>>
        %dma_wait3A_915 = tpu.memref_squeeze %dma_wait3A_914 : memref<1x128xi32, #tpu.memory_space<hbm>> -> memref<128xi32, #tpu.memory_space<hbm>>
        tpu.wait_dma2 semaphore(%dma_wait3A_909 : memref<!tpu.dma_semaphore, #tpu.memory_space<semaphore_mem>>) src(%dma_wait3A_915 : memref<128xi32, #tpu.memory_space<hbm>>) dst(%dma_wait3A_912 : memref<128xi32, #tpu.memory_space<vmem>>)
        %dma_start3A_916 = arith.constant 0 : i32
        %dma_start3A_917 = arith.constant 0 : i32
        %dma_start3A_918 = tpu.memref_slice %arg10[%rem3A_896, %dma_start3A_916, %dma_start3A_917] : memref<4x128x64xf32, #tpu.memory_space<vmem>> -> memref<1x128x64xf32, #tpu.memory_space<vmem>>
        %dma_start3A_919 = tpu.memref_squeeze %dma_start3A_918 : memref<1x128x64xf32, #tpu.memory_space<vmem>> -> memref<128x64xf32, #tpu.memory_space<vmem>>
        %dma_start3A_920 = arith.constant 0 : i32
        %dma_start3A_921 = tpu.memref_slice %arg8[%rem3A_894, %dma_start3A_920] : memref<8x128xi32, #tpu.memory_space<vmem>> -> memref<1x128xi32, #tpu.memory_space<vmem>>
        %dma_start3A_922 = tpu.memref_squeeze %dma_start3A_921 : memref<1x128xi32, #tpu.memory_space<vmem>> -> memref<128xi32, #tpu.memory_space<vmem>>
        %dma_start3A_923 = arith.constant 0 : i32
        %dma_start3A_924 = arith.constant 0 : i32
        %dma_start3A_925 = tpu.memref_slice %arg7[%dma_start3A_923, %dma_start3A_924] : memref<10240x64xf32, #tpu.memory_space<vmem_shared>> -> memref<10240x64xf32, #tpu.memory_space<vmem_shared>>
        %dma_start3A_926 = tpu.memref_slice %arg11[%rem3A_896] : memref<4x!tpu.dma_semaphore, #tpu.memory_space<semaphore_mem>> -> memref<1x!tpu.dma_semaphore, #tpu.memory_space<semaphore_mem>>
        %dma_start3A_927 = tpu.memref_squeeze %dma_start3A_926 : memref<1x!tpu.dma_semaphore, #tpu.memory_space<semaphore_mem>> -> memref<!tpu.dma_semaphore, #tpu.memory_space<semaphore_mem>>
        tpu.enqueue_indirect_dma source(%dma_start3A_925 : memref<10240x64xf32, #tpu.memory_space<vmem_shared>>) target(%dma_start3A_919 : memref<128x64xf32, #tpu.memory_space<vmem>>) offsets(%dma_start3A_922 : memref<128xi32, #tpu.memory_space<vmem>>) semaphore(%dma_start3A_927 : memref<!tpu.dma_semaphore, #tpu.memory_space<semaphore_mem>>)
      } else {
      }
      %add3A_887 = arith.constant 6 : i32
      %add3A_888 = arith.addi %while3A_836, %add3A_887 : i32
      %lt3A_889 = arith.cmpi slt, %add3A_888, %select_n3A : i32
      %convert_element_type3A_890 = arith.extui %lt3A_889 : i1 to i32
      %cond3A_891 = arith.constant 0 : i32
      %cond3A_892 = arith.cmpi ne, %convert_element_type3A_890, %cond3A_891 : i32
      scf.if %cond3A_892 {
        %rem3A_893 = arith.constant 8 : i32
        %rem3A_894 = arith.remsi %add3A_888, %rem3A_893 : i32
        %mul3A_895 = arith.constant 128 : i32
        %mul3A_896 = arith.muli %add3A_888, %mul3A_895 : i32
        %add3A_897 = arith.addi %mul3A_13, %mul3A_896 : i32
        %dma_start3A_898 = arith.constant 0 : i32
        %dma_start3A_899 = arith.constant 0 : i32
        %dma_start3A_900 = tpu.memref_slice %arg8[%rem3A_894, %dma_start3A_899] : memref<8x128xi32, #tpu.memory_space<vmem>> -> memref<1x128xi32, #tpu.memory_space<vmem>>
        %dma_start3A_901 = tpu.memref_squeeze %dma_start3A_900 : memref<1x128xi32, #tpu.memory_space<vmem>> -> memref<128xi32, #tpu.memory_space<vmem>>
        %dma_start3A_902 = tpu.memref_slice %arg3[%dma_start3A_898, %add3A_897] : memref<2x320000xi32, #tpu.memory_space<hbm>> -> memref<1x128xi32, #tpu.memory_space<hbm>>
        %dma_start3A_903 = tpu.memref_squeeze %dma_start3A_902 : memref<1x128xi32, #tpu.memory_space<hbm>> -> memref<128xi32, #tpu.memory_space<hbm>>
        %dma_start3A_904 = tpu.memref_slice %arg13[%rem3A_894] : memref<8x!tpu.dma_semaphore, #tpu.memory_space<semaphore_mem>> -> memref<1x!tpu.dma_semaphore, #tpu.memory_space<semaphore_mem>>
        %dma_start3A_905 = tpu.memref_squeeze %dma_start3A_904 : memref<1x!tpu.dma_semaphore, #tpu.memory_space<semaphore_mem>> -> memref<!tpu.dma_semaphore, #tpu.memory_space<semaphore_mem>>
        %dma_start3A_906 = arith.constant 0 : i32
        %dma_start3A_907 = tpu.memref_slice %arg8[%rem3A_894, %dma_start3A_906] : memref<8x128xi32, #tpu.memory_space<vmem>> -> memref<1x128xi32, #tpu.memory_space<vmem>>
        %dma_start3A_908 = tpu.memref_squeeze %dma_start3A_907 : memref<1x128xi32, #tpu.memory_space<vmem>> -> memref<128xi32, #tpu.memory_space<vmem>>
        %dma_start3A_909 = tpu.memref_slice %arg3[%dma_start3A_898, %add3A_897] : memref<2x320000xi32, #tpu.memory_space<hbm>> -> memref<1x128xi32, #tpu.memory_space<hbm>>
        %dma_start3A_910 = tpu.memref_squeeze %dma_start3A_909 : memref<1x128xi32, #tpu.memory_space<hbm>> -> memref<128xi32, #tpu.memory_space<hbm>>
        tpu.enqueue_dma source(%dma_start3A_910 : memref<128xi32, #tpu.memory_space<hbm>>) target(%dma_start3A_908 : memref<128xi32, #tpu.memory_space<vmem>>) target_semaphore(%dma_start3A_905 : memref<!tpu.dma_semaphore, #tpu.memory_space<semaphore_mem>>)
        %mul3A_911 = arith.constant 128 : i32
        %mul3A_912 = arith.muli %add3A_888, %mul3A_911 : i32
        %add3A_913 = arith.addi %mul3A_13, %mul3A_912 : i32
        %dma_start3A_914 = arith.constant 1 : i32
        %dma_start3A_915 = arith.constant 0 : i32
        %dma_start3A_916 = tpu.memref_slice %arg9[%rem3A_894, %dma_start3A_915] : memref<8x128xi32, #tpu.memory_space<vmem>> -> memref<1x128xi32, #tpu.memory_space<vmem>>
        %dma_start3A_917 = tpu.memref_squeeze %dma_start3A_916 : memref<1x128xi32, #tpu.memory_space<vmem>> -> memref<128xi32, #tpu.memory_space<vmem>>
        %dma_start3A_918 = tpu.memref_slice %arg3[%dma_start3A_914, %add3A_913] : memref<2x320000xi32, #tpu.memory_space<hbm>> -> memref<1x128xi32, #tpu.memory_space<hbm>>
        %dma_start3A_919 = tpu.memref_squeeze %dma_start3A_918 : memref<1x128xi32, #tpu.memory_space<hbm>> -> memref<128xi32, #tpu.memory_space<hbm>>
        %dma_start3A_920 = tpu.memref_slice %arg14[%rem3A_894] : memref<8x!tpu.dma_semaphore, #tpu.memory_space<semaphore_mem>> -> memref<1x!tpu.dma_semaphore, #tpu.memory_space<semaphore_mem>>
        %dma_start3A_921 = tpu.memref_squeeze %dma_start3A_920 : memref<1x!tpu.dma_semaphore, #tpu.memory_space<semaphore_mem>> -> memref<!tpu.dma_semaphore, #tpu.memory_space<semaphore_mem>>
        %dma_start3A_922 = arith.constant 0 : i32
        %dma_start3A_923 = tpu.memref_slice %arg9[%rem3A_894, %dma_start3A_922] : memref<8x128xi32, #tpu.memory_space<vmem>> -> memref<1x128xi32, #tpu.memory_space<vmem>>
        %dma_start3A_924 = tpu.memref_squeeze %dma_start3A_923 : memref<1x128xi32, #tpu.memory_space<vmem>> -> memref<128xi32, #tpu.memory_space<vmem>>
        %dma_start3A_925 = tpu.memref_slice %arg3[%dma_start3A_914, %add3A_913] : memref<2x320000xi32, #tpu.memory_space<hbm>> -> memref<1x128xi32, #tpu.memory_space<hbm>>
        %dma_start3A_926 = tpu.memref_squeeze %dma_start3A_925 : memref<1x128xi32, #tpu.memory_space<hbm>> -> memref<128xi32, #tpu.memory_space<hbm>>
        tpu.enqueue_dma source(%dma_start3A_926 : memref<128xi32, #tpu.memory_space<hbm>>) target(%dma_start3A_924 : memref<128xi32, #tpu.memory_space<vmem>>) target_semaphore(%dma_start3A_921 : memref<!tpu.dma_semaphore, #tpu.memory_space<semaphore_mem>>)
      } else {
      }
    }
    %while3A_736 = arith.constant 1 : i32
    scf.for %while3A_836 = %while3A_734 to %while3A_730 step %while3A_736  : i32 {
      %rem3A_837 = arith.constant 8 : i32
      %rem3A_838 = arith.remsi %while3A_836, %rem3A_837 : i32
      %rem3A_839 = arith.constant 4 : i32
      %rem3A_840 = arith.remsi %while3A_836, %rem3A_839 : i32
      %dma_wait3A_841 = arith.constant 0 : i32
      %dma_wait3A_842 = arith.constant 0 : i32
      %dma_wait3A_843 = arith.constant 0 : i32
      %dma_wait3A_844 = tpu.memref_slice %arg10[%rem3A_840, %dma_wait3A_842, %dma_wait3A_843] : memref<4x128x64xf32, #tpu.memory_space<vmem>> -> memref<1x128x64xf32, #tpu.memory_space<vmem>>
      %dma_wait3A_845 = tpu.memref_squeeze %dma_wait3A_844 : memref<1x128x64xf32, #tpu.memory_space<vmem>> -> memref<128x64xf32, #tpu.memory_space<vmem>>
      %dma_wait3A_846 = arith.constant 0 : i32
      %dma_wait3A_847 = tpu.memref_slice %arg8[%dma_wait3A_841, %dma_wait3A_846] : memref<8x128xi32, #tpu.memory_space<vmem>> -> memref<1x128xi32, #tpu.memory_space<vmem>>
      %dma_wait3A_848 = tpu.memref_squeeze %dma_wait3A_847 : memref<1x128xi32, #tpu.memory_space<vmem>> -> memref<128xi32, #tpu.memory_space<vmem>>
      %dma_wait3A_849 = arith.constant 0 : i32
      %dma_wait3A_850 = arith.constant 0 : i32
      %dma_wait3A_851 = tpu.memref_slice %arg7[%dma_wait3A_849, %dma_wait3A_850] : memref<10240x64xf32, #tpu.memory_space<vmem_shared>> -> memref<10240x64xf32, #tpu.memory_space<vmem_shared>>
      %dma_wait3A_852 = tpu.memref_slice %arg11[%rem3A_840] : memref<4x!tpu.dma_semaphore, #tpu.memory_space<semaphore_mem>> -> memref<1x!tpu.dma_semaphore, #tpu.memory_space<semaphore_mem>>
      %dma_wait3A_853 = tpu.memref_squeeze %dma_wait3A_852 : memref<1x!tpu.dma_semaphore, #tpu.memory_space<semaphore_mem>> -> memref<!tpu.dma_semaphore, #tpu.memory_space<semaphore_mem>>
      tpu.wait_indirect_dma semaphore(%dma_wait3A_853 : memref<!tpu.dma_semaphore, #tpu.memory_space<semaphore_mem>>) src(%dma_wait3A_851 : memref<10240x64xf32, #tpu.memory_space<vmem_shared>>) dst(%dma_wait3A_845 : memref<128x64xf32, #tpu.memory_space<vmem>>)
      %dma_wait3A_854 = arith.constant 1 : i32
      %dma_wait3A_855 = arith.constant 0 : i32
      %dma_wait3A_856 = tpu.memref_slice %arg9[%rem3A_838, %dma_wait3A_855] : memref<8x128xi32, #tpu.memory_space<vmem>> -> memref<1x128xi32, #tpu.memory_space<vmem>>
      %dma_wait3A_857 = tpu.memref_squeeze %dma_wait3A_856 : memref<1x128xi32, #tpu.memory_space<vmem>> -> memref<128xi32, #tpu.memory_space<vmem>>
      %dma_wait3A_858 = arith.constant 0 : i32
      %dma_wait3A_859 = tpu.memref_slice %arg3[%dma_wait3A_854, %dma_wait3A_858] : memref<2x320000xi32, #tpu.memory_space<hbm>> -> memref<1x128xi32, #tpu.memory_space<hbm>>
      %dma_wait3A_860 = tpu.memref_squeeze %dma_wait3A_859 : memref<1x128xi32, #tpu.memory_space<hbm>> -> memref<128xi32, #tpu.memory_space<hbm>>
      %dma_wait3A_861 = tpu.memref_slice %arg14[%rem3A_838] : memref<8x!tpu.dma_semaphore, #tpu.memory_space<semaphore_mem>> -> memref<1x!tpu.dma_semaphore, #tpu.memory_space<semaphore_mem>>
      %dma_wait3A_862 = tpu.memref_squeeze %dma_wait3A_861 : memref<1x!tpu.dma_semaphore, #tpu.memory_space<semaphore_mem>> -> memref<!tpu.dma_semaphore, #tpu.memory_space<semaphore_mem>>
      %dma_wait3A_863 = arith.constant 0 : i32
      %dma_wait3A_864 = tpu.memref_slice %arg9[%rem3A_838, %dma_wait3A_863] : memref<8x128xi32, #tpu.memory_space<vmem>> -> memref<1x128xi32, #tpu.memory_space<vmem>>
      %dma_wait3A_865 = tpu.memref_squeeze %dma_wait3A_864 : memref<1x128xi32, #tpu.memory_space<vmem>> -> memref<128xi32, #tpu.memory_space<vmem>>
      %dma_wait3A_866 = arith.constant 0 : i32
      %dma_wait3A_867 = tpu.memref_slice %arg3[%dma_wait3A_854, %dma_wait3A_866] : memref<2x320000xi32, #tpu.memory_space<hbm>> -> memref<1x128xi32, #tpu.memory_space<hbm>>
      %dma_wait3A_868 = tpu.memref_squeeze %dma_wait3A_867 : memref<1x128xi32, #tpu.memory_space<hbm>> -> memref<128xi32, #tpu.memory_space<hbm>>
      tpu.wait_dma2 semaphore(%dma_wait3A_862 : memref<!tpu.dma_semaphore, #tpu.memory_space<semaphore_mem>>) src(%dma_wait3A_868 : memref<128xi32, #tpu.memory_space<hbm>>) dst(%dma_wait3A_865 : memref<128xi32, #tpu.memory_space<vmem>>)
      %dma_start3A_869 = arith.constant 0 : i32
      %dma_start3A_870 = arith.constant 0 : i32
      %dma_start3A_871 = tpu.memref_slice %arg10[%rem3A_840, %dma_start3A_869, %dma_start3A_870] : memref<4x128x64xf32, #tpu.memory_space<vmem>> -> memref<1x128x64xf32, #tpu.memory_space<vmem>>
      %dma_start3A_872 = tpu.memref_squeeze %dma_start3A_871 : memref<1x128x64xf32, #tpu.memory_space<vmem>> -> memref<128x64xf32, #tpu.memory_space<vmem>>
      %dma_start3A_873 = arith.constant 0 : i32
      %dma_start3A_874 = tpu.memref_slice %arg9[%rem3A_838, %dma_start3A_873] : memref<8x128xi32, #tpu.memory_space<vmem>> -> memref<1x128xi32, #tpu.memory_space<vmem>>
      %dma_start3A_875 = tpu.memref_squeeze %dma_start3A_874 : memref<1x128xi32, #tpu.memory_space<vmem>> -> memref<128xi32, #tpu.memory_space<vmem>>
      %dma_start3A_876 = arith.constant 0 : i32
      %dma_start3A_877 = arith.constant 0 : i32
      %dma_start3A_878 = tpu.memref_slice %arg6[%dma_start3A_876, %dma_start3A_877] : memref<10240x64xf32, #tpu.memory_space<vmem_shared>> -> memref<10240x64xf32, #tpu.memory_space<vmem_shared>>
      %dma_start3A_879 = tpu.memref_slice %arg12[%rem3A_840] : memref<4x!tpu.dma_semaphore, #tpu.memory_space<semaphore_mem>> -> memref<1x!tpu.dma_semaphore, #tpu.memory_space<semaphore_mem>>
      %dma_start3A_880 = tpu.memref_squeeze %dma_start3A_879 : memref<1x!tpu.dma_semaphore, #tpu.memory_space<semaphore_mem>> -> memref<!tpu.dma_semaphore, #tpu.memory_space<semaphore_mem>>
      tpu.enqueue_indirect_dma source(%dma_start3A_872 : memref<128x64xf32, #tpu.memory_space<vmem>>) target(%dma_start3A_878 : memref<10240x64xf32, #tpu.memory_space<vmem_shared>>) offsets(%dma_start3A_875 : memref<128xi32, #tpu.memory_space<vmem>>) semaphore(%dma_start3A_880 : memref<!tpu.dma_semaphore, #tpu.memory_space<semaphore_mem>>) {add = true}
      %add3A_881 = arith.constant 3 : i32
      %add3A_882 = arith.addi %while3A_836, %add3A_881 : i32
      %lt3A_883 = arith.cmpi slt, %add3A_882, %select_n3A : i32
      %convert_element_type3A_884 = arith.extui %lt3A_883 : i1 to i32
      %cond3A_885 = arith.constant 0 : i32
      %cond3A_886 = arith.cmpi ne, %convert_element_type3A_884, %cond3A_885 : i32
      scf.if %cond3A_886 {
        %rem3A_893 = arith.constant 8 : i32
        %rem3A_894 = arith.remsi %add3A_882, %rem3A_893 : i32
        %rem3A_895 = arith.constant 4 : i32
        %rem3A_896 = arith.remsi %add3A_882, %rem3A_895 : i32
        %ge3A = arith.constant 4 : i32
        %ge3A_897 = arith.cmpi sge, %add3A_882, %ge3A : i32
        %convert_element_type3A_898 = arith.extui %ge3A_897 : i1 to i32
        %cond3A_899 = arith.constant 0 : i32
        %cond3A_900 = arith.cmpi ne, %convert_element_type3A_898, %cond3A_899 : i32
        scf.if %cond3A_900 {
          %dma_wait3A_928 = arith.constant 0 : i32
          %dma_wait3A_929 = arith.constant 0 : i32
          %dma_wait3A_930 = tpu.memref_slice %arg10[%rem3A_896, %dma_wait3A_928, %dma_wait3A_929] : memref<4x128x64xf32, #tpu.memory_space<vmem>> -> memref<1x128x64xf32, #tpu.memory_space<vmem>>
          %dma_wait3A_931 = tpu.memref_squeeze %dma_wait3A_930 : memref<1x128x64xf32, #tpu.memory_space<vmem>> -> memref<128x64xf32, #tpu.memory_space<vmem>>
          %dma_wait3A_932 = arith.constant 0 : i32
          %dma_wait3A_933 = tpu.memref_slice %arg9[%rem3A_894, %dma_wait3A_932] : memref<8x128xi32, #tpu.memory_space<vmem>> -> memref<1x128xi32, #tpu.memory_space<vmem>>
          %dma_wait3A_934 = tpu.memref_squeeze %dma_wait3A_933 : memref<1x128xi32, #tpu.memory_space<vmem>> -> memref<128xi32, #tpu.memory_space<vmem>>
          %dma_wait3A_935 = arith.constant 0 : i32
          %dma_wait3A_936 = arith.constant 0 : i32
          %dma_wait3A_937 = tpu.memref_slice %arg6[%dma_wait3A_935, %dma_wait3A_936] : memref<10240x64xf32, #tpu.memory_space<vmem_shared>> -> memref<10240x64xf32, #tpu.memory_space<vmem_shared>>
          %dma_wait3A_938 = tpu.memref_slice %arg12[%rem3A_896] : memref<4x!tpu.dma_semaphore, #tpu.memory_space<semaphore_mem>> -> memref<1x!tpu.dma_semaphore, #tpu.memory_space<semaphore_mem>>
          %dma_wait3A_939 = tpu.memref_squeeze %dma_wait3A_938 : memref<1x!tpu.dma_semaphore, #tpu.memory_space<semaphore_mem>> -> memref<!tpu.dma_semaphore, #tpu.memory_space<semaphore_mem>>
          tpu.wait_indirect_dma semaphore(%dma_wait3A_939 : memref<!tpu.dma_semaphore, #tpu.memory_space<semaphore_mem>>) src(%dma_wait3A_931 : memref<128x64xf32, #tpu.memory_space<vmem>>) dst(%dma_wait3A_937 : memref<10240x64xf32, #tpu.memory_space<vmem_shared>>)
        } else {
        }
        %dma_wait3A_901 = arith.constant 0 : i32
        %dma_wait3A_902 = arith.constant 0 : i32
        %dma_wait3A_903 = tpu.memref_slice %arg8[%rem3A_894, %dma_wait3A_902] : memref<8x128xi32, #tpu.memory_space<vmem>> -> memref<1x128xi32, #tpu.memory_space<vmem>>
        %dma_wait3A_904 = tpu.memref_squeeze %dma_wait3A_903 : memref<1x128xi32, #tpu.memory_space<vmem>> -> memref<128xi32, #tpu.memory_space<vmem>>
        %dma_wait3A_905 = arith.constant 0 : i32
        %dma_wait3A_906 = tpu.memref_slice %arg3[%dma_wait3A_901, %dma_wait3A_905] : memref<2x320000xi32, #tpu.memory_space<hbm>> -> memref<1x128xi32, #tpu.memory_space<hbm>>
        %dma_wait3A_907 = tpu.memref_squeeze %dma_wait3A_906 : memref<1x128xi32, #tpu.memory_space<hbm>> -> memref<128xi32, #tpu.memory_space<hbm>>
        %dma_wait3A_908 = tpu.memref_slice %arg13[%rem3A_894] : memref<8x!tpu.dma_semaphore, #tpu.memory_space<semaphore_mem>> -> memref<1x!tpu.dma_semaphore, #tpu.memory_space<semaphore_mem>>
        %dma_wait3A_909 = tpu.memref_squeeze %dma_wait3A_908 : memref<1x!tpu.dma_semaphore, #tpu.memory_space<semaphore_mem>> -> memref<!tpu.dma_semaphore, #tpu.memory_space<semaphore_mem>>
        %dma_wait3A_910 = arith.constant 0 : i32
        %dma_wait3A_911 = tpu.memref_slice %arg8[%rem3A_894, %dma_wait3A_910] : memref<8x128xi32, #tpu.memory_space<vmem>> -> memref<1x128xi32, #tpu.memory_space<vmem>>
        %dma_wait3A_912 = tpu.memref_squeeze %dma_wait3A_911 : memref<1x128xi32, #tpu.memory_space<vmem>> -> memref<128xi32, #tpu.memory_space<vmem>>
        %dma_wait3A_913 = arith.constant 0 : i32
        %dma_wait3A_914 = tpu.memref_slice %arg3[%dma_wait3A_901, %dma_wait3A_913] : memref<2x320000xi32, #tpu.memory_space<hbm>> -> memref<1x128xi32, #tpu.memory_space<hbm>>
        %dma_wait3A_915 = tpu.memref_squeeze %dma_wait3A_914 : memref<1x128xi32, #tpu.memory_space<hbm>> -> memref<128xi32, #tpu.memory_space<hbm>>
        tpu.wait_dma2 semaphore(%dma_wait3A_909 : memref<!tpu.dma_semaphore, #tpu.memory_space<semaphore_mem>>) src(%dma_wait3A_915 : memref<128xi32, #tpu.memory_space<hbm>>) dst(%dma_wait3A_912 : memref<128xi32, #tpu.memory_space<vmem>>)
        %dma_start3A_916 = arith.constant 0 : i32
        %dma_start3A_917 = arith.constant 0 : i32
        %dma_start3A_918 = tpu.memref_slice %arg10[%rem3A_896, %dma_start3A_916, %dma_start3A_917] : memref<4x128x64xf32, #tpu.memory_space<vmem>> -> memref<1x128x64xf32, #tpu.memory_space<vmem>>
        %dma_start3A_919 = tpu.memref_squeeze %dma_start3A_918 : memref<1x128x64xf32, #tpu.memory_space<vmem>> -> memref<128x64xf32, #tpu.memory_space<vmem>>
        %dma_start3A_920 = arith.constant 0 : i32
        %dma_start3A_921 = tpu.memref_slice %arg8[%rem3A_894, %dma_start3A_920] : memref<8x128xi32, #tpu.memory_space<vmem>> -> memref<1x128xi32, #tpu.memory_space<vmem>>
        %dma_start3A_922 = tpu.memref_squeeze %dma_start3A_921 : memref<1x128xi32, #tpu.memory_space<vmem>> -> memref<128xi32, #tpu.memory_space<vmem>>
        %dma_start3A_923 = arith.constant 0 : i32
        %dma_start3A_924 = arith.constant 0 : i32
        %dma_start3A_925 = tpu.memref_slice %arg7[%dma_start3A_923, %dma_start3A_924] : memref<10240x64xf32, #tpu.memory_space<vmem_shared>> -> memref<10240x64xf32, #tpu.memory_space<vmem_shared>>
        %dma_start3A_926 = tpu.memref_slice %arg11[%rem3A_896] : memref<4x!tpu.dma_semaphore, #tpu.memory_space<semaphore_mem>> -> memref<1x!tpu.dma_semaphore, #tpu.memory_space<semaphore_mem>>
        %dma_start3A_927 = tpu.memref_squeeze %dma_start3A_926 : memref<1x!tpu.dma_semaphore, #tpu.memory_space<semaphore_mem>> -> memref<!tpu.dma_semaphore, #tpu.memory_space<semaphore_mem>>
        tpu.enqueue_indirect_dma source(%dma_start3A_925 : memref<10240x64xf32, #tpu.memory_space<vmem_shared>>) target(%dma_start3A_919 : memref<128x64xf32, #tpu.memory_space<vmem>>) offsets(%dma_start3A_922 : memref<128xi32, #tpu.memory_space<vmem>>) semaphore(%dma_start3A_927 : memref<!tpu.dma_semaphore, #tpu.memory_space<semaphore_mem>>)
      } else {
      }
      %add3A_887 = arith.constant 6 : i32
      %add3A_888 = arith.addi %while3A_836, %add3A_887 : i32
      %lt3A_889 = arith.cmpi slt, %add3A_888, %select_n3A : i32
      %convert_element_type3A_890 = arith.extui %lt3A_889 : i1 to i32
      %cond3A_891 = arith.constant 0 : i32
      %cond3A_892 = arith.cmpi ne, %convert_element_type3A_890, %cond3A_891 : i32
      scf.if %cond3A_892 {
        %rem3A_893 = arith.constant 8 : i32
        %rem3A_894 = arith.remsi %add3A_888, %rem3A_893 : i32
        %mul3A_895 = arith.constant 128 : i32
        %mul3A_896 = arith.muli %add3A_888, %mul3A_895 : i32
        %add3A_897 = arith.addi %mul3A_13, %mul3A_896 : i32
        %dma_start3A_898 = arith.constant 0 : i32
        %dma_start3A_899 = arith.constant 0 : i32
        %dma_start3A_900 = tpu.memref_slice %arg8[%rem3A_894, %dma_start3A_899] : memref<8x128xi32, #tpu.memory_space<vmem>> -> memref<1x128xi32, #tpu.memory_space<vmem>>
        %dma_start3A_901 = tpu.memref_squeeze %dma_start3A_900 : memref<1x128xi32, #tpu.memory_space<vmem>> -> memref<128xi32, #tpu.memory_space<vmem>>
        %dma_start3A_902 = tpu.memref_slice %arg3[%dma_start3A_898, %add3A_897] : memref<2x320000xi32, #tpu.memory_space<hbm>> -> memref<1x128xi32, #tpu.memory_space<hbm>>
        %dma_start3A_903 = tpu.memref_squeeze %dma_start3A_902 : memref<1x128xi32, #tpu.memory_space<hbm>> -> memref<128xi32, #tpu.memory_space<hbm>>
        %dma_start3A_904 = tpu.memref_slice %arg13[%rem3A_894] : memref<8x!tpu.dma_semaphore, #tpu.memory_space<semaphore_mem>> -> memref<1x!tpu.dma_semaphore, #tpu.memory_space<semaphore_mem>>
        %dma_start3A_905 = tpu.memref_squeeze %dma_start3A_904 : memref<1x!tpu.dma_semaphore, #tpu.memory_space<semaphore_mem>> -> memref<!tpu.dma_semaphore, #tpu.memory_space<semaphore_mem>>
        %dma_start3A_906 = arith.constant 0 : i32
        %dma_start3A_907 = tpu.memref_slice %arg8[%rem3A_894, %dma_start3A_906] : memref<8x128xi32, #tpu.memory_space<vmem>> -> memref<1x128xi32, #tpu.memory_space<vmem>>
        %dma_start3A_908 = tpu.memref_squeeze %dma_start3A_907 : memref<1x128xi32, #tpu.memory_space<vmem>> -> memref<128xi32, #tpu.memory_space<vmem>>
        %dma_start3A_909 = tpu.memref_slice %arg3[%dma_start3A_898, %add3A_897] : memref<2x320000xi32, #tpu.memory_space<hbm>> -> memref<1x128xi32, #tpu.memory_space<hbm>>
        %dma_start3A_910 = tpu.memref_squeeze %dma_start3A_909 : memref<1x128xi32, #tpu.memory_space<hbm>> -> memref<128xi32, #tpu.memory_space<hbm>>
        tpu.enqueue_dma source(%dma_start3A_910 : memref<128xi32, #tpu.memory_space<hbm>>) target(%dma_start3A_908 : memref<128xi32, #tpu.memory_space<vmem>>) target_semaphore(%dma_start3A_905 : memref<!tpu.dma_semaphore, #tpu.memory_space<semaphore_mem>>)
        %mul3A_911 = arith.constant 128 : i32
        %mul3A_912 = arith.muli %add3A_888, %mul3A_911 : i32
        %add3A_913 = arith.addi %mul3A_13, %mul3A_912 : i32
        %dma_start3A_914 = arith.constant 1 : i32
        %dma_start3A_915 = arith.constant 0 : i32
        %dma_start3A_916 = tpu.memref_slice %arg9[%rem3A_894, %dma_start3A_915] : memref<8x128xi32, #tpu.memory_space<vmem>> -> memref<1x128xi32, #tpu.memory_space<vmem>>
        %dma_start3A_917 = tpu.memref_squeeze %dma_start3A_916 : memref<1x128xi32, #tpu.memory_space<vmem>> -> memref<128xi32, #tpu.memory_space<vmem>>
        %dma_start3A_918 = tpu.memref_slice %arg3[%dma_start3A_914, %add3A_913] : memref<2x320000xi32, #tpu.memory_space<hbm>> -> memref<1x128xi32, #tpu.memory_space<hbm>>
        %dma_start3A_919 = tpu.memref_squeeze %dma_start3A_918 : memref<1x128xi32, #tpu.memory_space<hbm>> -> memref<128xi32, #tpu.memory_space<hbm>>
        %dma_start3A_920 = tpu.memref_slice %arg14[%rem3A_894] : memref<8x!tpu.dma_semaphore, #tpu.memory_space<semaphore_mem>> -> memref<1x!tpu.dma_semaphore, #tpu.memory_space<semaphore_mem>>
        %dma_start3A_921 = tpu.memref_squeeze %dma_start3A_920 : memref<1x!tpu.dma_semaphore, #tpu.memory_space<semaphore_mem>> -> memref<!tpu.dma_semaphore, #tpu.memory_space<semaphore_mem>>
        %dma_start3A_922 = arith.constant 0 : i32
        %dma_start3A_923 = tpu.memref_slice %arg9[%rem3A_894, %dma_start3A_922] : memref<8x128xi32, #tpu.memory_space<vmem>> -> memref<1x128xi32, #tpu.memory_space<vmem>>
        %dma_start3A_924 = tpu.memref_squeeze %dma_start3A_923 : memref<1x128xi32, #tpu.memory_space<vmem>> -> memref<128xi32, #tpu.memory_space<vmem>>
        %dma_start3A_925 = tpu.memref_slice %arg3[%dma_start3A_914, %add3A_913] : memref<2x320000xi32, #tpu.memory_space<hbm>> -> memref<1x128xi32, #tpu.memory_space<hbm>>
        %dma_start3A_926 = tpu.memref_squeeze %dma_start3A_925 : memref<1x128xi32, #tpu.memory_space<hbm>> -> memref<128xi32, #tpu.memory_space<hbm>>
        tpu.enqueue_dma source(%dma_start3A_926 : memref<128xi32, #tpu.memory_space<hbm>>) target(%dma_start3A_924 : memref<128xi32, #tpu.memory_space<vmem>>) target_semaphore(%dma_start3A_921 : memref<!tpu.dma_semaphore, #tpu.memory_space<semaphore_mem>>)
      } else {
      }
    }
    %sub3A_737 = arith.constant 4 : i32
    %sub3A_738 = arith.subi %select_n3A, %sub3A_737 : i32
    %add3A_739 = arith.constant 0 : i32
    %add3A_740 = arith.addi %sub3A_738, %add3A_739 : i32
    %rem3A_741 = arith.constant 4 : i32
    %rem3A_742 = arith.remsi %add3A_740, %rem3A_741 : i32
    %rem3A_743 = arith.constant 8 : i32
    %rem3A_744 = arith.remsi %add3A_740, %rem3A_743 : i32
    %rem3A_745 = arith.constant 4 : i32
    %rem3A_746 = arith.remsi %add3A_740, %rem3A_745 : i32
    %dma_wait3A_747 = arith.constant 0 : i32
    %dma_wait3A_748 = arith.constant 0 : i32
    %dma_wait3A_749 = tpu.memref_slice %arg10[%rem3A_742, %dma_wait3A_747, %dma_wait3A_748] : memref<4x128x64xf32, #tpu.memory_space<vmem>> -> memref<1x128x64xf32, #tpu.memory_space<vmem>>
    %dma_wait3A_750 = tpu.memref_squeeze %dma_wait3A_749 : memref<1x128x64xf32, #tpu.memory_space<vmem>> -> memref<128x64xf32, #tpu.memory_space<vmem>>
    %dma_wait3A_751 = arith.constant 0 : i32
    %dma_wait3A_752 = tpu.memref_slice %arg9[%rem3A_744, %dma_wait3A_751] : memref<8x128xi32, #tpu.memory_space<vmem>> -> memref<1x128xi32, #tpu.memory_space<vmem>>
    %dma_wait3A_753 = tpu.memref_squeeze %dma_wait3A_752 : memref<1x128xi32, #tpu.memory_space<vmem>> -> memref<128xi32, #tpu.memory_space<vmem>>
    %dma_wait3A_754 = arith.constant 0 : i32
    %dma_wait3A_755 = arith.constant 0 : i32
    %dma_wait3A_756 = tpu.memref_slice %arg6[%dma_wait3A_754, %dma_wait3A_755] : memref<10240x64xf32, #tpu.memory_space<vmem_shared>> -> memref<10240x64xf32, #tpu.memory_space<vmem_shared>>
    %dma_wait3A_757 = tpu.memref_slice %arg12[%rem3A_746] : memref<4x!tpu.dma_semaphore, #tpu.memory_space<semaphore_mem>> -> memref<1x!tpu.dma_semaphore, #tpu.memory_space<semaphore_mem>>
    %dma_wait3A_758 = tpu.memref_squeeze %dma_wait3A_757 : memref<1x!tpu.dma_semaphore, #tpu.memory_space<semaphore_mem>> -> memref<!tpu.dma_semaphore, #tpu.memory_space<semaphore_mem>>
    tpu.wait_indirect_dma semaphore(%dma_wait3A_758 : memref<!tpu.dma_semaphore, #tpu.memory_space<semaphore_mem>>) src(%dma_wait3A_750 : memref<128x64xf32, #tpu.memory_space<vmem>>) dst(%dma_wait3A_756 : memref<10240x64xf32, #tpu.memory_space<vmem_shared>>)
    %sub3A_759 = arith.constant 4 : i32
    %sub3A_760 = arith.subi %select_n3A, %sub3A_759 : i32
    %add3A_761 = arith.constant 1 : i32
    %add3A_762 = arith.addi %sub3A_760, %add3A_761 : i32
    %rem3A_763 = arith.constant 4 : i32
    %rem3A_764 = arith.remsi %add3A_762, %rem3A_763 : i32
    %rem3A_765 = arith.constant 8 : i32
    %rem3A_766 = arith.remsi %add3A_762, %rem3A_765 : i32
    %rem3A_767 = arith.constant 4 : i32
    %rem3A_768 = arith.remsi %add3A_762, %rem3A_767 : i32
    %dma_wait3A_769 = arith.constant 0 : i32
    %dma_wait3A_770 = arith.constant 0 : i32
    %dma_wait3A_771 = tpu.memref_slice %arg10[%rem3A_764, %dma_wait3A_769, %dma_wait3A_770] : memref<4x128x64xf32, #tpu.memory_space<vmem>> -> memref<1x128x64xf32, #tpu.memory_space<vmem>>
    %dma_wait3A_772 = tpu.memref_squeeze %dma_wait3A_771 : memref<1x128x64xf32, #tpu.memory_space<vmem>> -> memref<128x64xf32, #tpu.memory_space<vmem>>
    %dma_wait3A_773 = arith.constant 0 : i32
    %dma_wait3A_774 = tpu.memref_slice %arg9[%rem3A_766, %dma_wait3A_773] : memref<8x128xi32, #tpu.memory_space<vmem>> -> memref<1x128xi32, #tpu.memory_space<vmem>>
    %dma_wait3A_775 = tpu.memref_squeeze %dma_wait3A_774 : memref<1x128xi32, #tpu.memory_space<vmem>> -> memref<128xi32, #tpu.memory_space<vmem>>
    %dma_wait3A_776 = arith.constant 0 : i32
    %dma_wait3A_777 = arith.constant 0 : i32
    %dma_wait3A_778 = tpu.memref_slice %arg6[%dma_wait3A_776, %dma_wait3A_777] : memref<10240x64xf32, #tpu.memory_space<vmem_shared>> -> memref<10240x64xf32, #tpu.memory_space<vmem_shared>>
    %dma_wait3A_779 = tpu.memref_slice %arg12[%rem3A_768] : memref<4x!tpu.dma_semaphore, #tpu.memory_space<semaphore_mem>> -> memref<1x!tpu.dma_semaphore, #tpu.memory_space<semaphore_mem>>
    %dma_wait3A_780 = tpu.memref_squeeze %dma_wait3A_779 : memref<1x!tpu.dma_semaphore, #tpu.memory_space<semaphore_mem>> -> memref<!tpu.dma_semaphore, #tpu.memory_space<semaphore_mem>>
    tpu.wait_indirect_dma semaphore(%dma_wait3A_780 : memref<!tpu.dma_semaphore, #tpu.memory_space<semaphore_mem>>) src(%dma_wait3A_772 : memref<128x64xf32, #tpu.memory_space<vmem>>) dst(%dma_wait3A_778 : memref<10240x64xf32, #tpu.memory_space<vmem_shared>>)
    %sub3A_781 = arith.constant 4 : i32
    %sub3A_782 = arith.subi %select_n3A, %sub3A_781 : i32
    %add3A_783 = arith.constant 2 : i32
    %add3A_784 = arith.addi %sub3A_782, %add3A_783 : i32
    %rem3A_785 = arith.constant 4 : i32
    %rem3A_786 = arith.remsi %add3A_784, %rem3A_785 : i32
    %rem3A_787 = arith.constant 8 : i32
    %rem3A_788 = arith.remsi %add3A_784, %rem3A_787 : i32
    %rem3A_789 = arith.constant 4 : i32
    %rem3A_790 = arith.remsi %add3A_784, %rem3A_789 : i32
    %dma_wait3A_791 = arith.constant 0 : i32
    %dma_wait3A_792 = arith.constant 0 : i32
    %dma_wait3A_793 = tpu.memref_slice %arg10[%rem3A_786, %dma_wait3A_791, %dma_wait3A_792] : memref<4x128x64xf32, #tpu.memory_space<vmem>> -> memref<1x128x64xf32, #tpu.memory_space<vmem>>
    %dma_wait3A_794 = tpu.memref_squeeze %dma_wait3A_793 : memref<1x128x64xf32, #tpu.memory_space<vmem>> -> memref<128x64xf32, #tpu.memory_space<vmem>>
    %dma_wait3A_795 = arith.constant 0 : i32
    %dma_wait3A_796 = tpu.memref_slice %arg9[%rem3A_788, %dma_wait3A_795] : memref<8x128xi32, #tpu.memory_space<vmem>> -> memref<1x128xi32, #tpu.memory_space<vmem>>
    %dma_wait3A_797 = tpu.memref_squeeze %dma_wait3A_796 : memref<1x128xi32, #tpu.memory_space<vmem>> -> memref<128xi32, #tpu.memory_space<vmem>>
    %dma_wait3A_798 = arith.constant 0 : i32
    %dma_wait3A_799 = arith.constant 0 : i32
    %dma_wait3A_800 = tpu.memref_slice %arg6[%dma_wait3A_798, %dma_wait3A_799] : memref<10240x64xf32, #tpu.memory_space<vmem_shared>> -> memref<10240x64xf32, #tpu.memory_space<vmem_shared>>
    %dma_wait3A_801 = tpu.memref_slice %arg12[%rem3A_790] : memref<4x!tpu.dma_semaphore, #tpu.memory_space<semaphore_mem>> -> memref<1x!tpu.dma_semaphore, #tpu.memory_space<semaphore_mem>>
    %dma_wait3A_802 = tpu.memref_squeeze %dma_wait3A_801 : memref<1x!tpu.dma_semaphore, #tpu.memory_space<semaphore_mem>> -> memref<!tpu.dma_semaphore, #tpu.memory_space<semaphore_mem>>
    tpu.wait_indirect_dma semaphore(%dma_wait3A_802 : memref<!tpu.dma_semaphore, #tpu.memory_space<semaphore_mem>>) src(%dma_wait3A_794 : memref<128x64xf32, #tpu.memory_space<vmem>>) dst(%dma_wait3A_800 : memref<10240x64xf32, #tpu.memory_space<vmem_shared>>)
    %sub3A_803 = arith.constant 4 : i32
    %sub3A_804 = arith.subi %select_n3A, %sub3A_803 : i32
    %add3A_805 = arith.constant 3 : i32
    %add3A_806 = arith.addi %sub3A_804, %add3A_805 : i32
    %rem3A_807 = arith.constant 4 : i32
    %rem3A_808 = arith.remsi %add3A_806, %rem3A_807 : i32
    %rem3A_809 = arith.constant 8 : i32
    %rem3A_810 = arith.remsi %add3A_806, %rem3A_809 : i32
    %rem3A_811 = arith.constant 4 : i32
    %rem3A_812 = arith.remsi %add3A_806, %rem3A_811 : i32
    %dma_wait3A_813 = arith.constant 0 : i32
    %dma_wait3A_814 = arith.constant 0 : i32
    %dma_wait3A_815 = tpu.memref_slice %arg10[%rem3A_808, %dma_wait3A_813, %dma_wait3A_814] : memref<4x128x64xf32, #tpu.memory_space<vmem>> -> memref<1x128x64xf32, #tpu.memory_space<vmem>>
    %dma_wait3A_816 = tpu.memref_squeeze %dma_wait3A_815 : memref<1x128x64xf32, #tpu.memory_space<vmem>> -> memref<128x64xf32, #tpu.memory_space<vmem>>
    %dma_wait3A_817 = arith.constant 0 : i32
    %dma_wait3A_818 = tpu.memref_slice %arg9[%rem3A_810, %dma_wait3A_817] : memref<8x128xi32, #tpu.memory_space<vmem>> -> memref<1x128xi32, #tpu.memory_space<vmem>>
    %dma_wait3A_819 = tpu.memref_squeeze %dma_wait3A_818 : memref<1x128xi32, #tpu.memory_space<vmem>> -> memref<128xi32, #tpu.memory_space<vmem>>
    %dma_wait3A_820 = arith.constant 0 : i32
    %dma_wait3A_821 = arith.constant 0 : i32
    %dma_wait3A_822 = tpu.memref_slice %arg6[%dma_wait3A_820, %dma_wait3A_821] : memref<10240x64xf32, #tpu.memory_space<vmem_shared>> -> memref<10240x64xf32, #tpu.memory_space<vmem_shared>>
    %dma_wait3A_823 = tpu.memref_slice %arg12[%rem3A_812] : memref<4x!tpu.dma_semaphore, #tpu.memory_space<semaphore_mem>> -> memref<1x!tpu.dma_semaphore, #tpu.memory_space<semaphore_mem>>
    %dma_wait3A_824 = tpu.memref_squeeze %dma_wait3A_823 : memref<1x!tpu.dma_semaphore, #tpu.memory_space<semaphore_mem>> -> memref<!tpu.dma_semaphore, #tpu.memory_space<semaphore_mem>>
    tpu.wait_indirect_dma semaphore(%dma_wait3A_824 : memref<!tpu.dma_semaphore, #tpu.memory_space<semaphore_mem>>) src(%dma_wait3A_816 : memref<128x64xf32, #tpu.memory_space<vmem>>) dst(%dma_wait3A_822 : memref<10240x64xf32, #tpu.memory_space<vmem_shared>>)
    %barrier3A_825 = arith.constant 0 : index
    tpu.barrier barrier_id(%barrier3A_825)
    %eq3A_826 = arith.constant 0 : i32
    %eq3A_827 = arith.cmpi eq, %arg0, %eq3A_826 : i32
    %convert_element_type3A_828 = arith.extui %eq3A_827 : i1 to i32
    %cond3A_829 = arith.constant 0 : i32
    %cond3A_830 = arith.cmpi ne, %convert_element_type3A_828, %cond3A_829 : i32
    scf.if %cond3A_830 {
      "tpu.region"() ({
        %run_scoped3A_836 = tpu.sem_alloc : memref<!tpu.dma_semaphore, #tpu.memory_space<semaphore_mem>>
        %dma_start3A_837 = arith.constant 0 : i32
        %dma_start3A_838 = tpu.memref_slice %arg4[%mul3A_0, %dma_start3A_837] : memref<10240x64xf32, #tpu.memory_space<hbm>> -> memref<640x64xf32, #tpu.memory_space<hbm>>
        %dma_start3A_839 = arith.constant 0 : i32
        %dma_start3A_840 = tpu.memref_slice %arg6[%mul3A_0, %dma_start3A_839] : memref<10240x64xf32, #tpu.memory_space<vmem_shared>> -> memref<640x64xf32, #tpu.memory_space<vmem_shared>>
        tpu.enqueue_dma source(%dma_start3A_840 : memref<640x64xf32, #tpu.memory_space<vmem_shared>>) target(%dma_start3A_838 : memref<640x64xf32, #tpu.memory_space<hbm>>) target_semaphore(%run_scoped3A_836 : memref<!tpu.dma_semaphore, #tpu.memory_space<semaphore_mem>>)
        %dma_wait3A_841 = arith.constant 0 : i32
        %dma_wait3A_842 = tpu.memref_slice %arg4[%mul3A_0, %dma_wait3A_841] : memref<10240x64xf32, #tpu.memory_space<hbm>> -> memref<640x64xf32, #tpu.memory_space<hbm>>
        %dma_wait3A_843 = arith.constant 0 : i32
        %dma_wait3A_844 = tpu.memref_slice %arg6[%mul3A_0, %dma_wait3A_843] : memref<10240x64xf32, #tpu.memory_space<vmem_shared>> -> memref<640x64xf32, #tpu.memory_space<vmem_shared>>
        tpu.wait_dma2 semaphore(%run_scoped3A_836 : memref<!tpu.dma_semaphore, #tpu.memory_space<semaphore_mem>>) src(%dma_wait3A_844 : memref<640x64xf32, #tpu.memory_space<vmem_shared>>) dst(%dma_wait3A_842 : memref<640x64xf32, #tpu.memory_space<hbm>>)
        tpu.yield
      }) : () -> ()
    } else {
    }
    %eq3A_831 = arith.constant 1 : i32
    %eq3A_832 = arith.cmpi eq, %arg0, %eq3A_831 : i32
    %convert_element_type3A_833 = arith.extui %eq3A_832 : i1 to i32
    %cond3A_834 = arith.constant 0 : i32
    %cond3A_835 = arith.cmpi ne, %convert_element_type3A_833, %cond3A_834 : i32
    scf.if %cond3A_835 {
      "tpu.region"() ({
        %run_scoped3A_836 = tpu.sem_alloc : memref<!tpu.dma_semaphore, #tpu.memory_space<semaphore_mem>>
        %dma_start3A_837 = arith.constant 0 : i32
        %dma_start3A_838 = tpu.memref_slice %arg5[%mul3A_0, %dma_start3A_837] : memref<10240x64xf32, #tpu.memory_space<hbm>> -> memref<640x64xf32, #tpu.memory_space<hbm>>
        %dma_start3A_839 = arith.constant 0 : i32
        %dma_start3A_840 = tpu.memref_slice %arg6[%mul3A_0, %dma_start3A_839] : memref<10240x64xf32, #tpu.memory_space<vmem_shared>> -> memref<640x64xf32, #tpu.memory_space<vmem_shared>>
        tpu.enqueue_dma source(%dma_start3A_840 : memref<640x64xf32, #tpu.memory_space<vmem_shared>>) target(%dma_start3A_838 : memref<640x64xf32, #tpu.memory_space<hbm>>) target_semaphore(%run_scoped3A_836 : memref<!tpu.dma_semaphore, #tpu.memory_space<semaphore_mem>>)
        %dma_wait3A_841 = arith.constant 0 : i32
        %dma_wait3A_842 = tpu.memref_slice %arg5[%mul3A_0, %dma_wait3A_841] : memref<10240x64xf32, #tpu.memory_space<hbm>> -> memref<640x64xf32, #tpu.memory_space<hbm>>
        %dma_wait3A_843 = arith.constant 0 : i32
        %dma_wait3A_844 = tpu.memref_slice %arg6[%mul3A_0, %dma_wait3A_843] : memref<10240x64xf32, #tpu.memory_space<vmem_shared>> -> memref<640x64xf32, #tpu.memory_space<vmem_shared>>
        tpu.wait_dma2 semaphore(%run_scoped3A_836 : memref<!tpu.dma_semaphore, #tpu.memory_space<semaphore_mem>>) src(%dma_wait3A_844 : memref<640x64xf32, #tpu.memory_space<vmem_shared>>) dst(%dma_wait3A_842 : memref<640x64xf32, #tpu.memory_space<hbm>>)
        tpu.yield
      }) : () -> ()
    } else {
    }
    return
  }
}

module attributes {stable_mosaic.version = 14 : i64} {
  func.func @_mlp_body(%arg0: i32, %arg1: memref<10240x64xf32, #tpu.memory_space<vmem>>, %arg2: memref<10240x64xf32, #tpu.memory_space<vmem>>, %arg3: memref<128x128xf32, #tpu.memory_space<vmem>>, %arg4: memref<1x128xf32, #tpu.memory_space<vmem>>, %arg5: memref<10240x64xf32, #tpu.memory_space<vmem>>, %arg6: memref<10240x64xf32, #tpu.memory_space<vmem>>) attributes {dimension_semantics = [#tpu.dimension_semantics<arbitrary>], iteration_bounds = array<i64: 1>, scalar_prefetch = 0 : i64, scratch_operands = 0 : i64, tpu.core_type = #tpu.core_type<tc>, window_params = [{transform_indices = @transform_0, window_bounds = array<i64: 10240, 64>}, {transform_indices = @transform_1, window_bounds = array<i64: 10240, 64>}, {pipeline_mode = #tpu.pipeline_mode<synchronous>, transform_indices = @transform_2, window_bounds = array<i64: 128, 128>}, {pipeline_mode = #tpu.pipeline_mode<synchronous>, transform_indices = @transform_3, window_bounds = array<i64: 1, 128>}, {transform_indices = @transform_4, window_bounds = array<i64: 10240, 64>}, {transform_indices = @transform_5, window_bounds = array<i64: 10240, 64>}]} {
    %get3A = arith.constant 0 : index
    %get3A_0 = arith.constant 0 : index
    %get3A_1 = vector.load %arg1[%get3A, %get3A_0] : memref<10240x64xf32, #tpu.memory_space<vmem>>, vector<10240x64xf32>
    %get3A_2 = arith.constant 0 : index
    %get3A_3 = arith.constant 0 : index
    %get3A_4 = vector.load %arg3[%get3A_2, %get3A_3] : memref<128x128xf32, #tpu.memory_space<vmem>>, vector<64x128xf32>
    %dot_general3A = arith.constant dense<0.000000e+00> : vector<10240x128xf32>
    %dot_general3A_5 = tpu.matmul %get3A_1, %get3A_4, %dot_general3A {dimension_numbers = #tpu.dot_dimension_numbers<[1], [0], [0], [1], [0, 0, 1, 1], [], []>, transpose_lhs_hint = false} : vector<10240x64xf32>, vector<64x128xf32>, vector<10240x128xf32> -> vector<10240x128xf32>
    %get3A_6 = arith.constant 0 : index
    %get3A_7 = arith.constant 0 : index
    %get3A_8 = vector.load %arg2[%get3A_6, %get3A_7] : memref<10240x64xf32, #tpu.memory_space<vmem>>, vector<10240x64xf32>
    %get3A_9 = arith.constant 64 : index
    %get3A_10 = arith.constant 0 : index
    %get3A_11 = vector.load %arg3[%get3A_9, %get3A_10] : memref<128x128xf32, #tpu.memory_space<vmem>>, vector<64x128xf32>
    %dot_general3A_12 = arith.constant dense<0.000000e+00> : vector<10240x128xf32>
    %dot_general3A_13 = tpu.matmul %get3A_8, %get3A_11, %dot_general3A_12 {dimension_numbers = #tpu.dot_dimension_numbers<[1], [0], [0], [1], [0, 0, 1, 1], [], []>, transpose_lhs_hint = false} : vector<10240x64xf32>, vector<64x128xf32>, vector<10240x128xf32> -> vector<10240x128xf32>
    %add3A = arith.addf %dot_general3A_5, %dot_general3A_13 : vector<10240x128xf32>
    %get3A_14 = arith.constant 0 : index
    %get3A_15 = arith.constant 0 : index
    %get3A_16 = vector.load %arg4[%get3A_14, %get3A_15] : memref<1x128xf32, #tpu.memory_space<vmem>>, vector<1x128xf32>
    %add3A_17 = vector.broadcast %get3A_16 : vector<1x128xf32> to vector<10240x128xf32>
    %add3A_18 = arith.addf %add3A, %add3A_17 : vector<10240x128xf32>
    %gt3A = arith.constant 0.000000e+00 : f32
    %gt3A_19 = vector.broadcast %gt3A : f32 to vector<10240x128xf32>
    %gt3A_20 = arith.cmpf ogt, %add3A_18, %gt3A_19 : vector<10240x128xf32>
    %exp3A = math.exp %add3A_18 : vector<10240x128xf32>
    %sub3A = arith.constant 1.000000e+00 : f32
    %sub3A_21 = vector.broadcast %sub3A : f32 to vector<10240x128xf32>
    %sub3A_22 = arith.subf %exp3A, %sub3A_21 : vector<10240x128xf32>
    %mul3A = arith.constant 1.67326319 : f32
    %mul3A_23 = vector.broadcast %mul3A : f32 to vector<10240x128xf32>
    %mul3A_24 = arith.mulf %mul3A_23, %sub3A_22 : vector<10240x128xf32>
    %select_n3A = arith.select %gt3A_20, %add3A_18, %mul3A_24 : vector<10240x128xi1>, vector<10240x128xf32>
    %mul3A_25 = arith.constant 1.05070102 : f32
    %mul3A_26 = vector.broadcast %mul3A_25 : f32 to vector<10240x128xf32>
    %mul3A_27 = arith.mulf %mul3A_26, %select_n3A : vector<10240x128xf32>
    %slice3A = vector.extract_strided_slice %mul3A_27 {offsets = [0, 0], sizes = [10240, 64], strides = [1, 1]} : vector<10240x128xf32> to vector<10240x64xf32>
    %swap3A = arith.constant 0 : index
    %swap3A_28 = arith.constant 0 : index
    %swap3A_29 = vector.load %arg5[%swap3A, %swap3A_28] : memref<10240x64xf32, #tpu.memory_space<vmem>>, vector<10240x64xf32>
    tpu.vector_store %arg5[%swap3A, %swap3A_28], %slice3A {strides = array<i32>} : memref<10240x64xf32, #tpu.memory_space<vmem>>, vector<10240x64xf32>,
    %slice3A_30 = vector.extract_strided_slice %mul3A_27 {offsets = [0, 64], sizes = [10240, 64], strides = [1, 1]} : vector<10240x128xf32> to vector<10240x64xf32>
    %swap3A_31 = arith.constant 0 : index
    %swap3A_32 = arith.constant 0 : index
    %swap3A_33 = vector.load %arg6[%swap3A_31, %swap3A_32] : memref<10240x64xf32, #tpu.memory_space<vmem>>, vector<10240x64xf32>
    tpu.vector_store %arg6[%swap3A_31, %swap3A_32], %slice3A_30 {strides = array<i32>} : memref<10240x64xf32, #tpu.memory_space<vmem>>, vector<10240x64xf32>,
    return
  }
  func.func @transform_0(%arg0: i32) -> (i32, i32) {
    %c0_i32 = arith.constant 0 : i32
    %c0_i32_0 = arith.constant 0 : i32
    return %arg0, %c0_i32 : i32, i32
  }
  func.func @transform_1(%arg0: i32) -> (i32, i32) {
    %c0_i32 = arith.constant 0 : i32
    %c0_i32_0 = arith.constant 0 : i32
    return %arg0, %c0_i32 : i32, i32
  }
  func.func @transform_2(%arg0: i32) -> (i32, i32) {
    %c0_i32 = arith.constant 0 : i32
    %c0_i32_0 = arith.constant 0 : i32
    %c0_i32_1 = arith.constant 0 : i32
    return %c0_i32, %c0_i32_0 : i32, i32
  }
  func.func @transform_3(%arg0: i32) -> (i32, i32) {
    %c0_i32 = arith.constant 0 : i32
    %c0_i32_0 = arith.constant 0 : i32
    %c0_i32_1 = arith.constant 0 : i32
    return %c0_i32, %c0_i32_0 : i32, i32
  }
  func.func @transform_4(%arg0: i32) -> (i32, i32) {
    %c0_i32 = arith.constant 0 : i32
    %c0_i32_0 = arith.constant 0 : i32
    return %arg0, %c0_i32 : i32, i32
  }
  func.func @transform_5(%arg0: i32) -> (i32, i32) {
    %c0_i32 = arith.constant 0 : i32
    %c0_i32_0 = arith.constant 0 : i32
    return %arg0, %c0_i32 : i32, i32
  }
}

module attributes {stable_mosaic.version = 14 : i64} {
  func.func @_out_body(%arg0: i32, %arg1: memref<10000x64xf32, #tpu.memory_space<vmem>>, %arg2: memref<10000x64xf32, #tpu.memory_space<vmem>>, %arg3: memref<128x128xf32, #tpu.memory_space<vmem>>, %arg4: memref<1x128xf32, #tpu.memory_space<vmem>>, %arg5: memref<10000x128xf32, #tpu.memory_space<vmem>>) attributes {dimension_semantics = [#tpu.dimension_semantics<arbitrary>], iteration_bounds = array<i64: 1>, scalar_prefetch = 0 : i64, scratch_operands = 0 : i64, tpu.core_type = #tpu.core_type<tc>, window_params = [{transform_indices = @transform_0, window_bounds = array<i64: 10000, 64>}, {transform_indices = @transform_1, window_bounds = array<i64: 10000, 64>}, {pipeline_mode = #tpu.pipeline_mode<synchronous>, transform_indices = @transform_2, window_bounds = array<i64: 128, 128>}, {pipeline_mode = #tpu.pipeline_mode<synchronous>, transform_indices = @transform_3, window_bounds = array<i64: 1, 128>}, {transform_indices = @transform_4, window_bounds = array<i64: 10000, 128>}]} {
    %get3A = arith.constant 0 : index
    %get3A_0 = arith.constant 0 : index
    %get3A_1 = vector.load %arg1[%get3A, %get3A_0] : memref<10000x64xf32, #tpu.memory_space<vmem>>, vector<10000x64xf32>
    %get3A_2 = arith.constant 0 : index
    %get3A_3 = arith.constant 0 : index
    %get3A_4 = vector.load %arg3[%get3A_2, %get3A_3] : memref<128x128xf32, #tpu.memory_space<vmem>>, vector<64x128xf32>
    %dot_general3A = arith.constant dense<0.000000e+00> : vector<10000x128xf32>
    %dot_general3A_5 = tpu.matmul %get3A_1, %get3A_4, %dot_general3A {dimension_numbers = #tpu.dot_dimension_numbers<[1], [0], [0], [1], [0, 0, 1, 1], [], []>, transpose_lhs_hint = false} : vector<10000x64xf32>, vector<64x128xf32>, vector<10000x128xf32> -> vector<10000x128xf32>
    %get3A_6 = arith.constant 0 : index
    %get3A_7 = arith.constant 0 : index
    %get3A_8 = vector.load %arg2[%get3A_6, %get3A_7] : memref<10000x64xf32, #tpu.memory_space<vmem>>, vector<10000x64xf32>
    %get3A_9 = arith.constant 64 : index
    %get3A_10 = arith.constant 0 : index
    %get3A_11 = vector.load %arg3[%get3A_9, %get3A_10] : memref<128x128xf32, #tpu.memory_space<vmem>>, vector<64x128xf32>
    %dot_general3A_12 = arith.constant dense<0.000000e+00> : vector<10000x128xf32>
    %dot_general3A_13 = tpu.matmul %get3A_8, %get3A_11, %dot_general3A_12 {dimension_numbers = #tpu.dot_dimension_numbers<[1], [0], [0], [1], [0, 0, 1, 1], [], []>, transpose_lhs_hint = false} : vector<10000x64xf32>, vector<64x128xf32>, vector<10000x128xf32> -> vector<10000x128xf32>
    %add3A = arith.addf %dot_general3A_5, %dot_general3A_13 : vector<10000x128xf32>
    %get3A_14 = arith.constant 0 : index
    %get3A_15 = arith.constant 0 : index
    %get3A_16 = vector.load %arg4[%get3A_14, %get3A_15] : memref<1x128xf32, #tpu.memory_space<vmem>>, vector<1x128xf32>
    %add3A_17 = vector.broadcast %get3A_16 : vector<1x128xf32> to vector<10000x128xf32>
    %add3A_18 = arith.addf %add3A, %add3A_17 : vector<10000x128xf32>
    %reduce_max3A = arith.constant dense<0xFF800000> : vector<10000xf32>
    %reduce_max3A_19 = vector.multi_reduction <maximumf>, %add3A_18, %reduce_max3A [1] : vector<10000x128xf32> to vector<10000xf32>
    %broadcast_in_dim3A = vector.shape_cast %reduce_max3A_19 : vector<10000xf32> to vector<10000x1xf32>
    %sub3A = vector.broadcast %broadcast_in_dim3A : vector<10000x1xf32> to vector<10000x128xf32>
    %sub3A_20 = arith.subf %add3A_18, %sub3A : vector<10000x128xf32>
    %exp3A = math.exp %sub3A_20 : vector<10000x128xf32>
    %reduce_sum3A = arith.constant dense<0.000000e+00> : vector<10000xf32>
    %reduce_sum3A_21 = vector.multi_reduction <add>, %exp3A, %reduce_sum3A [1] : vector<10000x128xf32> to vector<10000xf32>
    %broadcast_in_dim3A_22 = vector.shape_cast %reduce_sum3A_21 : vector<10000xf32> to vector<10000x1xf32>
    %log3A = math.log %broadcast_in_dim3A_22 : vector<10000x1xf32>
    %add3A_23 = arith.addf %log3A, %broadcast_in_dim3A : vector<10000x1xf32>
    %sub3A_24 = vector.broadcast %add3A_23 : vector<10000x1xf32> to vector<10000x128xf32>
    %sub3A_25 = arith.subf %add3A_18, %sub3A_24 : vector<10000x128xf32>
    %swap3A = arith.constant 0 : index
    %swap3A_26 = arith.constant 0 : index
    %swap3A_27 = vector.load %arg5[%swap3A, %swap3A_26] : memref<10000x128xf32, #tpu.memory_space<vmem>>, vector<10000x128xf32>
    tpu.vector_store %arg5[%swap3A, %swap3A_26], %sub3A_25 {strides = array<i32>} : memref<10000x128xf32, #tpu.memory_space<vmem>>, vector<10000x128xf32>,
    return
  }
  func.func @transform_0(%arg0: i32) -> (i32, i32) {
    %c0_i32 = arith.constant 0 : i32
    %c0_i32_0 = arith.constant 0 : i32
    return %arg0, %c0_i32 : i32, i32
  }
  func.func @transform_1(%arg0: i32) -> (i32, i32) {
    %c0_i32 = arith.constant 0 : i32
    %c0_i32_0 = arith.constant 0 : i32
    return %arg0, %c0_i32 : i32, i32
  }
  func.func @transform_2(%arg0: i32) -> (i32, i32) {
    %c0_i32 = arith.constant 0 : i32
    %c0_i32_0 = arith.constant 0 : i32
    %c0_i32_1 = arith.constant 0 : i32
    return %c0_i32, %c0_i32_0 : i32, i32
  }
  func.func @transform_3(%arg0: i32) -> (i32, i32) {
    %c0_i32 = arith.constant 0 : i32
    %c0_i32_0 = arith.constant 0 : i32
    %c0_i32_1 = arith.constant 0 : i32
    return %c0_i32, %c0_i32_0 : i32, i32
  }
  func.func @transform_4(%arg0: i32) -> (i32, i32) {
    %c0_i32 = arith.constant 0 : i32
    %c0_i32_0 = arith.constant 0 : i32
    return %arg0, %c0_i32 : i32, i32
  }
}

</mosaic_0001>

<sc_bundles>
// kernel: kernel.6.cloned.1.call-start
scs
__scs_entry_jumppad:
0x0: {  	(pc) =	sbr.rel $0x88, $3  }
0x1: {  	(tag) =	ssettag $0x0;
	lr =	simm.s32 $0x1  }
0x2: {  	[smem:$0x3F9B] =	sst lr;
	_ =	strace $0xD0000000  }
0x3: {  	_ = 	snop  }
0x4: {  	_ = 	snop  }
0x5: {  	_ = 	snop  }
0x6: {  	_ = 	snop  }
0x7: {  	_ = 	snop  }
__scs_overlays_trampoline_lowered:
0x8: {  	[smem:$0x3FAA] =	sst s0  }
0x9: {  	[smem:$0x3FAB] =	sst s1  }
0xa: {  	[smem:$0x3FAC] =	sst s2  }
0xb: {  	[smem:$0x3FAD] =	sst s3  }
0xc: {  	[smem:$0x3FAE] =	sst s4  }
0xd: {  	[smem:$0x3FAF] =	sst s5  }
0xe: {  	[smem:$0x3FB0] =	sst s6  }
0xf: {  	[smem:$0x3FB1] =	sst s7  }
0x10: {  	[smem:$0x3FB2] =	sst s8  }
0x11: {  	[smem:$0x3FB3] =	sst s9;
	s0 =	simm.s32 @!p0 $0x0  }
0x12: {  	s1 =	sld [smem:$0x3F99];
	s0 =	simm.s32 @p0 $0x1  }
0x13: {  	[smem:$0x3FB4] =	sst s0;
	s0 =	simm.s32 @!p1 $0x0  }
0x14: {  	s2 =	sld [smem:$0x3F98];
	s0 =	simm.s32 @p1 $0x1  }
0x15: {  	[smem:$0x3FB5] =	sst s0;
	s0 =	simm.s32 @!p2 $0x0  }
0x16: {  	s3 =	sld [smem:$0x3FDB];
	s0 =	simm.s32 @p2 $0x1  }
0x17: {  	s4 =	simm.s32 $0x1BF5;
	[smem:$0x3FB7] =	sst s0  }
0x18: {  	s0 =	sld [smem:$0x3F9A];
	_ =	swait.ge [sflag:s4], $0x0  }
0x19: {  	s7 =	sld [smem:$0x3F9B]  }
0x1a: {  	s8 =	sadd.s32 $0xFFFFE003, lr  }
0x1b: {  	s9 =	sadd.s32 $0xFFFFFEF7, lr;
	s5 =	simm.s32 $0xFFFFFFFF;
	p2 =	slt.u32 s8, $0xFFFFF086  }
0x1c: {  	p1 =	slt.u32 s9, $0xF7A;
	s5 =	simm.s32 @!p2 $0x0  }
0x1d: {  	s5 =	simm.s32 @p1 $0x1;
	p0 =	seq.s32 s7, s2  }
0x1e: {  	s7 =	smul.u32 @!p0 $0xF7A, s2;
	p2 =	seq.s32 @!p0 s5, $0x0  }
0x1f: {  	s9 =	smul.u32 $0xF7A, s1;
	s8 =	simm.s32 @!p0 $0x1BF5;
	p2 =	por !p2, p0  }
0x20: {  	[sflag:s8] =	ssyncset.s32 @!p0 $0xFFFFF086;
	s6 =	sadd.s32 @!p0 s3, s7;
	s7 =	simm.s32 @!p0 $0x108  }
0x21: {  	s3 =	sadd.s32 s3, s9;
	s6 =	sadd.s32 @!p0 $0x88, s6;
	s7 =	simm.s32 @p2 $0x1082  }
0x22: {  	[simem:s7], [sflag:s8] =	dma.local @!p0 [hbm:s6], $0xF7A  }
0x23: {  	s9 =	sor.u32 $0xD0000000, s2;
	s6 =	simm.s32 $0x108;
	_ =	swait.ge @!p0 [sflag:s8], $0x0  }
0x24: {  	s3 =	sadd.s32 $0x88, s3;
	s6 =	simm.s32 @!p1 $0x1082;
	[sflag:s4] =	ssyncset.s32 $0xFFFFF086  }
0x25: {  	[simem:s6], [sflag:s4] =	dma.local [hbm:s3], $0xF7A  }
0x26: {  	[smem:$0x3F9B] =	sst s1;
	(tag) =	ssettag s2;
	_ =	strace s9  }
0x27: {  	s1 =	sld [smem:$0x3FAB]  }
0x28: {  	s2 =	sld [smem:$0x3FAC]  }
0x29: {  	s4 =	sld [smem:$0x3FAE]  }
0x2a: {  	p0 =	seq.s32 s5, $0x0;
	s5 =	sld [smem:$0x3FAF]  }
0x2b: {  	s6 =	sld [smem:$0x3FB0]  }
0x2c: {  	s7 =	sld [smem:$0x3FB1]  }
0x2d: {  	s3 =	simm.s32 $0x108;
	s8 =	sld [smem:$0x3FB2]  }
0x2e: {  	s3 =	simm.s32 @!p0 $0x1082;
	s9 =	sld [smem:$0x3FB3]  }
0x2f: {  	lr =	sadd.s32 s0, s3;
	s0 =	sld [smem:$0x3FAA]  }
0x30: {  	s3 =	sld [smem:$0x3FAD]  }
0x31: {  	[smem:$0x3FB6] =	sst s10  }
0x32: {  	s10 =	sld [smem:$0x3FB4];
	_ =	sdelay $0x3  }
0x33: {  	p0 =	seq.s32 s10, $0x1;
	s10 =	sld [smem:$0x3FB6];
	_ =	sdelay $0x3  }
0x34: {  	[smem:$0x3FB6] =	sst s10  }
0x35: {  	s10 =	sld [smem:$0x3FB5];
	_ =	sdelay $0x3  }
0x36: {  	p1 =	seq.s32 s10, $0x1;
	s10 =	sld [smem:$0x3FB6];
	_ =	sdelay $0x3  }
0x37: {  	[smem:$0x3FB6] =	sst s10  }
0x38: {  	s10 =	sld [smem:$0x3FB7]  }
0x39: {  	_ = 	snop;
	(pc) =	sbr.ind lr, $3  }
0x3a: {  	_ = 	snop  }
0x3b: {  	_ = 	snop  }
0x3c: {  	p2 =	seq.s32 s10, $0x1;
	s10 =	sld [smem:$0x3FB6]  }
0x3d: {  	_ =	shalt  }
0x3e: {  	_ =	shalt  }
0x3f: {  	_ =	shalt  }
0x40: {  	_ =	shalt  }
0x41: {  	_ =	shalt  }
0x42: {  	_ =	shalt  }
0x43: {  	_ =	shalt  }
0x44: {  	_ =	shalt  }
0x45: {  	_ =	shalt  }
0x46: {  	_ =	shalt  }
0x47: {  	_ =	shalt  }
0x48: {  	_ =	shalt  }
0x49: {  	_ =	shalt  }
0x4a: {  	_ =	shalt  }
0x4b: {  	_ =	shalt  }
0x4c: {  	_ =	shalt  }
0x4d: {  	_ =	shalt  }
0x4e: {  	_ =	shalt  }
0x4f: {  	_ =	shalt  }
0x50: {  	_ =	shalt  }
0x51: {  	_ =	shalt  }
0x52: {  	_ =	shalt  }
0x53: {  	_ =	shalt  }
0x54: {  	_ =	shalt  }
0x55: {  	_ =	shalt  }
0x56: {  	_ =	shalt  }
0x57: {  	_ =	shalt  }
0x58: {  	_ =	shalt  }
0x59: {  	_ =	shalt  }
0x5a: {  	_ =	shalt  }
0x5b: {  	_ =	shalt  }
0x5c: {  	_ =	shalt  }
0x5d: {  	_ =	shalt  }
0x5e: {  	_ =	shalt  }
0x5f: {  	_ =	shalt  }
0x60: {  	_ =	shalt  }
0x61: {  	_ =	shalt  }
0x62: {  	_ =	shalt  }
0x63: {  	_ =	shalt  }
0x64: {  	_ =	shalt  }
0x65: {  	_ =	shalt  }
0x66: {  	_ =	shalt  }
0x67: {  	_ =	shalt  }
0x68: {  	_ =	shalt  }
0x69: {  	_ =	shalt  }
0x6a: {  	_ =	shalt  }
0x6b: {  	_ =	shalt  }
0x6c: {  	_ =	shalt  }
0x6d: {  	_ =	shalt  }
0x6e: {  	_ =	shalt  }
0x6f: {  	_ =	shalt  }
0x70: {  	_ =	shalt  }
0x71: {  	_ =	shalt  }
0x72: {  	_ =	shalt  }
0x73: {  	_ =	shalt  }
0x74: {  	_ =	shalt  }
0x75: {  	_ =	shalt  }
0x76: {  	_ =	shalt  }
0x77: {  	_ =	shalt  }
0x78: {  	_ =	shalt  }
0x79: {  	_ =	shalt  }
0x7a: {  	_ =	shalt  }
0x7b: {  	_ =	shalt  }
0x7c: {  	_ =	shalt  }
0x7d: {  	_ =	shalt  }
0x7e: {  	_ =	shalt  }
0x7f: {  	_ =	shalt  }
0x80: {  	_ =	shalt  }
0x81: {  	_ =	shalt  }
0x82: {  	_ =	shalt  }
0x83: {  	_ =	shalt  }
0x84: {  	_ =	shalt  }
0x85: {  	_ =	shalt  }
0x86: {  	_ =	shalt  }
0x87: {  	_ =	shalt  }
.Lfunc_end0:
.L_simem_size_0:
called_computation_lowered:
.L_overlay_start_0:
0x88: {  	s2 =	sld [smem:$0x3FD9]  }
0x89: {  	s3 =	sld [smem:$0x3FFE];
	_ =	sdelay $0x1  }
0x8a: {  	s1 =	srdreg.scid  }
0x8b: {  	s0 =	sand.u32 $0x1, s1  }
0x8c: {  	s17 =	sshll.u32 s0, $0xA;
	s2 =	sadd.s32 s3, s2  }
0x8d: {  	s2 =	sadd.s32 s2, s17  }
0x8e: {  	[smem:$0x3FC2] =	sst s2  }
0x8f: {  	_ = 	snop  }
0x90: {  	s2 =	sld [smem:$0x3FC9]  }
0x91: {  	s18 =	sld [smem:$0x3FD0];
	(tm) =	ssettm $0x1  }
0x92: {  	s4 =	sld [smem:$0x3FFB];
	_ =	sdelay $0x3  }
0x93: {  	_ =	strace s4  }
0x94: {  	s4 =	sld [smem:$0x3FFC];
	_ =	sdelay $0x3  }
0x95: {  	_ =	strace s4  }
0x96: {  	s4 =	sld [smem:$0x3FFD];
	_ =	sdelay $0x3  }
0x97: {  	_ =	strace s4  }
0x98: {  	_ =	strace $0x8FFFFFFF  }
0x99: {  	s19 =	sld [smem:$0x3FDB];
	_ =	sdelay $0x1  }
0x9a: {  	s5 =	simm.s32 $_scs_section_size  }
0x9b: {  	s6 =	simm.s32 $_size__tile_overlayer_lowered;
	s7 =	simm.s32 $_tile_overlayer_lowered  }
0x9c: {  	s22 =	simm.s32 $0x1BFF;
	s21 =	sshll.u32 s7, $0x1;
	s4 =	sadd.s32 s5, s19  }
0x9d: {  	s8 =	simm.s32 $0x0;
	s20 =	sshll.u32 s6, $0x1;
	s6 =	sadd.s32 s21, s4  }
0x9e: {  	[timem:s8], [sflag:s22] =	dma.local [hbm:s6], s20  }
0x9f: {  	_ =	swait.ge [sflag:s22], s20  }
0xa0: {  	s5 =	ssub.s32 $0x0, s20;
	[sflag:s22] =	ssyncset.done $0x0  }
0xa1: {  	[sflag:s22] =	ssyncadd.s32 s5;
	_ =	sdelay $0x1  }
0xa2: {  	s23 =	simm.s32 $0x1B8B  }
0xa3: {  	_ =	swait.ge [sflag:s23], $0x1  }
0xa4: {  	[sflag:s23] =	ssyncset.done $0x0  }
0xa5: {  	s25 =	simm.s32 $0x1B8E;
	s24 =	sld [smem:$0x3FFE];
	[sflag:s23] =	ssyncadd.s32 $0xFFFFFFFF  }
0xa6: {  	s26 =	simm.s32 $execute0_lowered;
	[smem:$0x3FD2] =	sst s25  }
0xa7: {  	s6 =	sshll.u32 s26, $0x1;
	_ =	strace $0x80000046;
	[dreg:$0x1] =	wrdreg $0xFFFFFFFF  }
0xa8: {  	s28 =	simm.s32 $_size_execute0_lowered;
	s4 =	sadd.s32 s4, s6;
	[dreg:$0x0] =	wrdreg $0x0  }
0xa9: {  	s6 =	sshll.u32 s28, $0x1;
	[dreg:$0x2] =	wrdreg s4  }
0xaa: {  	[dreg:$0x3] =	wrdreg s6  }
0xab: {  	[dreg:$0x4] =	wrdreg $0xC0  }
0xac: {  	_ =	task [dreg:s8], $0x5FFFF  }
0xad: {  	[dreg:$0x1] =	wrdreg $0xFFFFFFFF  }
0xae: {  	[dreg:$0x0] =	wrdreg $0x60  }
0xaf: {  	[dreg:$0x2] =	wrdreg s2  }
0xb0: {  	[dreg:$0x3] =	wrdreg s24  }
0xb1: {  	[dreg:$0x4] =	wrdreg s18  }
0xb2: {  	[dreg:$0x5] =	wrdreg $0x0  }
0xb3: {  	[dreg:$0x6] =	wrdreg $0xA0000  }
0xb4: {  	[dreg:$0x7] =	wrdreg $0x9  }
0xb5: {  	_ =	task.clear_ibuf [dreg:s8], $0x8FFFF;
	_ =	strace $0x90000046  }
0xb6: {  	s29 =	simm.s32 $0x9;
	_ =	strace $0x80000048  }
0xb7: {  	_ =	swait.ge [sflag:s29], $0x1  }
0xb8: {  	[sflag:s29] =	ssyncadd.s32 $0xFFFFFFFF  }
0xb9: {  	_ =	strace $0x90000048  }
0xba: {  	_ =	sfence  }
0xbb: {  	s30 =	sld [smem:$0x0];
	_ =	sdelay $0x2  }
0xbc: {  	s31 =	sshll.u32 s1, $0xD;
	s1 =	sshrl.u32 s1, $0x2  }
0xbd: {  	s3 =	sand.u32 $0x4000, s31;
	s1 =	sadd.s32 s1, s30  }
0xbe: {  	s0 =	sor.u32 s3, s0;
	s1 =	sshll.u32 s1, $0x11  }
0xbf: {  	s0 =	sor.u32 s1, s0  }
0xc0: {  	s0 =	sadd.s32 $0x8F2B, s0  }
0xc1: {  	[sflag:s0] =	ssyncadd.remote.s32 $0x1  }
0xc2: {  	_ =	sfence.sel $0xFFFF  }
0xc3: {  	[dreg:$0x0] =	wrdreg $0xFFFFFFFF;
	(pc) =	sbr.abs _section_cstart, $3  }
0xc4: {  	[dreg:$0x1] =	wrdreg $0xFFFFFFFF  }
0xc5: {  	_ =	task.clear_ibuf [dreg:s8], $0x2FFFF;
	_ =	strace $0x9FFFFFFF  }
0xc6: {  	(tm) =	ssettm $0x7FFFFFFF  }
0xc7: {  	_ =	shalt  }
tec
execute0_lowered:
.L_overlay_start_1:
0x0: {  	(tag) =	ssettag $0x1  }
0x1: {  	s0 =	rddreg [dreg:$0x0]  }
0x2: {  	s3 =	rddreg [dreg:$0x1]  }
0x3: {  	s6 =	rddreg [dreg:$0x2]  }
0x4: {  	s1 =	rddreg [dreg:$0x3]  }
0x5: {  	s2 =	rddreg [dreg:$0x4];
	s15 =	stileid.u32  }
0x6: {  	s4 =	simm.s32 $0x0;
	s5 =	srdreg.scid;
	s14 =	smul.u32 $0x14000, s15  }
0x7: {  	[smem:$0x7FF] =	sst s4;
	s11 =	smul.u32 $0xA000, s15  }
0x8: {  	s7 =	sand.u32 $0x1, s5;
	s9 =	sadd.s32 $0x1E00, s3;
	s13 =	smul.u32 $0x4E80, s15  }
0x9: {  	s3 =	sadd.s32 $0x15800, s3;
	s31 =	smul.u32 $0x9D0, s15;
	s8 =	sshll.u32 s7, $0x6  }
0xa: {  	_ =	strace $0x80000047;
	p0 =	seq.s32 s7, $0x1;
	s5 =	sor.u32 s8, s14  }
0xb: {  	s18 =	sadd.s32 s11, s2;
	s23 =	sadd.s32 $0x2000, s11;
	s24 =	sadd.s32 $0x4000, s11  }
0xc: {  	s30 =	sshrl.u32 s11, $0x3;
	[dreg:$0x7] =	wrdreg s18;
	s14 =	sadd.s32 s23, s2  }
0xd: {  	s6 =	smov.u32 @p0 s3;
	s25 =	sadd.s32 s24, s2;
	[dreg:$0xd] =	wrdreg s14  }
0xe: {  	s3 =	sadd.s32 s31, s9;
	s6 =	sadd.s32 s6, s30;
	[dreg:$0xf] =	wrdreg s25  }
0xf: {  	s20 =	sshrl.u32 s13, $0x3;
	s3 =	sadd.s32 $0x9CB0, s3;
	[dreg:$0x11] =	wrdreg s6  }
0x10: {  	s12 =	sshrl.u32 s5, $0x3;
	s8 =	sadd.s32 s9, s20;
	[dreg:$0x17] =	wrdreg s3  }
0x11: {  	s10 =	ssub.s32 $0x2, s7;
	s17 =	sadd.s32 s0, s12;
	[dreg:$0x8] =	wrdreg s8  }
0x12: {  	s16 =	sshrl.u32 s10, $0x1;
	s12 =	sadd.s32 $0x9C40, s8;
	[dreg:$0x6] =	wrdreg s17  }
0x13: {  	s26 =	sadd.s32 $0x6000, s11;
	s21 =	sadd.s32 $0x10, s8;
	[dreg:$0xa] =	wrdreg s12  }
0x14: {  	s10 =	ssub.s32 s10, s16;
	s22 =	sadd.s32 $0x9C50, s8;
	[dreg:$0xb] =	wrdreg s21  }
0x15: {  	s16 =	sadd.s32 $0x8000, s11;
	s14 =	sadd.s32 s26, s1;
	[dreg:$0xc] =	wrdreg s22  }
0x16: {  	s13 =	sadd.s32 $0x96000, s1;
	s6 =	sadd.s32 s16, s1;
	[dreg:$0x13] =	wrdreg s14  }
0x17: {  	p0 =	seq.s32 s15, $0xF;
	s18 =	smax.u32 s10, $0x1;
	[dreg:$0x15] =	wrdreg s6  }
0x18: {  	s19 =	sshll.u32 s7, $0x3;
	s3 =	sshrl.u32 @p0 s13, $0x3;
	[dreg:$0x16] =	wrdreg s18  }
0x19: {  	s0 =	sadd.s32 s19, s0;
	s19 =	sadd.s32 $0x20, s8;
	[dreg:$0x18] =	wrdreg s3  }
0x1a: {  	s20 =	sadd.s32 $0x9C60, s8;
	[dreg:$0x1a] =	wrdreg s19  }
0x1b: {  	s28 =	simm.s32 $0x5;
	s25 =	sadd.s32 $0x50, s8;
	[dreg:$0x1b] =	wrdreg s20  }
0x1c: {  	s29 =	simm.s32 $0x19;
	s30 =	sadd.s32 $0x60, s8;
	[smem:$0x7FA] =	sst s25  }
0x1d: {  	s7 =	simm.s32 $0x1;
	s31 =	sadd.s32 $0x9CA0, s8;
	[smem:$0x7FC] =	sst s30  }
0x1e: {  	s5 =	sadd.s32 s11, s1;
	s0 =	sadd.s32 $0x25800, s0;
	[smem:$0x7FD] =	sst s31  }
0x1f: {  	s9 =	simm.s32 $0x11;
	s12 =	sadd.s32 s23, s1;
	[dreg:$0x9] =	wrdreg s0  }
0x20: {  	s11 =	simm.s32 $0x6;
	s17 =	sadd.s32 s16, s2;
	[dreg:$0xe] =	wrdreg s12  }
0x21: {  	s10 =	simm.s32 $0xC;
	s21 =	sadd.s32 $0x30, s8;
	[dreg:$0x14] =	wrdreg s17  }
0x22: {  	s22 =	sadd.s32 $0x9C70, s8;
	s23 =	sadd.s32 $0x40, s8;
	[dreg:$0x1c] =	wrdreg s21  }
0x23: {  	s25 =	simm.s32 $0x9;
	s19 =	simm.s32 $0x80;
	[dreg:$0x1d] =	wrdreg s22  }
0x24: {  	s6 =	simm.s32 $0xB;
	s12 =	sadd.s32 s24, s1;
	[dreg:$0x1e] =	wrdreg s23  }
0x25: {  	s0 =	sadd.s32 $0x96000, s2;
	s24 =	sadd.s32 $0x9C80, s8;
	[dreg:$0x10] =	wrdreg s12  }
0x26: {  	s21 =	simm.s32 $0x14800;
	s12 =	sadd.s32 s26, s2;
	[dreg:$0x1f] =	wrdreg s24  }
0x27: {  	s23 =	simm.s32 $0x0;
	s0 =	sshrl.u32 @p0 s0, $0x3;
	[dreg:$0x12] =	wrdreg s12  }
0x28: {  	s26 =	sadd.s32 $0x9C90, s8;
	s24 =	simm.s32 $0xA;
	[dreg:$0x19] =	wrdreg s0  }
0x29: {  	[smem:$0x7FB] =	sst s26;
	s12 =	simm.s32 $0x7;
	s26 =	simm.s32 $0x8  }
.LBB2_1:
0x2a: {  	s0 =	simm.s32 @p0 $0x1  }
0x2b: {  	s13 =	simm.s32 @p0 $0x8;
	s14 =	simm.s32 @p0 $0x10;
	s3 =	rddreg [dreg:$0x9]  }
0x2c: {  	s16 =	simm.s32 @p0 $0x1FD9;
	s8 =	rddreg [dreg:$0x18];
	s30 =	simm.s32 @p0 $0x19  }
0x2d: {  	[spmem:s8@s13], [sflag:s16] =	dma.strided @p0 [hbm:s3@s14], $0xC80, s0, $0x8   }
0x2e: {  	_ =	swait.ge @p0 [sflag:s30], $0xC80  }
0x2f: {  	[sflag:s30] =	ssyncset.done @p0 $0x0  }
0x30: {  	s8 =	rddreg [dreg:$0x19];
	[sflag:s30] =	ssyncadd.s32 @p0 $0xFFFFF380  }
0x31: {  	[spmem:s8@s13], [sflag:s16] =	dma.strided @p0 [hbm:s3@s14], $0xC80, s0, $0x8   }
0x32: {  	s0 =	sshll.u32 @!p0 s15, $0x6  }
0x33: {  	s13 =	sshrl.u32 @!p0 s5, $0x3;
	s14 =	simm.s32 @!p0 $0x1;
	_ =	swait.ge @p0 [sflag:s30], $0xC80  }
0x34: {  	s16 =	simm.s32 @!p0 $0x8;
	s0 =	sor.u32 @!p0 $0x1C19, s0;
	[sflag:s30] =	ssyncset.done @p0 $0x0  }
0x35: {  	s3 =	rddreg [dreg:$0x6];
	[sflag:s30] =	ssyncadd.s32 @p0 $0xFFFFF380;
	s30 =	simm.s32 @!p0 $0x10  }
0x36: {  	[spmem:s13@s16], [sflag:s0] =	dma.strided @!p0 [hbm:s3@s30], $0x1400, s14, $0x8   }
0x37: {  	s13 =	simm.s32 @!p0 $0x19  }
0x38: {  	_ =	swait.ge @!p0 [sflag:s13], $0x1400  }
0x39: {  	[sflag:s13] =	ssyncset.done @!p0 $0x0;
	s8 =	rddreg [dreg:$0x7]  }
0x3a: {  	[sflag:s13] =	ssyncadd.s32 @!p0 $0xFFFFEC00;
	s31 =	sshrl.u32 @!p0 s8, $0x3  }
0x3b: {  	[spmem:s31@s16], [sflag:s0] =	dma.strided @!p0 [hbm:s3@s30], $0x1400, s14, $0x8   }
0x3c: {  	_ =	swait.ge @!p0 [sflag:s13], $0x1400  }
0x3d: {  	[sflag:s13] =	ssyncset.done @!p0 $0x0  }
0x3e: {  	[sflag:s13] =	ssyncadd.s32 @!p0 $0xFFFFEC00  }
0x3f: {  	[bflag:$0x0] =	sbarrier.arrive $0xFFFF  }
0x40: {  	s13 =	rddreg [dreg:$0x8]  }
0x41: {  	s3 =	simm.s32 $0x14000;
	s14 =	rddreg [dreg:$0xa]  }
0x42: {  	[tilespmem:s3], [sflag:$0x9] =	stream.linear.gather [hbm4b:s13+s4], $0x80, $0x38;
	[tilespmem:$0x1C800] =	vst v63  }
0x43: {  	s8 =	simm.s32 $0x14400;
	s15 =	rddreg [dreg:$0xb]  }
0x44: {  	[tilespmem:s8], [sflag:$0x11] =	stream.linear.gather [hbm4b:s14+s4], $0x80, $0x38;
	[tilespmem:$0x1C800] =	vst v63  }
0x45: {  	s16 =	rddreg [dreg:$0xc];
	s13 =	simm.s32 $0x14080  }
0x46: {  	[tilespmem:s13], [sflag:$0xA] =	stream.linear.gather [hbm4b:s15+s4], $0x80, $0x38;
	[tilespmem:$0x1C800] =	vst v63  }
0x47: {  	s17 =	simm.s32 $0x14480;
	s18 =	rddreg [dreg:$0x1a]  }
0x48: {  	[tilespmem:s17], [sflag:$0x12] =	stream.linear.gather [hbm4b:s16+s4], $0x80, $0x38;
	[tilespmem:$0x1C800] =	vst v63  }
0x49: {  	s20 =	rddreg [dreg:$0x1b];
	s14 =	simm.s32 $0x14100  }
0x4a: {  	[tilespmem:s14], [sflag:$0xB] =	stream.linear.gather [hbm4b:s18+s4], $0x80, $0x38;
	[tilespmem:$0x1C800] =	vst v63  }
0x4b: {  	s22 =	simm.s32 $0x14500;
	s16 =	rddreg [dreg:$0x1c]  }
0x4c: {  	[tilespmem:s22], [sflag:$0x13] =	stream.linear.gather [hbm4b:s20+s4], $0x80, $0x38;
	[tilespmem:$0x1C800] =	vst v63  }
0x4d: {  	s15 =	simm.s32 $0x14180;
	s17 =	rddreg [dreg:$0x1d]  }
0x4e: {  	[tilespmem:s15], [sflag:$0xC] =	stream.linear.gather [hbm4b:s16+s4], $0x80, $0x38;
	[tilespmem:$0x1C800] =	vst v63  }
0x4f: {  	s18 =	simm.s32 $0x14580;
	s20 =	rddreg [dreg:$0x1e]  }
0x50: {  	[tilespmem:s18], [sflag:$0x14] =	stream.linear.gather [hbm4b:s17+s4], $0x80, $0x38;
	[tilespmem:$0x1C800] =	vst v63  }
0x51: {  	s22 =	simm.s32 $0x14200;
	s17 =	rddreg [dreg:$0x1f]  }
0x52: {  	[tilespmem:s22], [sflag:$0xD] =	stream.linear.gather [hbm4b:s20+s4], $0x80, $0x38;
	[tilespmem:$0x1C800] =	vst v63  }
0x53: {  	s18 =	simm.s32 $0x14600;
	s20 =	sld [smem:$0x7FA]  }
0x54: {  	[tilespmem:s18], [sflag:$0x15] =	stream.linear.gather [hbm4b:s17+s4], $0x80, $0x38;
	[tilespmem:$0x1C800] =	vst v63  }
0x55: {  	s16 =	sld [smem:$0x7FB];
	s22 =	simm.s32 $0x14280  }
0x56: {  	[tilespmem:s22], [sflag:$0xE] =	stream.linear.gather [hbm4b:s20+s4], $0x80, $0x38;
	[tilespmem:$0x1C800] =	vst v63  }
0x57: {  	s17 =	simm.s32 $0x14680  }
0x58: {  	[tilespmem:s17], [sflag:$0x16] =	stream.linear.gather [hbm4b:s16+s4], $0x80, $0x38;
	[tilespmem:$0x1C800] =	vst v63  }
0x59: {  	_ =	swait.ge [sflag:s25], $0x80  }
0x5a: {  	[sflag:s25] =	ssyncset.done $0x0  }
0x5b: {  	[sflag:s25] =	ssyncadd.s32 $0xFFFFFF80  }
0x5c: {  	[tilespmem:s21], [sflag:$0x1] =	stream.indirect.gather [spmem:s1], $0x40, s3, s19, $0xb8;
	[tilespmem:$0x1C800] =	vst v63  }
0x5d: {  	_ =	swait.ge [sflag:s24], $0x80  }
0x5e: {  	[sflag:s24] =	ssyncset.done $0x0  }
0x5f: {  	s18 =	simm.s32 $0x16800;
	[sflag:s24] =	ssyncadd.s32 $0xFFFFFF80  }
0x60: {  	[tilespmem:s18], [sflag:$0x2] =	stream.indirect.gather [spmem:s1], $0x40, s13, s19, $0xb8;
	[tilespmem:$0x1C800] =	vst v63  }
0x61: {  	_ =	swait.ge [sflag:s6], $0x80  }
0x62: {  	[sflag:s6] =	ssyncset.done $0x0  }
0x63: {  	s20 =	simm.s32 $0x18800;
	[sflag:s6] =	ssyncadd.s32 $0xFFFFFF80  }
0x64: {  	[tilespmem:s20], [sflag:$0x3] =	stream.indirect.gather [spmem:s1], $0x40, s14, s19, $0xb8;
	[tilespmem:$0x1C800] =	vst v63  }
0x65: {  	_ =	swait.ge [sflag:s7], $0x2000  }
0x66: {  	[sflag:s7] =	ssyncset.done $0x0  }
0x67: {  	[sflag:s7] =	ssyncadd.s32 $0xFFFFE000  }
0x68: {  	_ =	swait.ge [sflag:s9], $0x80  }
0x69: {  	[sflag:s9] =	ssyncset.done $0x0  }
0x6a: {  	[sflag:s9] =	ssyncadd.s32 $0xFFFFFF80  }
0x6b: {  	[spmem:s2] =	stream.indirect.scatter.add.f32 [tilespmem:s21], [sflag:$0x5], $0x40, s8, s19, $0xb8;
	[tilespmem:$0x1C800] =	vst v63  }
0x6c: {  	_ =	swait.ge [sflag:s10], $0x80  }
0x6d: {  	s0 =	simm.s32 $0x1;
	[sflag:s10] =	ssyncset.done $0x0  }
0x6e: {  	s22 =	simm.s32 $0x1A800;
	s3 =	sld [smem:$0x7FC];
	[sflag:s10] =	ssyncadd.s32 $0xFFFFFF80  }
0x6f: {  	[tilespmem:s22], [sflag:$0x4] =	stream.indirect.gather [spmem:s1], $0x40, s15, s19, $0xb8;
	[tilespmem:$0x1C800] =	vst v63  }
0x70: {  	s8 =	simm.s32 $0x14300;
	s13 =	sld [smem:$0x7FD];
	s15 =	sand.u32 $0x3, s0  }
0x71: {  	[tilespmem:s8], [sflag:$0xF] =	stream.linear.gather [hbm4b:s3+s4], $0x80, $0x38;
	[tilespmem:$0x1C800] =	vst v63  }
0x72: {  	s14 =	simm.s32 $0x14700;
	s17 =	sadd.s32 $0x1, s15  }
0x73: {  	[tilespmem:s14], [sflag:$0x17] =	stream.linear.gather [hbm4b:s13+s4], $0x80, $0x38;
	[tilespmem:$0x1C800] =	vst v63  }
0x74: {  	s30 =	simm.s32 @!p0 $0x9D;
	_ =	swait.ge [sflag:s17], $0x2000  }
0x75: {  	s30 =	simm.s32 @p0 $0x91;
	s18 =	sand.u32 $0x7, s0;
	[sflag:s17] =	ssyncset.done $0x0  }
0x76: {  	p1 =	sle.u32 s30, $0x4;
	s31 =	sadd.s32 $0x11, s18;
	[sflag:s17] =	ssyncadd.s32 $0xFFFFE000  }
0x77: {  	s20 =	sshll.u32 s18, $0x7;
	s22 =	sadd.s32 $0x5, s15;
	_ =	swait.ge [sflag:s31], $0x80  }
0x78: {  	s14 =	sor.u32 $0x14400, s20;
	s13 =	sshll.u32 s15, $0xD;
	[sflag:s31] =	ssyncset.done $0x0  }
0x79: {  	s13 =	sadd.s32 $0x14800, s13;
	[sflag:s31] =	ssyncadd.s32 $0xFFFFFF80;
	s31 =	simm.s32 $0x4  }
0x7a: {  	[spmem:s2] =	stream.indirect.scatter.add.f32 [tilespmem:s13], [sflag:s22], $0x40, s14, s19, $0xb8;
	[tilespmem:$0x1C800] =	vst v63  }
0x7b: {  	s13 =	sand.u32 @!p1 $0x3, s31  }
0x7c: {  	s14 =	sadd.s32 @!p1 $0x5, s13  }
0x7d: {  	_ =	swait.ge @!p1 [sflag:s14], $0x2000  }
0x7e: {  	s16 =	sand.u32 @!p1 $0x7, s31;
	[sflag:s14] =	ssyncset.done @!p1 $0x0  }
0x7f: {  	s31 =	sadd.s32 @!p1 $0x9, s16;
	[sflag:s14] =	ssyncadd.s32 @!p1 $0xFFFFE000  }
0x80: {  	s14 =	sshll.u32 @!p1 s16, $0x7;
	s16 =	sshll.u32 @!p1 s13, $0xD;
	_ =	swait.ge @!p1 [sflag:s31], $0x80  }
0x81: {  	s13 =	sadd.s32 @!p1 $0x1, s13;
	s14 =	sor.u32 @!p1 $0x14000, s14;
	[sflag:s31] =	ssyncset.done @!p1 $0x0  }
0x82: {  	s16 =	sadd.s32 @!p1 $0x14800, s16;
	[sflag:s31] =	ssyncadd.s32 @!p1 $0xFFFFFF80;
	s31 =	simm.s32 @!p1 $0x80  }
0x83: {  	[tilespmem:s16], [sflag:s13] =	stream.indirect.gather @!p1 [spmem:s1], $0x40, s14, s31, $0xb8;
	[tilespmem:$0x1C800] =	vst v63  }
0x84: {  	s31 =	sadd.s32 $0xFFFFFFFF, s30  }
0x85: {  	p1 =	sne.s32 s31, $0x1  }
.Ltmp0:
0x86: {  	_ = 	snop;
	(pc) =	sbr.rel @!p1 .LBB2_3-.Ltmp0, $3  }
0x87: {  	_ =	sdelay $0x1  }
0x88: {  	p2 =	sle.u32 s30, $0x7;
	s13 =	simm.s32 $0x7  }
0x89: {  	s16 =	simm.s32 @!p2 $0x0;
	s14 =	sand.u32 @!p2 $0x7, s13;
	s13 =	rddreg [dreg:$0x17]  }
.LBB2_2:
0x8a: {  	s17 =	sshll.u32 @!p2 s14, $0x7  }
0x8b: {  	s15 =	sadd.s32 @!p2 $0x9, s14;
	s18 =	smov.u32 s0;
	s0 =	sadd.s32 $0x1, s0  }
0x8c: {  	s3 =	sand.u32 $0x7, s0;
	s20 =	sand.u32 $0x3, s0;
	s22 =	sor.u32 @!p2 $0x14000, s17  }
0x8d: {  	s8 =	sadd.s32 @!p2 $0xFFFF63C0, s13;
	s14 =	sadd.s32 @!p2 $0x11, s14;
	s17 =	sor.u32 @!p2 $0x14400, s17  }
0x8e: {  	[tilespmem:s22], [sflag:s15] =	stream.linear.gather @!p2 [hbm4b:s8+s16], $0x80, $0x38;
	[tilespmem:$0x1C800] =	vst v63  }
0x8f: {  	p1 =	sne.s32 s31, s0;
	s8 =	sadd.s32 $0x1, s20;
	s15 =	sshll.u32 s3, $0x7  }
0x90: {  	[tilespmem:s17], [sflag:s14] =	stream.linear.gather @!p2 [hbm4b:s13+s16], $0x80, $0x38;
	[tilespmem:$0x1C800] =	vst v63  }
0x91: {  	s3 =	sadd.s32 $0x11, s3;
	s14 =	sadd.s32 $0x5, s20;
	_ =	swait.ge [sflag:s8], $0x2000  }
0x92: {  	s15 =	sor.u32 $0x14400, s15;
	s16 =	sadd.s32 $0x4, s18;
	[sflag:s8] =	ssyncset.done $0x0  }
0x93: {  	s17 =	sshll.u32 s20, $0xD;
	p3 =	sge.u32 s16, s30;
	[sflag:s8] =	ssyncadd.s32 $0xFFFFE000  }
0x94: {  	s8 =	sadd.s32 $0x14800, s17;
	s17 =	sand.u32 @!p3 $0x3, s16;
	_ =	swait.ge [sflag:s3], $0x80  }
0x95: {  	s16 =	sand.u32 @!p3 $0x7, s16;
	s20 =	sadd.s32 @!p3 $0x5, s17;
	[sflag:s3] =	ssyncset.done $0x0  }
0x96: {  	s22 =	sshll.u32 @!p3 s17, $0xD;
	[sflag:s3] =	ssyncadd.s32 $0xFFFFFF80;
	s3 =	sshll.u32 @!p3 s16, $0x7  }
0x97: {  	[spmem:s2] =	stream.indirect.scatter.add.f32 [tilespmem:s8], [sflag:s14], $0x40, s15, s19, $0xb8;
	[tilespmem:$0x1C800] =	vst v63  }
0x98: {  	s3 =	sor.u32 @!p3 $0x14000, s3;
	s8 =	sadd.s32 @!p3 $0x14800, s22;
	_ =	swait.ge @!p3 [sflag:s20], $0x2000  }
0x99: {  	s14 =	sadd.s32 @!p3 $0x9, s16;
	s15 =	sadd.s32 @!p3 $0x1, s17;
	[sflag:s20] =	ssyncset.done @!p3 $0x0  }
.Ltmp1:
0x9a: {  	[sflag:s20] =	ssyncadd.s32 @!p3 $0xFFFFE000;
	(pc) =	sbr.rel @p1 .LBB2_2-.Ltmp1, $4  }
0x9b: {  	s13 =	sadd.s32 $0x10, s13;
	s16 =	sadd.s32 $0x7, s18;
	_ =	swait.ge @!p3 [sflag:s14], $0x80  }
0x9c: {  	s17 =	simm.s32 @!p3 $0x80;
	p2 =	sge.u32 s16, s30;
	[sflag:s14] =	ssyncset.done @!p3 $0x0  }
0x9d: {  	[sflag:s14] =	ssyncadd.s32 @!p3 $0xFFFFFF80;
	s14 =	sand.u32 @!p2 $0x7, s16;
	s16 =	simm.s32 @!p2 $0x0  }
0x9e: {  	[tilespmem:s8], [sflag:s15] =	stream.indirect.gather @!p3 [spmem:s1], $0x40, s3, s17, $0xb8;
	[tilespmem:$0x1C800] =	vst v63  }
.LBB2_3:
0x9f: {  	s0 =	sshll.u32 @!p2 s14, $0x7  }
0xa0: {  	s3 =	sadd.s32 @!p2 $0x9, s14;
	s15 =	sadd.s32 @!p2 $0xFFFF63C0, s13;
	s8 =	sor.u32 @!p2 $0x14000, s0  }
0xa1: {  	[tilespmem:s8], [sflag:s3] =	stream.linear.gather @!p2 [hbm4b:s15+s16], $0x80, $0x38;
	[tilespmem:$0x1C800] =	vst v63  }
0xa2: {  	s0 =	sor.u32 @!p2 $0x14400, s0;
	s3 =	sadd.s32 @!p2 $0x11, s14  }
0xa3: {  	[tilespmem:s0], [sflag:s3] =	stream.linear.gather @!p2 [hbm4b:s13+s16], $0x80, $0x38;
	[tilespmem:$0x1C800] =	vst v63  }
0xa4: {  	_ =	swait.ge [sflag:s11], $0x2000  }
0xa5: {  	[sflag:s11] =	ssyncset.done $0x0  }
0xa6: {  	[sflag:s11] =	ssyncadd.s32 $0xFFFFE000  }
0xa7: {  	_ =	swait.ge [sflag:s12], $0x2000  }
0xa8: {  	[sflag:s12] =	ssyncset.done $0x0  }
0xa9: {  	[sflag:s12] =	ssyncadd.s32 $0xFFFFE000  }
0xaa: {  	_ =	swait.ge [sflag:s26], $0x2000  }
0xab: {  	[sflag:s26] =	ssyncset.done $0x0  }
0xac: {  	[sflag:s26] =	ssyncadd.s32 $0xFFFFE000  }
0xad: {  	_ =	swait.ge [sflag:s28], $0x2000  }
0xae: {  	[sflag:s28] =	ssyncset.done $0x0  }
0xaf: {  	[sflag:s28] =	ssyncadd.s32 $0xFFFFE000  }
0xb0: {  	[bflag:$0x0] =	sbarrier.arrive $0xFFFF  }
0xb1: {  	s17 =	rddreg [dreg:$0x7]  }
0xb2: {  	[tilespmem:s21], [sflag:$0x19] =	stream.linear.gather [spmem:s17], $0x2000, $0x38;
	[tilespmem:$0x1C800] =	vst v63  }
0xb3: {  	_ =	swait.ge [sflag:s29], $0x2000  }
0xb4: {  	[sflag:s29] =	ssyncset.done $0x0  }
0xb5: {  	[sflag:s29] =	ssyncadd.s32 $0xFFFFE000  }
0xb6: {  	[spmem:s5] =	stream.linear.scatter [tilespmem:s21], [sflag:$0x19], $0x2000, $0x38;
	[tilespmem:$0x1C800] =	vst v63  }
0xb7: {  	_ =	swait.ge [sflag:s29], $0x2000  }
0xb8: {  	[sflag:s29] =	ssyncset.done $0x0  }
0xb9: {  	s18 =	rddreg [dreg:$0xd];
	[sflag:s29] =	ssyncadd.s32 $0xFFFFE000  }
0xba: {  	[tilespmem:s21], [sflag:$0x19] =	stream.linear.gather [spmem:s18], $0x2000, $0x38;
	[tilespmem:$0x1C800] =	vst v63  }
0xbb: {  	_ =	swait.ge [sflag:s29], $0x2000  }
0xbc: {  	[sflag:s29] =	ssyncset.done $0x0  }
0xbd: {  	s20 =	rddreg [dreg:$0xe];
	[sflag:s29] =	ssyncadd.s32 $0xFFFFE000  }
0xbe: {  	[spmem:s20] =	stream.linear.scatter [tilespmem:s21], [sflag:$0x19], $0x2000, $0x38;
	[tilespmem:$0x1C800] =	vst v63  }
0xbf: {  	_ =	swait.ge [sflag:s29], $0x2000  }
0xc0: {  	[sflag:s29] =	ssyncset.done $0x0  }
0xc1: {  	s22 =	rddreg [dreg:$0xf];
	[sflag:s29] =	ssyncadd.s32 $0xFFFFE000  }
0xc2: {  	[tilespmem:s21], [sflag:$0x19] =	stream.linear.gather [spmem:s22], $0x2000, $0x38;
	[tilespmem:$0x1C800] =	vst v63  }
0xc3: {  	_ =	swait.ge [sflag:s29], $0x2000  }
0xc4: {  	[sflag:s29] =	ssyncset.done $0x0  }
0xc5: {  	s3 =	rddreg [dreg:$0x10];
	[sflag:s29] =	ssyncadd.s32 $0xFFFFE000  }
0xc6: {  	[spmem:s3] =	stream.linear.scatter [tilespmem:s21], [sflag:$0x19], $0x2000, $0x38;
	[tilespmem:$0x1C800] =	vst v63  }
0xc7: {  	_ =	swait.ge [sflag:s29], $0x2000  }
0xc8: {  	[sflag:s29] =	ssyncset.done $0x0  }
0xc9: {  	s8 =	rddreg [dreg:$0x12];
	[sflag:s29] =	ssyncadd.s32 $0xFFFFE000  }
0xca: {  	[tilespmem:s21], [sflag:$0x19] =	stream.linear.gather [spmem:s8], $0x2000, $0x38;
	[tilespmem:$0x1C800] =	vst v63  }
0xcb: {  	_ =	swait.ge [sflag:s29], $0x2000  }
0xcc: {  	[sflag:s29] =	ssyncset.done $0x0  }
0xcd: {  	s13 =	rddreg [dreg:$0x13];
	[sflag:s29] =	ssyncadd.s32 $0xFFFFE000  }
0xce: {  	[spmem:s13] =	stream.linear.scatter [tilespmem:s21], [sflag:$0x19], $0x2000, $0x38;
	[tilespmem:$0x1C800] =	vst v63  }
0xcf: {  	_ =	swait.ge [sflag:s29], $0x2000  }
0xd0: {  	[sflag:s29] =	ssyncset.done $0x0  }
0xd1: {  	s14 =	rddreg [dreg:$0x14];
	[sflag:s29] =	ssyncadd.s32 $0xFFFFE000  }
0xd2: {  	[tilespmem:s21], [sflag:$0x19] =	stream.linear.gather [spmem:s14], $0x2000, $0x38;
	[tilespmem:$0x1C800] =	vst v63  }
0xd3: {  	_ =	swait.ge [sflag:s29], $0x2000  }
0xd4: {  	[sflag:s29] =	ssyncset.done $0x0  }
0xd5: {  	s15 =	rddreg [dreg:$0x15];
	[sflag:s29] =	ssyncadd.s32 $0xFFFFE000  }
0xd6: {  	[spmem:s15] =	stream.linear.scatter [tilespmem:s21], [sflag:$0x19], $0x2000, $0x38;
	[tilespmem:$0x1C800] =	vst v63  }
0xd7: {  	_ =	swait.ge [sflag:s29], $0x2000  }
0xd8: {  	[sflag:s29] =	ssyncset.done $0x0  }
0xd9: {  	[sflag:s29] =	ssyncadd.s32 $0xFFFFE000  }
0xda: {  	[bflag:$0x0] =	sbarrier.arrive $0xFFFF  }
0xdb: {  	s16 =	rddreg [dreg:$0x8]  }
0xdc: {  	s0 =	simm.s32 $0x0;
	s8 =	simm.s32 $0x14000;
	s17 =	rddreg [dreg:$0xa]  }
0xdd: {  	[tilespmem:s8], [sflag:$0x9] =	stream.linear.gather [hbm4b:s16+s0], $0x80, $0x38;
	[tilespmem:$0x1C800] =	vst v63  }
0xde: {  	s13 =	simm.s32 $0x14400;
	s18 =	rddreg [dreg:$0xb]  }
0xdf: {  	[tilespmem:s13], [sflag:$0x11] =	stream.linear.gather [hbm4b:s17+s0], $0x80, $0x38;
	[tilespmem:$0x1C800] =	vst v63  }
0xe0: {  	s14 =	simm.s32 $0x14080;
	s20 =	rddreg [dreg:$0xc]  }
0xe1: {  	[tilespmem:s14], [sflag:$0xA] =	stream.linear.gather [hbm4b:s18+s0], $0x80, $0x38;
	[tilespmem:$0x1C800] =	vst v63  }
0xe2: {  	s22 =	simm.s32 $0x14480;
	s16 =	rddreg [dreg:$0x1a]  }
0xe3: {  	[tilespmem:s22], [sflag:$0x12] =	stream.linear.gather [hbm4b:s20+s0], $0x80, $0x38;
	[tilespmem:$0x1C800] =	vst v63  }
0xe4: {  	s15 =	simm.s32 $0x14100;
	s17 =	rddreg [dreg:$0x1b]  }
0xe5: {  	[tilespmem:s15], [sflag:$0xB] =	stream.linear.gather [hbm4b:s16+s0], $0x80, $0x38;
	[tilespmem:$0x1C800] =	vst v63  }
0xe6: {  	s18 =	simm.s32 $0x14500;
	s20 =	rddreg [dreg:$0x1c]  }
0xe7: {  	[tilespmem:s18], [sflag:$0x13] =	stream.linear.gather [hbm4b:s17+s0], $0x80, $0x38;
	[tilespmem:$0x1C800] =	vst v63  }
0xe8: {  	s22 =	rddreg [dreg:$0x1d];
	s16 =	simm.s32 $0x14180  }
0xe9: {  	[tilespmem:s16], [sflag:$0xC] =	stream.linear.gather [hbm4b:s20+s0], $0x80, $0x38;
	[tilespmem:$0x1C800] =	vst v63  }
0xea: {  	s17 =	simm.s32 $0x14580;
	s20 =	rddreg [dreg:$0x1f]  }
0xeb: {  	[tilespmem:s17], [sflag:$0x14] =	stream.linear.gather [hbm4b:s22+s0], $0x80, $0x38;
	[tilespmem:$0x1C800] =	vst v63  }
0xec: {  	s18 =	simm.s32 $0x14200;
	s17 =	rddreg [dreg:$0x1e]  }
0xed: {  	[tilespmem:s18], [sflag:$0xD] =	stream.linear.gather [hbm4b:s17+s0], $0x80, $0x38;
	[tilespmem:$0x1C800] =	vst v63  }
0xee: {  	s22 =	simm.s32 $0x14600;
	s17 =	sld [smem:$0x7FA]  }
0xef: {  	[tilespmem:s22], [sflag:$0x15] =	stream.linear.gather [hbm4b:s20+s0], $0x80, $0x38;
	[tilespmem:$0x1C800] =	vst v63  }
0xf0: {  	s18 =	simm.s32 $0x14280;
	s20 =	sld [smem:$0x7FB]  }
0xf1: {  	[tilespmem:s18], [sflag:$0xE] =	stream.linear.gather [hbm4b:s17+s0], $0x80, $0x38;
	[tilespmem:$0x1C800] =	vst v63  }
0xf2: {  	s22 =	simm.s32 $0x14680  }
0xf3: {  	[tilespmem:s22], [sflag:$0x16] =	stream.linear.gather [hbm4b:s20+s0], $0x80, $0x38;
	[tilespmem:$0x1C800] =	vst v63  }
0xf4: {  	_ =	swait.ge [sflag:s25], $0x80  }
0xf5: {  	[sflag:s25] =	ssyncset.done $0x0  }
0xf6: {  	[sflag:s25] =	ssyncadd.s32 $0xFFFFFF80  }
0xf7: {  	[tilespmem:s21], [sflag:$0x1] =	stream.indirect.gather [spmem:s2], $0x40, s8, s19, $0xb8;
	[tilespmem:$0x1C800] =	vst v63  }
0xf8: {  	_ =	swait.ge [sflag:s24], $0x80  }
0xf9: {  	[sflag:s24] =	ssyncset.done $0x0  }
0xfa: {  	s8 =	simm.s32 $0x16800;
	[sflag:s24] =	ssyncadd.s32 $0xFFFFFF80  }
0xfb: {  	[tilespmem:s8], [sflag:$0x2] =	stream.indirect.gather [spmem:s2], $0x40, s14, s19, $0xb8;
	[tilespmem:$0x1C800] =	vst v63  }
0xfc: {  	_ =	swait.ge [sflag:s6], $0x80  }
0xfd: {  	[sflag:s6] =	ssyncset.done $0x0  }
0xfe: {  	s17 =	simm.s32 $0x18800;
	[sflag:s6] =	ssyncadd.s32 $0xFFFFFF80  }
0xff: {  	[tilespmem:s17], [sflag:$0x3] =	stream.indirect.gather [spmem:s2], $0x40, s15, s19, $0xb8;
	[tilespmem:$0x1C800] =	vst v63  }
0x100: {  	_ =	swait.ge [sflag:s7], $0x2000  }
0x101: {  	[sflag:s7] =	ssyncset.done $0x0  }
0x102: {  	[sflag:s7] =	ssyncadd.s32 $0xFFFFE000  }
0x103: {  	_ =	swait.ge [sflag:s9], $0x80  }
0x104: {  	[sflag:s9] =	ssyncset.done $0x0  }
0x105: {  	[sflag:s9] =	ssyncadd.s32 $0xFFFFFF80  }
0x106: {  	[spmem:s1] =	stream.indirect.scatter.add.f32 [tilespmem:s21], [sflag:$0x5], $0x40, s13, s19, $0xb8;
	[tilespmem:$0x1C800] =	vst v63  }
0x107: {  	_ =	swait.ge [sflag:s10], $0x80  }
0x108: {  	[sflag:s10] =	ssyncset.done $0x0  }
0x109: {  	s18 =	simm.s32 $0x1A800;
	s20 =	sld [smem:$0x7FC];
	[sflag:s10] =	ssyncadd.s32 $0xFFFFFF80  }
0x10a: {  	[tilespmem:s18], [sflag:$0x4] =	stream.indirect.gather [spmem:s2], $0x40, s16, s19, $0xb8;
	[tilespmem:$0x1C800] =	vst v63  }
0x10b: {  	s22 =	simm.s32 $0x14300;
	s13 =	sld [smem:$0x7FD]  }
0x10c: {  	[tilespmem:s22], [sflag:$0xF] =	stream.linear.gather [hbm4b:s20+s0], $0x80, $0x38;
	[tilespmem:$0x1C800] =	vst v63  }
0x10d: {  	s14 =	simm.s32 $0x14700  }
0x10e: {  	[tilespmem:s14], [sflag:$0x17] =	stream.linear.gather [hbm4b:s13+s0], $0x80, $0x38;
	[tilespmem:$0x1C800] =	vst v63  }
0x10f: {  	s0 =	simm.s32 $0x1  }
0x110: {  	s15 =	sand.u32 $0x3, s0  }
0x111: {  	s16 =	sadd.s32 $0x1, s15  }
0x112: {  	_ =	swait.ge [sflag:s16], $0x2000  }
0x113: {  	s17 =	sand.u32 $0x7, s0;
	[sflag:s16] =	ssyncset.done $0x0  }
0x114: {  	p1 =	sle.u32 s30, $0x4;
	s18 =	sadd.s32 $0x11, s17;
	[sflag:s16] =	ssyncadd.s32 $0xFFFFE000  }
0x115: {  	s14 =	simm.s32 $0x4;
	s20 =	sshll.u32 s17, $0x7;
	_ =	swait.ge [sflag:s18], $0x80  }
0x116: {  	s22 =	sadd.s32 $0x5, s15;
	s3 =	sshll.u32 s15, $0xD;
	[sflag:s18] =	ssyncset.done $0x0  }
0x117: {  	s8 =	sor.u32 $0x14400, s20;
	s3 =	sadd.s32 $0x14800, s3;
	[sflag:s18] =	ssyncadd.s32 $0xFFFFFF80  }
0x118: {  	[spmem:s1] =	stream.indirect.scatter.add.f32 [tilespmem:s3], [sflag:s22], $0x40, s8, s19, $0xb8;
	[tilespmem:$0x1C800] =	vst v63  }
0x119: {  	s3 =	sand.u32 @!p1 $0x3, s14  }
0x11a: {  	s8 =	sadd.s32 @!p1 $0x5, s3  }
0x11b: {  	_ =	swait.ge @!p1 [sflag:s8], $0x2000  }
0x11c: {  	s13 =	sand.u32 @!p1 $0x7, s14;
	[sflag:s8] =	ssyncset.done @!p1 $0x0  }
0x11d: {  	s14 =	sadd.s32 @!p1 $0x9, s13;
	[sflag:s8] =	ssyncadd.s32 @!p1 $0xFFFFE000  }
0x11e: {  	s8 =	sshll.u32 @!p1 s13, $0x7;
	s13 =	sshll.u32 @!p1 s3, $0xD;
	_ =	swait.ge @!p1 [sflag:s14], $0x80  }
0x11f: {  	s3 =	sadd.s32 @!p1 $0x1, s3;
	s8 =	sor.u32 @!p1 $0x14000, s8;
	[sflag:s14] =	ssyncset.done @!p1 $0x0  }
0x120: {  	s13 =	sadd.s32 @!p1 $0x14800, s13;
	[sflag:s14] =	ssyncadd.s32 @!p1 $0xFFFFFF80;
	s14 =	simm.s32 @!p1 $0x80  }
0x121: {  	[tilespmem:s13], [sflag:s3] =	stream.indirect.gather @!p1 [spmem:s2], $0x40, s8, s14, $0xb8;
	[tilespmem:$0x1C800] =	vst v63  }
0x122: {  	p1 =	sne.s32 s31, $0x1  }
.Ltmp2:
0x123: {  	_ = 	snop;
	(pc) =	sbr.rel @!p1 .LBB2_5-.Ltmp2, $3  }
0x124: {  	_ =	sdelay $0x1  }
0x125: {  	p2 =	sle.u32 s30, $0x7;
	s3 =	simm.s32 $0x7  }
0x126: {  	s16 =	simm.s32 @!p2 $0x0;
	s13 =	rddreg [dreg:$0x17];
	s14 =	sand.u32 @!p2 $0x7, s3  }
.LBB2_4:
0x127: {  	s3 =	sshll.u32 @!p2 s14, $0x7  }
0x128: {  	s8 =	sadd.s32 @!p2 $0x9, s14;
	s15 =	smov.u32 s0;
	s0 =	sadd.s32 $0x1, s0  }
0x129: {  	s17 =	sand.u32 $0x7, s0;
	s18 =	sand.u32 $0x3, s0;
	s20 =	sor.u32 @!p2 $0x14000, s3  }
0x12a: {  	s22 =	sadd.s32 @!p2 $0xFFFF63C0, s13;
	s14 =	sadd.s32 @!p2 $0x11, s14;
	s3 =	sor.u32 @!p2 $0x14400, s3  }
0x12b: {  	[tilespmem:s20], [sflag:s8] =	stream.linear.gather @!p2 [hbm4b:s22+s16], $0x80, $0x38;
	[tilespmem:$0x1C800] =	vst v63  }
0x12c: {  	p1 =	sne.s32 s31, s0;
	s8 =	sadd.s32 $0x1, s18;
	s20 =	sshll.u32 s17, $0x7  }
0x12d: {  	[tilespmem:s3], [sflag:s14] =	stream.linear.gather @!p2 [hbm4b:s13+s16], $0x80, $0x38;
	[tilespmem:$0x1C800] =	vst v63  }
0x12e: {  	s3 =	sadd.s32 $0x11, s17;
	s14 =	sadd.s32 $0x5, s18;
	_ =	swait.ge [sflag:s8], $0x2000  }
0x12f: {  	s16 =	sor.u32 $0x14400, s20;
	s17 =	sadd.s32 $0x4, s15;
	[sflag:s8] =	ssyncset.done $0x0  }
0x130: {  	s18 =	sshll.u32 s18, $0xD;
	p3 =	sge.u32 s17, s30;
	[sflag:s8] =	ssyncadd.s32 $0xFFFFE000  }
0x131: {  	s8 =	sadd.s32 $0x14800, s18;
	s18 =	sand.u32 @!p3 $0x3, s17;
	_ =	swait.ge [sflag:s3], $0x80  }
0x132: {  	s17 =	sand.u32 @!p3 $0x7, s17;
	s20 =	sadd.s32 @!p3 $0x5, s18;
	[sflag:s3] =	ssyncset.done $0x0  }
0x133: {  	s22 =	sshll.u32 @!p3 s18, $0xD;
	[sflag:s3] =	ssyncadd.s32 $0xFFFFFF80;
	s3 =	sshll.u32 @!p3 s17, $0x7  }
0x134: {  	[spmem:s1] =	stream.indirect.scatter.add.f32 [tilespmem:s8], [sflag:s14], $0x40, s16, s19, $0xb8;
	[tilespmem:$0x1C800] =	vst v63  }
0x135: {  	s3 =	sor.u32 @!p3 $0x14000, s3;
	s8 =	sadd.s32 @!p3 $0x14800, s22;
	_ =	swait.ge @!p3 [sflag:s20], $0x2000  }
0x136: {  	s14 =	sadd.s32 @!p3 $0x9, s17;
	s17 =	sadd.s32 @!p3 $0x1, s18;
	[sflag:s20] =	ssyncset.done @!p3 $0x0  }
.Ltmp3:
0x137: {  	[sflag:s20] =	ssyncadd.s32 @!p3 $0xFFFFE000;
	(pc) =	sbr.rel @p1 .LBB2_4-.Ltmp3, $4  }
0x138: {  	s15 =	sadd.s32 $0x7, s15;
	s13 =	sadd.s32 $0x10, s13;
	_ =	swait.ge @!p3 [sflag:s14], $0x80  }
0x139: {  	p2 =	sge.u32 s15, s30;
	s18 =	simm.s32 @!p3 $0x80;
	[sflag:s14] =	ssyncset.done @!p3 $0x0  }
0x13a: {  	s16 =	simm.s32 @!p2 $0x0;
	[sflag:s14] =	ssyncadd.s32 @!p3 $0xFFFFFF80;
	s14 =	sand.u32 @!p2 $0x7, s15  }
0x13b: {  	[tilespmem:s8], [sflag:s17] =	stream.indirect.gather @!p3 [spmem:s2], $0x40, s3, s18, $0xb8;
	[tilespmem:$0x1C800] =	vst v63  }
.LBB2_5:
0x13c: {  	s0 =	sshll.u32 @!p2 s14, $0x7  }
0x13d: {  	s3 =	sadd.s32 @!p2 $0x9, s14;
	s15 =	sadd.s32 @!p2 $0xFFFF63C0, s13;
	s8 =	sor.u32 @!p2 $0x14000, s0  }
0x13e: {  	[tilespmem:s8], [sflag:s3] =	stream.linear.gather @!p2 [hbm4b:s15+s16], $0x80, $0x38;
	[tilespmem:$0x1C800] =	vst v63  }
0x13f: {  	s0 =	sor.u32 @!p2 $0x14400, s0;
	s3 =	sadd.s32 @!p2 $0x11, s14  }
0x140: {  	[tilespmem:s0], [sflag:s3] =	stream.linear.gather @!p2 [hbm4b:s13+s16], $0x80, $0x38;
	[tilespmem:$0x1C800] =	vst v63  }
0x141: {  	_ =	swait.ge [sflag:s11], $0x2000  }
0x142: {  	[sflag:s11] =	ssyncset.done $0x0  }
0x143: {  	[sflag:s11] =	ssyncadd.s32 $0xFFFFE000  }
0x144: {  	_ =	swait.ge [sflag:s12], $0x2000  }
0x145: {  	[sflag:s12] =	ssyncset.done $0x0  }
0x146: {  	[sflag:s12] =	ssyncadd.s32 $0xFFFFE000  }
0x147: {  	_ =	swait.ge [sflag:s26], $0x2000  }
0x148: {  	[sflag:s26] =	ssyncset.done $0x0  }
0x149: {  	[sflag:s26] =	ssyncadd.s32 $0xFFFFE000  }
0x14a: {  	_ =	swait.ge [sflag:s28], $0x2000  }
0x14b: {  	[sflag:s28] =	ssyncset.done $0x0  }
0x14c: {  	s15 =	stileid.u32;
	[sflag:s28] =	ssyncadd.s32 $0xFFFFE000  }
0x14d: {  	s20 =	sshll.u32 s15, $0x6;
	[bflag:$0x0] =	sbarrier.arrive $0xFFFF  }
0x14e: {  	s22 =	sshrl.u32 s5, $0x3;
	s0 =	sor.u32 $0x1C19, s20;
	s30 =	rddreg [dreg:$0x11]  }
0x14f: {  	[hbm:s30], [sflag:s0] =	dma.local [spmem:s22], $0x1400  }
0x150: {  	_ =	swait.ge [sflag:s29], $0x1400  }
0x151: {  	s23 =	sadd.s32 $0x1, s23;
	s31 =	rddreg [dreg:$0x16]  }
0x152: {  	p1 =	sne.s32 s23, s31  }
.Ltmp4:
0x153: {  	_ = 	snop;
	(pc) =	sbr.rel @p1 .LBB2_1-.Ltmp4, $3  }
0x154: {  	_ =	sdelay $0x1  }
0x155: {  	[sflag:s29] =	ssyncset.done $0x0  }
0x156: {  	[sflag:s29] =	ssyncadd.s32 $0xFFFFEC00  }
0x157: {  	_ =	sfence.sel $0x180000  }
0x158: {  	[bflag:$0x0] =	sbarrier.arrive $0xFFFF  }
0x159: {  	_ =	strace $0x90000047  }
0x15a: {  	[bflag:$0x2] =	sbarrier.arrive $0xFFFF  }
0x15b: {  	p0 =	sne.s32 s15, $0x0;
	s0 =	rddreg [dreg:$0x5]  }
0x15c: {  	s0 =	sadd.s32 @!p0 $0x100000, s0  }
0x15d: {  	[sflag:s0] =	ssyncadd.tile.s32 @!p0 $0x1;
	_ =	shalt  }
.Lfunc_end2:
_tile_overlayer_lowered:
.L_overlay_start_2:
0x15e: {  	(tag) =	ssettag $0x2  }
0x15f: {  	s0 =	rddreg [dreg:$0x0];
	s2 =	stileid.u32  }
0x160: {  	s1 =	rddreg [dreg:$0x1];
	p0 =	sne.s32 s2, $0x0  }
0x161: {  	s3 =	rddreg [dreg:$0x2];
	[bflag:$0x3] =	sbarrier.arrive $0xFFFF;
	s2 =	simm.s32 @!p0 $0x1C19  }
0x162: {  	[timem:s3], [sflag:s2] =	dma.local @!p0 [hbm:s0], s1  }
0x163: {  	s0 =	simm.s32 @!p0 $0x19  }
0x164: {  	_ =	swait.ge @!p0 [sflag:s0], s1  }
0x165: {  	s1 =	ssub.s32 @!p0 $0x0, s1;
	[sflag:s0] =	ssyncset.done @!p0 $0x0  }
0x166: {  	[sflag:s0] =	ssyncadd.s32 @!p0 s1  }
0x167: {  	[bflag:$0x3] =	sbarrier.arrive $0xFFFF  }
0x168: {  	_ =	shalt  }

// kernel: kernel.9.cloned.1.call-start
scs
__scs_entry_jumppad:
0x0: {  	(pc) =	sbr.rel $0x88, $3  }
0x1: {  	(tag) =	ssettag $0x0;
	lr =	simm.s32 $0x1  }
0x2: {  	[smem:$0x3F9B] =	sst lr;
	_ =	strace $0xD0000000  }
0x3: {  	_ = 	snop  }
0x4: {  	_ = 	snop  }
0x5: {  	_ = 	snop  }
0x6: {  	_ = 	snop  }
0x7: {  	_ = 	snop  }
__scs_overlays_trampoline_lowered:
0x8: {  	[smem:$0x3FAA] =	sst s0  }
0x9: {  	[smem:$0x3FAB] =	sst s1  }
0xa: {  	[smem:$0x3FAC] =	sst s2  }
0xb: {  	[smem:$0x3FAD] =	sst s3  }
0xc: {  	[smem:$0x3FAE] =	sst s4  }
0xd: {  	[smem:$0x3FAF] =	sst s5  }
0xe: {  	[smem:$0x3FB0] =	sst s6  }
0xf: {  	[smem:$0x3FB1] =	sst s7  }
0x10: {  	[smem:$0x3FB2] =	sst s8  }
0x11: {  	[smem:$0x3FB3] =	sst s9;
	s0 =	simm.s32 @!p0 $0x0  }
0x12: {  	s1 =	sld [smem:$0x3F99];
	s0 =	simm.s32 @p0 $0x1  }
0x13: {  	[smem:$0x3FB4] =	sst s0;
	s0 =	simm.s32 @!p1 $0x0  }
0x14: {  	s2 =	sld [smem:$0x3F98];
	s0 =	simm.s32 @p1 $0x1  }
0x15: {  	[smem:$0x3FB5] =	sst s0;
	s0 =	simm.s32 @!p2 $0x0  }
0x16: {  	s3 =	sld [smem:$0x3FDB];
	s0 =	simm.s32 @p2 $0x1  }
0x17: {  	s4 =	simm.s32 $0x1BF5;
	[smem:$0x3FB7] =	sst s0  }
0x18: {  	s0 =	sld [smem:$0x3F9A];
	_ =	swait.ge [sflag:s4], $0x0  }
0x19: {  	s7 =	sld [smem:$0x3F9B]  }
0x1a: {  	s8 =	sadd.s32 $0xFFFFE003, lr  }
0x1b: {  	s9 =	sadd.s32 $0xFFFFFEF7, lr;
	s5 =	simm.s32 $0xFFFFFFFF;
	p2 =	slt.u32 s8, $0xFFFFF086  }
0x1c: {  	p1 =	slt.u32 s9, $0xF7A;
	s5 =	simm.s32 @!p2 $0x0  }
0x1d: {  	s5 =	simm.s32 @p1 $0x1;
	p0 =	seq.s32 s7, s2  }
0x1e: {  	s7 =	smul.u32 @!p0 $0xF7A, s2;
	p2 =	seq.s32 @!p0 s5, $0x0  }
0x1f: {  	s9 =	smul.u32 $0xF7A, s1;
	s8 =	simm.s32 @!p0 $0x1BF5;
	p2 =	por !p2, p0  }
0x20: {  	[sflag:s8] =	ssyncset.s32 @!p0 $0xFFFFF086;
	s6 =	sadd.s32 @!p0 s3, s7;
	s7 =	simm.s32 @!p0 $0x108  }
0x21: {  	s3 =	sadd.s32 s3, s9;
	s6 =	sadd.s32 @!p0 $0x88, s6;
	s7 =	simm.s32 @p2 $0x1082  }
0x22: {  	[simem:s7], [sflag:s8] =	dma.local @!p0 [hbm:s6], $0xF7A  }
0x23: {  	s9 =	sor.u32 $0xD0000000, s2;
	s6 =	simm.s32 $0x108;
	_ =	swait.ge @!p0 [sflag:s8], $0x0  }
0x24: {  	s3 =	sadd.s32 $0x88, s3;
	s6 =	simm.s32 @!p1 $0x1082;
	[sflag:s4] =	ssyncset.s32 $0xFFFFF086  }
0x25: {  	[simem:s6], [sflag:s4] =	dma.local [hbm:s3], $0xF7A  }
0x26: {  	[smem:$0x3F9B] =	sst s1;
	(tag) =	ssettag s2;
	_ =	strace s9  }
0x27: {  	s1 =	sld [smem:$0x3FAB]  }
0x28: {  	s2 =	sld [smem:$0x3FAC]  }
0x29: {  	s4 =	sld [smem:$0x3FAE]  }
0x2a: {  	p0 =	seq.s32 s5, $0x0;
	s5 =	sld [smem:$0x3FAF]  }
0x2b: {  	s6 =	sld [smem:$0x3FB0]  }
0x2c: {  	s7 =	sld [smem:$0x3FB1]  }
0x2d: {  	s3 =	simm.s32 $0x108;
	s8 =	sld [smem:$0x3FB2]  }
0x2e: {  	s3 =	simm.s32 @!p0 $0x1082;
	s9 =	sld [smem:$0x3FB3]  }
0x2f: {  	lr =	sadd.s32 s0, s3;
	s0 =	sld [smem:$0x3FAA]  }
0x30: {  	s3 =	sld [smem:$0x3FAD]  }
0x31: {  	[smem:$0x3FB6] =	sst s10  }
0x32: {  	s10 =	sld [smem:$0x3FB4];
	_ =	sdelay $0x3  }
0x33: {  	p0 =	seq.s32 s10, $0x1;
	s10 =	sld [smem:$0x3FB6];
	_ =	sdelay $0x3  }
0x34: {  	[smem:$0x3FB6] =	sst s10  }
0x35: {  	s10 =	sld [smem:$0x3FB5];
	_ =	sdelay $0x3  }
0x36: {  	p1 =	seq.s32 s10, $0x1;
	s10 =	sld [smem:$0x3FB6];
	_ =	sdelay $0x3  }
0x37: {  	[smem:$0x3FB6] =	sst s10  }
0x38: {  	s10 =	sld [smem:$0x3FB7]  }
0x39: {  	_ = 	snop;
	(pc) =	sbr.ind lr, $3  }
0x3a: {  	_ = 	snop  }
0x3b: {  	_ = 	snop  }
0x3c: {  	p2 =	seq.s32 s10, $0x1;
	s10 =	sld [smem:$0x3FB6]  }
0x3d: {  	_ =	shalt  }
0x3e: {  	_ =	shalt  }
0x3f: {  	_ =	shalt  }
0x40: {  	_ =	shalt  }
0x41: {  	_ =	shalt  }
0x42: {  	_ =	shalt  }
0x43: {  	_ =	shalt  }
0x44: {  	_ =	shalt  }
0x45: {  	_ =	shalt  }
0x46: {  	_ =	shalt  }
0x47: {  	_ =	shalt  }
0x48: {  	_ =	shalt  }
0x49: {  	_ =	shalt  }
0x4a: {  	_ =	shalt  }
0x4b: {  	_ =	shalt  }
0x4c: {  	_ =	shalt  }
0x4d: {  	_ =	shalt  }
0x4e: {  	_ =	shalt  }
0x4f: {  	_ =	shalt  }
0x50: {  	_ =	shalt  }
0x51: {  	_ =	shalt  }
0x52: {  	_ =	shalt  }
0x53: {  	_ =	shalt  }
0x54: {  	_ =	shalt  }
0x55: {  	_ =	shalt  }
0x56: {  	_ =	shalt  }
0x57: {  	_ =	shalt  }
0x58: {  	_ =	shalt  }
0x59: {  	_ =	shalt  }
0x5a: {  	_ =	shalt  }
0x5b: {  	_ =	shalt  }
0x5c: {  	_ =	shalt  }
0x5d: {  	_ =	shalt  }
0x5e: {  	_ =	shalt  }
0x5f: {  	_ =	shalt  }
0x60: {  	_ =	shalt  }
0x61: {  	_ =	shalt  }
0x62: {  	_ =	shalt  }
0x63: {  	_ =	shalt  }
0x64: {  	_ =	shalt  }
0x65: {  	_ =	shalt  }
0x66: {  	_ =	shalt  }
0x67: {  	_ =	shalt  }
0x68: {  	_ =	shalt  }
0x69: {  	_ =	shalt  }
0x6a: {  	_ =	shalt  }
0x6b: {  	_ =	shalt  }
0x6c: {  	_ =	shalt  }
0x6d: {  	_ =	shalt  }
0x6e: {  	_ =	shalt  }
0x6f: {  	_ =	shalt  }
0x70: {  	_ =	shalt  }
0x71: {  	_ =	shalt  }
0x72: {  	_ =	shalt  }
0x73: {  	_ =	shalt  }
0x74: {  	_ =	shalt  }
0x75: {  	_ =	shalt  }
0x76: {  	_ =	shalt  }
0x77: {  	_ =	shalt  }
0x78: {  	_ =	shalt  }
0x79: {  	_ =	shalt  }
0x7a: {  	_ =	shalt  }
0x7b: {  	_ =	shalt  }
0x7c: {  	_ =	shalt  }
0x7d: {  	_ =	shalt  }
0x7e: {  	_ =	shalt  }
0x7f: {  	_ =	shalt  }
0x80: {  	_ =	shalt  }
0x81: {  	_ =	shalt  }
0x82: {  	_ =	shalt  }
0x83: {  	_ =	shalt  }
0x84: {  	_ =	shalt  }
0x85: {  	_ =	shalt  }
0x86: {  	_ =	shalt  }
0x87: {  	_ =	shalt  }
.Lfunc_end0:
.L_simem_size_0:
called_computation.1_lowered:
.L_overlay_start_0:
0x88: {  	s2 =	sld [smem:$0x3FD9]  }
0x89: {  	s3 =	sld [smem:$0x3FFE];
	_ =	sdelay $0x1  }
0x8a: {  	s1 =	srdreg.scid  }
0x8b: {  	s0 =	sand.u32 $0x1, s1  }
0x8c: {  	s17 =	sshll.u32 s0, $0xA;
	s2 =	sadd.s32 s3, s2  }
0x8d: {  	s2 =	sadd.s32 s2, s17  }
0x8e: {  	[smem:$0x3FC2] =	sst s2  }
0x8f: {  	_ = 	snop  }
0x90: {  	s2 =	sld [smem:$0x3FD0];
	(tm) =	ssettm $0x1  }
0x91: {  	s18 =	sld [smem:$0x3FFB];
	_ =	sdelay $0x3  }
0x92: {  	_ =	strace s18  }
0x93: {  	s3 =	sld [smem:$0x3FFC];
	_ =	sdelay $0x3  }
0x94: {  	_ =	strace s3  }
0x95: {  	s3 =	sld [smem:$0x3FFD];
	_ =	sdelay $0x3  }
0x96: {  	_ =	strace s3  }
0x97: {  	_ =	strace $0x8FFFFFFF  }
0x98: {  	s19 =	sld [smem:$0x3FDB];
	_ =	sdelay $0x1  }
0x99: {  	s4 =	simm.s32 $_scs_section_size  }
0x9a: {  	s5 =	simm.s32 $_size__tile_overlayer_lowered;
	s6 =	simm.s32 $_tile_overlayer_lowered  }
0x9b: {  	s22 =	simm.s32 $0x1BFF;
	s21 =	sshll.u32 s6, $0x1;
	s3 =	sadd.s32 s4, s19  }
0x9c: {  	s7 =	simm.s32 $0x0;
	s20 =	sshll.u32 s5, $0x1;
	s5 =	sadd.s32 s21, s3  }
0x9d: {  	[timem:s7], [sflag:s22] =	dma.local [hbm:s5], s20  }
0x9e: {  	_ =	swait.ge [sflag:s22], s20  }
0x9f: {  	s4 =	ssub.s32 $0x0, s20;
	[sflag:s22] =	ssyncset.done $0x0  }
0xa0: {  	[sflag:s22] =	ssyncadd.s32 s4;
	_ =	sdelay $0x1  }
0xa1: {  	s23 =	simm.s32 $0x1B8B  }
0xa2: {  	_ =	swait.ge [sflag:s23], $0x1  }
0xa3: {  	[sflag:s23] =	ssyncset.done $0x0  }
0xa4: {  	s25 =	simm.s32 $0x1B8E;
	s24 =	sld [smem:$0x3FFE];
	[sflag:s23] =	ssyncadd.s32 $0xFFFFFFFF  }
0xa5: {  	s26 =	simm.s32 $execute0_lowered;
	[smem:$0x3FD2] =	sst s25  }
0xa6: {  	s5 =	sshll.u32 s26, $0x1;
	_ =	strace $0x80000049;
	[dreg:$0x1] =	wrdreg $0xFFFFFFFF  }
0xa7: {  	s28 =	simm.s32 $_size_execute0_lowered;
	s3 =	sadd.s32 s3, s5;
	[dreg:$0x0] =	wrdreg $0x0  }
0xa8: {  	s5 =	sshll.u32 s28, $0x1;
	[dreg:$0x2] =	wrdreg s3  }
0xa9: {  	[dreg:$0x3] =	wrdreg s5  }
0xaa: {  	[dreg:$0x4] =	wrdreg $0xC0  }
0xab: {  	_ =	task [dreg:s7], $0x5FFFF  }
0xac: {  	[dreg:$0x1] =	wrdreg $0xFFFFFFFF  }
0xad: {  	[dreg:$0x0] =	wrdreg $0x60  }
0xae: {  	[dreg:$0x2] =	wrdreg s2  }
0xaf: {  	[dreg:$0x3] =	wrdreg s24  }
0xb0: {  	[dreg:$0x4] =	wrdreg $0x0  }
0xb1: {  	[dreg:$0x5] =	wrdreg $0xA0000  }
0xb2: {  	[dreg:$0x6] =	wrdreg $0x9  }
0xb3: {  	_ =	task.clear_ibuf [dreg:s7], $0x7FFFF;
	_ =	strace $0x90000049  }
0xb4: {  	s29 =	simm.s32 $0x9;
	_ =	strace $0x8000004B  }
0xb5: {  	_ =	swait.ge [sflag:s29], $0x1  }
0xb6: {  	[sflag:s29] =	ssyncadd.s32 $0xFFFFFFFF  }
0xb7: {  	_ =	strace $0x9000004B  }
0xb8: {  	_ =	sfence  }
0xb9: {  	s30 =	sld [smem:$0x0];
	_ =	sdelay $0x2  }
0xba: {  	s31 =	sshll.u32 s1, $0xD;
	s1 =	sshrl.u32 s1, $0x2  }
0xbb: {  	s3 =	sand.u32 $0x4000, s31;
	s1 =	sadd.s32 s1, s30  }
0xbc: {  	s0 =	sor.u32 s3, s0;
	s1 =	sshll.u32 s1, $0x11  }
0xbd: {  	s0 =	sor.u32 s1, s0  }
0xbe: {  	s0 =	sadd.s32 $0x8F2B, s0  }
0xbf: {  	[sflag:s0] =	ssyncadd.remote.s32 $0x1  }
0xc0: {  	_ =	sfence.sel $0xFFFF  }
0xc1: {  	[dreg:$0x0] =	wrdreg $0xFFFFFFFF;
	(pc) =	sbr.abs _section_cstart, $3  }
0xc2: {  	[dreg:$0x1] =	wrdreg $0xFFFFFFFF  }
0xc3: {  	_ =	task.clear_ibuf [dreg:s7], $0x2FFFF;
	_ =	strace $0x9FFFFFFF  }
0xc4: {  	(tm) =	ssettm $0x7FFFFFFF  }
0xc5: {  	_ =	shalt  }
tec
execute0_lowered:
.L_overlay_start_1:
0x0: {  	(tag) =	ssettag $0x1  }
0x1: {  	s0 =	rddreg [dreg:$0x0]  }
0x2: {  	s4 =	rddreg [dreg:$0x1]  }
0x3: {  	s1 =	rddreg [dreg:$0x2]  }
0x4: {  	s2 =	rddreg [dreg:$0x3]  }
0x5: {  	s3 =	simm.s32 $0x0;
	s5 =	srdreg.scid;
	s14 =	stileid.u32  }
0x6: {  	[smem:$0x7FF] =	sst s3;
	s6 =	sadd.s32 $0x15800, s4;
	s5 =	sand.u32 $0x1, s5  }
0x7: {  	s8 =	sadd.s32 $0x1E00, s4;
	s9 =	sadd.s32 $0x3D800, s4;
	s11 =	smul.u32 $0xA000, s14  }
0x8: {  	s4 =	sadd.s32 $0x29800, s4;
	s26 =	smul.u32 $0x4E80, s14;
	p1 =	seq.s32 s14, $0xF  }
0x9: {  	_ =	strace $0x8000004A;
	s7 =	ssub.s32 $0x2, s5;
	p0 =	seq.s32 s5, $0x0  }
0xa: {  	s5 =	simm.s32 $0x91;
	s10 =	sshrl.u32 s7, $0x1;
	s12 =	sadd.s32 s11, s1  }
0xb: {  	s13 =	sshrl.u32 s11, $0x3;
	s11 =	sadd.s32 s11, s2;
	s4 =	smov.u32 @p0 s9  }
0xc: {  	s5 =	simm.s32 @!p1 $0x9D;
	[dreg:$0x6] =	wrdreg s11;
	s4 =	sadd.s32 s4, s13  }
0xd: {  	s10 =	ssub.s32 s7, s10;
	s25 =	sadd.s32 $0xFFFFFFFF, s5;
	[dreg:$0x14] =	wrdreg s4  }
0xe: {  	s7 =	sshrl.u32 s26, $0x3;
	s23 =	smax.u32 s10, $0x1;
	[dreg:$0x5] =	wrdreg s25  }
0xf: {  	s7 =	sadd.s32 s8, s7;
	[dreg:$0x13] =	wrdreg s23  }
0x10: {  	s28 =	simm.s32 $0x19;
	s29 =	sadd.s32 $0x9C40, s7;
	[dreg:$0x7] =	wrdreg s7  }
0x11: {  	s24 =	smul.u32 $0x9D0, s14;
	s30 =	sadd.s32 $0x10, s7;
	[dreg:$0x8] =	wrdreg s29  }
0x12: {  	s6 =	smov.u32 @p0 s0;
	s31 =	sadd.s32 $0x9C50, s7;
	[dreg:$0x9] =	wrdreg s30  }
0x13: {  	s0 =	sadd.s32 s24, s8;
	s15 =	sadd.s32 $0x20, s7;
	[dreg:$0xa] =	wrdreg s31  }
0x14: {  	s26 =	sshll.u32 s14, $0x6;
	s16 =	sadd.s32 $0x9C60, s7;
	[dreg:$0xb] =	wrdreg s15  }
0x15: {  	s11 =	simm.s32 $0xB;
	s17 =	sadd.s32 $0x30, s7;
	[dreg:$0xc] =	wrdreg s16  }
0x16: {  	s14 =	simm.s32 $0xC;
	s18 =	sadd.s32 $0x9C70, s7;
	[dreg:$0xd] =	wrdreg s17  }
0x17: {  	s25 =	sadd.s32 $0x9CB0, s0;
	s19 =	sadd.s32 $0x40, s7;
	[dreg:$0xe] =	wrdreg s18  }
0x18: {  	s8 =	simm.s32 $0x80;
	s20 =	sadd.s32 $0x9C80, s7;
	[dreg:$0xf] =	wrdreg s19  }
0x19: {  	s10 =	simm.s32 $0xA;
	s21 =	sadd.s32 $0x50, s7;
	[dreg:$0x10] =	wrdreg s20  }
0x1a: {  	s22 =	sadd.s32 $0x9C90, s7;
	s23 =	sor.u32 $0x1C19, s26;
	[dreg:$0x11] =	wrdreg s21  }
0x1b: {  	[dreg:$0x12] =	wrdreg s22;
	s20 =	sadd.s32 s6, s13;
	s29 =	sadd.s32 $0x60, s7  }
0x1c: {  	s30 =	sshrl.u32 s12, $0x3;
	s31 =	sadd.s32 $0x9CA0, s7;
	s12 =	simm.s32 $0x1  }
0x1d: {  	s13 =	simm.s32 $0x11;
	s15 =	simm.s32 $0x6;
	[dreg:$0x15] =	wrdreg s29  }
0x1e: {  	s16 =	simm.s32 $0x7;
	s17 =	simm.s32 $0x8;
	[dreg:$0x16] =	wrdreg s30  }
0x1f: {  	s18 =	simm.s32 $0x5;
	s19 =	simm.s32 $0x0;
	[dreg:$0x17] =	wrdreg s31  }
.LBB2_1:
0x20: {  	s0 =	rddreg [dreg:$0x16]  }
0x21: {  	[spmem:s0], [sflag:s23] =	dma.local [hbm:s20], $0x1400  }
0x22: {  	_ =	swait.ge [sflag:s28], $0x1400  }
0x23: {  	[sflag:s28] =	ssyncset.done $0x0;
	s4 =	rddreg [dreg:$0x6]  }
0x24: {  	[sflag:s28] =	ssyncadd.s32 $0xFFFFEC00;
	s21 =	sshrl.u32 s4, $0x3  }
0x25: {  	[spmem:s21], [sflag:s23] =	dma.local [hbm:s20], $0x1400  }
0x26: {  	_ =	swait.ge [sflag:s28], $0x1400  }
0x27: {  	[sflag:s28] =	ssyncset.done $0x0  }
0x28: {  	[sflag:s28] =	ssyncadd.s32 $0xFFFFEC00  }
0x29: {  	[bflag:$0x0] =	sbarrier.arrive $0xFFFF  }
0x2a: {  	s4 =	simm.s32 $0x14000;
	s6 =	rddreg [dreg:$0x7]  }
0x2b: {  	[tilespmem:s4], [sflag:$0x9] =	stream.linear.gather [hbm4b:s6+s3], $0x80, $0x38;
	[tilespmem:$0x1C800] =	vst v63  }
0x2c: {  	s7 =	rddreg [dreg:$0x8];
	s6 =	simm.s32 $0x14400  }
0x2d: {  	[tilespmem:s6], [sflag:$0x11] =	stream.linear.gather [hbm4b:s7+s3], $0x80, $0x38;
	[tilespmem:$0x1C800] =	vst v63  }
0x2e: {  	s9 =	rddreg [dreg:$0x9];
	s7 =	simm.s32 $0x14080  }
0x2f: {  	[tilespmem:s7], [sflag:$0xA] =	stream.linear.gather [hbm4b:s9+s3], $0x80, $0x38;
	[tilespmem:$0x1C800] =	vst v63  }
0x30: {  	s22 =	rddreg [dreg:$0xa];
	s9 =	simm.s32 $0x14480  }
0x31: {  	[tilespmem:s9], [sflag:$0x12] =	stream.linear.gather [hbm4b:s22+s3], $0x80, $0x38;
	[tilespmem:$0x1C800] =	vst v63  }
0x32: {  	s24 =	rddreg [dreg:$0xb];
	s9 =	simm.s32 $0x14100  }
0x33: {  	[tilespmem:s9], [sflag:$0xB] =	stream.linear.gather [hbm4b:s24+s3], $0x80, $0x38;
	[tilespmem:$0x1C800] =	vst v63  }
0x34: {  	s26 =	rddreg [dreg:$0xc];
	s22 =	simm.s32 $0x14500  }
0x35: {  	[tilespmem:s22], [sflag:$0x13] =	stream.linear.gather [hbm4b:s26+s3], $0x80, $0x38;
	[tilespmem:$0x1C800] =	vst v63  }
0x36: {  	s24 =	rddreg [dreg:$0xd];
	s22 =	simm.s32 $0x14180  }
0x37: {  	[tilespmem:s22], [sflag:$0xC] =	stream.linear.gather [hbm4b:s24+s3], $0x80, $0x38;
	[tilespmem:$0x1C800] =	vst v63  }
0x38: {  	s26 =	rddreg [dreg:$0xe];
	s24 =	simm.s32 $0x14580  }
0x39: {  	[tilespmem:s24], [sflag:$0x14] =	stream.linear.gather [hbm4b:s26+s3], $0x80, $0x38;
	[tilespmem:$0x1C800] =	vst v63  }
0x3a: {  	s24 =	rddreg [dreg:$0xf];
	s26 =	simm.s32 $0x14200  }
0x3b: {  	[tilespmem:s26], [sflag:$0xD] =	stream.linear.gather [hbm4b:s24+s3], $0x80, $0x38;
	[tilespmem:$0x1C800] =	vst v63  }
0x3c: {  	s24 =	rddreg [dreg:$0x10];
	s26 =	simm.s32 $0x14600  }
0x3d: {  	[tilespmem:s26], [sflag:$0x15] =	stream.linear.gather [hbm4b:s24+s3], $0x80, $0x38;
	[tilespmem:$0x1C800] =	vst v63  }
0x3e: {  	s24 =	rddreg [dreg:$0x11];
	s26 =	simm.s32 $0x14280  }
0x3f: {  	[tilespmem:s26], [sflag:$0xE] =	stream.linear.gather [hbm4b:s24+s3], $0x80, $0x38;
	[tilespmem:$0x1C800] =	vst v63  }
0x40: {  	s24 =	rddreg [dreg:$0x12];
	s26 =	simm.s32 $0x14680  }
0x41: {  	[tilespmem:s26], [sflag:$0x16] =	stream.linear.gather [hbm4b:s24+s3], $0x80, $0x38;
	[tilespmem:$0x1C800] =	vst v63  }
0x42: {  	s26 =	simm.s32 $0x9  }
0x43: {  	_ =	swait.ge [sflag:s26], $0x80  }
0x44: {  	[sflag:s26] =	ssyncset.done $0x0  }
0x45: {  	s0 =	simm.s32 $0x14800;
	[sflag:s26] =	ssyncadd.s32 $0xFFFFFF80  }
0x46: {  	[tilespmem:s0], [sflag:$0x1] =	stream.indirect.gather [spmem:s1], $0x40, s4, s8, $0xb8;
	[tilespmem:$0x1C800] =	vst v63  }
0x47: {  	_ =	swait.ge [sflag:s10], $0x80  }
0x48: {  	[sflag:s10] =	ssyncset.done $0x0  }
0x49: {  	s24 =	simm.s32 $0x16800;
	[sflag:s10] =	ssyncadd.s32 $0xFFFFFF80  }
0x4a: {  	[tilespmem:s24], [sflag:$0x2] =	stream.indirect.gather [spmem:s1], $0x40, s7, s8, $0xb8;
	[tilespmem:$0x1C800] =	vst v63  }
0x4b: {  	_ =	swait.ge [sflag:s11], $0x80  }
0x4c: {  	[sflag:s11] =	ssyncset.done $0x0  }
0x4d: {  	s26 =	simm.s32 $0x18800;
	[sflag:s11] =	ssyncadd.s32 $0xFFFFFF80  }
0x4e: {  	[tilespmem:s26], [sflag:$0x3] =	stream.indirect.gather [spmem:s1], $0x40, s9, s8, $0xb8;
	[tilespmem:$0x1C800] =	vst v63  }
0x4f: {  	_ =	swait.ge [sflag:s12], $0x2000  }
0x50: {  	[sflag:s12] =	ssyncset.done $0x0  }
0x51: {  	[sflag:s12] =	ssyncadd.s32 $0xFFFFE000  }
0x52: {  	_ =	swait.ge [sflag:s13], $0x80  }
0x53: {  	[sflag:s13] =	ssyncset.done $0x0  }
0x54: {  	[sflag:s13] =	ssyncadd.s32 $0xFFFFFF80  }
0x55: {  	[spmem:s2] =	stream.indirect.scatter.add.f32 [tilespmem:s0], [sflag:$0x5], $0x40, s6, s8, $0xb8;
	[tilespmem:$0x1C800] =	vst v63  }
0x56: {  	_ =	swait.ge [sflag:s14], $0x80  }
0x57: {  	[sflag:s14] =	ssyncset.done $0x0  }
0x58: {  	s7 =	simm.s32 $0x1A800;
	[sflag:s14] =	ssyncadd.s32 $0xFFFFFF80  }
0x59: {  	[tilespmem:s7], [sflag:$0x4] =	stream.indirect.gather [spmem:s1], $0x40, s22, s8, $0xb8;
	[tilespmem:$0x1C800] =	vst v63  }
0x5a: {  	s9 =	rddreg [dreg:$0x15];
	s22 =	simm.s32 $0x14300  }
0x5b: {  	[tilespmem:s22], [sflag:$0xF] =	stream.linear.gather [hbm4b:s9+s3], $0x80, $0x38;
	[tilespmem:$0x1C800] =	vst v63  }
0x5c: {  	s22 =	simm.s32 $0x1  }
0x5d: {  	s26 =	simm.s32 $0x14700;
	s24 =	rddreg [dreg:$0x17];
	s6 =	sand.u32 $0x3, s22  }
0x5e: {  	[tilespmem:s26], [sflag:$0x17] =	stream.linear.gather [hbm4b:s24+s3], $0x80, $0x38;
	[tilespmem:$0x1C800] =	vst v63  }
0x5f: {  	s26 =	sadd.s32 $0x1, s6  }
0x60: {  	p1 =	sle.u32 s5, $0x4;
	_ =	swait.ge [sflag:s26], $0x2000  }
0x61: {  	s29 =	sand.u32 $0x7, s22;
	s30 =	sshll.u32 s6, $0xD;
	[sflag:s26] =	ssyncset.done $0x0  }
0x62: {  	s31 =	sshll.u32 s29, $0x7;
	s7 =	sadd.s32 $0x11, s29;
	[sflag:s26] =	ssyncadd.s32 $0xFFFFE000  }
0x63: {  	s29 =	simm.s32 $0x4;
	s24 =	sadd.s32 $0x5, s6;
	_ =	swait.ge [sflag:s7], $0x80  }
0x64: {  	s31 =	sor.u32 $0x14400, s31;
	s4 =	sand.u32 @!p1 $0x3, s29;
	[sflag:s7] =	ssyncset.done $0x0  }
0x65: {  	s30 =	sadd.s32 $0x14800, s30;
	s26 =	sadd.s32 @!p1 $0x5, s4;
	[sflag:s7] =	ssyncadd.s32 $0xFFFFFF80  }
0x66: {  	[spmem:s2] =	stream.indirect.scatter.add.f32 [tilespmem:s30], [sflag:s24], $0x40, s31, s8, $0xb8;
	[tilespmem:$0x1C800] =	vst v63  }
0x67: {  	_ =	swait.ge @!p1 [sflag:s26], $0x2000  }
0x68: {  	s24 =	sand.u32 @!p1 $0x7, s29;
	[sflag:s26] =	ssyncset.done @!p1 $0x0  }
0x69: {  	s30 =	sshll.u32 @!p1 s24, $0x7;
	s24 =	sadd.s32 @!p1 $0x9, s24;
	[sflag:s26] =	ssyncadd.s32 @!p1 $0xFFFFE000  }
0x6a: {  	s29 =	sshll.u32 @!p1 s4, $0xD;
	s4 =	sadd.s32 @!p1 $0x1, s4;
	_ =	swait.ge @!p1 [sflag:s24], $0x80  }
0x6b: {  	s29 =	sadd.s32 @!p1 $0x14800, s29;
	s26 =	sor.u32 @!p1 $0x14000, s30;
	[sflag:s24] =	ssyncset.done @!p1 $0x0  }
0x6c: {  	s9 =	rddreg [dreg:$0x5];
	[sflag:s24] =	ssyncadd.s32 @!p1 $0xFFFFFF80;
	s24 =	simm.s32 @!p1 $0x80  }
0x6d: {  	[tilespmem:s29], [sflag:s4] =	stream.indirect.gather @!p1 [spmem:s1], $0x40, s26, s24, $0xb8;
	[tilespmem:$0x1C800] =	vst v63  }
0x6e: {  	p0 =	sle.u32 s5, $0x7;
	s30 =	simm.s32 $0x7;
	p1 =	sne.s32 s9, $0x1  }
.Ltmp0:
0x6f: {  	s30 =	sand.u32 @!p0 $0x7, s30;
	(pc) =	sbr.rel @!p1 .LBB2_3-.Ltmp0, $4  }
0x70: {  	s0 =	sadd.s32 @!p0 $0xFFFF63C0, s25;
	s24 =	sshll.u32 @!p0 s30, $0x7;
	s29 =	sadd.s32 @!p0 $0x9, s30  }
0x71: {  	s26 =	simm.s32 @!p0 $0x0;
	s30 =	sadd.s32 @!p0 $0x11, s30;
	s31 =	sor.u32 @!p0 $0x14000, s24  }
0x72: {  	[tilespmem:s31], [sflag:s29] =	stream.linear.gather @!p0 [hbm4b:s0+s26], $0x80, $0x38;
	[tilespmem:$0x1C800] =	vst v63  }
0x73: {  	s31 =	sor.u32 @!p0 $0x14400, s24;
	s29 =	sadd.s32 $0x10, s25;
	s24 =	smov.u32 s25  }
.LBB2_2:
0x74: {  	[tilespmem:s31], [sflag:s30] =	stream.linear.gather @!p0 [hbm4b:s24+s26], $0x80, $0x38;
	[tilespmem:$0x1C800] =	vst v63  }
0x75: {  	s0 =	smov.u32 s22;
	s22 =	sadd.s32 $0x1, s22  }
0x76: {  	s7 =	sand.u32 $0x3, s22  }
0x77: {  	s31 =	sadd.s32 $0x1, s7  }
0x78: {  	s4 =	sand.u32 $0x7, s22;
	s30 =	sshll.u32 s7, $0xD;
	_ =	swait.ge [sflag:s31], $0x2000  }
0x79: {  	s9 =	sshll.u32 s4, $0x7;
	s26 =	sadd.s32 $0x5, s7;
	[sflag:s31] =	ssyncset.done $0x0  }
0x7a: {  	s4 =	sadd.s32 $0x11, s4;
	[sflag:s31] =	ssyncadd.s32 $0xFFFFE000;
	s31 =	sadd.s32 $0x4, s0  }
0x7b: {  	s9 =	sor.u32 $0x14400, s9;
	_ =	swait.ge [sflag:s4], $0x80;
	p1 =	sge.u32 s31, s5  }
0x7c: {  	[sflag:s4] =	ssyncset.done $0x0;
	s7 =	sand.u32 @!p1 $0x7, s31;
	s31 =	sand.u32 @!p1 $0x3, s31  }
0x7d: {  	s30 =	sadd.s32 $0x14800, s30;
	[sflag:s4] =	ssyncadd.s32 $0xFFFFFF80;
	s4 =	sadd.s32 @!p1 $0x5, s31  }
0x7e: {  	[spmem:s2] =	stream.indirect.scatter.add.f32 [tilespmem:s30], [sflag:s26], $0x40, s9, s8, $0xb8;
	[tilespmem:$0x1C800] =	vst v63  }
0x7f: {  	_ =	swait.ge @!p1 [sflag:s4], $0x2000  }
0x80: {  	s0 =	sadd.s32 $0x7, s0;
	[sflag:s4] =	ssyncset.done @!p1 $0x0  }
0x81: {  	s6 =	sshll.u32 @!p1 s31, $0xD;
	[sflag:s4] =	ssyncadd.s32 @!p1 $0xFFFFE000;
	s4 =	sadd.s32 @!p1 $0x9, s7  }
0x82: {  	s9 =	sshll.u32 @!p1 s7, $0x7;
	s6 =	sadd.s32 @!p1 $0x14800, s6;
	_ =	swait.ge @!p1 [sflag:s4], $0x80  }
0x83: {  	s26 =	sadd.s32 @!p1 $0x1, s31;
	s9 =	sor.u32 @!p1 $0x14000, s9;
	[sflag:s4] =	ssyncset.done @!p1 $0x0  }
0x84: {  	s7 =	rddreg [dreg:$0x5];
	[sflag:s4] =	ssyncadd.s32 @!p1 $0xFFFFFF80;
	s4 =	simm.s32 @!p1 $0x80  }
0x85: {  	[tilespmem:s6], [sflag:s26] =	stream.indirect.gather @!p1 [spmem:s1], $0x40, s9, s4, $0xb8;
	[tilespmem:$0x1C800] =	vst v63  }
0x86: {  	p0 =	sge.u32 s0, s5;
	p1 =	sne.s32 s7, s22  }
.Ltmp1:
0x87: {  	s0 =	sand.u32 @!p0 $0x7, s0;
	(pc) =	sbr.rel @p1 .LBB2_2-.Ltmp1, $4  }
0x88: {  	s24 =	smov.u32 s29;
	s30 =	sadd.s32 @!p0 $0x11, s0;
	s4 =	sshll.u32 @!p0 s0, $0x7  }
0x89: {  	s6 =	sadd.s32 @!p0 $0x9, s0;
	s9 =	sadd.s32 @!p0 $0xFFFF63C0, s29;
	s26 =	simm.s32 @!p0 $0x0  }
0x8a: {  	s29 =	sadd.s32 $0x10, s29;
	s0 =	sor.u32 @!p0 $0x14000, s4;
	s31 =	sor.u32 @!p0 $0x14400, s4  }
0x8b: {  	[tilespmem:s0], [sflag:s6] =	stream.linear.gather @!p0 [hbm4b:s9+s26], $0x80, $0x38;
	[tilespmem:$0x1C800] =	vst v63  }
.LBB2_3:
0x8c: {  	[tilespmem:s31], [sflag:s30] =	stream.linear.gather @!p0 [hbm4b:s24+s26], $0x80, $0x38;
	[tilespmem:$0x1C800] =	vst v63  }
0x8d: {  	_ =	swait.ge [sflag:s15], $0x2000  }
0x8e: {  	[sflag:s15] =	ssyncset.done $0x0  }
0x8f: {  	[sflag:s15] =	ssyncadd.s32 $0xFFFFE000  }
0x90: {  	_ =	swait.ge [sflag:s16], $0x2000  }
0x91: {  	[sflag:s16] =	ssyncset.done $0x0  }
0x92: {  	[sflag:s16] =	ssyncadd.s32 $0xFFFFE000  }
0x93: {  	_ =	swait.ge [sflag:s17], $0x2000  }
0x94: {  	[sflag:s17] =	ssyncset.done $0x0  }
0x95: {  	[sflag:s17] =	ssyncadd.s32 $0xFFFFE000  }
0x96: {  	_ =	swait.ge [sflag:s18], $0x2000  }
0x97: {  	[sflag:s18] =	ssyncset.done $0x0  }
0x98: {  	[sflag:s18] =	ssyncadd.s32 $0xFFFFE000  }
0x99: {  	[bflag:$0x0] =	sbarrier.arrive $0xFFFF  }
0x9a: {  	s0 =	rddreg [dreg:$0x14]  }
0x9b: {  	[hbm:s0], [sflag:s23] =	dma.local [spmem:s21], $0x1400  }
0x9c: {  	_ =	swait.ge [sflag:s28], $0x1400  }
0x9d: {  	s19 =	sadd.s32 $0x1, s19;
	s31 =	rddreg [dreg:$0x13]  }
0x9e: {  	p0 =	sne.s32 s19, s31  }
.Ltmp2:
0x9f: {  	_ = 	snop;
	(pc) =	sbr.rel @p0 .LBB2_1-.Ltmp2, $3  }
0xa0: {  	_ =	sdelay $0x1  }
0xa1: {  	[sflag:s28] =	ssyncset.done $0x0  }
0xa2: {  	[sflag:s28] =	ssyncadd.s32 $0xFFFFEC00  }
0xa3: {  	_ =	sfence.sel $0x180000  }
0xa4: {  	[bflag:$0x0] =	sbarrier.arrive $0xFFFF  }
0xa5: {  	_ =	strace $0x9000004A  }
0xa6: {  	s0 =	stileid.u32;
	[bflag:$0x2] =	sbarrier.arrive $0xFFFF  }
0xa7: {  	p0 =	sne.s32 s0, $0x0;
	s0 =	rddreg [dreg:$0x4]  }
0xa8: {  	s0 =	sadd.s32 @!p0 $0x100000, s0  }
0xa9: {  	[sflag:s0] =	ssyncadd.tile.s32 @!p0 $0x1;
	_ =	shalt  }
.Lfunc_end2:
_tile_overlayer_lowered:
.L_overlay_start_2:
0xaa: {  	(tag) =	ssettag $0x2  }
0xab: {  	s0 =	rddreg [dreg:$0x0];
	s2 =	stileid.u32  }
0xac: {  	s1 =	rddreg [dreg:$0x1];
	p0 =	sne.s32 s2, $0x0  }
0xad: {  	s3 =	rddreg [dreg:$0x2];
	[bflag:$0x3] =	sbarrier.arrive $0xFFFF;
	s2 =	simm.s32 @!p0 $0x1C19  }
0xae: {  	[timem:s3], [sflag:s2] =	dma.local @!p0 [hbm:s0], s1  }
0xaf: {  	s0 =	simm.s32 @!p0 $0x19  }
0xb0: {  	_ =	swait.ge @!p0 [sflag:s0], s1  }
0xb1: {  	s1 =	ssub.s32 @!p0 $0x0, s1;
	[sflag:s0] =	ssyncset.done @!p0 $0x0  }
0xb2: {  	[sflag:s0] =	ssyncadd.s32 @!p0 s1  }
0xb3: {  	[bflag:$0x3] =	sbarrier.arrive $0xFFFF  }
0xb4: {  	_ =	shalt  }

</sc_bundles>
